<compile_context>
chip_gen: v7x
topology: tpu7x:2x2x1
jax: 0.10.2.dev20260603
libtpu: 0.0.44.dev20260713+nightly
codegen_flags: <defaults>
</compile_context>

<pallas_src>
import functools

import jax
import jax.numpy as jnp
from jax import lax
from jax.experimental import pallas as pl
from jax.experimental.pallas import tpu as pltpu

CROP = 14
C = 256
LEVEL_HW = [(64, 64), (32, 32), (16, 16), (8, 8), (4, 4)]
HMAX, WMAX = 64, 64
EPS = 1e-7
YPAD = HMAX + 1
KX = sum(w for _, w in LEVEL_HW)
NCOL = YPAD * C


ROWPAD = 16
XOFFS = [0, 64, 96, 112, 120]


def _tc_body(nb_blk, y0_sm, wy0_sm, wy1_sm, sx0_ref, sx1_ref, wx0_ref,
             wx1_ref, p0_ref, p1_ref, p2_ref, p3_ref, p4_ref,
             out_ref, ta_ref, tab_ref):
    i = pl.program_id(0)
    mp = nb_blk * ROWPAD

    @pl.when(i == 0)
    def _build():
        for lvl, p_ref in enumerate((p0_ref, p1_ref, p2_ref, p3_ref, p4_ref)):
            hl, wl = LEVEL_HW[lvl]
            xo = XOFFS[lvl]
            for y in range(hl):
                tab_ref[pl.ds(xo, wl), pl.ds(y * C, C)] = p_ref[y]
            tab_ref[pl.ds(xo, wl), pl.ds(hl * C, (YPAD - hl) * C)] = (
                jnp.zeros((wl, (YPAD - hl) * C), jnp.float32))
    sx0 = sx0_ref[...]
    sx1 = sx1_ref[...]
    wx0 = wx0_ref[...]
    wx1 = wx1_ref[...]
    iota = lax.broadcasted_iota(jnp.int32, (mp, KX), 1)
    w_oh = (jnp.where(iota == sx0, wx0, 0.0)
            + jnp.where(iota == sx1, wx1, 0.0))
    ta_ref[...] = jnp.dot(w_oh, tab_ref[...],
                          preferred_element_type=jnp.float32)

    for b in range(nb_blk):
        for j in range(CROP):
            g = i * (nb_blk * CROP) + b * CROP + j
            y0 = y0_sm[g]
            ystart = pl.multiple_of(y0 * C, C)
            s = ta_ref[pl.ds(b * ROWPAD, CROP), pl.ds(ystart, 2 * C)]
            out_ref[b, j] = s[:, :C] * wy0_sm[g] + s[:, C:] * wy1_sm[g]


def _run(nb, bb, image_shape, boxes, p_list):
    img = image_shape.astype(jnp.float32)
    b = boxes[0]
    x1, y1, x2, y2 = b[:, 0], b[:, 1], b[:, 2], b[:, 3]
    w = x2 - x1
    h = y2 - y1
    size = jnp.sqrt(w * h)
    levels = jnp.floor(1.0 + jnp.log2(size / 224.0 + EPS))
    levels = jnp.clip(levels, 0.0, 4.0).astype(jnp.int32)
    Hs = jnp.array([hw[0] for hw in LEVEL_HW], dtype=jnp.float32)
    Ws = jnp.array([hw[1] for hw in LEVEL_HW], dtype=jnp.float32)
    fh = Hs[levels]
    fw = Ws[levels]
    y1n = y1 / img[1] * fh / (fh - 1.0)
    x1n = x1 / img[2] * fw / (fw - 1.0)
    y2n = (y2 / img[1] * fh - 1.0) / (fh - 1.0)
    x2n = (x2 / img[2] * fw - 1.0) / (fw - 1.0)
    i14 = jnp.arange(CROP, dtype=jnp.float32)
    ys = (y1n[:, None] * (fh[:, None] - 1.0)
          + i14[None, :] * (y2n - y1n)[:, None] * (fh[:, None] - 1.0) / (CROP - 1.0))
    xs = (x1n[:, None] * (fw[:, None] - 1.0)
          + i14[None, :] * (x2n - x1n)[:, None] * (fw[:, None] - 1.0) / (CROP - 1.0))
    valid_y = ((ys >= 0.0) & (ys <= fh[:, None] - 1.0)).astype(jnp.float32)
    valid_x = ((xs >= 0.0) & (xs <= fw[:, None] - 1.0)).astype(jnp.float32)
    y0f = jnp.floor(ys)
    x0f = jnp.floor(xs)
    ly = ys - y0f
    lx = xs - x0f
    y0i = jnp.clip(y0f, 0, HMAX - 1).astype(jnp.int32)
    x0i = jnp.clip(x0f, 0, WMAX - 1).astype(jnp.int32)
    x1i = jnp.clip(x0f + 1.0, 0, WMAX - 1).astype(jnp.int32)
    xoffv = jnp.array(XOFFS, dtype=jnp.int32)[levels]
    sx0 = xoffv[:, None] + x0i
    sx1 = xoffv[:, None] + x1i
    wy0 = (1.0 - ly) * valid_y
    wy1 = ly * valid_y
    wx0 = (1.0 - lx) * valid_x
    wx1 = lx * valid_x

    n_blk = nb // bb
    mp = bb * ROWPAD
    padrows = ((0, 0), (0, ROWPAD - CROP))
    coli = lambda a: jnp.pad(a, padrows, constant_values=-1).reshape(
        nb * ROWPAD, 1)
    colf = lambda a: jnp.pad(a, padrows).reshape(nb * ROWPAD, 1)

    grid_spec = pltpu.PrefetchScalarGridSpec(
        num_scalar_prefetch=3,
        grid=(n_blk,),
        in_specs=[
            pl.BlockSpec((mp, 1), lambda i, *_: (i, 0)),
            pl.BlockSpec((mp, 1), lambda i, *_: (i, 0)),
            pl.BlockSpec((mp, 1), lambda i, *_: (i, 0)),
            pl.BlockSpec((mp, 1), lambda i, *_: (i, 0)),
        ] + [
            pl.BlockSpec(
                (LEVEL_HW[l][0], LEVEL_HW[l][1], C),
                lambda i, *_: (0, 0, 0))
            for l in range(5)
        ],
        out_specs=pl.BlockSpec((bb, CROP, CROP, C), lambda i, *_: (i, 0, 0, 0)),
        scratch_shapes=[pltpu.VMEM((mp, NCOL), jnp.float32),
                        pltpu.VMEM((KX, NCOL), jnp.float32)],
    )
    out4 = pl.pallas_call(
        functools.partial(_tc_body, bb),
        grid_spec=grid_spec,
        out_shape=jax.ShapeDtypeStruct((nb, CROP, CROP, C), jnp.float32),
    )(y0i.reshape(-1), wy0.reshape(-1), wy1.reshape(-1),
      coli(sx0), coli(sx1), colf(wx0), colf(wx1),
      p_list[0][0], p_list[1][0], p_list[2][0], p_list[3][0], p_list[4][0])
    return out4[None]


def kernel(image_shape, boxes, scores, p0, p1, p2, p3, p4):
    del scores
    return _run(boxes.shape[1], 8, image_shape, boxes, (p0, p1, p2, p3, p4))

# --- scband reference (transcript-rebuilt; emitter-appended) ---
"""Pipeline reference for scband-roi-align-46084999086522 (READ-ONLY COPY).

The authoritative reference and input builder live on the scoring server;
editing this copy changes nothing except your own understanding.
"""

import jax, jax.numpy as jnp
import numpy as np

CROP = 14
C = 256
N_BOXES = 1000
LEVEL_HW = [(64, 64), (32, 32), (16, 16), (8, 8), (4, 4)]
HMAX, WMAX = 64, 64
EPS = 1e-7


def setup_inputs(seed: int = 0):
    key = jax.random.key(seed)
    k1, k2, k3 = jax.random.split(key, 3)
    pts = jax.random.uniform(k1, (1, N_BOXES, 4), dtype=jnp.float32) * 512.0
    x1 = jnp.minimum(pts[..., 0], pts[..., 2])
    x2 = jnp.maximum(pts[..., 0], pts[..., 2]) + 1.0
    y1 = jnp.minimum(pts[..., 1], pts[..., 3])
    y2 = jnp.maximum(pts[..., 1], pts[..., 3]) + 1.0
    boxes = jnp.stack([x1, y1, x2, y2], axis=-1)
    scores = jax.random.uniform(k2, (1, N_BOXES), dtype=jnp.float32)
    inp = {"image_shape": jnp.array([1, 512, 512, 3], dtype=jnp.int32),
           "boxes": boxes, "scores": scores}
    for i, (h, w) in enumerate(LEVEL_HW):
        inp["p%d" % i] = jax.random.normal(jax.random.fold_in(k3, i), (1, h, w, C), dtype=jnp.float32)
    return inp


def _roi_align(image_shape, boxes, scores, p0, p1, p2, p3, p4):
    img = image_shape.astype(jnp.float32)
    b = jax.lax.stop_gradient(boxes[0])
    s = jax.lax.stop_gradient(scores[0])
    fpn = [jax.lax.stop_gradient(p[0]) for p in (p0, p1, p2, p3, p4)]
    # map_to_level (canonical_size=224, canonical_level=1, min=0, max=4)
    x1, y1, x2, y2 = b[:, 0], b[:, 1], b[:, 2], b[:, 3]
    w = x2 - x1
    h = y2 - y1
    size = jnp.sqrt(w * h)
    levels = jnp.floor(1.0 + jnp.log2(size / 224.0 + EPS))
    levels = jnp.clip(levels, 0.0, 4.0).astype(jnp.int32)
    # pad all FPN levels to a common grid and stack -> [5, HMAX, WMAX, C]
    F = jnp.stack([jnp.pad(f, ((0, HMAX - f.shape[0]), (0, WMAX - f.shape[1]), (0, 0))) for f in fpn])
    Hs = jnp.array([hw[0] for hw in LEVEL_HW], dtype=jnp.float32)
    Ws = jnp.array([hw[1] for hw in LEVEL_HW], dtype=jnp.float32)
    fh = Hs[levels]
    fw = Ws[levels]
    # normalized box coords exactly as in original (y1, x1, y2, x2)
    y1n = y1 / img[1] * fh / (fh - 1.0)
    x1n = x1 / img[2] * fw / (fw - 1.0)
    y2n = (y2 / img[1] * fh - 1.0) / (fh - 1.0)
    x2n = (x2 / img[2] * fw - 1.0) / (fw - 1.0)
    # crop_and_resize sampling grid (crop_size > 1 branch of TF kernel)
    i = jnp.arange(CROP, dtype=jnp.float32)
    ys = y1n[:, None] * (fh[:, None] - 1.0) + i[None, :] * (y2n - y1n)[:, None] * (fh[:, None] - 1.0) / (CROP - 1.0)
    xs = x1n[:, None] * (fw[:, None] - 1.0) + i[None, :] * (x2n - x1n)[:, None] * (fw[:, None] - 1.0) / (CROP - 1.0)
    valid_y = (ys >= 0.0) & (ys <= fh[:, None] - 1.0)
    valid_x = (xs >= 0.0) & (xs <= fw[:, None] - 1.0)
    y0f = jnp.floor(ys)
    x0f = jnp.floor(xs)
    ly = ys - y0f
    lx = xs - x0f
    y0i = jnp.clip(y0f, 0, HMAX - 1).astype(jnp.int32)
    y1i = jnp.clip(y0f + 1.0, 0, HMAX - 1).astype(jnp.int32)
    x0i = jnp.clip(x0f, 0, WMAX - 1).astype(jnp.int32)
    x1i = jnp.clip(x0f + 1.0, 0, WMAX - 1).astype(jnp.int32)
    lvl = levels

    def g(yi, xi):
        return F[lvl[:, None, None], yi[:, :, None], xi[:, None, :], :]

    v00 = g(y0i, x0i)
    v01 = g(y0i, x1i)
    v10 = g(y1i, x0i)
    v11 = g(y1i, x1i)
    wy = ly[:, :, None, None]
    wx = lx[:, None, :, None]
    out = v00 * (1.0 - wy) * (1.0 - wx) + v01 * (1.0 - wy) * wx + v10 * wy * (1.0 - wx) + v11 * wy * wx
    valid = (valid_y[:, :, None] & valid_x[:, None, :])[..., None]
    out = jnp.where(valid, out, 0.0)
    return out[None, ...]


def reference(image_shape, boxes, scores, p0, p1, p2, p3, p4):
    return _roi_align(image_shape, boxes, scores, p0, p1, p2, p3, p4)

if __name__ == "__main__":
    import jax
    _d = setup_inputs()
    print(jax.jit(kernel)(*tuple(_d.values())))

</pallas_src>

<mosaic_0001>
module attributes {stable_mosaic.version = 14 : i64} {
  func.func @_tc_body(%arg0: i32, %arg1: memref<14000xi32, #tpu.memory_space<smem>>, %arg2: memref<14000xf32, #tpu.memory_space<smem>>, %arg3: memref<14000xf32, #tpu.memory_space<smem>>, %arg4: memref<128x1xi32, #tpu.memory_space<vmem>>, %arg5: memref<128x1xi32, #tpu.memory_space<vmem>>, %arg6: memref<128x1xf32, #tpu.memory_space<vmem>>, %arg7: memref<128x1xf32, #tpu.memory_space<vmem>>, %arg8: memref<64x64x256xf32, #tpu.memory_space<vmem>>, %arg9: memref<32x32x256xf32, #tpu.memory_space<vmem>>, %arg10: memref<16x16x256xf32, #tpu.memory_space<vmem>>, %arg11: memref<8x8x256xf32, #tpu.memory_space<vmem>>, %arg12: memref<4x4x256xf32, #tpu.memory_space<vmem>>, %arg13: memref<8x14x14x256xf32, #tpu.memory_space<vmem>>, %arg14: memref<128x16640xf32, #tpu.memory_space<vmem>>, %arg15: memref<124x16640xf32, #tpu.memory_space<vmem>>) attributes {dimension_semantics = [#tpu.dimension_semantics<arbitrary>], iteration_bounds = array<i64: 125>, scalar_prefetch = 3 : i64, scratch_operands = 2 : i64, tpu.core_type = #tpu.core_type<tc>, window_params = [{transform_indices = @transform_0, window_bounds = array<i64: 128, 1>}, {transform_indices = @transform_1, window_bounds = array<i64: 128, 1>}, {transform_indices = @transform_2, window_bounds = array<i64: 128, 1>}, {transform_indices = @transform_3, window_bounds = array<i64: 128, 1>}, {pipeline_mode = #tpu.pipeline_mode<synchronous>, transform_indices = @transform_4, window_bounds = array<i64: 64, 64, 256>}, {pipeline_mode = #tpu.pipeline_mode<synchronous>, transform_indices = @transform_5, window_bounds = array<i64: 32, 32, 256>}, {pipeline_mode = #tpu.pipeline_mode<synchronous>, transform_indices = @transform_6, window_bounds = array<i64: 16, 16, 256>}, {pipeline_mode = #tpu.pipeline_mode<synchronous>, transform_indices = @transform_7, window_bounds = array<i64: 8, 8, 256>}, {pipeline_mode = #tpu.pipeline_mode<synchronous>, transform_indices = @transform_8, window_bounds = array<i64: 4, 4, 256>}, {transform_indices = @transform_9, window_bounds = array<i64: 8, 14, 14, 256>}]} {
    %eq3A = arith.constant 0 : i32
    %eq3A_0 = arith.cmpi eq, %arg0, %eq3A : i32
    %convert_element_type3A = arith.extui %eq3A_0 : i1 to i32
    %cond3A = arith.constant 0 : i32
    %cond3A_1 = arith.cmpi ne, %convert_element_type3A, %cond3A : i32
    scf.if %cond3A_1 {
      %get3A_3611 = arith.constant 0 : index
      %get3A_3612 = arith.constant 0 : index
      %get3A_3613 = arith.constant 0 : index
      %get3A_3614 = vector.load %arg8[%get3A_3611, %get3A_3612, %get3A_3613] : memref<64x64x256xf32, #tpu.memory_space<vmem>>, vector<1x64x256xf32>
      %get3A_3615 = vector.shape_cast %get3A_3614 : vector<1x64x256xf32> to vector<64x256xf32>
      %swap3A_3616 = arith.constant 0 : index
      %swap3A_3617 = arith.constant 0 : index
      %swap3A_3618 = vector.load %arg15[%swap3A_3616, %swap3A_3617] : memref<124x16640xf32, #tpu.memory_space<vmem>>, vector<64x256xf32>
      tpu.vector_store %arg15[%swap3A_3616, %swap3A_3617], %get3A_3615 {strides = array<i32>} : memref<124x16640xf32, #tpu.memory_space<vmem>>, vector<64x256xf32>,
      %get3A_3619 = arith.constant 1 : index
      %get3A_3620 = arith.constant 0 : index
      %get3A_3621 = arith.constant 0 : index
      %get3A_3622 = vector.load %arg8[%get3A_3619, %get3A_3620, %get3A_3621] : memref<64x64x256xf32, #tpu.memory_space<vmem>>, vector<1x64x256xf32>
      %get3A_3623 = vector.shape_cast %get3A_3622 : vector<1x64x256xf32> to vector<64x256xf32>
      %swap3A_3624 = arith.constant 0 : index
      %swap3A_3625 = arith.constant 256 : index
      %swap3A_3626 = vector.load %arg15[%swap3A_3624, %swap3A_3625] : memref<124x16640xf32, #tpu.memory_space<vmem>>, vector<64x256xf32>
      tpu.vector_store %arg15[%swap3A_3624, %swap3A_3625], %get3A_3623 {strides = array<i32>} : memref<124x16640xf32, #tpu.memory_space<vmem>>, vector<64x256xf32>,
      %get3A_3627 = arith.constant 2 : index
      %get3A_3628 = arith.constant 0 : index
      %get3A_3629 = arith.constant 0 : index
      %get3A_3630 = vector.load %arg8[%get3A_3627, %get3A_3628, %get3A_3629] : memref<64x64x256xf32, #tpu.memory_space<vmem>>, vector<1x64x256xf32>
      %get3A_3631 = vector.shape_cast %get3A_3630 : vector<1x64x256xf32> to vector<64x256xf32>
      %swap3A_3632 = arith.constant 0 : index
      %swap3A_3633 = arith.constant 512 : index
      %swap3A_3634 = vector.load %arg15[%swap3A_3632, %swap3A_3633] : memref<124x16640xf32, #tpu.memory_space<vmem>>, vector<64x256xf32>
      tpu.vector_store %arg15[%swap3A_3632, %swap3A_3633], %get3A_3631 {strides = array<i32>} : memref<124x16640xf32, #tpu.memory_space<vmem>>, vector<64x256xf32>,
      %get3A_3635 = arith.constant 3 : index
      %get3A_3636 = arith.constant 0 : index
      %get3A_3637 = arith.constant 0 : index
      %get3A_3638 = vector.load %arg8[%get3A_3635, %get3A_3636, %get3A_3637] : memref<64x64x256xf32, #tpu.memory_space<vmem>>, vector<1x64x256xf32>
      %get3A_3639 = vector.shape_cast %get3A_3638 : vector<1x64x256xf32> to vector<64x256xf32>
      %swap3A_3640 = arith.constant 0 : index
      %swap3A_3641 = arith.constant 768 : index
      %swap3A_3642 = vector.load %arg15[%swap3A_3640, %swap3A_3641] : memref<124x16640xf32, #tpu.memory_space<vmem>>, vector<64x256xf32>
      tpu.vector_store %arg15[%swap3A_3640, %swap3A_3641], %get3A_3639 {strides = array<i32>} : memref<124x16640xf32, #tpu.memory_space<vmem>>, vector<64x256xf32>,
      %get3A_3643 = arith.constant 4 : index
      %get3A_3644 = arith.constant 0 : index
      %get3A_3645 = arith.constant 0 : index
      %get3A_3646 = vector.load %arg8[%get3A_3643, %get3A_3644, %get3A_3645] : memref<64x64x256xf32, #tpu.memory_space<vmem>>, vector<1x64x256xf32>
      %get3A_3647 = vector.shape_cast %get3A_3646 : vector<1x64x256xf32> to vector<64x256xf32>
      %swap3A_3648 = arith.constant 0 : index
      %swap3A_3649 = arith.constant 1024 : index
      %swap3A_3650 = vector.load %arg15[%swap3A_3648, %swap3A_3649] : memref<124x16640xf32, #tpu.memory_space<vmem>>, vector<64x256xf32>
      tpu.vector_store %arg15[%swap3A_3648, %swap3A_3649], %get3A_3647 {strides = array<i32>} : memref<124x16640xf32, #tpu.memory_space<vmem>>, vector<64x256xf32>,
      %get3A_3651 = arith.constant 5 : index
      %get3A_3652 = arith.constant 0 : index
      %get3A_3653 = arith.constant 0 : index
      %get3A_3654 = vector.load %arg8[%get3A_3651, %get3A_3652, %get3A_3653] : memref<64x64x256xf32, #tpu.memory_space<vmem>>, vector<1x64x256xf32>
      %get3A_3655 = vector.shape_cast %get3A_3654 : vector<1x64x256xf32> to vector<64x256xf32>
      %swap3A_3656 = arith.constant 0 : index
      %swap3A_3657 = arith.constant 1280 : index
      %swap3A_3658 = vector.load %arg15[%swap3A_3656, %swap3A_3657] : memref<124x16640xf32, #tpu.memory_space<vmem>>, vector<64x256xf32>
      tpu.vector_store %arg15[%swap3A_3656, %swap3A_3657], %get3A_3655 {strides = array<i32>} : memref<124x16640xf32, #tpu.memory_space<vmem>>, vector<64x256xf32>,
      %get3A_3659 = arith.constant 6 : index
      %get3A_3660 = arith.constant 0 : index
      %get3A_3661 = arith.constant 0 : index
      %get3A_3662 = vector.load %arg8[%get3A_3659, %get3A_3660, %get3A_3661] : memref<64x64x256xf32, #tpu.memory_space<vmem>>, vector<1x64x256xf32>
      %get3A_3663 = vector.shape_cast %get3A_3662 : vector<1x64x256xf32> to vector<64x256xf32>
      %swap3A_3664 = arith.constant 0 : index
      %swap3A_3665 = arith.constant 1536 : index
      %swap3A_3666 = vector.load %arg15[%swap3A_3664, %swap3A_3665] : memref<124x16640xf32, #tpu.memory_space<vmem>>, vector<64x256xf32>
      tpu.vector_store %arg15[%swap3A_3664, %swap3A_3665], %get3A_3663 {strides = array<i32>} : memref<124x16640xf32, #tpu.memory_space<vmem>>, vector<64x256xf32>,
      %get3A_3667 = arith.constant 7 : index
      %get3A_3668 = arith.constant 0 : index
      %get3A_3669 = arith.constant 0 : index
      %get3A_3670 = vector.load %arg8[%get3A_3667, %get3A_3668, %get3A_3669] : memref<64x64x256xf32, #tpu.memory_space<vmem>>, vector<1x64x256xf32>
      %get3A_3671 = vector.shape_cast %get3A_3670 : vector<1x64x256xf32> to vector<64x256xf32>
      %swap3A_3672 = arith.constant 0 : index
      %swap3A_3673 = arith.constant 1792 : index
      %swap3A_3674 = vector.load %arg15[%swap3A_3672, %swap3A_3673] : memref<124x16640xf32, #tpu.memory_space<vmem>>, vector<64x256xf32>
      tpu.vector_store %arg15[%swap3A_3672, %swap3A_3673], %get3A_3671 {strides = array<i32>} : memref<124x16640xf32, #tpu.memory_space<vmem>>, vector<64x256xf32>,
      %get3A_3675 = arith.constant 8 : index
      %get3A_3676 = arith.constant 0 : index
      %get3A_3677 = arith.constant 0 : index
      %get3A_3678 = vector.load %arg8[%get3A_3675, %get3A_3676, %get3A_3677] : memref<64x64x256xf32, #tpu.memory_space<vmem>>, vector<1x64x256xf32>
      %get3A_3679 = vector.shape_cast %get3A_3678 : vector<1x64x256xf32> to vector<64x256xf32>
      %swap3A_3680 = arith.constant 0 : index
      %swap3A_3681 = arith.constant 2048 : index
      %swap3A_3682 = vector.load %arg15[%swap3A_3680, %swap3A_3681] : memref<124x16640xf32, #tpu.memory_space<vmem>>, vector<64x256xf32>
      tpu.vector_store %arg15[%swap3A_3680, %swap3A_3681], %get3A_3679 {strides = array<i32>} : memref<124x16640xf32, #tpu.memory_space<vmem>>, vector<64x256xf32>,
      %get3A_3683 = arith.constant 9 : index
      %get3A_3684 = arith.constant 0 : index
      %get3A_3685 = arith.constant 0 : index
      %get3A_3686 = vector.load %arg8[%get3A_3683, %get3A_3684, %get3A_3685] : memref<64x64x256xf32, #tpu.memory_space<vmem>>, vector<1x64x256xf32>
      %get3A_3687 = vector.shape_cast %get3A_3686 : vector<1x64x256xf32> to vector<64x256xf32>
      %swap3A_3688 = arith.constant 0 : index
      %swap3A_3689 = arith.constant 2304 : index
      %swap3A_3690 = vector.load %arg15[%swap3A_3688, %swap3A_3689] : memref<124x16640xf32, #tpu.memory_space<vmem>>, vector<64x256xf32>
      tpu.vector_store %arg15[%swap3A_3688, %swap3A_3689], %get3A_3687 {strides = array<i32>} : memref<124x16640xf32, #tpu.memory_space<vmem>>, vector<64x256xf32>,
      %get3A_3691 = arith.constant 10 : index
      %get3A_3692 = arith.constant 0 : index
      %get3A_3693 = arith.constant 0 : index
      %get3A_3694 = vector.load %arg8[%get3A_3691, %get3A_3692, %get3A_3693] : memref<64x64x256xf32, #tpu.memory_space<vmem>>, vector<1x64x256xf32>
      %get3A_3695 = vector.shape_cast %get3A_3694 : vector<1x64x256xf32> to vector<64x256xf32>
      %swap3A_3696 = arith.constant 0 : index
      %swap3A_3697 = arith.constant 2560 : index
      %swap3A_3698 = vector.load %arg15[%swap3A_3696, %swap3A_3697] : memref<124x16640xf32, #tpu.memory_space<vmem>>, vector<64x256xf32>
      tpu.vector_store %arg15[%swap3A_3696, %swap3A_3697], %get3A_3695 {strides = array<i32>} : memref<124x16640xf32, #tpu.memory_space<vmem>>, vector<64x256xf32>,
      %get3A_3699 = arith.constant 11 : index
      %get3A_3700 = arith.constant 0 : index
      %get3A_3701 = arith.constant 0 : index
      %get3A_3702 = vector.load %arg8[%get3A_3699, %get3A_3700, %get3A_3701] : memref<64x64x256xf32, #tpu.memory_space<vmem>>, vector<1x64x256xf32>
      %get3A_3703 = vector.shape_cast %get3A_3702 : vector<1x64x256xf32> to vector<64x256xf32>
      %swap3A_3704 = arith.constant 0 : index
      %swap3A_3705 = arith.constant 2816 : index
      %swap3A_3706 = vector.load %arg15[%swap3A_3704, %swap3A_3705] : memref<124x16640xf32, #tpu.memory_space<vmem>>, vector<64x256xf32>
      tpu.vector_store %arg15[%swap3A_3704, %swap3A_3705], %get3A_3703 {strides = array<i32>} : memref<124x16640xf32, #tpu.memory_space<vmem>>, vector<64x256xf32>,
      %get3A_3707 = arith.constant 12 : index
      %get3A_3708 = arith.constant 0 : index
      %get3A_3709 = arith.constant 0 : index
      %get3A_3710 = vector.load %arg8[%get3A_3707, %get3A_3708, %get3A_3709] : memref<64x64x256xf32, #tpu.memory_space<vmem>>, vector<1x64x256xf32>
      %get3A_3711 = vector.shape_cast %get3A_3710 : vector<1x64x256xf32> to vector<64x256xf32>
      %swap3A_3712 = arith.constant 0 : index
      %swap3A_3713 = arith.constant 3072 : index
      %swap3A_3714 = vector.load %arg15[%swap3A_3712, %swap3A_3713] : memref<124x16640xf32, #tpu.memory_space<vmem>>, vector<64x256xf32>
      tpu.vector_store %arg15[%swap3A_3712, %swap3A_3713], %get3A_3711 {strides = array<i32>} : memref<124x16640xf32, #tpu.memory_space<vmem>>, vector<64x256xf32>,
      %get3A_3715 = arith.constant 13 : index
      %get3A_3716 = arith.constant 0 : index
      %get3A_3717 = arith.constant 0 : index
      %get3A_3718 = vector.load %arg8[%get3A_3715, %get3A_3716, %get3A_3717] : memref<64x64x256xf32, #tpu.memory_space<vmem>>, vector<1x64x256xf32>
      %get3A_3719 = vector.shape_cast %get3A_3718 : vector<1x64x256xf32> to vector<64x256xf32>
      %swap3A_3720 = arith.constant 0 : index
      %swap3A_3721 = arith.constant 3328 : index
      %swap3A_3722 = vector.load %arg15[%swap3A_3720, %swap3A_3721] : memref<124x16640xf32, #tpu.memory_space<vmem>>, vector<64x256xf32>
      tpu.vector_store %arg15[%swap3A_3720, %swap3A_3721], %get3A_3719 {strides = array<i32>} : memref<124x16640xf32, #tpu.memory_space<vmem>>, vector<64x256xf32>,
      %get3A_3723 = arith.constant 14 : index
      %get3A_3724 = arith.constant 0 : index
      %get3A_3725 = arith.constant 0 : index
      %get3A_3726 = vector.load %arg8[%get3A_3723, %get3A_3724, %get3A_3725] : memref<64x64x256xf32, #tpu.memory_space<vmem>>, vector<1x64x256xf32>
      %get3A_3727 = vector.shape_cast %get3A_3726 : vector<1x64x256xf32> to vector<64x256xf32>
      %swap3A_3728 = arith.constant 0 : index
      %swap3A_3729 = arith.constant 3584 : index
      %swap3A_3730 = vector.load %arg15[%swap3A_3728, %swap3A_3729] : memref<124x16640xf32, #tpu.memory_space<vmem>>, vector<64x256xf32>
      tpu.vector_store %arg15[%swap3A_3728, %swap3A_3729], %get3A_3727 {strides = array<i32>} : memref<124x16640xf32, #tpu.memory_space<vmem>>, vector<64x256xf32>,
      %get3A_3731 = arith.constant 15 : index
      %get3A_3732 = arith.constant 0 : index
      %get3A_3733 = arith.constant 0 : index
      %get3A_3734 = vector.load %arg8[%get3A_3731, %get3A_3732, %get3A_3733] : memref<64x64x256xf32, #tpu.memory_space<vmem>>, vector<1x64x256xf32>
      %get3A_3735 = vector.shape_cast %get3A_3734 : vector<1x64x256xf32> to vector<64x256xf32>
      %swap3A_3736 = arith.constant 0 : index
      %swap3A_3737 = arith.constant 3840 : index
      %swap3A_3738 = vector.load %arg15[%swap3A_3736, %swap3A_3737] : memref<124x16640xf32, #tpu.memory_space<vmem>>, vector<64x256xf32>
      tpu.vector_store %arg15[%swap3A_3736, %swap3A_3737], %get3A_3735 {strides = array<i32>} : memref<124x16640xf32, #tpu.memory_space<vmem>>, vector<64x256xf32>,
      %get3A_3739 = arith.constant 16 : index
      %get3A_3740 = arith.constant 0 : index
      %get3A_3741 = arith.constant 0 : index
      %get3A_3742 = vector.load %arg8[%get3A_3739, %get3A_3740, %get3A_3741] : memref<64x64x256xf32, #tpu.memory_space<vmem>>, vector<1x64x256xf32>
      %get3A_3743 = vector.shape_cast %get3A_3742 : vector<1x64x256xf32> to vector<64x256xf32>
      %swap3A_3744 = arith.constant 0 : index
      %swap3A_3745 = arith.constant 4096 : index
      %swap3A_3746 = vector.load %arg15[%swap3A_3744, %swap3A_3745] : memref<124x16640xf32, #tpu.memory_space<vmem>>, vector<64x256xf32>
      tpu.vector_store %arg15[%swap3A_3744, %swap3A_3745], %get3A_3743 {strides = array<i32>} : memref<124x16640xf32, #tpu.memory_space<vmem>>, vector<64x256xf32>,
      %get3A_3747 = arith.constant 17 : index
      %get3A_3748 = arith.constant 0 : index
      %get3A_3749 = arith.constant 0 : index
      %get3A_3750 = vector.load %arg8[%get3A_3747, %get3A_3748, %get3A_3749] : memref<64x64x256xf32, #tpu.memory_space<vmem>>, vector<1x64x256xf32>
      %get3A_3751 = vector.shape_cast %get3A_3750 : vector<1x64x256xf32> to vector<64x256xf32>
      %swap3A_3752 = arith.constant 0 : index
      %swap3A_3753 = arith.constant 4352 : index
      %swap3A_3754 = vector.load %arg15[%swap3A_3752, %swap3A_3753] : memref<124x16640xf32, #tpu.memory_space<vmem>>, vector<64x256xf32>
      tpu.vector_store %arg15[%swap3A_3752, %swap3A_3753], %get3A_3751 {strides = array<i32>} : memref<124x16640xf32, #tpu.memory_space<vmem>>, vector<64x256xf32>,
      %get3A_3755 = arith.constant 18 : index
      %get3A_3756 = arith.constant 0 : index
      %get3A_3757 = arith.constant 0 : index
      %get3A_3758 = vector.load %arg8[%get3A_3755, %get3A_3756, %get3A_3757] : memref<64x64x256xf32, #tpu.memory_space<vmem>>, vector<1x64x256xf32>
      %get3A_3759 = vector.shape_cast %get3A_3758 : vector<1x64x256xf32> to vector<64x256xf32>
      %swap3A_3760 = arith.constant 0 : index
      %swap3A_3761 = arith.constant 4608 : index
      %swap3A_3762 = vector.load %arg15[%swap3A_3760, %swap3A_3761] : memref<124x16640xf32, #tpu.memory_space<vmem>>, vector<64x256xf32>
      tpu.vector_store %arg15[%swap3A_3760, %swap3A_3761], %get3A_3759 {strides = array<i32>} : memref<124x16640xf32, #tpu.memory_space<vmem>>, vector<64x256xf32>,
      %get3A_3763 = arith.constant 19 : index
      %get3A_3764 = arith.constant 0 : index
      %get3A_3765 = arith.constant 0 : index
      %get3A_3766 = vector.load %arg8[%get3A_3763, %get3A_3764, %get3A_3765] : memref<64x64x256xf32, #tpu.memory_space<vmem>>, vector<1x64x256xf32>
      %get3A_3767 = vector.shape_cast %get3A_3766 : vector<1x64x256xf32> to vector<64x256xf32>
      %swap3A_3768 = arith.constant 0 : index
      %swap3A_3769 = arith.constant 4864 : index
      %swap3A_3770 = vector.load %arg15[%swap3A_3768, %swap3A_3769] : memref<124x16640xf32, #tpu.memory_space<vmem>>, vector<64x256xf32>
      tpu.vector_store %arg15[%swap3A_3768, %swap3A_3769], %get3A_3767 {strides = array<i32>} : memref<124x16640xf32, #tpu.memory_space<vmem>>, vector<64x256xf32>,
      %get3A_3771 = arith.constant 20 : index
      %get3A_3772 = arith.constant 0 : index
      %get3A_3773 = arith.constant 0 : index
      %get3A_3774 = vector.load %arg8[%get3A_3771, %get3A_3772, %get3A_3773] : memref<64x64x256xf32, #tpu.memory_space<vmem>>, vector<1x64x256xf32>
      %get3A_3775 = vector.shape_cast %get3A_3774 : vector<1x64x256xf32> to vector<64x256xf32>
      %swap3A_3776 = arith.constant 0 : index
      %swap3A_3777 = arith.constant 5120 : index
      %swap3A_3778 = vector.load %arg15[%swap3A_3776, %swap3A_3777] : memref<124x16640xf32, #tpu.memory_space<vmem>>, vector<64x256xf32>
      tpu.vector_store %arg15[%swap3A_3776, %swap3A_3777], %get3A_3775 {strides = array<i32>} : memref<124x16640xf32, #tpu.memory_space<vmem>>, vector<64x256xf32>,
      %get3A_3779 = arith.constant 21 : index
      %get3A_3780 = arith.constant 0 : index
      %get3A_3781 = arith.constant 0 : index
      %get3A_3782 = vector.load %arg8[%get3A_3779, %get3A_3780, %get3A_3781] : memref<64x64x256xf32, #tpu.memory_space<vmem>>, vector<1x64x256xf32>
      %get3A_3783 = vector.shape_cast %get3A_3782 : vector<1x64x256xf32> to vector<64x256xf32>
      %swap3A_3784 = arith.constant 0 : index
      %swap3A_3785 = arith.constant 5376 : index
      %swap3A_3786 = vector.load %arg15[%swap3A_3784, %swap3A_3785] : memref<124x16640xf32, #tpu.memory_space<vmem>>, vector<64x256xf32>
      tpu.vector_store %arg15[%swap3A_3784, %swap3A_3785], %get3A_3783 {strides = array<i32>} : memref<124x16640xf32, #tpu.memory_space<vmem>>, vector<64x256xf32>,
      %get3A_3787 = arith.constant 22 : index
      %get3A_3788 = arith.constant 0 : index
      %get3A_3789 = arith.constant 0 : index
      %get3A_3790 = vector.load %arg8[%get3A_3787, %get3A_3788, %get3A_3789] : memref<64x64x256xf32, #tpu.memory_space<vmem>>, vector<1x64x256xf32>
      %get3A_3791 = vector.shape_cast %get3A_3790 : vector<1x64x256xf32> to vector<64x256xf32>
      %swap3A_3792 = arith.constant 0 : index
      %swap3A_3793 = arith.constant 5632 : index
      %swap3A_3794 = vector.load %arg15[%swap3A_3792, %swap3A_3793] : memref<124x16640xf32, #tpu.memory_space<vmem>>, vector<64x256xf32>
      tpu.vector_store %arg15[%swap3A_3792, %swap3A_3793], %get3A_3791 {strides = array<i32>} : memref<124x16640xf32, #tpu.memory_space<vmem>>, vector<64x256xf32>,
      %get3A_3795 = arith.constant 23 : index
      %get3A_3796 = arith.constant 0 : index
      %get3A_3797 = arith.constant 0 : index
      %get3A_3798 = vector.load %arg8[%get3A_3795, %get3A_3796, %get3A_3797] : memref<64x64x256xf32, #tpu.memory_space<vmem>>, vector<1x64x256xf32>
      %get3A_3799 = vector.shape_cast %get3A_3798 : vector<1x64x256xf32> to vector<64x256xf32>
      %swap3A_3800 = arith.constant 0 : index
      %swap3A_3801 = arith.constant 5888 : index
      %swap3A_3802 = vector.load %arg15[%swap3A_3800, %swap3A_3801] : memref<124x16640xf32, #tpu.memory_space<vmem>>, vector<64x256xf32>
      tpu.vector_store %arg15[%swap3A_3800, %swap3A_3801], %get3A_3799 {strides = array<i32>} : memref<124x16640xf32, #tpu.memory_space<vmem>>, vector<64x256xf32>,
      %get3A_3803 = arith.constant 24 : index
      %get3A_3804 = arith.constant 0 : index
      %get3A_3805 = arith.constant 0 : index
      %get3A_3806 = vector.load %arg8[%get3A_3803, %get3A_3804, %get3A_3805] : memref<64x64x256xf32, #tpu.memory_space<vmem>>, vector<1x64x256xf32>
      %get3A_3807 = vector.shape_cast %get3A_3806 : vector<1x64x256xf32> to vector<64x256xf32>
      %swap3A_3808 = arith.constant 0 : index
      %swap3A_3809 = arith.constant 6144 : index
      %swap3A_3810 = vector.load %arg15[%swap3A_3808, %swap3A_3809] : memref<124x16640xf32, #tpu.memory_space<vmem>>, vector<64x256xf32>
      tpu.vector_store %arg15[%swap3A_3808, %swap3A_3809], %get3A_3807 {strides = array<i32>} : memref<124x16640xf32, #tpu.memory_space<vmem>>, vector<64x256xf32>,
      %get3A_3811 = arith.constant 25 : index
      %get3A_3812 = arith.constant 0 : index
      %get3A_3813 = arith.constant 0 : index
      %get3A_3814 = vector.load %arg8[%get3A_3811, %get3A_3812, %get3A_3813] : memref<64x64x256xf32, #tpu.memory_space<vmem>>, vector<1x64x256xf32>
      %get3A_3815 = vector.shape_cast %get3A_3814 : vector<1x64x256xf32> to vector<64x256xf32>
      %swap3A_3816 = arith.constant 0 : index
      %swap3A_3817 = arith.constant 6400 : index
      %swap3A_3818 = vector.load %arg15[%swap3A_3816, %swap3A_3817] : memref<124x16640xf32, #tpu.memory_space<vmem>>, vector<64x256xf32>
      tpu.vector_store %arg15[%swap3A_3816, %swap3A_3817], %get3A_3815 {strides = array<i32>} : memref<124x16640xf32, #tpu.memory_space<vmem>>, vector<64x256xf32>,
      %get3A_3819 = arith.constant 26 : index
      %get3A_3820 = arith.constant 0 : index
      %get3A_3821 = arith.constant 0 : index
      %get3A_3822 = vector.load %arg8[%get3A_3819, %get3A_3820, %get3A_3821] : memref<64x64x256xf32, #tpu.memory_space<vmem>>, vector<1x64x256xf32>
      %get3A_3823 = vector.shape_cast %get3A_3822 : vector<1x64x256xf32> to vector<64x256xf32>
      %swap3A_3824 = arith.constant 0 : index
      %swap3A_3825 = arith.constant 6656 : index
      %swap3A_3826 = vector.load %arg15[%swap3A_3824, %swap3A_3825] : memref<124x16640xf32, #tpu.memory_space<vmem>>, vector<64x256xf32>
      tpu.vector_store %arg15[%swap3A_3824, %swap3A_3825], %get3A_3823 {strides = array<i32>} : memref<124x16640xf32, #tpu.memory_space<vmem>>, vector<64x256xf32>,
      %get3A_3827 = arith.constant 27 : index
      %get3A_3828 = arith.constant 0 : index
      %get3A_3829 = arith.constant 0 : index
      %get3A_3830 = vector.load %arg8[%get3A_3827, %get3A_3828, %get3A_3829] : memref<64x64x256xf32, #tpu.memory_space<vmem>>, vector<1x64x256xf32>
      %get3A_3831 = vector.shape_cast %get3A_3830 : vector<1x64x256xf32> to vector<64x256xf32>
      %swap3A_3832 = arith.constant 0 : index
      %swap3A_3833 = arith.constant 6912 : index
      %swap3A_3834 = vector.load %arg15[%swap3A_3832, %swap3A_3833] : memref<124x16640xf32, #tpu.memory_space<vmem>>, vector<64x256xf32>
      tpu.vector_store %arg15[%swap3A_3832, %swap3A_3833], %get3A_3831 {strides = array<i32>} : memref<124x16640xf32, #tpu.memory_space<vmem>>, vector<64x256xf32>,
      %get3A_3835 = arith.constant 28 : index
      %get3A_3836 = arith.constant 0 : index
      %get3A_3837 = arith.constant 0 : index
      %get3A_3838 = vector.load %arg8[%get3A_3835, %get3A_3836, %get3A_3837] : memref<64x64x256xf32, #tpu.memory_space<vmem>>, vector<1x64x256xf32>
      %get3A_3839 = vector.shape_cast %get3A_3838 : vector<1x64x256xf32> to vector<64x256xf32>
      %swap3A_3840 = arith.constant 0 : index
      %swap3A_3841 = arith.constant 7168 : index
      %swap3A_3842 = vector.load %arg15[%swap3A_3840, %swap3A_3841] : memref<124x16640xf32, #tpu.memory_space<vmem>>, vector<64x256xf32>
      tpu.vector_store %arg15[%swap3A_3840, %swap3A_3841], %get3A_3839 {strides = array<i32>} : memref<124x16640xf32, #tpu.memory_space<vmem>>, vector<64x256xf32>,
      %get3A_3843 = arith.constant 29 : index
      %get3A_3844 = arith.constant 0 : index
      %get3A_3845 = arith.constant 0 : index
      %get3A_3846 = vector.load %arg8[%get3A_3843, %get3A_3844, %get3A_3845] : memref<64x64x256xf32, #tpu.memory_space<vmem>>, vector<1x64x256xf32>
      %get3A_3847 = vector.shape_cast %get3A_3846 : vector<1x64x256xf32> to vector<64x256xf32>
      %swap3A_3848 = arith.constant 0 : index
      %swap3A_3849 = arith.constant 7424 : index
      %swap3A_3850 = vector.load %arg15[%swap3A_3848, %swap3A_3849] : memref<124x16640xf32, #tpu.memory_space<vmem>>, vector<64x256xf32>
      tpu.vector_store %arg15[%swap3A_3848, %swap3A_3849], %get3A_3847 {strides = array<i32>} : memref<124x16640xf32, #tpu.memory_space<vmem>>, vector<64x256xf32>,
      %get3A_3851 = arith.constant 30 : index
      %get3A_3852 = arith.constant 0 : index
      %get3A_3853 = arith.constant 0 : index
      %get3A_3854 = vector.load %arg8[%get3A_3851, %get3A_3852, %get3A_3853] : memref<64x64x256xf32, #tpu.memory_space<vmem>>, vector<1x64x256xf32>
      %get3A_3855 = vector.shape_cast %get3A_3854 : vector<1x64x256xf32> to vector<64x256xf32>
      %swap3A_3856 = arith.constant 0 : index
      %swap3A_3857 = arith.constant 7680 : index
      %swap3A_3858 = vector.load %arg15[%swap3A_3856, %swap3A_3857] : memref<124x16640xf32, #tpu.memory_space<vmem>>, vector<64x256xf32>
      tpu.vector_store %arg15[%swap3A_3856, %swap3A_3857], %get3A_3855 {strides = array<i32>} : memref<124x16640xf32, #tpu.memory_space<vmem>>, vector<64x256xf32>,
      %get3A_3859 = arith.constant 31 : index
      %get3A_3860 = arith.constant 0 : index
      %get3A_3861 = arith.constant 0 : index
      %get3A_3862 = vector.load %arg8[%get3A_3859, %get3A_3860, %get3A_3861] : memref<64x64x256xf32, #tpu.memory_space<vmem>>, vector<1x64x256xf32>
      %get3A_3863 = vector.shape_cast %get3A_3862 : vector<1x64x256xf32> to vector<64x256xf32>
      %swap3A_3864 = arith.constant 0 : index
      %swap3A_3865 = arith.constant 7936 : index
      %swap3A_3866 = vector.load %arg15[%swap3A_3864, %swap3A_3865] : memref<124x16640xf32, #tpu.memory_space<vmem>>, vector<64x256xf32>
      tpu.vector_store %arg15[%swap3A_3864, %swap3A_3865], %get3A_3863 {strides = array<i32>} : memref<124x16640xf32, #tpu.memory_space<vmem>>, vector<64x256xf32>,
      %get3A_3867 = arith.constant 32 : index
      %get3A_3868 = arith.constant 0 : index
      %get3A_3869 = arith.constant 0 : index
      %get3A_3870 = vector.load %arg8[%get3A_3867, %get3A_3868, %get3A_3869] : memref<64x64x256xf32, #tpu.memory_space<vmem>>, vector<1x64x256xf32>
      %get3A_3871 = vector.shape_cast %get3A_3870 : vector<1x64x256xf32> to vector<64x256xf32>
      %swap3A_3872 = arith.constant 0 : index
      %swap3A_3873 = arith.constant 8192 : index
      %swap3A_3874 = vector.load %arg15[%swap3A_3872, %swap3A_3873] : memref<124x16640xf32, #tpu.memory_space<vmem>>, vector<64x256xf32>
      tpu.vector_store %arg15[%swap3A_3872, %swap3A_3873], %get3A_3871 {strides = array<i32>} : memref<124x16640xf32, #tpu.memory_space<vmem>>, vector<64x256xf32>,
      %get3A_3875 = arith.constant 33 : index
      %get3A_3876 = arith.constant 0 : index
      %get3A_3877 = arith.constant 0 : index
      %get3A_3878 = vector.load %arg8[%get3A_3875, %get3A_3876, %get3A_3877] : memref<64x64x256xf32, #tpu.memory_space<vmem>>, vector<1x64x256xf32>
      %get3A_3879 = vector.shape_cast %get3A_3878 : vector<1x64x256xf32> to vector<64x256xf32>
      %swap3A_3880 = arith.constant 0 : index
      %swap3A_3881 = arith.constant 8448 : index
      %swap3A_3882 = vector.load %arg15[%swap3A_3880, %swap3A_3881] : memref<124x16640xf32, #tpu.memory_space<vmem>>, vector<64x256xf32>
      tpu.vector_store %arg15[%swap3A_3880, %swap3A_3881], %get3A_3879 {strides = array<i32>} : memref<124x16640xf32, #tpu.memory_space<vmem>>, vector<64x256xf32>,
      %get3A_3883 = arith.constant 34 : index
      %get3A_3884 = arith.constant 0 : index
      %get3A_3885 = arith.constant 0 : index
      %get3A_3886 = vector.load %arg8[%get3A_3883, %get3A_3884, %get3A_3885] : memref<64x64x256xf32, #tpu.memory_space<vmem>>, vector<1x64x256xf32>
      %get3A_3887 = vector.shape_cast %get3A_3886 : vector<1x64x256xf32> to vector<64x256xf32>
      %swap3A_3888 = arith.constant 0 : index
      %swap3A_3889 = arith.constant 8704 : index
      %swap3A_3890 = vector.load %arg15[%swap3A_3888, %swap3A_3889] : memref<124x16640xf32, #tpu.memory_space<vmem>>, vector<64x256xf32>
      tpu.vector_store %arg15[%swap3A_3888, %swap3A_3889], %get3A_3887 {strides = array<i32>} : memref<124x16640xf32, #tpu.memory_space<vmem>>, vector<64x256xf32>,
      %get3A_3891 = arith.constant 35 : index
      %get3A_3892 = arith.constant 0 : index
      %get3A_3893 = arith.constant 0 : index
      %get3A_3894 = vector.load %arg8[%get3A_3891, %get3A_3892, %get3A_3893] : memref<64x64x256xf32, #tpu.memory_space<vmem>>, vector<1x64x256xf32>
      %get3A_3895 = vector.shape_cast %get3A_3894 : vector<1x64x256xf32> to vector<64x256xf32>
      %swap3A_3896 = arith.constant 0 : index
      %swap3A_3897 = arith.constant 8960 : index
      %swap3A_3898 = vector.load %arg15[%swap3A_3896, %swap3A_3897] : memref<124x16640xf32, #tpu.memory_space<vmem>>, vector<64x256xf32>
      tpu.vector_store %arg15[%swap3A_3896, %swap3A_3897], %get3A_3895 {strides = array<i32>} : memref<124x16640xf32, #tpu.memory_space<vmem>>, vector<64x256xf32>,
      %get3A_3899 = arith.constant 36 : index
      %get3A_3900 = arith.constant 0 : index
      %get3A_3901 = arith.constant 0 : index
      %get3A_3902 = vector.load %arg8[%get3A_3899, %get3A_3900, %get3A_3901] : memref<64x64x256xf32, #tpu.memory_space<vmem>>, vector<1x64x256xf32>
      %get3A_3903 = vector.shape_cast %get3A_3902 : vector<1x64x256xf32> to vector<64x256xf32>
      %swap3A_3904 = arith.constant 0 : index
      %swap3A_3905 = arith.constant 9216 : index
      %swap3A_3906 = vector.load %arg15[%swap3A_3904, %swap3A_3905] : memref<124x16640xf32, #tpu.memory_space<vmem>>, vector<64x256xf32>
      tpu.vector_store %arg15[%swap3A_3904, %swap3A_3905], %get3A_3903 {strides = array<i32>} : memref<124x16640xf32, #tpu.memory_space<vmem>>, vector<64x256xf32>,
      %get3A_3907 = arith.constant 37 : index
      %get3A_3908 = arith.constant 0 : index
      %get3A_3909 = arith.constant 0 : index
      %get3A_3910 = vector.load %arg8[%get3A_3907, %get3A_3908, %get3A_3909] : memref<64x64x256xf32, #tpu.memory_space<vmem>>, vector<1x64x256xf32>
      %get3A_3911 = vector.shape_cast %get3A_3910 : vector<1x64x256xf32> to vector<64x256xf32>
      %swap3A_3912 = arith.constant 0 : index
      %swap3A_3913 = arith.constant 9472 : index
      %swap3A_3914 = vector.load %arg15[%swap3A_3912, %swap3A_3913] : memref<124x16640xf32, #tpu.memory_space<vmem>>, vector<64x256xf32>
      tpu.vector_store %arg15[%swap3A_3912, %swap3A_3913], %get3A_3911 {strides = array<i32>} : memref<124x16640xf32, #tpu.memory_space<vmem>>, vector<64x256xf32>,
      %get3A_3915 = arith.constant 38 : index
      %get3A_3916 = arith.constant 0 : index
      %get3A_3917 = arith.constant 0 : index
      %get3A_3918 = vector.load %arg8[%get3A_3915, %get3A_3916, %get3A_3917] : memref<64x64x256xf32, #tpu.memory_space<vmem>>, vector<1x64x256xf32>
      %get3A_3919 = vector.shape_cast %get3A_3918 : vector<1x64x256xf32> to vector<64x256xf32>
      %swap3A_3920 = arith.constant 0 : index
      %swap3A_3921 = arith.constant 9728 : index
      %swap3A_3922 = vector.load %arg15[%swap3A_3920, %swap3A_3921] : memref<124x16640xf32, #tpu.memory_space<vmem>>, vector<64x256xf32>
      tpu.vector_store %arg15[%swap3A_3920, %swap3A_3921], %get3A_3919 {strides = array<i32>} : memref<124x16640xf32, #tpu.memory_space<vmem>>, vector<64x256xf32>,
      %get3A_3923 = arith.constant 39 : index
      %get3A_3924 = arith.constant 0 : index
      %get3A_3925 = arith.constant 0 : index
      %get3A_3926 = vector.load %arg8[%get3A_3923, %get3A_3924, %get3A_3925] : memref<64x64x256xf32, #tpu.memory_space<vmem>>, vector<1x64x256xf32>
      %get3A_3927 = vector.shape_cast %get3A_3926 : vector<1x64x256xf32> to vector<64x256xf32>
      %swap3A_3928 = arith.constant 0 : index
      %swap3A_3929 = arith.constant 9984 : index
      %swap3A_3930 = vector.load %arg15[%swap3A_3928, %swap3A_3929] : memref<124x16640xf32, #tpu.memory_space<vmem>>, vector<64x256xf32>
      tpu.vector_store %arg15[%swap3A_3928, %swap3A_3929], %get3A_3927 {strides = array<i32>} : memref<124x16640xf32, #tpu.memory_space<vmem>>, vector<64x256xf32>,
      %get3A_3931 = arith.constant 40 : index
      %get3A_3932 = arith.constant 0 : index
      %get3A_3933 = arith.constant 0 : index
      %get3A_3934 = vector.load %arg8[%get3A_3931, %get3A_3932, %get3A_3933] : memref<64x64x256xf32, #tpu.memory_space<vmem>>, vector<1x64x256xf32>
      %get3A_3935 = vector.shape_cast %get3A_3934 : vector<1x64x256xf32> to vector<64x256xf32>
      %swap3A_3936 = arith.constant 0 : index
      %swap3A_3937 = arith.constant 10240 : index
      %swap3A_3938 = vector.load %arg15[%swap3A_3936, %swap3A_3937] : memref<124x16640xf32, #tpu.memory_space<vmem>>, vector<64x256xf32>
      tpu.vector_store %arg15[%swap3A_3936, %swap3A_3937], %get3A_3935 {strides = array<i32>} : memref<124x16640xf32, #tpu.memory_space<vmem>>, vector<64x256xf32>,
      %get3A_3939 = arith.constant 41 : index
      %get3A_3940 = arith.constant 0 : index
      %get3A_3941 = arith.constant 0 : index
      %get3A_3942 = vector.load %arg8[%get3A_3939, %get3A_3940, %get3A_3941] : memref<64x64x256xf32, #tpu.memory_space<vmem>>, vector<1x64x256xf32>
      %get3A_3943 = vector.shape_cast %get3A_3942 : vector<1x64x256xf32> to vector<64x256xf32>
      %swap3A_3944 = arith.constant 0 : index
      %swap3A_3945 = arith.constant 10496 : index
      %swap3A_3946 = vector.load %arg15[%swap3A_3944, %swap3A_3945] : memref<124x16640xf32, #tpu.memory_space<vmem>>, vector<64x256xf32>
      tpu.vector_store %arg15[%swap3A_3944, %swap3A_3945], %get3A_3943 {strides = array<i32>} : memref<124x16640xf32, #tpu.memory_space<vmem>>, vector<64x256xf32>,
      %get3A_3947 = arith.constant 42 : index
      %get3A_3948 = arith.constant 0 : index
      %get3A_3949 = arith.constant 0 : index
      %get3A_3950 = vector.load %arg8[%get3A_3947, %get3A_3948, %get3A_3949] : memref<64x64x256xf32, #tpu.memory_space<vmem>>, vector<1x64x256xf32>
      %get3A_3951 = vector.shape_cast %get3A_3950 : vector<1x64x256xf32> to vector<64x256xf32>
      %swap3A_3952 = arith.constant 0 : index
      %swap3A_3953 = arith.constant 10752 : index
      %swap3A_3954 = vector.load %arg15[%swap3A_3952, %swap3A_3953] : memref<124x16640xf32, #tpu.memory_space<vmem>>, vector<64x256xf32>
      tpu.vector_store %arg15[%swap3A_3952, %swap3A_3953], %get3A_3951 {strides = array<i32>} : memref<124x16640xf32, #tpu.memory_space<vmem>>, vector<64x256xf32>,
      %get3A_3955 = arith.constant 43 : index
      %get3A_3956 = arith.constant 0 : index
      %get3A_3957 = arith.constant 0 : index
      %get3A_3958 = vector.load %arg8[%get3A_3955, %get3A_3956, %get3A_3957] : memref<64x64x256xf32, #tpu.memory_space<vmem>>, vector<1x64x256xf32>
      %get3A_3959 = vector.shape_cast %get3A_3958 : vector<1x64x256xf32> to vector<64x256xf32>
      %swap3A_3960 = arith.constant 0 : index
      %swap3A_3961 = arith.constant 11008 : index
      %swap3A_3962 = vector.load %arg15[%swap3A_3960, %swap3A_3961] : memref<124x16640xf32, #tpu.memory_space<vmem>>, vector<64x256xf32>
      tpu.vector_store %arg15[%swap3A_3960, %swap3A_3961], %get3A_3959 {strides = array<i32>} : memref<124x16640xf32, #tpu.memory_space<vmem>>, vector<64x256xf32>,
      %get3A_3963 = arith.constant 44 : index
      %get3A_3964 = arith.constant 0 : index
      %get3A_3965 = arith.constant 0 : index
      %get3A_3966 = vector.load %arg8[%get3A_3963, %get3A_3964, %get3A_3965] : memref<64x64x256xf32, #tpu.memory_space<vmem>>, vector<1x64x256xf32>
      %get3A_3967 = vector.shape_cast %get3A_3966 : vector<1x64x256xf32> to vector<64x256xf32>
      %swap3A_3968 = arith.constant 0 : index
      %swap3A_3969 = arith.constant 11264 : index
      %swap3A_3970 = vector.load %arg15[%swap3A_3968, %swap3A_3969] : memref<124x16640xf32, #tpu.memory_space<vmem>>, vector<64x256xf32>
      tpu.vector_store %arg15[%swap3A_3968, %swap3A_3969], %get3A_3967 {strides = array<i32>} : memref<124x16640xf32, #tpu.memory_space<vmem>>, vector<64x256xf32>,
      %get3A_3971 = arith.constant 45 : index
      %get3A_3972 = arith.constant 0 : index
      %get3A_3973 = arith.constant 0 : index
      %get3A_3974 = vector.load %arg8[%get3A_3971, %get3A_3972, %get3A_3973] : memref<64x64x256xf32, #tpu.memory_space<vmem>>, vector<1x64x256xf32>
      %get3A_3975 = vector.shape_cast %get3A_3974 : vector<1x64x256xf32> to vector<64x256xf32>
      %swap3A_3976 = arith.constant 0 : index
      %swap3A_3977 = arith.constant 11520 : index
      %swap3A_3978 = vector.load %arg15[%swap3A_3976, %swap3A_3977] : memref<124x16640xf32, #tpu.memory_space<vmem>>, vector<64x256xf32>
      tpu.vector_store %arg15[%swap3A_3976, %swap3A_3977], %get3A_3975 {strides = array<i32>} : memref<124x16640xf32, #tpu.memory_space<vmem>>, vector<64x256xf32>,
      %get3A_3979 = arith.constant 46 : index
      %get3A_3980 = arith.constant 0 : index
      %get3A_3981 = arith.constant 0 : index
      %get3A_3982 = vector.load %arg8[%get3A_3979, %get3A_3980, %get3A_3981] : memref<64x64x256xf32, #tpu.memory_space<vmem>>, vector<1x64x256xf32>
      %get3A_3983 = vector.shape_cast %get3A_3982 : vector<1x64x256xf32> to vector<64x256xf32>
      %swap3A_3984 = arith.constant 0 : index
      %swap3A_3985 = arith.constant 11776 : index
      %swap3A_3986 = vector.load %arg15[%swap3A_3984, %swap3A_3985] : memref<124x16640xf32, #tpu.memory_space<vmem>>, vector<64x256xf32>
      tpu.vector_store %arg15[%swap3A_3984, %swap3A_3985], %get3A_3983 {strides = array<i32>} : memref<124x16640xf32, #tpu.memory_space<vmem>>, vector<64x256xf32>,
      %get3A_3987 = arith.constant 47 : index
      %get3A_3988 = arith.constant 0 : index
      %get3A_3989 = arith.constant 0 : index
      %get3A_3990 = vector.load %arg8[%get3A_3987, %get3A_3988, %get3A_3989] : memref<64x64x256xf32, #tpu.memory_space<vmem>>, vector<1x64x256xf32>
      %get3A_3991 = vector.shape_cast %get3A_3990 : vector<1x64x256xf32> to vector<64x256xf32>
      %swap3A_3992 = arith.constant 0 : index
      %swap3A_3993 = arith.constant 12032 : index
      %swap3A_3994 = vector.load %arg15[%swap3A_3992, %swap3A_3993] : memref<124x16640xf32, #tpu.memory_space<vmem>>, vector<64x256xf32>
      tpu.vector_store %arg15[%swap3A_3992, %swap3A_3993], %get3A_3991 {strides = array<i32>} : memref<124x16640xf32, #tpu.memory_space<vmem>>, vector<64x256xf32>,
      %get3A_3995 = arith.constant 48 : index
      %get3A_3996 = arith.constant 0 : index
      %get3A_3997 = arith.constant 0 : index
      %get3A_3998 = vector.load %arg8[%get3A_3995, %get3A_3996, %get3A_3997] : memref<64x64x256xf32, #tpu.memory_space<vmem>>, vector<1x64x256xf32>
      %get3A_3999 = vector.shape_cast %get3A_3998 : vector<1x64x256xf32> to vector<64x256xf32>
      %swap3A_4000 = arith.constant 0 : index
      %swap3A_4001 = arith.constant 12288 : index
      %swap3A_4002 = vector.load %arg15[%swap3A_4000, %swap3A_4001] : memref<124x16640xf32, #tpu.memory_space<vmem>>, vector<64x256xf32>
      tpu.vector_store %arg15[%swap3A_4000, %swap3A_4001], %get3A_3999 {strides = array<i32>} : memref<124x16640xf32, #tpu.memory_space<vmem>>, vector<64x256xf32>,
      %get3A_4003 = arith.constant 49 : index
      %get3A_4004 = arith.constant 0 : index
      %get3A_4005 = arith.constant 0 : index
      %get3A_4006 = vector.load %arg8[%get3A_4003, %get3A_4004, %get3A_4005] : memref<64x64x256xf32, #tpu.memory_space<vmem>>, vector<1x64x256xf32>
      %get3A_4007 = vector.shape_cast %get3A_4006 : vector<1x64x256xf32> to vector<64x256xf32>
      %swap3A_4008 = arith.constant 0 : index
      %swap3A_4009 = arith.constant 12544 : index
      %swap3A_4010 = vector.load %arg15[%swap3A_4008, %swap3A_4009] : memref<124x16640xf32, #tpu.memory_space<vmem>>, vector<64x256xf32>
      tpu.vector_store %arg15[%swap3A_4008, %swap3A_4009], %get3A_4007 {strides = array<i32>} : memref<124x16640xf32, #tpu.memory_space<vmem>>, vector<64x256xf32>,
      %get3A_4011 = arith.constant 50 : index
      %get3A_4012 = arith.constant 0 : index
      %get3A_4013 = arith.constant 0 : index
      %get3A_4014 = vector.load %arg8[%get3A_4011, %get3A_4012, %get3A_4013] : memref<64x64x256xf32, #tpu.memory_space<vmem>>, vector<1x64x256xf32>
      %get3A_4015 = vector.shape_cast %get3A_4014 : vector<1x64x256xf32> to vector<64x256xf32>
      %swap3A_4016 = arith.constant 0 : index
      %swap3A_4017 = arith.constant 12800 : index
      %swap3A_4018 = vector.load %arg15[%swap3A_4016, %swap3A_4017] : memref<124x16640xf32, #tpu.memory_space<vmem>>, vector<64x256xf32>
      tpu.vector_store %arg15[%swap3A_4016, %swap3A_4017], %get3A_4015 {strides = array<i32>} : memref<124x16640xf32, #tpu.memory_space<vmem>>, vector<64x256xf32>,
      %get3A_4019 = arith.constant 51 : index
      %get3A_4020 = arith.constant 0 : index
      %get3A_4021 = arith.constant 0 : index
      %get3A_4022 = vector.load %arg8[%get3A_4019, %get3A_4020, %get3A_4021] : memref<64x64x256xf32, #tpu.memory_space<vmem>>, vector<1x64x256xf32>
      %get3A_4023 = vector.shape_cast %get3A_4022 : vector<1x64x256xf32> to vector<64x256xf32>
      %swap3A_4024 = arith.constant 0 : index
      %swap3A_4025 = arith.constant 13056 : index
      %swap3A_4026 = vector.load %arg15[%swap3A_4024, %swap3A_4025] : memref<124x16640xf32, #tpu.memory_space<vmem>>, vector<64x256xf32>
      tpu.vector_store %arg15[%swap3A_4024, %swap3A_4025], %get3A_4023 {strides = array<i32>} : memref<124x16640xf32, #tpu.memory_space<vmem>>, vector<64x256xf32>,
      %get3A_4027 = arith.constant 52 : index
      %get3A_4028 = arith.constant 0 : index
      %get3A_4029 = arith.constant 0 : index
      %get3A_4030 = vector.load %arg8[%get3A_4027, %get3A_4028, %get3A_4029] : memref<64x64x256xf32, #tpu.memory_space<vmem>>, vector<1x64x256xf32>
      %get3A_4031 = vector.shape_cast %get3A_4030 : vector<1x64x256xf32> to vector<64x256xf32>
      %swap3A_4032 = arith.constant 0 : index
      %swap3A_4033 = arith.constant 13312 : index
      %swap3A_4034 = vector.load %arg15[%swap3A_4032, %swap3A_4033] : memref<124x16640xf32, #tpu.memory_space<vmem>>, vector<64x256xf32>
      tpu.vector_store %arg15[%swap3A_4032, %swap3A_4033], %get3A_4031 {strides = array<i32>} : memref<124x16640xf32, #tpu.memory_space<vmem>>, vector<64x256xf32>,
      %get3A_4035 = arith.constant 53 : index
      %get3A_4036 = arith.constant 0 : index
      %get3A_4037 = arith.constant 0 : index
      %get3A_4038 = vector.load %arg8[%get3A_4035, %get3A_4036, %get3A_4037] : memref<64x64x256xf32, #tpu.memory_space<vmem>>, vector<1x64x256xf32>
      %get3A_4039 = vector.shape_cast %get3A_4038 : vector<1x64x256xf32> to vector<64x256xf32>
      %swap3A_4040 = arith.constant 0 : index
      %swap3A_4041 = arith.constant 13568 : index
      %swap3A_4042 = vector.load %arg15[%swap3A_4040, %swap3A_4041] : memref<124x16640xf32, #tpu.memory_space<vmem>>, vector<64x256xf32>
      tpu.vector_store %arg15[%swap3A_4040, %swap3A_4041], %get3A_4039 {strides = array<i32>} : memref<124x16640xf32, #tpu.memory_space<vmem>>, vector<64x256xf32>,
      %get3A_4043 = arith.constant 54 : index
      %get3A_4044 = arith.constant 0 : index
      %get3A_4045 = arith.constant 0 : index
      %get3A_4046 = vector.load %arg8[%get3A_4043, %get3A_4044, %get3A_4045] : memref<64x64x256xf32, #tpu.memory_space<vmem>>, vector<1x64x256xf32>
      %get3A_4047 = vector.shape_cast %get3A_4046 : vector<1x64x256xf32> to vector<64x256xf32>
      %swap3A_4048 = arith.constant 0 : index
      %swap3A_4049 = arith.constant 13824 : index
      %swap3A_4050 = vector.load %arg15[%swap3A_4048, %swap3A_4049] : memref<124x16640xf32, #tpu.memory_space<vmem>>, vector<64x256xf32>
      tpu.vector_store %arg15[%swap3A_4048, %swap3A_4049], %get3A_4047 {strides = array<i32>} : memref<124x16640xf32, #tpu.memory_space<vmem>>, vector<64x256xf32>,
      %get3A_4051 = arith.constant 55 : index
      %get3A_4052 = arith.constant 0 : index
      %get3A_4053 = arith.constant 0 : index
      %get3A_4054 = vector.load %arg8[%get3A_4051, %get3A_4052, %get3A_4053] : memref<64x64x256xf32, #tpu.memory_space<vmem>>, vector<1x64x256xf32>
      %get3A_4055 = vector.shape_cast %get3A_4054 : vector<1x64x256xf32> to vector<64x256xf32>
      %swap3A_4056 = arith.constant 0 : index
      %swap3A_4057 = arith.constant 14080 : index
      %swap3A_4058 = vector.load %arg15[%swap3A_4056, %swap3A_4057] : memref<124x16640xf32, #tpu.memory_space<vmem>>, vector<64x256xf32>
      tpu.vector_store %arg15[%swap3A_4056, %swap3A_4057], %get3A_4055 {strides = array<i32>} : memref<124x16640xf32, #tpu.memory_space<vmem>>, vector<64x256xf32>,
      %get3A_4059 = arith.constant 56 : index
      %get3A_4060 = arith.constant 0 : index
      %get3A_4061 = arith.constant 0 : index
      %get3A_4062 = vector.load %arg8[%get3A_4059, %get3A_4060, %get3A_4061] : memref<64x64x256xf32, #tpu.memory_space<vmem>>, vector<1x64x256xf32>
      %get3A_4063 = vector.shape_cast %get3A_4062 : vector<1x64x256xf32> to vector<64x256xf32>
      %swap3A_4064 = arith.constant 0 : index
      %swap3A_4065 = arith.constant 14336 : index
      %swap3A_4066 = vector.load %arg15[%swap3A_4064, %swap3A_4065] : memref<124x16640xf32, #tpu.memory_space<vmem>>, vector<64x256xf32>
      tpu.vector_store %arg15[%swap3A_4064, %swap3A_4065], %get3A_4063 {strides = array<i32>} : memref<124x16640xf32, #tpu.memory_space<vmem>>, vector<64x256xf32>,
      %get3A_4067 = arith.constant 57 : index
      %get3A_4068 = arith.constant 0 : index
      %get3A_4069 = arith.constant 0 : index
      %get3A_4070 = vector.load %arg8[%get3A_4067, %get3A_4068, %get3A_4069] : memref<64x64x256xf32, #tpu.memory_space<vmem>>, vector<1x64x256xf32>
      %get3A_4071 = vector.shape_cast %get3A_4070 : vector<1x64x256xf32> to vector<64x256xf32>
      %swap3A_4072 = arith.constant 0 : index
      %swap3A_4073 = arith.constant 14592 : index
      %swap3A_4074 = vector.load %arg15[%swap3A_4072, %swap3A_4073] : memref<124x16640xf32, #tpu.memory_space<vmem>>, vector<64x256xf32>
      tpu.vector_store %arg15[%swap3A_4072, %swap3A_4073], %get3A_4071 {strides = array<i32>} : memref<124x16640xf32, #tpu.memory_space<vmem>>, vector<64x256xf32>,
      %get3A_4075 = arith.constant 58 : index
      %get3A_4076 = arith.constant 0 : index
      %get3A_4077 = arith.constant 0 : index
      %get3A_4078 = vector.load %arg8[%get3A_4075, %get3A_4076, %get3A_4077] : memref<64x64x256xf32, #tpu.memory_space<vmem>>, vector<1x64x256xf32>
      %get3A_4079 = vector.shape_cast %get3A_4078 : vector<1x64x256xf32> to vector<64x256xf32>
      %swap3A_4080 = arith.constant 0 : index
      %swap3A_4081 = arith.constant 14848 : index
      %swap3A_4082 = vector.load %arg15[%swap3A_4080, %swap3A_4081] : memref<124x16640xf32, #tpu.memory_space<vmem>>, vector<64x256xf32>
      tpu.vector_store %arg15[%swap3A_4080, %swap3A_4081], %get3A_4079 {strides = array<i32>} : memref<124x16640xf32, #tpu.memory_space<vmem>>, vector<64x256xf32>,
      %get3A_4083 = arith.constant 59 : index
      %get3A_4084 = arith.constant 0 : index
      %get3A_4085 = arith.constant 0 : index
      %get3A_4086 = vector.load %arg8[%get3A_4083, %get3A_4084, %get3A_4085] : memref<64x64x256xf32, #tpu.memory_space<vmem>>, vector<1x64x256xf32>
      %get3A_4087 = vector.shape_cast %get3A_4086 : vector<1x64x256xf32> to vector<64x256xf32>
      %swap3A_4088 = arith.constant 0 : index
      %swap3A_4089 = arith.constant 15104 : index
      %swap3A_4090 = vector.load %arg15[%swap3A_4088, %swap3A_4089] : memref<124x16640xf32, #tpu.memory_space<vmem>>, vector<64x256xf32>
      tpu.vector_store %arg15[%swap3A_4088, %swap3A_4089], %get3A_4087 {strides = array<i32>} : memref<124x16640xf32, #tpu.memory_space<vmem>>, vector<64x256xf32>,
      %get3A_4091 = arith.constant 60 : index
      %get3A_4092 = arith.constant 0 : index
      %get3A_4093 = arith.constant 0 : index
      %get3A_4094 = vector.load %arg8[%get3A_4091, %get3A_4092, %get3A_4093] : memref<64x64x256xf32, #tpu.memory_space<vmem>>, vector<1x64x256xf32>
      %get3A_4095 = vector.shape_cast %get3A_4094 : vector<1x64x256xf32> to vector<64x256xf32>
      %swap3A_4096 = arith.constant 0 : index
      %swap3A_4097 = arith.constant 15360 : index
      %swap3A_4098 = vector.load %arg15[%swap3A_4096, %swap3A_4097] : memref<124x16640xf32, #tpu.memory_space<vmem>>, vector<64x256xf32>
      tpu.vector_store %arg15[%swap3A_4096, %swap3A_4097], %get3A_4095 {strides = array<i32>} : memref<124x16640xf32, #tpu.memory_space<vmem>>, vector<64x256xf32>,
      %get3A_4099 = arith.constant 61 : index
      %get3A_4100 = arith.constant 0 : index
      %get3A_4101 = arith.constant 0 : index
      %get3A_4102 = vector.load %arg8[%get3A_4099, %get3A_4100, %get3A_4101] : memref<64x64x256xf32, #tpu.memory_space<vmem>>, vector<1x64x256xf32>
      %get3A_4103 = vector.shape_cast %get3A_4102 : vector<1x64x256xf32> to vector<64x256xf32>
      %swap3A_4104 = arith.constant 0 : index
      %swap3A_4105 = arith.constant 15616 : index
      %swap3A_4106 = vector.load %arg15[%swap3A_4104, %swap3A_4105] : memref<124x16640xf32, #tpu.memory_space<vmem>>, vector<64x256xf32>
      tpu.vector_store %arg15[%swap3A_4104, %swap3A_4105], %get3A_4103 {strides = array<i32>} : memref<124x16640xf32, #tpu.memory_space<vmem>>, vector<64x256xf32>,
      %get3A_4107 = arith.constant 62 : index
      %get3A_4108 = arith.constant 0 : index
      %get3A_4109 = arith.constant 0 : index
      %get3A_4110 = vector.load %arg8[%get3A_4107, %get3A_4108, %get3A_4109] : memref<64x64x256xf32, #tpu.memory_space<vmem>>, vector<1x64x256xf32>
      %get3A_4111 = vector.shape_cast %get3A_4110 : vector<1x64x256xf32> to vector<64x256xf32>
      %swap3A_4112 = arith.constant 0 : index
      %swap3A_4113 = arith.constant 15872 : index
      %swap3A_4114 = vector.load %arg15[%swap3A_4112, %swap3A_4113] : memref<124x16640xf32, #tpu.memory_space<vmem>>, vector<64x256xf32>
      tpu.vector_store %arg15[%swap3A_4112, %swap3A_4113], %get3A_4111 {strides = array<i32>} : memref<124x16640xf32, #tpu.memory_space<vmem>>, vector<64x256xf32>,
      %get3A_4115 = arith.constant 63 : index
      %get3A_4116 = arith.constant 0 : index
      %get3A_4117 = arith.constant 0 : index
      %get3A_4118 = vector.load %arg8[%get3A_4115, %get3A_4116, %get3A_4117] : memref<64x64x256xf32, #tpu.memory_space<vmem>>, vector<1x64x256xf32>
      %get3A_4119 = vector.shape_cast %get3A_4118 : vector<1x64x256xf32> to vector<64x256xf32>
      %swap3A_4120 = arith.constant 0 : index
      %swap3A_4121 = arith.constant 16128 : index
      %swap3A_4122 = vector.load %arg15[%swap3A_4120, %swap3A_4121] : memref<124x16640xf32, #tpu.memory_space<vmem>>, vector<64x256xf32>
      tpu.vector_store %arg15[%swap3A_4120, %swap3A_4121], %get3A_4119 {strides = array<i32>} : memref<124x16640xf32, #tpu.memory_space<vmem>>, vector<64x256xf32>,
      %broadcast_in_dim3A_4123 = arith.constant 0.000000e+00 : f32
      %broadcast_in_dim3A_4124 = vector.broadcast %broadcast_in_dim3A_4123 : f32 to vector<64x256xf32>
      %swap3A_4125 = arith.constant 0 : index
      %swap3A_4126 = arith.constant 16384 : index
      %swap3A_4127 = vector.load %arg15[%swap3A_4125, %swap3A_4126] : memref<124x16640xf32, #tpu.memory_space<vmem>>, vector<64x256xf32>
      tpu.vector_store %arg15[%swap3A_4125, %swap3A_4126], %broadcast_in_dim3A_4124 {strides = array<i32>} : memref<124x16640xf32, #tpu.memory_space<vmem>>, vector<64x256xf32>,
      %get3A_4128 = arith.constant 0 : index
      %get3A_4129 = arith.constant 0 : index
      %get3A_4130 = arith.constant 0 : index
      %get3A_4131 = vector.load %arg9[%get3A_4128, %get3A_4129, %get3A_4130] : memref<32x32x256xf32, #tpu.memory_space<vmem>>, vector<1x32x256xf32>
      %get3A_4132 = vector.shape_cast %get3A_4131 : vector<1x32x256xf32> to vector<32x256xf32>
      %swap3A_4133 = arith.constant 64 : index
      %swap3A_4134 = arith.constant 0 : index
      %swap3A_4135 = vector.load %arg15[%swap3A_4133, %swap3A_4134] : memref<124x16640xf32, #tpu.memory_space<vmem>>, vector<32x256xf32>
      tpu.vector_store %arg15[%swap3A_4133, %swap3A_4134], %get3A_4132 {strides = array<i32>} : memref<124x16640xf32, #tpu.memory_space<vmem>>, vector<32x256xf32>,
      %get3A_4136 = arith.constant 1 : index
      %get3A_4137 = arith.constant 0 : index
      %get3A_4138 = arith.constant 0 : index
      %get3A_4139 = vector.load %arg9[%get3A_4136, %get3A_4137, %get3A_4138] : memref<32x32x256xf32, #tpu.memory_space<vmem>>, vector<1x32x256xf32>
      %get3A_4140 = vector.shape_cast %get3A_4139 : vector<1x32x256xf32> to vector<32x256xf32>
      %swap3A_4141 = arith.constant 64 : index
      %swap3A_4142 = arith.constant 256 : index
      %swap3A_4143 = vector.load %arg15[%swap3A_4141, %swap3A_4142] : memref<124x16640xf32, #tpu.memory_space<vmem>>, vector<32x256xf32>
      tpu.vector_store %arg15[%swap3A_4141, %swap3A_4142], %get3A_4140 {strides = array<i32>} : memref<124x16640xf32, #tpu.memory_space<vmem>>, vector<32x256xf32>,
      %get3A_4144 = arith.constant 2 : index
      %get3A_4145 = arith.constant 0 : index
      %get3A_4146 = arith.constant 0 : index
      %get3A_4147 = vector.load %arg9[%get3A_4144, %get3A_4145, %get3A_4146] : memref<32x32x256xf32, #tpu.memory_space<vmem>>, vector<1x32x256xf32>
      %get3A_4148 = vector.shape_cast %get3A_4147 : vector<1x32x256xf32> to vector<32x256xf32>
      %swap3A_4149 = arith.constant 64 : index
      %swap3A_4150 = arith.constant 512 : index
      %swap3A_4151 = vector.load %arg15[%swap3A_4149, %swap3A_4150] : memref<124x16640xf32, #tpu.memory_space<vmem>>, vector<32x256xf32>
      tpu.vector_store %arg15[%swap3A_4149, %swap3A_4150], %get3A_4148 {strides = array<i32>} : memref<124x16640xf32, #tpu.memory_space<vmem>>, vector<32x256xf32>,
      %get3A_4152 = arith.constant 3 : index
      %get3A_4153 = arith.constant 0 : index
      %get3A_4154 = arith.constant 0 : index
      %get3A_4155 = vector.load %arg9[%get3A_4152, %get3A_4153, %get3A_4154] : memref<32x32x256xf32, #tpu.memory_space<vmem>>, vector<1x32x256xf32>
      %get3A_4156 = vector.shape_cast %get3A_4155 : vector<1x32x256xf32> to vector<32x256xf32>
      %swap3A_4157 = arith.constant 64 : index
      %swap3A_4158 = arith.constant 768 : index
      %swap3A_4159 = vector.load %arg15[%swap3A_4157, %swap3A_4158] : memref<124x16640xf32, #tpu.memory_space<vmem>>, vector<32x256xf32>
      tpu.vector_store %arg15[%swap3A_4157, %swap3A_4158], %get3A_4156 {strides = array<i32>} : memref<124x16640xf32, #tpu.memory_space<vmem>>, vector<32x256xf32>,
      %get3A_4160 = arith.constant 4 : index
      %get3A_4161 = arith.constant 0 : index
      %get3A_4162 = arith.constant 0 : index
      %get3A_4163 = vector.load %arg9[%get3A_4160, %get3A_4161, %get3A_4162] : memref<32x32x256xf32, #tpu.memory_space<vmem>>, vector<1x32x256xf32>
      %get3A_4164 = vector.shape_cast %get3A_4163 : vector<1x32x256xf32> to vector<32x256xf32>
      %swap3A_4165 = arith.constant 64 : index
      %swap3A_4166 = arith.constant 1024 : index
      %swap3A_4167 = vector.load %arg15[%swap3A_4165, %swap3A_4166] : memref<124x16640xf32, #tpu.memory_space<vmem>>, vector<32x256xf32>
      tpu.vector_store %arg15[%swap3A_4165, %swap3A_4166], %get3A_4164 {strides = array<i32>} : memref<124x16640xf32, #tpu.memory_space<vmem>>, vector<32x256xf32>,
      %get3A_4168 = arith.constant 5 : index
      %get3A_4169 = arith.constant 0 : index
      %get3A_4170 = arith.constant 0 : index
      %get3A_4171 = vector.load %arg9[%get3A_4168, %get3A_4169, %get3A_4170] : memref<32x32x256xf32, #tpu.memory_space<vmem>>, vector<1x32x256xf32>
      %get3A_4172 = vector.shape_cast %get3A_4171 : vector<1x32x256xf32> to vector<32x256xf32>
      %swap3A_4173 = arith.constant 64 : index
      %swap3A_4174 = arith.constant 1280 : index
      %swap3A_4175 = vector.load %arg15[%swap3A_4173, %swap3A_4174] : memref<124x16640xf32, #tpu.memory_space<vmem>>, vector<32x256xf32>
      tpu.vector_store %arg15[%swap3A_4173, %swap3A_4174], %get3A_4172 {strides = array<i32>} : memref<124x16640xf32, #tpu.memory_space<vmem>>, vector<32x256xf32>,
      %get3A_4176 = arith.constant 6 : index
      %get3A_4177 = arith.constant 0 : index
      %get3A_4178 = arith.constant 0 : index
      %get3A_4179 = vector.load %arg9[%get3A_4176, %get3A_4177, %get3A_4178] : memref<32x32x256xf32, #tpu.memory_space<vmem>>, vector<1x32x256xf32>
      %get3A_4180 = vector.shape_cast %get3A_4179 : vector<1x32x256xf32> to vector<32x256xf32>
      %swap3A_4181 = arith.constant 64 : index
      %swap3A_4182 = arith.constant 1536 : index
      %swap3A_4183 = vector.load %arg15[%swap3A_4181, %swap3A_4182] : memref<124x16640xf32, #tpu.memory_space<vmem>>, vector<32x256xf32>
      tpu.vector_store %arg15[%swap3A_4181, %swap3A_4182], %get3A_4180 {strides = array<i32>} : memref<124x16640xf32, #tpu.memory_space<vmem>>, vector<32x256xf32>,
      %get3A_4184 = arith.constant 7 : index
      %get3A_4185 = arith.constant 0 : index
      %get3A_4186 = arith.constant 0 : index
      %get3A_4187 = vector.load %arg9[%get3A_4184, %get3A_4185, %get3A_4186] : memref<32x32x256xf32, #tpu.memory_space<vmem>>, vector<1x32x256xf32>
      %get3A_4188 = vector.shape_cast %get3A_4187 : vector<1x32x256xf32> to vector<32x256xf32>
      %swap3A_4189 = arith.constant 64 : index
      %swap3A_4190 = arith.constant 1792 : index
      %swap3A_4191 = vector.load %arg15[%swap3A_4189, %swap3A_4190] : memref<124x16640xf32, #tpu.memory_space<vmem>>, vector<32x256xf32>
      tpu.vector_store %arg15[%swap3A_4189, %swap3A_4190], %get3A_4188 {strides = array<i32>} : memref<124x16640xf32, #tpu.memory_space<vmem>>, vector<32x256xf32>,
      %get3A_4192 = arith.constant 8 : index
      %get3A_4193 = arith.constant 0 : index
      %get3A_4194 = arith.constant 0 : index
      %get3A_4195 = vector.load %arg9[%get3A_4192, %get3A_4193, %get3A_4194] : memref<32x32x256xf32, #tpu.memory_space<vmem>>, vector<1x32x256xf32>
      %get3A_4196 = vector.shape_cast %get3A_4195 : vector<1x32x256xf32> to vector<32x256xf32>
      %swap3A_4197 = arith.constant 64 : index
      %swap3A_4198 = arith.constant 2048 : index
      %swap3A_4199 = vector.load %arg15[%swap3A_4197, %swap3A_4198] : memref<124x16640xf32, #tpu.memory_space<vmem>>, vector<32x256xf32>
      tpu.vector_store %arg15[%swap3A_4197, %swap3A_4198], %get3A_4196 {strides = array<i32>} : memref<124x16640xf32, #tpu.memory_space<vmem>>, vector<32x256xf32>,
      %get3A_4200 = arith.constant 9 : index
      %get3A_4201 = arith.constant 0 : index
      %get3A_4202 = arith.constant 0 : index
      %get3A_4203 = vector.load %arg9[%get3A_4200, %get3A_4201, %get3A_4202] : memref<32x32x256xf32, #tpu.memory_space<vmem>>, vector<1x32x256xf32>
      %get3A_4204 = vector.shape_cast %get3A_4203 : vector<1x32x256xf32> to vector<32x256xf32>
      %swap3A_4205 = arith.constant 64 : index
      %swap3A_4206 = arith.constant 2304 : index
      %swap3A_4207 = vector.load %arg15[%swap3A_4205, %swap3A_4206] : memref<124x16640xf32, #tpu.memory_space<vmem>>, vector<32x256xf32>
      tpu.vector_store %arg15[%swap3A_4205, %swap3A_4206], %get3A_4204 {strides = array<i32>} : memref<124x16640xf32, #tpu.memory_space<vmem>>, vector<32x256xf32>,
      %get3A_4208 = arith.constant 10 : index
      %get3A_4209 = arith.constant 0 : index
      %get3A_4210 = arith.constant 0 : index
      %get3A_4211 = vector.load %arg9[%get3A_4208, %get3A_4209, %get3A_4210] : memref<32x32x256xf32, #tpu.memory_space<vmem>>, vector<1x32x256xf32>
      %get3A_4212 = vector.shape_cast %get3A_4211 : vector<1x32x256xf32> to vector<32x256xf32>
      %swap3A_4213 = arith.constant 64 : index
      %swap3A_4214 = arith.constant 2560 : index
      %swap3A_4215 = vector.load %arg15[%swap3A_4213, %swap3A_4214] : memref<124x16640xf32, #tpu.memory_space<vmem>>, vector<32x256xf32>
      tpu.vector_store %arg15[%swap3A_4213, %swap3A_4214], %get3A_4212 {strides = array<i32>} : memref<124x16640xf32, #tpu.memory_space<vmem>>, vector<32x256xf32>,
      %get3A_4216 = arith.constant 11 : index
      %get3A_4217 = arith.constant 0 : index
      %get3A_4218 = arith.constant 0 : index
      %get3A_4219 = vector.load %arg9[%get3A_4216, %get3A_4217, %get3A_4218] : memref<32x32x256xf32, #tpu.memory_space<vmem>>, vector<1x32x256xf32>
      %get3A_4220 = vector.shape_cast %get3A_4219 : vector<1x32x256xf32> to vector<32x256xf32>
      %swap3A_4221 = arith.constant 64 : index
      %swap3A_4222 = arith.constant 2816 : index
      %swap3A_4223 = vector.load %arg15[%swap3A_4221, %swap3A_4222] : memref<124x16640xf32, #tpu.memory_space<vmem>>, vector<32x256xf32>
      tpu.vector_store %arg15[%swap3A_4221, %swap3A_4222], %get3A_4220 {strides = array<i32>} : memref<124x16640xf32, #tpu.memory_space<vmem>>, vector<32x256xf32>,
      %get3A_4224 = arith.constant 12 : index
      %get3A_4225 = arith.constant 0 : index
      %get3A_4226 = arith.constant 0 : index
      %get3A_4227 = vector.load %arg9[%get3A_4224, %get3A_4225, %get3A_4226] : memref<32x32x256xf32, #tpu.memory_space<vmem>>, vector<1x32x256xf32>
      %get3A_4228 = vector.shape_cast %get3A_4227 : vector<1x32x256xf32> to vector<32x256xf32>
      %swap3A_4229 = arith.constant 64 : index
      %swap3A_4230 = arith.constant 3072 : index
      %swap3A_4231 = vector.load %arg15[%swap3A_4229, %swap3A_4230] : memref<124x16640xf32, #tpu.memory_space<vmem>>, vector<32x256xf32>
      tpu.vector_store %arg15[%swap3A_4229, %swap3A_4230], %get3A_4228 {strides = array<i32>} : memref<124x16640xf32, #tpu.memory_space<vmem>>, vector<32x256xf32>,
      %get3A_4232 = arith.constant 13 : index
      %get3A_4233 = arith.constant 0 : index
      %get3A_4234 = arith.constant 0 : index
      %get3A_4235 = vector.load %arg9[%get3A_4232, %get3A_4233, %get3A_4234] : memref<32x32x256xf32, #tpu.memory_space<vmem>>, vector<1x32x256xf32>
      %get3A_4236 = vector.shape_cast %get3A_4235 : vector<1x32x256xf32> to vector<32x256xf32>
      %swap3A_4237 = arith.constant 64 : index
      %swap3A_4238 = arith.constant 3328 : index
      %swap3A_4239 = vector.load %arg15[%swap3A_4237, %swap3A_4238] : memref<124x16640xf32, #tpu.memory_space<vmem>>, vector<32x256xf32>
      tpu.vector_store %arg15[%swap3A_4237, %swap3A_4238], %get3A_4236 {strides = array<i32>} : memref<124x16640xf32, #tpu.memory_space<vmem>>, vector<32x256xf32>,
      %get3A_4240 = arith.constant 14 : index
      %get3A_4241 = arith.constant 0 : index
      %get3A_4242 = arith.constant 0 : index
      %get3A_4243 = vector.load %arg9[%get3A_4240, %get3A_4241, %get3A_4242] : memref<32x32x256xf32, #tpu.memory_space<vmem>>, vector<1x32x256xf32>
      %get3A_4244 = vector.shape_cast %get3A_4243 : vector<1x32x256xf32> to vector<32x256xf32>
      %swap3A_4245 = arith.constant 64 : index
      %swap3A_4246 = arith.constant 3584 : index
      %swap3A_4247 = vector.load %arg15[%swap3A_4245, %swap3A_4246] : memref<124x16640xf32, #tpu.memory_space<vmem>>, vector<32x256xf32>
      tpu.vector_store %arg15[%swap3A_4245, %swap3A_4246], %get3A_4244 {strides = array<i32>} : memref<124x16640xf32, #tpu.memory_space<vmem>>, vector<32x256xf32>,
      %get3A_4248 = arith.constant 15 : index
      %get3A_4249 = arith.constant 0 : index
      %get3A_4250 = arith.constant 0 : index
      %get3A_4251 = vector.load %arg9[%get3A_4248, %get3A_4249, %get3A_4250] : memref<32x32x256xf32, #tpu.memory_space<vmem>>, vector<1x32x256xf32>
      %get3A_4252 = vector.shape_cast %get3A_4251 : vector<1x32x256xf32> to vector<32x256xf32>
      %swap3A_4253 = arith.constant 64 : index
      %swap3A_4254 = arith.constant 3840 : index
      %swap3A_4255 = vector.load %arg15[%swap3A_4253, %swap3A_4254] : memref<124x16640xf32, #tpu.memory_space<vmem>>, vector<32x256xf32>
      tpu.vector_store %arg15[%swap3A_4253, %swap3A_4254], %get3A_4252 {strides = array<i32>} : memref<124x16640xf32, #tpu.memory_space<vmem>>, vector<32x256xf32>,
      %get3A_4256 = arith.constant 16 : index
      %get3A_4257 = arith.constant 0 : index
      %get3A_4258 = arith.constant 0 : index
      %get3A_4259 = vector.load %arg9[%get3A_4256, %get3A_4257, %get3A_4258] : memref<32x32x256xf32, #tpu.memory_space<vmem>>, vector<1x32x256xf32>
      %get3A_4260 = vector.shape_cast %get3A_4259 : vector<1x32x256xf32> to vector<32x256xf32>
      %swap3A_4261 = arith.constant 64 : index
      %swap3A_4262 = arith.constant 4096 : index
      %swap3A_4263 = vector.load %arg15[%swap3A_4261, %swap3A_4262] : memref<124x16640xf32, #tpu.memory_space<vmem>>, vector<32x256xf32>
      tpu.vector_store %arg15[%swap3A_4261, %swap3A_4262], %get3A_4260 {strides = array<i32>} : memref<124x16640xf32, #tpu.memory_space<vmem>>, vector<32x256xf32>,
      %get3A_4264 = arith.constant 17 : index
      %get3A_4265 = arith.constant 0 : index
      %get3A_4266 = arith.constant 0 : index
      %get3A_4267 = vector.load %arg9[%get3A_4264, %get3A_4265, %get3A_4266] : memref<32x32x256xf32, #tpu.memory_space<vmem>>, vector<1x32x256xf32>
      %get3A_4268 = vector.shape_cast %get3A_4267 : vector<1x32x256xf32> to vector<32x256xf32>
      %swap3A_4269 = arith.constant 64 : index
      %swap3A_4270 = arith.constant 4352 : index
      %swap3A_4271 = vector.load %arg15[%swap3A_4269, %swap3A_4270] : memref<124x16640xf32, #tpu.memory_space<vmem>>, vector<32x256xf32>
      tpu.vector_store %arg15[%swap3A_4269, %swap3A_4270], %get3A_4268 {strides = array<i32>} : memref<124x16640xf32, #tpu.memory_space<vmem>>, vector<32x256xf32>,
      %get3A_4272 = arith.constant 18 : index
      %get3A_4273 = arith.constant 0 : index
      %get3A_4274 = arith.constant 0 : index
      %get3A_4275 = vector.load %arg9[%get3A_4272, %get3A_4273, %get3A_4274] : memref<32x32x256xf32, #tpu.memory_space<vmem>>, vector<1x32x256xf32>
      %get3A_4276 = vector.shape_cast %get3A_4275 : vector<1x32x256xf32> to vector<32x256xf32>
      %swap3A_4277 = arith.constant 64 : index
      %swap3A_4278 = arith.constant 4608 : index
      %swap3A_4279 = vector.load %arg15[%swap3A_4277, %swap3A_4278] : memref<124x16640xf32, #tpu.memory_space<vmem>>, vector<32x256xf32>
      tpu.vector_store %arg15[%swap3A_4277, %swap3A_4278], %get3A_4276 {strides = array<i32>} : memref<124x16640xf32, #tpu.memory_space<vmem>>, vector<32x256xf32>,
      %get3A_4280 = arith.constant 19 : index
      %get3A_4281 = arith.constant 0 : index
      %get3A_4282 = arith.constant 0 : index
      %get3A_4283 = vector.load %arg9[%get3A_4280, %get3A_4281, %get3A_4282] : memref<32x32x256xf32, #tpu.memory_space<vmem>>, vector<1x32x256xf32>
      %get3A_4284 = vector.shape_cast %get3A_4283 : vector<1x32x256xf32> to vector<32x256xf32>
      %swap3A_4285 = arith.constant 64 : index
      %swap3A_4286 = arith.constant 4864 : index
      %swap3A_4287 = vector.load %arg15[%swap3A_4285, %swap3A_4286] : memref<124x16640xf32, #tpu.memory_space<vmem>>, vector<32x256xf32>
      tpu.vector_store %arg15[%swap3A_4285, %swap3A_4286], %get3A_4284 {strides = array<i32>} : memref<124x16640xf32, #tpu.memory_space<vmem>>, vector<32x256xf32>,
      %get3A_4288 = arith.constant 20 : index
      %get3A_4289 = arith.constant 0 : index
      %get3A_4290 = arith.constant 0 : index
      %get3A_4291 = vector.load %arg9[%get3A_4288, %get3A_4289, %get3A_4290] : memref<32x32x256xf32, #tpu.memory_space<vmem>>, vector<1x32x256xf32>
      %get3A_4292 = vector.shape_cast %get3A_4291 : vector<1x32x256xf32> to vector<32x256xf32>
      %swap3A_4293 = arith.constant 64 : index
      %swap3A_4294 = arith.constant 5120 : index
      %swap3A_4295 = vector.load %arg15[%swap3A_4293, %swap3A_4294] : memref<124x16640xf32, #tpu.memory_space<vmem>>, vector<32x256xf32>
      tpu.vector_store %arg15[%swap3A_4293, %swap3A_4294], %get3A_4292 {strides = array<i32>} : memref<124x16640xf32, #tpu.memory_space<vmem>>, vector<32x256xf32>,
      %get3A_4296 = arith.constant 21 : index
      %get3A_4297 = arith.constant 0 : index
      %get3A_4298 = arith.constant 0 : index
      %get3A_4299 = vector.load %arg9[%get3A_4296, %get3A_4297, %get3A_4298] : memref<32x32x256xf32, #tpu.memory_space<vmem>>, vector<1x32x256xf32>
      %get3A_4300 = vector.shape_cast %get3A_4299 : vector<1x32x256xf32> to vector<32x256xf32>
      %swap3A_4301 = arith.constant 64 : index
      %swap3A_4302 = arith.constant 5376 : index
      %swap3A_4303 = vector.load %arg15[%swap3A_4301, %swap3A_4302] : memref<124x16640xf32, #tpu.memory_space<vmem>>, vector<32x256xf32>
      tpu.vector_store %arg15[%swap3A_4301, %swap3A_4302], %get3A_4300 {strides = array<i32>} : memref<124x16640xf32, #tpu.memory_space<vmem>>, vector<32x256xf32>,
      %get3A_4304 = arith.constant 22 : index
      %get3A_4305 = arith.constant 0 : index
      %get3A_4306 = arith.constant 0 : index
      %get3A_4307 = vector.load %arg9[%get3A_4304, %get3A_4305, %get3A_4306] : memref<32x32x256xf32, #tpu.memory_space<vmem>>, vector<1x32x256xf32>
      %get3A_4308 = vector.shape_cast %get3A_4307 : vector<1x32x256xf32> to vector<32x256xf32>
      %swap3A_4309 = arith.constant 64 : index
      %swap3A_4310 = arith.constant 5632 : index
      %swap3A_4311 = vector.load %arg15[%swap3A_4309, %swap3A_4310] : memref<124x16640xf32, #tpu.memory_space<vmem>>, vector<32x256xf32>
      tpu.vector_store %arg15[%swap3A_4309, %swap3A_4310], %get3A_4308 {strides = array<i32>} : memref<124x16640xf32, #tpu.memory_space<vmem>>, vector<32x256xf32>,
      %get3A_4312 = arith.constant 23 : index
      %get3A_4313 = arith.constant 0 : index
      %get3A_4314 = arith.constant 0 : index
      %get3A_4315 = vector.load %arg9[%get3A_4312, %get3A_4313, %get3A_4314] : memref<32x32x256xf32, #tpu.memory_space<vmem>>, vector<1x32x256xf32>
      %get3A_4316 = vector.shape_cast %get3A_4315 : vector<1x32x256xf32> to vector<32x256xf32>
      %swap3A_4317 = arith.constant 64 : index
      %swap3A_4318 = arith.constant 5888 : index
      %swap3A_4319 = vector.load %arg15[%swap3A_4317, %swap3A_4318] : memref<124x16640xf32, #tpu.memory_space<vmem>>, vector<32x256xf32>
      tpu.vector_store %arg15[%swap3A_4317, %swap3A_4318], %get3A_4316 {strides = array<i32>} : memref<124x16640xf32, #tpu.memory_space<vmem>>, vector<32x256xf32>,
      %get3A_4320 = arith.constant 24 : index
      %get3A_4321 = arith.constant 0 : index
      %get3A_4322 = arith.constant 0 : index
      %get3A_4323 = vector.load %arg9[%get3A_4320, %get3A_4321, %get3A_4322] : memref<32x32x256xf32, #tpu.memory_space<vmem>>, vector<1x32x256xf32>
      %get3A_4324 = vector.shape_cast %get3A_4323 : vector<1x32x256xf32> to vector<32x256xf32>
      %swap3A_4325 = arith.constant 64 : index
      %swap3A_4326 = arith.constant 6144 : index
      %swap3A_4327 = vector.load %arg15[%swap3A_4325, %swap3A_4326] : memref<124x16640xf32, #tpu.memory_space<vmem>>, vector<32x256xf32>
      tpu.vector_store %arg15[%swap3A_4325, %swap3A_4326], %get3A_4324 {strides = array<i32>} : memref<124x16640xf32, #tpu.memory_space<vmem>>, vector<32x256xf32>,
      %get3A_4328 = arith.constant 25 : index
      %get3A_4329 = arith.constant 0 : index
      %get3A_4330 = arith.constant 0 : index
      %get3A_4331 = vector.load %arg9[%get3A_4328, %get3A_4329, %get3A_4330] : memref<32x32x256xf32, #tpu.memory_space<vmem>>, vector<1x32x256xf32>
      %get3A_4332 = vector.shape_cast %get3A_4331 : vector<1x32x256xf32> to vector<32x256xf32>
      %swap3A_4333 = arith.constant 64 : index
      %swap3A_4334 = arith.constant 6400 : index
      %swap3A_4335 = vector.load %arg15[%swap3A_4333, %swap3A_4334] : memref<124x16640xf32, #tpu.memory_space<vmem>>, vector<32x256xf32>
      tpu.vector_store %arg15[%swap3A_4333, %swap3A_4334], %get3A_4332 {strides = array<i32>} : memref<124x16640xf32, #tpu.memory_space<vmem>>, vector<32x256xf32>,
      %get3A_4336 = arith.constant 26 : index
      %get3A_4337 = arith.constant 0 : index
      %get3A_4338 = arith.constant 0 : index
      %get3A_4339 = vector.load %arg9[%get3A_4336, %get3A_4337, %get3A_4338] : memref<32x32x256xf32, #tpu.memory_space<vmem>>, vector<1x32x256xf32>
      %get3A_4340 = vector.shape_cast %get3A_4339 : vector<1x32x256xf32> to vector<32x256xf32>
      %swap3A_4341 = arith.constant 64 : index
      %swap3A_4342 = arith.constant 6656 : index
      %swap3A_4343 = vector.load %arg15[%swap3A_4341, %swap3A_4342] : memref<124x16640xf32, #tpu.memory_space<vmem>>, vector<32x256xf32>
      tpu.vector_store %arg15[%swap3A_4341, %swap3A_4342], %get3A_4340 {strides = array<i32>} : memref<124x16640xf32, #tpu.memory_space<vmem>>, vector<32x256xf32>,
      %get3A_4344 = arith.constant 27 : index
      %get3A_4345 = arith.constant 0 : index
      %get3A_4346 = arith.constant 0 : index
      %get3A_4347 = vector.load %arg9[%get3A_4344, %get3A_4345, %get3A_4346] : memref<32x32x256xf32, #tpu.memory_space<vmem>>, vector<1x32x256xf32>
      %get3A_4348 = vector.shape_cast %get3A_4347 : vector<1x32x256xf32> to vector<32x256xf32>
      %swap3A_4349 = arith.constant 64 : index
      %swap3A_4350 = arith.constant 6912 : index
      %swap3A_4351 = vector.load %arg15[%swap3A_4349, %swap3A_4350] : memref<124x16640xf32, #tpu.memory_space<vmem>>, vector<32x256xf32>
      tpu.vector_store %arg15[%swap3A_4349, %swap3A_4350], %get3A_4348 {strides = array<i32>} : memref<124x16640xf32, #tpu.memory_space<vmem>>, vector<32x256xf32>,
      %get3A_4352 = arith.constant 28 : index
      %get3A_4353 = arith.constant 0 : index
      %get3A_4354 = arith.constant 0 : index
      %get3A_4355 = vector.load %arg9[%get3A_4352, %get3A_4353, %get3A_4354] : memref<32x32x256xf32, #tpu.memory_space<vmem>>, vector<1x32x256xf32>
      %get3A_4356 = vector.shape_cast %get3A_4355 : vector<1x32x256xf32> to vector<32x256xf32>
      %swap3A_4357 = arith.constant 64 : index
      %swap3A_4358 = arith.constant 7168 : index
      %swap3A_4359 = vector.load %arg15[%swap3A_4357, %swap3A_4358] : memref<124x16640xf32, #tpu.memory_space<vmem>>, vector<32x256xf32>
      tpu.vector_store %arg15[%swap3A_4357, %swap3A_4358], %get3A_4356 {strides = array<i32>} : memref<124x16640xf32, #tpu.memory_space<vmem>>, vector<32x256xf32>,
      %get3A_4360 = arith.constant 29 : index
      %get3A_4361 = arith.constant 0 : index
      %get3A_4362 = arith.constant 0 : index
      %get3A_4363 = vector.load %arg9[%get3A_4360, %get3A_4361, %get3A_4362] : memref<32x32x256xf32, #tpu.memory_space<vmem>>, vector<1x32x256xf32>
      %get3A_4364 = vector.shape_cast %get3A_4363 : vector<1x32x256xf32> to vector<32x256xf32>
      %swap3A_4365 = arith.constant 64 : index
      %swap3A_4366 = arith.constant 7424 : index
      %swap3A_4367 = vector.load %arg15[%swap3A_4365, %swap3A_4366] : memref<124x16640xf32, #tpu.memory_space<vmem>>, vector<32x256xf32>
      tpu.vector_store %arg15[%swap3A_4365, %swap3A_4366], %get3A_4364 {strides = array<i32>} : memref<124x16640xf32, #tpu.memory_space<vmem>>, vector<32x256xf32>,
      %get3A_4368 = arith.constant 30 : index
      %get3A_4369 = arith.constant 0 : index
      %get3A_4370 = arith.constant 0 : index
      %get3A_4371 = vector.load %arg9[%get3A_4368, %get3A_4369, %get3A_4370] : memref<32x32x256xf32, #tpu.memory_space<vmem>>, vector<1x32x256xf32>
      %get3A_4372 = vector.shape_cast %get3A_4371 : vector<1x32x256xf32> to vector<32x256xf32>
      %swap3A_4373 = arith.constant 64 : index
      %swap3A_4374 = arith.constant 7680 : index
      %swap3A_4375 = vector.load %arg15[%swap3A_4373, %swap3A_4374] : memref<124x16640xf32, #tpu.memory_space<vmem>>, vector<32x256xf32>
      tpu.vector_store %arg15[%swap3A_4373, %swap3A_4374], %get3A_4372 {strides = array<i32>} : memref<124x16640xf32, #tpu.memory_space<vmem>>, vector<32x256xf32>,
      %get3A_4376 = arith.constant 31 : index
      %get3A_4377 = arith.constant 0 : index
      %get3A_4378 = arith.constant 0 : index
      %get3A_4379 = vector.load %arg9[%get3A_4376, %get3A_4377, %get3A_4378] : memref<32x32x256xf32, #tpu.memory_space<vmem>>, vector<1x32x256xf32>
      %get3A_4380 = vector.shape_cast %get3A_4379 : vector<1x32x256xf32> to vector<32x256xf32>
      %swap3A_4381 = arith.constant 64 : index
      %swap3A_4382 = arith.constant 7936 : index
      %swap3A_4383 = vector.load %arg15[%swap3A_4381, %swap3A_4382] : memref<124x16640xf32, #tpu.memory_space<vmem>>, vector<32x256xf32>
      tpu.vector_store %arg15[%swap3A_4381, %swap3A_4382], %get3A_4380 {strides = array<i32>} : memref<124x16640xf32, #tpu.memory_space<vmem>>, vector<32x256xf32>,
      %broadcast_in_dim3A_4384 = arith.constant 0.000000e+00 : f32
      %broadcast_in_dim3A_4385 = vector.broadcast %broadcast_in_dim3A_4384 : f32 to vector<32x8448xf32>
      %swap3A_4386 = arith.constant 64 : index
      %swap3A_4387 = arith.constant 8192 : index
      %swap3A_4388 = vector.load %arg15[%swap3A_4386, %swap3A_4387] : memref<124x16640xf32, #tpu.memory_space<vmem>>, vector<32x8448xf32>
      tpu.vector_store %arg15[%swap3A_4386, %swap3A_4387], %broadcast_in_dim3A_4385 {strides = array<i32>} : memref<124x16640xf32, #tpu.memory_space<vmem>>, vector<32x8448xf32>,
      %get3A_4389 = arith.constant 0 : index
      %get3A_4390 = arith.constant 0 : index
      %get3A_4391 = arith.constant 0 : index
      %get3A_4392 = vector.load %arg10[%get3A_4389, %get3A_4390, %get3A_4391] : memref<16x16x256xf32, #tpu.memory_space<vmem>>, vector<1x16x256xf32>
      %get3A_4393 = vector.shape_cast %get3A_4392 : vector<1x16x256xf32> to vector<16x256xf32>
      %swap3A_4394 = arith.constant 96 : index
      %swap3A_4395 = arith.constant 0 : index
      %swap3A_4396 = vector.load %arg15[%swap3A_4394, %swap3A_4395] : memref<124x16640xf32, #tpu.memory_space<vmem>>, vector<16x256xf32>
      tpu.vector_store %arg15[%swap3A_4394, %swap3A_4395], %get3A_4393 {strides = array<i32>} : memref<124x16640xf32, #tpu.memory_space<vmem>>, vector<16x256xf32>,
      %get3A_4397 = arith.constant 1 : index
      %get3A_4398 = arith.constant 0 : index
      %get3A_4399 = arith.constant 0 : index
      %get3A_4400 = vector.load %arg10[%get3A_4397, %get3A_4398, %get3A_4399] : memref<16x16x256xf32, #tpu.memory_space<vmem>>, vector<1x16x256xf32>
      %get3A_4401 = vector.shape_cast %get3A_4400 : vector<1x16x256xf32> to vector<16x256xf32>
      %swap3A_4402 = arith.constant 96 : index
      %swap3A_4403 = arith.constant 256 : index
      %swap3A_4404 = vector.load %arg15[%swap3A_4402, %swap3A_4403] : memref<124x16640xf32, #tpu.memory_space<vmem>>, vector<16x256xf32>
      tpu.vector_store %arg15[%swap3A_4402, %swap3A_4403], %get3A_4401 {strides = array<i32>} : memref<124x16640xf32, #tpu.memory_space<vmem>>, vector<16x256xf32>,
      %get3A_4405 = arith.constant 2 : index
      %get3A_4406 = arith.constant 0 : index
      %get3A_4407 = arith.constant 0 : index
      %get3A_4408 = vector.load %arg10[%get3A_4405, %get3A_4406, %get3A_4407] : memref<16x16x256xf32, #tpu.memory_space<vmem>>, vector<1x16x256xf32>
      %get3A_4409 = vector.shape_cast %get3A_4408 : vector<1x16x256xf32> to vector<16x256xf32>
      %swap3A_4410 = arith.constant 96 : index
      %swap3A_4411 = arith.constant 512 : index
      %swap3A_4412 = vector.load %arg15[%swap3A_4410, %swap3A_4411] : memref<124x16640xf32, #tpu.memory_space<vmem>>, vector<16x256xf32>
      tpu.vector_store %arg15[%swap3A_4410, %swap3A_4411], %get3A_4409 {strides = array<i32>} : memref<124x16640xf32, #tpu.memory_space<vmem>>, vector<16x256xf32>,
      %get3A_4413 = arith.constant 3 : index
      %get3A_4414 = arith.constant 0 : index
      %get3A_4415 = arith.constant 0 : index
      %get3A_4416 = vector.load %arg10[%get3A_4413, %get3A_4414, %get3A_4415] : memref<16x16x256xf32, #tpu.memory_space<vmem>>, vector<1x16x256xf32>
      %get3A_4417 = vector.shape_cast %get3A_4416 : vector<1x16x256xf32> to vector<16x256xf32>
      %swap3A_4418 = arith.constant 96 : index
      %swap3A_4419 = arith.constant 768 : index
      %swap3A_4420 = vector.load %arg15[%swap3A_4418, %swap3A_4419] : memref<124x16640xf32, #tpu.memory_space<vmem>>, vector<16x256xf32>
      tpu.vector_store %arg15[%swap3A_4418, %swap3A_4419], %get3A_4417 {strides = array<i32>} : memref<124x16640xf32, #tpu.memory_space<vmem>>, vector<16x256xf32>,
      %get3A_4421 = arith.constant 4 : index
      %get3A_4422 = arith.constant 0 : index
      %get3A_4423 = arith.constant 0 : index
      %get3A_4424 = vector.load %arg10[%get3A_4421, %get3A_4422, %get3A_4423] : memref<16x16x256xf32, #tpu.memory_space<vmem>>, vector<1x16x256xf32>
      %get3A_4425 = vector.shape_cast %get3A_4424 : vector<1x16x256xf32> to vector<16x256xf32>
      %swap3A_4426 = arith.constant 96 : index
      %swap3A_4427 = arith.constant 1024 : index
      %swap3A_4428 = vector.load %arg15[%swap3A_4426, %swap3A_4427] : memref<124x16640xf32, #tpu.memory_space<vmem>>, vector<16x256xf32>
      tpu.vector_store %arg15[%swap3A_4426, %swap3A_4427], %get3A_4425 {strides = array<i32>} : memref<124x16640xf32, #tpu.memory_space<vmem>>, vector<16x256xf32>,
      %get3A_4429 = arith.constant 5 : index
      %get3A_4430 = arith.constant 0 : index
      %get3A_4431 = arith.constant 0 : index
      %get3A_4432 = vector.load %arg10[%get3A_4429, %get3A_4430, %get3A_4431] : memref<16x16x256xf32, #tpu.memory_space<vmem>>, vector<1x16x256xf32>
      %get3A_4433 = vector.shape_cast %get3A_4432 : vector<1x16x256xf32> to vector<16x256xf32>
      %swap3A_4434 = arith.constant 96 : index
      %swap3A_4435 = arith.constant 1280 : index
      %swap3A_4436 = vector.load %arg15[%swap3A_4434, %swap3A_4435] : memref<124x16640xf32, #tpu.memory_space<vmem>>, vector<16x256xf32>
      tpu.vector_store %arg15[%swap3A_4434, %swap3A_4435], %get3A_4433 {strides = array<i32>} : memref<124x16640xf32, #tpu.memory_space<vmem>>, vector<16x256xf32>,
      %get3A_4437 = arith.constant 6 : index
      %get3A_4438 = arith.constant 0 : index
      %get3A_4439 = arith.constant 0 : index
      %get3A_4440 = vector.load %arg10[%get3A_4437, %get3A_4438, %get3A_4439] : memref<16x16x256xf32, #tpu.memory_space<vmem>>, vector<1x16x256xf32>
      %get3A_4441 = vector.shape_cast %get3A_4440 : vector<1x16x256xf32> to vector<16x256xf32>
      %swap3A_4442 = arith.constant 96 : index
      %swap3A_4443 = arith.constant 1536 : index
      %swap3A_4444 = vector.load %arg15[%swap3A_4442, %swap3A_4443] : memref<124x16640xf32, #tpu.memory_space<vmem>>, vector<16x256xf32>
      tpu.vector_store %arg15[%swap3A_4442, %swap3A_4443], %get3A_4441 {strides = array<i32>} : memref<124x16640xf32, #tpu.memory_space<vmem>>, vector<16x256xf32>,
      %get3A_4445 = arith.constant 7 : index
      %get3A_4446 = arith.constant 0 : index
      %get3A_4447 = arith.constant 0 : index
      %get3A_4448 = vector.load %arg10[%get3A_4445, %get3A_4446, %get3A_4447] : memref<16x16x256xf32, #tpu.memory_space<vmem>>, vector<1x16x256xf32>
      %get3A_4449 = vector.shape_cast %get3A_4448 : vector<1x16x256xf32> to vector<16x256xf32>
      %swap3A_4450 = arith.constant 96 : index
      %swap3A_4451 = arith.constant 1792 : index
      %swap3A_4452 = vector.load %arg15[%swap3A_4450, %swap3A_4451] : memref<124x16640xf32, #tpu.memory_space<vmem>>, vector<16x256xf32>
      tpu.vector_store %arg15[%swap3A_4450, %swap3A_4451], %get3A_4449 {strides = array<i32>} : memref<124x16640xf32, #tpu.memory_space<vmem>>, vector<16x256xf32>,
      %get3A_4453 = arith.constant 8 : index
      %get3A_4454 = arith.constant 0 : index
      %get3A_4455 = arith.constant 0 : index
      %get3A_4456 = vector.load %arg10[%get3A_4453, %get3A_4454, %get3A_4455] : memref<16x16x256xf32, #tpu.memory_space<vmem>>, vector<1x16x256xf32>
      %get3A_4457 = vector.shape_cast %get3A_4456 : vector<1x16x256xf32> to vector<16x256xf32>
      %swap3A_4458 = arith.constant 96 : index
      %swap3A_4459 = arith.constant 2048 : index
      %swap3A_4460 = vector.load %arg15[%swap3A_4458, %swap3A_4459] : memref<124x16640xf32, #tpu.memory_space<vmem>>, vector<16x256xf32>
      tpu.vector_store %arg15[%swap3A_4458, %swap3A_4459], %get3A_4457 {strides = array<i32>} : memref<124x16640xf32, #tpu.memory_space<vmem>>, vector<16x256xf32>,
      %get3A_4461 = arith.constant 9 : index
      %get3A_4462 = arith.constant 0 : index
      %get3A_4463 = arith.constant 0 : index
      %get3A_4464 = vector.load %arg10[%get3A_4461, %get3A_4462, %get3A_4463] : memref<16x16x256xf32, #tpu.memory_space<vmem>>, vector<1x16x256xf32>
      %get3A_4465 = vector.shape_cast %get3A_4464 : vector<1x16x256xf32> to vector<16x256xf32>
      %swap3A_4466 = arith.constant 96 : index
      %swap3A_4467 = arith.constant 2304 : index
      %swap3A_4468 = vector.load %arg15[%swap3A_4466, %swap3A_4467] : memref<124x16640xf32, #tpu.memory_space<vmem>>, vector<16x256xf32>
      tpu.vector_store %arg15[%swap3A_4466, %swap3A_4467], %get3A_4465 {strides = array<i32>} : memref<124x16640xf32, #tpu.memory_space<vmem>>, vector<16x256xf32>,
      %get3A_4469 = arith.constant 10 : index
      %get3A_4470 = arith.constant 0 : index
      %get3A_4471 = arith.constant 0 : index
      %get3A_4472 = vector.load %arg10[%get3A_4469, %get3A_4470, %get3A_4471] : memref<16x16x256xf32, #tpu.memory_space<vmem>>, vector<1x16x256xf32>
      %get3A_4473 = vector.shape_cast %get3A_4472 : vector<1x16x256xf32> to vector<16x256xf32>
      %swap3A_4474 = arith.constant 96 : index
      %swap3A_4475 = arith.constant 2560 : index
      %swap3A_4476 = vector.load %arg15[%swap3A_4474, %swap3A_4475] : memref<124x16640xf32, #tpu.memory_space<vmem>>, vector<16x256xf32>
      tpu.vector_store %arg15[%swap3A_4474, %swap3A_4475], %get3A_4473 {strides = array<i32>} : memref<124x16640xf32, #tpu.memory_space<vmem>>, vector<16x256xf32>,
      %get3A_4477 = arith.constant 11 : index
      %get3A_4478 = arith.constant 0 : index
      %get3A_4479 = arith.constant 0 : index
      %get3A_4480 = vector.load %arg10[%get3A_4477, %get3A_4478, %get3A_4479] : memref<16x16x256xf32, #tpu.memory_space<vmem>>, vector<1x16x256xf32>
      %get3A_4481 = vector.shape_cast %get3A_4480 : vector<1x16x256xf32> to vector<16x256xf32>
      %swap3A_4482 = arith.constant 96 : index
      %swap3A_4483 = arith.constant 2816 : index
      %swap3A_4484 = vector.load %arg15[%swap3A_4482, %swap3A_4483] : memref<124x16640xf32, #tpu.memory_space<vmem>>, vector<16x256xf32>
      tpu.vector_store %arg15[%swap3A_4482, %swap3A_4483], %get3A_4481 {strides = array<i32>} : memref<124x16640xf32, #tpu.memory_space<vmem>>, vector<16x256xf32>,
      %get3A_4485 = arith.constant 12 : index
      %get3A_4486 = arith.constant 0 : index
      %get3A_4487 = arith.constant 0 : index
      %get3A_4488 = vector.load %arg10[%get3A_4485, %get3A_4486, %get3A_4487] : memref<16x16x256xf32, #tpu.memory_space<vmem>>, vector<1x16x256xf32>
      %get3A_4489 = vector.shape_cast %get3A_4488 : vector<1x16x256xf32> to vector<16x256xf32>
      %swap3A_4490 = arith.constant 96 : index
      %swap3A_4491 = arith.constant 3072 : index
      %swap3A_4492 = vector.load %arg15[%swap3A_4490, %swap3A_4491] : memref<124x16640xf32, #tpu.memory_space<vmem>>, vector<16x256xf32>
      tpu.vector_store %arg15[%swap3A_4490, %swap3A_4491], %get3A_4489 {strides = array<i32>} : memref<124x16640xf32, #tpu.memory_space<vmem>>, vector<16x256xf32>,
      %get3A_4493 = arith.constant 13 : index
      %get3A_4494 = arith.constant 0 : index
      %get3A_4495 = arith.constant 0 : index
      %get3A_4496 = vector.load %arg10[%get3A_4493, %get3A_4494, %get3A_4495] : memref<16x16x256xf32, #tpu.memory_space<vmem>>, vector<1x16x256xf32>
      %get3A_4497 = vector.shape_cast %get3A_4496 : vector<1x16x256xf32> to vector<16x256xf32>
      %swap3A_4498 = arith.constant 96 : index
      %swap3A_4499 = arith.constant 3328 : index
      %swap3A_4500 = vector.load %arg15[%swap3A_4498, %swap3A_4499] : memref<124x16640xf32, #tpu.memory_space<vmem>>, vector<16x256xf32>
      tpu.vector_store %arg15[%swap3A_4498, %swap3A_4499], %get3A_4497 {strides = array<i32>} : memref<124x16640xf32, #tpu.memory_space<vmem>>, vector<16x256xf32>,
      %get3A_4501 = arith.constant 14 : index
      %get3A_4502 = arith.constant 0 : index
      %get3A_4503 = arith.constant 0 : index
      %get3A_4504 = vector.load %arg10[%get3A_4501, %get3A_4502, %get3A_4503] : memref<16x16x256xf32, #tpu.memory_space<vmem>>, vector<1x16x256xf32>
      %get3A_4505 = vector.shape_cast %get3A_4504 : vector<1x16x256xf32> to vector<16x256xf32>
      %swap3A_4506 = arith.constant 96 : index
      %swap3A_4507 = arith.constant 3584 : index
      %swap3A_4508 = vector.load %arg15[%swap3A_4506, %swap3A_4507] : memref<124x16640xf32, #tpu.memory_space<vmem>>, vector<16x256xf32>
      tpu.vector_store %arg15[%swap3A_4506, %swap3A_4507], %get3A_4505 {strides = array<i32>} : memref<124x16640xf32, #tpu.memory_space<vmem>>, vector<16x256xf32>,
      %get3A_4509 = arith.constant 15 : index
      %get3A_4510 = arith.constant 0 : index
      %get3A_4511 = arith.constant 0 : index
      %get3A_4512 = vector.load %arg10[%get3A_4509, %get3A_4510, %get3A_4511] : memref<16x16x256xf32, #tpu.memory_space<vmem>>, vector<1x16x256xf32>
      %get3A_4513 = vector.shape_cast %get3A_4512 : vector<1x16x256xf32> to vector<16x256xf32>
      %swap3A_4514 = arith.constant 96 : index
      %swap3A_4515 = arith.constant 3840 : index
      %swap3A_4516 = vector.load %arg15[%swap3A_4514, %swap3A_4515] : memref<124x16640xf32, #tpu.memory_space<vmem>>, vector<16x256xf32>
      tpu.vector_store %arg15[%swap3A_4514, %swap3A_4515], %get3A_4513 {strides = array<i32>} : memref<124x16640xf32, #tpu.memory_space<vmem>>, vector<16x256xf32>,
      %broadcast_in_dim3A_4517 = arith.constant 0.000000e+00 : f32
      %broadcast_in_dim3A_4518 = vector.broadcast %broadcast_in_dim3A_4517 : f32 to vector<16x12544xf32>
      %swap3A_4519 = arith.constant 96 : index
      %swap3A_4520 = arith.constant 4096 : index
      %swap3A_4521 = vector.load %arg15[%swap3A_4519, %swap3A_4520] : memref<124x16640xf32, #tpu.memory_space<vmem>>, vector<16x12544xf32>
      tpu.vector_store %arg15[%swap3A_4519, %swap3A_4520], %broadcast_in_dim3A_4518 {strides = array<i32>} : memref<124x16640xf32, #tpu.memory_space<vmem>>, vector<16x12544xf32>,
      %get3A_4522 = arith.constant 0 : index
      %get3A_4523 = arith.constant 0 : index
      %get3A_4524 = arith.constant 0 : index
      %get3A_4525 = vector.load %arg11[%get3A_4522, %get3A_4523, %get3A_4524] : memref<8x8x256xf32, #tpu.memory_space<vmem>>, vector<1x8x256xf32>
      %get3A_4526 = vector.shape_cast %get3A_4525 : vector<1x8x256xf32> to vector<8x256xf32>
      %swap3A_4527 = arith.constant 112 : index
      %swap3A_4528 = arith.constant 0 : index
      %swap3A_4529 = vector.load %arg15[%swap3A_4527, %swap3A_4528] : memref<124x16640xf32, #tpu.memory_space<vmem>>, vector<8x256xf32>
      tpu.vector_store %arg15[%swap3A_4527, %swap3A_4528], %get3A_4526 {strides = array<i32>} : memref<124x16640xf32, #tpu.memory_space<vmem>>, vector<8x256xf32>,
      %get3A_4530 = arith.constant 1 : index
      %get3A_4531 = arith.constant 0 : index
      %get3A_4532 = arith.constant 0 : index
      %get3A_4533 = vector.load %arg11[%get3A_4530, %get3A_4531, %get3A_4532] : memref<8x8x256xf32, #tpu.memory_space<vmem>>, vector<1x8x256xf32>
      %get3A_4534 = vector.shape_cast %get3A_4533 : vector<1x8x256xf32> to vector<8x256xf32>
      %swap3A_4535 = arith.constant 112 : index
      %swap3A_4536 = arith.constant 256 : index
      %swap3A_4537 = vector.load %arg15[%swap3A_4535, %swap3A_4536] : memref<124x16640xf32, #tpu.memory_space<vmem>>, vector<8x256xf32>
      tpu.vector_store %arg15[%swap3A_4535, %swap3A_4536], %get3A_4534 {strides = array<i32>} : memref<124x16640xf32, #tpu.memory_space<vmem>>, vector<8x256xf32>,
      %get3A_4538 = arith.constant 2 : index
      %get3A_4539 = arith.constant 0 : index
      %get3A_4540 = arith.constant 0 : index
      %get3A_4541 = vector.load %arg11[%get3A_4538, %get3A_4539, %get3A_4540] : memref<8x8x256xf32, #tpu.memory_space<vmem>>, vector<1x8x256xf32>
      %get3A_4542 = vector.shape_cast %get3A_4541 : vector<1x8x256xf32> to vector<8x256xf32>
      %swap3A_4543 = arith.constant 112 : index
      %swap3A_4544 = arith.constant 512 : index
      %swap3A_4545 = vector.load %arg15[%swap3A_4543, %swap3A_4544] : memref<124x16640xf32, #tpu.memory_space<vmem>>, vector<8x256xf32>
      tpu.vector_store %arg15[%swap3A_4543, %swap3A_4544], %get3A_4542 {strides = array<i32>} : memref<124x16640xf32, #tpu.memory_space<vmem>>, vector<8x256xf32>,
      %get3A_4546 = arith.constant 3 : index
      %get3A_4547 = arith.constant 0 : index
      %get3A_4548 = arith.constant 0 : index
      %get3A_4549 = vector.load %arg11[%get3A_4546, %get3A_4547, %get3A_4548] : memref<8x8x256xf32, #tpu.memory_space<vmem>>, vector<1x8x256xf32>
      %get3A_4550 = vector.shape_cast %get3A_4549 : vector<1x8x256xf32> to vector<8x256xf32>
      %swap3A_4551 = arith.constant 112 : index
      %swap3A_4552 = arith.constant 768 : index
      %swap3A_4553 = vector.load %arg15[%swap3A_4551, %swap3A_4552] : memref<124x16640xf32, #tpu.memory_space<vmem>>, vector<8x256xf32>
      tpu.vector_store %arg15[%swap3A_4551, %swap3A_4552], %get3A_4550 {strides = array<i32>} : memref<124x16640xf32, #tpu.memory_space<vmem>>, vector<8x256xf32>,
      %get3A_4554 = arith.constant 4 : index
      %get3A_4555 = arith.constant 0 : index
      %get3A_4556 = arith.constant 0 : index
      %get3A_4557 = vector.load %arg11[%get3A_4554, %get3A_4555, %get3A_4556] : memref<8x8x256xf32, #tpu.memory_space<vmem>>, vector<1x8x256xf32>
      %get3A_4558 = vector.shape_cast %get3A_4557 : vector<1x8x256xf32> to vector<8x256xf32>
      %swap3A_4559 = arith.constant 112 : index
      %swap3A_4560 = arith.constant 1024 : index
      %swap3A_4561 = vector.load %arg15[%swap3A_4559, %swap3A_4560] : memref<124x16640xf32, #tpu.memory_space<vmem>>, vector<8x256xf32>
      tpu.vector_store %arg15[%swap3A_4559, %swap3A_4560], %get3A_4558 {strides = array<i32>} : memref<124x16640xf32, #tpu.memory_space<vmem>>, vector<8x256xf32>,
      %get3A_4562 = arith.constant 5 : index
      %get3A_4563 = arith.constant 0 : index
      %get3A_4564 = arith.constant 0 : index
      %get3A_4565 = vector.load %arg11[%get3A_4562, %get3A_4563, %get3A_4564] : memref<8x8x256xf32, #tpu.memory_space<vmem>>, vector<1x8x256xf32>
      %get3A_4566 = vector.shape_cast %get3A_4565 : vector<1x8x256xf32> to vector<8x256xf32>
      %swap3A_4567 = arith.constant 112 : index
      %swap3A_4568 = arith.constant 1280 : index
      %swap3A_4569 = vector.load %arg15[%swap3A_4567, %swap3A_4568] : memref<124x16640xf32, #tpu.memory_space<vmem>>, vector<8x256xf32>
      tpu.vector_store %arg15[%swap3A_4567, %swap3A_4568], %get3A_4566 {strides = array<i32>} : memref<124x16640xf32, #tpu.memory_space<vmem>>, vector<8x256xf32>,
      %get3A_4570 = arith.constant 6 : index
      %get3A_4571 = arith.constant 0 : index
      %get3A_4572 = arith.constant 0 : index
      %get3A_4573 = vector.load %arg11[%get3A_4570, %get3A_4571, %get3A_4572] : memref<8x8x256xf32, #tpu.memory_space<vmem>>, vector<1x8x256xf32>
      %get3A_4574 = vector.shape_cast %get3A_4573 : vector<1x8x256xf32> to vector<8x256xf32>
      %swap3A_4575 = arith.constant 112 : index
      %swap3A_4576 = arith.constant 1536 : index
      %swap3A_4577 = vector.load %arg15[%swap3A_4575, %swap3A_4576] : memref<124x16640xf32, #tpu.memory_space<vmem>>, vector<8x256xf32>
      tpu.vector_store %arg15[%swap3A_4575, %swap3A_4576], %get3A_4574 {strides = array<i32>} : memref<124x16640xf32, #tpu.memory_space<vmem>>, vector<8x256xf32>,
      %get3A_4578 = arith.constant 7 : index
      %get3A_4579 = arith.constant 0 : index
      %get3A_4580 = arith.constant 0 : index
      %get3A_4581 = vector.load %arg11[%get3A_4578, %get3A_4579, %get3A_4580] : memref<8x8x256xf32, #tpu.memory_space<vmem>>, vector<1x8x256xf32>
      %get3A_4582 = vector.shape_cast %get3A_4581 : vector<1x8x256xf32> to vector<8x256xf32>
      %swap3A_4583 = arith.constant 112 : index
      %swap3A_4584 = arith.constant 1792 : index
      %swap3A_4585 = vector.load %arg15[%swap3A_4583, %swap3A_4584] : memref<124x16640xf32, #tpu.memory_space<vmem>>, vector<8x256xf32>
      tpu.vector_store %arg15[%swap3A_4583, %swap3A_4584], %get3A_4582 {strides = array<i32>} : memref<124x16640xf32, #tpu.memory_space<vmem>>, vector<8x256xf32>,
      %broadcast_in_dim3A_4586 = arith.constant 0.000000e+00 : f32
      %broadcast_in_dim3A_4587 = vector.broadcast %broadcast_in_dim3A_4586 : f32 to vector<8x14592xf32>
      %swap3A_4588 = arith.constant 112 : index
      %swap3A_4589 = arith.constant 2048 : index
      %swap3A_4590 = vector.load %arg15[%swap3A_4588, %swap3A_4589] : memref<124x16640xf32, #tpu.memory_space<vmem>>, vector<8x14592xf32>
      tpu.vector_store %arg15[%swap3A_4588, %swap3A_4589], %broadcast_in_dim3A_4587 {strides = array<i32>} : memref<124x16640xf32, #tpu.memory_space<vmem>>, vector<8x14592xf32>,
      %get3A_4591 = arith.constant 0 : index
      %get3A_4592 = arith.constant 0 : index
      %get3A_4593 = arith.constant 0 : index
      %get3A_4594 = vector.load %arg12[%get3A_4591, %get3A_4592, %get3A_4593] : memref<4x4x256xf32, #tpu.memory_space<vmem>>, vector<1x4x256xf32>
      %get3A_4595 = vector.shape_cast %get3A_4594 : vector<1x4x256xf32> to vector<4x256xf32>
      %swap3A_4596 = arith.constant 120 : index
      %swap3A_4597 = arith.constant 0 : index
      %swap3A_4598 = vector.load %arg15[%swap3A_4596, %swap3A_4597] : memref<124x16640xf32, #tpu.memory_space<vmem>>, vector<4x256xf32>
      tpu.vector_store %arg15[%swap3A_4596, %swap3A_4597], %get3A_4595 {strides = array<i32>} : memref<124x16640xf32, #tpu.memory_space<vmem>>, vector<4x256xf32>,
      %get3A_4599 = arith.constant 1 : index
      %get3A_4600 = arith.constant 0 : index
      %get3A_4601 = arith.constant 0 : index
      %get3A_4602 = vector.load %arg12[%get3A_4599, %get3A_4600, %get3A_4601] : memref<4x4x256xf32, #tpu.memory_space<vmem>>, vector<1x4x256xf32>
      %get3A_4603 = vector.shape_cast %get3A_4602 : vector<1x4x256xf32> to vector<4x256xf32>
      %swap3A_4604 = arith.constant 120 : index
      %swap3A_4605 = arith.constant 256 : index
      %swap3A_4606 = vector.load %arg15[%swap3A_4604, %swap3A_4605] : memref<124x16640xf32, #tpu.memory_space<vmem>>, vector<4x256xf32>
      tpu.vector_store %arg15[%swap3A_4604, %swap3A_4605], %get3A_4603 {strides = array<i32>} : memref<124x16640xf32, #tpu.memory_space<vmem>>, vector<4x256xf32>,
      %get3A_4607 = arith.constant 2 : index
      %get3A_4608 = arith.constant 0 : index
      %get3A_4609 = arith.constant 0 : index
      %get3A_4610 = vector.load %arg12[%get3A_4607, %get3A_4608, %get3A_4609] : memref<4x4x256xf32, #tpu.memory_space<vmem>>, vector<1x4x256xf32>
      %get3A_4611 = vector.shape_cast %get3A_4610 : vector<1x4x256xf32> to vector<4x256xf32>
      %swap3A_4612 = arith.constant 120 : index
      %swap3A_4613 = arith.constant 512 : index
      %swap3A_4614 = vector.load %arg15[%swap3A_4612, %swap3A_4613] : memref<124x16640xf32, #tpu.memory_space<vmem>>, vector<4x256xf32>
      tpu.vector_store %arg15[%swap3A_4612, %swap3A_4613], %get3A_4611 {strides = array<i32>} : memref<124x16640xf32, #tpu.memory_space<vmem>>, vector<4x256xf32>,
      %get3A_4615 = arith.constant 3 : index
      %get3A_4616 = arith.constant 0 : index
      %get3A_4617 = arith.constant 0 : index
      %get3A_4618 = vector.load %arg12[%get3A_4615, %get3A_4616, %get3A_4617] : memref<4x4x256xf32, #tpu.memory_space<vmem>>, vector<1x4x256xf32>
      %get3A_4619 = vector.shape_cast %get3A_4618 : vector<1x4x256xf32> to vector<4x256xf32>
      %swap3A_4620 = arith.constant 120 : index
      %swap3A_4621 = arith.constant 768 : index
      %swap3A_4622 = vector.load %arg15[%swap3A_4620, %swap3A_4621] : memref<124x16640xf32, #tpu.memory_space<vmem>>, vector<4x256xf32>
      tpu.vector_store %arg15[%swap3A_4620, %swap3A_4621], %get3A_4619 {strides = array<i32>} : memref<124x16640xf32, #tpu.memory_space<vmem>>, vector<4x256xf32>,
      %broadcast_in_dim3A_4623 = arith.constant 0.000000e+00 : f32
      %broadcast_in_dim3A_4624 = vector.broadcast %broadcast_in_dim3A_4623 : f32 to vector<4x15616xf32>
      %swap3A_4625 = arith.constant 120 : index
      %swap3A_4626 = arith.constant 1024 : index
      %swap3A_4627 = vector.load %arg15[%swap3A_4625, %swap3A_4626] : memref<124x16640xf32, #tpu.memory_space<vmem>>, vector<4x15616xf32>
      tpu.vector_store %arg15[%swap3A_4625, %swap3A_4626], %broadcast_in_dim3A_4624 {strides = array<i32>} : memref<124x16640xf32, #tpu.memory_space<vmem>>, vector<4x15616xf32>,
    } else {
    }
    %get3A = arith.constant 0 : index
    %get3A_2 = arith.constant 0 : index
    %get3A_3 = vector.load %arg4[%get3A, %get3A_2] : memref<128x1xi32, #tpu.memory_space<vmem>>, vector<128x1xi32>
    %get3A_4 = arith.constant 0 : index
    %get3A_5 = arith.constant 0 : index
    %get3A_6 = vector.load %arg5[%get3A_4, %get3A_5] : memref<128x1xi32, #tpu.memory_space<vmem>>, vector<128x1xi32>
    %get3A_7 = arith.constant 0 : index
    %get3A_8 = arith.constant 0 : index
    %get3A_9 = vector.load %arg6[%get3A_7, %get3A_8] : memref<128x1xf32, #tpu.memory_space<vmem>>, vector<128x1xf32>
    %get3A_10 = arith.constant 0 : index
    %get3A_11 = arith.constant 0 : index
    %get3A_12 = vector.load %arg7[%get3A_10, %get3A_11] : memref<128x1xf32, #tpu.memory_space<vmem>>, vector<128x1xf32>
    %iota3A = tpu.iota {dimensions = array<i32: 1>} : vector<128x124xi32>
    %eq3A_13 = vector.broadcast %get3A_3 : vector<128x1xi32> to vector<128x124xi32>
    %eq3A_14 = arith.cmpi eq, %iota3A, %eq3A_13 : vector<128x124xi32>
    %jit3A = arith.constant 0.000000e+00 : f32
    %broadcast_in_dim3A = vector.shape_cast %get3A_9 : vector<128x1xf32> to vector<128x1xf32>
    %broadcast_in_dim3A_15 = vector.broadcast %broadcast_in_dim3A : vector<128x1xf32> to vector<128x124xf32>
    %broadcast_in_dim3A_16 = vector.broadcast %jit3A : f32 to vector<128x124xf32>
    %select_n3A = arith.select %eq3A_14, %broadcast_in_dim3A_15, %broadcast_in_dim3A_16 : vector<128x124xi1>, vector<128x124xf32>
    %eq3A_17 = vector.broadcast %get3A_6 : vector<128x1xi32> to vector<128x124xi32>
    %eq3A_18 = arith.cmpi eq, %iota3A, %eq3A_17 : vector<128x124xi32>
    %jit3A_19 = arith.constant 0.000000e+00 : f32
    %broadcast_in_dim3A_20 = vector.shape_cast %get3A_12 : vector<128x1xf32> to vector<128x1xf32>
    %broadcast_in_dim3A_21 = vector.broadcast %broadcast_in_dim3A_20 : vector<128x1xf32> to vector<128x124xf32>
    %broadcast_in_dim3A_22 = vector.broadcast %jit3A_19 : f32 to vector<128x124xf32>
    %select_n3A_23 = arith.select %eq3A_18, %broadcast_in_dim3A_21, %broadcast_in_dim3A_22 : vector<128x124xi1>, vector<128x124xf32>
    %add3A = arith.addf %select_n3A, %select_n3A_23 : vector<128x124xf32>
    %get3A_24 = arith.constant 0 : index
    %get3A_25 = arith.constant 0 : index
    %get3A_26 = vector.load %arg15[%get3A_24, %get3A_25] : memref<124x16640xf32, #tpu.memory_space<vmem>>, vector<124x16640xf32>
    %dot_general3A = arith.constant dense<0.000000e+00> : vector<128x16640xf32>
    %dot_general3A_27 = tpu.matmul %add3A, %get3A_26, %dot_general3A {dimension_numbers = #tpu.dot_dimension_numbers<[1], [0], [0], [1], [0, 0, 1, 1], [], []>, transpose_lhs_hint = false} : vector<128x124xf32>, vector<124x16640xf32>, vector<128x16640xf32> -> vector<128x16640xf32>
    %swap3A = arith.constant 0 : index
    %swap3A_28 = arith.constant 0 : index
    %swap3A_29 = vector.load %arg14[%swap3A, %swap3A_28] : memref<128x16640xf32, #tpu.memory_space<vmem>>, vector<128x16640xf32>
    tpu.vector_store %arg14[%swap3A, %swap3A_28], %dot_general3A_27 {strides = array<i32>} : memref<128x16640xf32, #tpu.memory_space<vmem>>, vector<128x16640xf32>,
    %mul3A = arith.constant 112 : i32
    %mul3A_30 = arith.muli %arg0, %mul3A : i32
    %add3A_31 = arith.constant 0 : i32
    %add3A_32 = arith.addi %mul3A_30, %add3A_31 : i32
    %add3A_33 = arith.constant 0 : i32
    %add3A_34 = arith.addi %add3A_32, %add3A_33 : i32
    %get3A_35 = arith.index_cast %add3A_34 : i32 to index
    %get3A_36 = memref.load %arg1[%get3A_35] : memref<14000xi32, #tpu.memory_space<smem>>
    %mul3A_37 = arith.constant 256 : i32
    %mul3A_38 = arith.muli %get3A_36, %mul3A_37 : i32
    %multiple_of3A = tpu.assume_multiple %mul3A_38, 256 : i32
    %get3A_39 = arith.constant 0 : index
    %get3A_40 = arith.index_cast %multiple_of3A : i32 to index
    %get3A_41 = vector.load %arg14[%get3A_39, %get3A_40] : memref<128x16640xf32, #tpu.memory_space<vmem>>, vector<14x512xf32>
    %slice3A = vector.extract_strided_slice %get3A_41 {offsets = [0, 0], sizes = [14, 256], strides = [1, 1]} : vector<14x512xf32> to vector<14x256xf32>
    %get3A_42 = arith.index_cast %add3A_34 : i32 to index
    %get3A_43 = memref.load %arg2[%get3A_42] : memref<14000xf32, #tpu.memory_space<smem>>
    %mul3A_44 = vector.broadcast %get3A_43 : f32 to vector<14x256xf32>
    %mul3A_45 = arith.mulf %slice3A, %mul3A_44 : vector<14x256xf32>
    %slice3A_46 = vector.extract_strided_slice %get3A_41 {offsets = [0, 256], sizes = [14, 256], strides = [1, 1]} : vector<14x512xf32> to vector<14x256xf32>
    %get3A_47 = arith.index_cast %add3A_34 : i32 to index
    %get3A_48 = memref.load %arg3[%get3A_47] : memref<14000xf32, #tpu.memory_space<smem>>
    %mul3A_49 = vector.broadcast %get3A_48 : f32 to vector<14x256xf32>
    %mul3A_50 = arith.mulf %slice3A_46, %mul3A_49 : vector<14x256xf32>
    %add3A_51 = arith.addf %mul3A_45, %mul3A_50 : vector<14x256xf32>
    %swap3A_52 = arith.constant 0 : index
    %swap3A_53 = arith.constant 0 : index
    %swap3A_54 = arith.constant 0 : index
    %swap3A_55 = arith.constant 0 : index
    %swap3A_56 = vector.load %arg13[%swap3A_52, %swap3A_53, %swap3A_54, %swap3A_55] : memref<8x14x14x256xf32, #tpu.memory_space<vmem>>, vector<1x1x14x256xf32>
    %swap3A_57 = vector.shape_cast %swap3A_56 : vector<1x1x14x256xf32> to vector<14x256xf32>
    %swap3A_58 = vector.shape_cast %add3A_51 : vector<14x256xf32> to vector<1x1x14x256xf32>
    tpu.vector_store %arg13[%swap3A_52, %swap3A_53, %swap3A_54, %swap3A_55], %swap3A_58 {strides = array<i32>} : memref<8x14x14x256xf32, #tpu.memory_space<vmem>>, vector<1x1x14x256xf32>,
    %mul3A_59 = arith.constant 112 : i32
    %mul3A_60 = arith.muli %arg0, %mul3A_59 : i32
    %add3A_61 = arith.constant 0 : i32
    %add3A_62 = arith.addi %mul3A_60, %add3A_61 : i32
    %add3A_63 = arith.constant 1 : i32
    %add3A_64 = arith.addi %add3A_62, %add3A_63 : i32
    %get3A_65 = arith.index_cast %add3A_64 : i32 to index
    %get3A_66 = memref.load %arg1[%get3A_65] : memref<14000xi32, #tpu.memory_space<smem>>
    %mul3A_67 = arith.constant 256 : i32
    %mul3A_68 = arith.muli %get3A_66, %mul3A_67 : i32
    %multiple_of3A_69 = tpu.assume_multiple %mul3A_68, 256 : i32
    %get3A_70 = arith.constant 0 : index
    %get3A_71 = arith.index_cast %multiple_of3A_69 : i32 to index
    %get3A_72 = vector.load %arg14[%get3A_70, %get3A_71] : memref<128x16640xf32, #tpu.memory_space<vmem>>, vector<14x512xf32>
    %slice3A_73 = vector.extract_strided_slice %get3A_72 {offsets = [0, 0], sizes = [14, 256], strides = [1, 1]} : vector<14x512xf32> to vector<14x256xf32>
    %get3A_74 = arith.index_cast %add3A_64 : i32 to index
    %get3A_75 = memref.load %arg2[%get3A_74] : memref<14000xf32, #tpu.memory_space<smem>>
    %mul3A_76 = vector.broadcast %get3A_75 : f32 to vector<14x256xf32>
    %mul3A_77 = arith.mulf %slice3A_73, %mul3A_76 : vector<14x256xf32>
    %slice3A_78 = vector.extract_strided_slice %get3A_72 {offsets = [0, 256], sizes = [14, 256], strides = [1, 1]} : vector<14x512xf32> to vector<14x256xf32>
    %get3A_79 = arith.index_cast %add3A_64 : i32 to index
    %get3A_80 = memref.load %arg3[%get3A_79] : memref<14000xf32, #tpu.memory_space<smem>>
    %mul3A_81 = vector.broadcast %get3A_80 : f32 to vector<14x256xf32>
    %mul3A_82 = arith.mulf %slice3A_78, %mul3A_81 : vector<14x256xf32>
    %add3A_83 = arith.addf %mul3A_77, %mul3A_82 : vector<14x256xf32>
    %swap3A_84 = arith.constant 0 : index
    %swap3A_85 = arith.constant 1 : index
    %swap3A_86 = arith.constant 0 : index
    %swap3A_87 = arith.constant 0 : index
    %swap3A_88 = vector.load %arg13[%swap3A_84, %swap3A_85, %swap3A_86, %swap3A_87] : memref<8x14x14x256xf32, #tpu.memory_space<vmem>>, vector<1x1x14x256xf32>
    %swap3A_89 = vector.shape_cast %swap3A_88 : vector<1x1x14x256xf32> to vector<14x256xf32>
    %swap3A_90 = vector.shape_cast %add3A_83 : vector<14x256xf32> to vector<1x1x14x256xf32>
    tpu.vector_store %arg13[%swap3A_84, %swap3A_85, %swap3A_86, %swap3A_87], %swap3A_90 {strides = array<i32>} : memref<8x14x14x256xf32, #tpu.memory_space<vmem>>, vector<1x1x14x256xf32>,
    %mul3A_91 = arith.constant 112 : i32
    %mul3A_92 = arith.muli %arg0, %mul3A_91 : i32
    %add3A_93 = arith.constant 0 : i32
    %add3A_94 = arith.addi %mul3A_92, %add3A_93 : i32
    %add3A_95 = arith.constant 2 : i32
    %add3A_96 = arith.addi %add3A_94, %add3A_95 : i32
    %get3A_97 = arith.index_cast %add3A_96 : i32 to index
    %get3A_98 = memref.load %arg1[%get3A_97] : memref<14000xi32, #tpu.memory_space<smem>>
    %mul3A_99 = arith.constant 256 : i32
    %mul3A_100 = arith.muli %get3A_98, %mul3A_99 : i32
    %multiple_of3A_101 = tpu.assume_multiple %mul3A_100, 256 : i32
    %get3A_102 = arith.constant 0 : index
    %get3A_103 = arith.index_cast %multiple_of3A_101 : i32 to index
    %get3A_104 = vector.load %arg14[%get3A_102, %get3A_103] : memref<128x16640xf32, #tpu.memory_space<vmem>>, vector<14x512xf32>
    %slice3A_105 = vector.extract_strided_slice %get3A_104 {offsets = [0, 0], sizes = [14, 256], strides = [1, 1]} : vector<14x512xf32> to vector<14x256xf32>
    %get3A_106 = arith.index_cast %add3A_96 : i32 to index
    %get3A_107 = memref.load %arg2[%get3A_106] : memref<14000xf32, #tpu.memory_space<smem>>
    %mul3A_108 = vector.broadcast %get3A_107 : f32 to vector<14x256xf32>
    %mul3A_109 = arith.mulf %slice3A_105, %mul3A_108 : vector<14x256xf32>
    %slice3A_110 = vector.extract_strided_slice %get3A_104 {offsets = [0, 256], sizes = [14, 256], strides = [1, 1]} : vector<14x512xf32> to vector<14x256xf32>
    %get3A_111 = arith.index_cast %add3A_96 : i32 to index
    %get3A_112 = memref.load %arg3[%get3A_111] : memref<14000xf32, #tpu.memory_space<smem>>
    %mul3A_113 = vector.broadcast %get3A_112 : f32 to vector<14x256xf32>
    %mul3A_114 = arith.mulf %slice3A_110, %mul3A_113 : vector<14x256xf32>
    %add3A_115 = arith.addf %mul3A_109, %mul3A_114 : vector<14x256xf32>
    %swap3A_116 = arith.constant 0 : index
    %swap3A_117 = arith.constant 2 : index
    %swap3A_118 = arith.constant 0 : index
    %swap3A_119 = arith.constant 0 : index
    %swap3A_120 = vector.load %arg13[%swap3A_116, %swap3A_117, %swap3A_118, %swap3A_119] : memref<8x14x14x256xf32, #tpu.memory_space<vmem>>, vector<1x1x14x256xf32>
    %swap3A_121 = vector.shape_cast %swap3A_120 : vector<1x1x14x256xf32> to vector<14x256xf32>
    %swap3A_122 = vector.shape_cast %add3A_115 : vector<14x256xf32> to vector<1x1x14x256xf32>
    tpu.vector_store %arg13[%swap3A_116, %swap3A_117, %swap3A_118, %swap3A_119], %swap3A_122 {strides = array<i32>} : memref<8x14x14x256xf32, #tpu.memory_space<vmem>>, vector<1x1x14x256xf32>,
    %mul3A_123 = arith.constant 112 : i32
    %mul3A_124 = arith.muli %arg0, %mul3A_123 : i32
    %add3A_125 = arith.constant 0 : i32
    %add3A_126 = arith.addi %mul3A_124, %add3A_125 : i32
    %add3A_127 = arith.constant 3 : i32
    %add3A_128 = arith.addi %add3A_126, %add3A_127 : i32
    %get3A_129 = arith.index_cast %add3A_128 : i32 to index
    %get3A_130 = memref.load %arg1[%get3A_129] : memref<14000xi32, #tpu.memory_space<smem>>
    %mul3A_131 = arith.constant 256 : i32
    %mul3A_132 = arith.muli %get3A_130, %mul3A_131 : i32
    %multiple_of3A_133 = tpu.assume_multiple %mul3A_132, 256 : i32
    %get3A_134 = arith.constant 0 : index
    %get3A_135 = arith.index_cast %multiple_of3A_133 : i32 to index
    %get3A_136 = vector.load %arg14[%get3A_134, %get3A_135] : memref<128x16640xf32, #tpu.memory_space<vmem>>, vector<14x512xf32>
    %slice3A_137 = vector.extract_strided_slice %get3A_136 {offsets = [0, 0], sizes = [14, 256], strides = [1, 1]} : vector<14x512xf32> to vector<14x256xf32>
    %get3A_138 = arith.index_cast %add3A_128 : i32 to index
    %get3A_139 = memref.load %arg2[%get3A_138] : memref<14000xf32, #tpu.memory_space<smem>>
    %mul3A_140 = vector.broadcast %get3A_139 : f32 to vector<14x256xf32>
    %mul3A_141 = arith.mulf %slice3A_137, %mul3A_140 : vector<14x256xf32>
    %slice3A_142 = vector.extract_strided_slice %get3A_136 {offsets = [0, 256], sizes = [14, 256], strides = [1, 1]} : vector<14x512xf32> to vector<14x256xf32>
    %get3A_143 = arith.index_cast %add3A_128 : i32 to index
    %get3A_144 = memref.load %arg3[%get3A_143] : memref<14000xf32, #tpu.memory_space<smem>>
    %mul3A_145 = vector.broadcast %get3A_144 : f32 to vector<14x256xf32>
    %mul3A_146 = arith.mulf %slice3A_142, %mul3A_145 : vector<14x256xf32>
    %add3A_147 = arith.addf %mul3A_141, %mul3A_146 : vector<14x256xf32>
    %swap3A_148 = arith.constant 0 : index
    %swap3A_149 = arith.constant 3 : index
    %swap3A_150 = arith.constant 0 : index
    %swap3A_151 = arith.constant 0 : index
    %swap3A_152 = vector.load %arg13[%swap3A_148, %swap3A_149, %swap3A_150, %swap3A_151] : memref<8x14x14x256xf32, #tpu.memory_space<vmem>>, vector<1x1x14x256xf32>
    %swap3A_153 = vector.shape_cast %swap3A_152 : vector<1x1x14x256xf32> to vector<14x256xf32>
    %swap3A_154 = vector.shape_cast %add3A_147 : vector<14x256xf32> to vector<1x1x14x256xf32>
    tpu.vector_store %arg13[%swap3A_148, %swap3A_149, %swap3A_150, %swap3A_151], %swap3A_154 {strides = array<i32>} : memref<8x14x14x256xf32, #tpu.memory_space<vmem>>, vector<1x1x14x256xf32>,
    %mul3A_155 = arith.constant 112 : i32
    %mul3A_156 = arith.muli %arg0, %mul3A_155 : i32
    %add3A_157 = arith.constant 0 : i32
    %add3A_158 = arith.addi %mul3A_156, %add3A_157 : i32
    %add3A_159 = arith.constant 4 : i32
    %add3A_160 = arith.addi %add3A_158, %add3A_159 : i32
    %get3A_161 = arith.index_cast %add3A_160 : i32 to index
    %get3A_162 = memref.load %arg1[%get3A_161] : memref<14000xi32, #tpu.memory_space<smem>>
    %mul3A_163 = arith.constant 256 : i32
    %mul3A_164 = arith.muli %get3A_162, %mul3A_163 : i32
    %multiple_of3A_165 = tpu.assume_multiple %mul3A_164, 256 : i32
    %get3A_166 = arith.constant 0 : index
    %get3A_167 = arith.index_cast %multiple_of3A_165 : i32 to index
    %get3A_168 = vector.load %arg14[%get3A_166, %get3A_167] : memref<128x16640xf32, #tpu.memory_space<vmem>>, vector<14x512xf32>
    %slice3A_169 = vector.extract_strided_slice %get3A_168 {offsets = [0, 0], sizes = [14, 256], strides = [1, 1]} : vector<14x512xf32> to vector<14x256xf32>
    %get3A_170 = arith.index_cast %add3A_160 : i32 to index
    %get3A_171 = memref.load %arg2[%get3A_170] : memref<14000xf32, #tpu.memory_space<smem>>
    %mul3A_172 = vector.broadcast %get3A_171 : f32 to vector<14x256xf32>
    %mul3A_173 = arith.mulf %slice3A_169, %mul3A_172 : vector<14x256xf32>
    %slice3A_174 = vector.extract_strided_slice %get3A_168 {offsets = [0, 256], sizes = [14, 256], strides = [1, 1]} : vector<14x512xf32> to vector<14x256xf32>
    %get3A_175 = arith.index_cast %add3A_160 : i32 to index
    %get3A_176 = memref.load %arg3[%get3A_175] : memref<14000xf32, #tpu.memory_space<smem>>
    %mul3A_177 = vector.broadcast %get3A_176 : f32 to vector<14x256xf32>
    %mul3A_178 = arith.mulf %slice3A_174, %mul3A_177 : vector<14x256xf32>
    %add3A_179 = arith.addf %mul3A_173, %mul3A_178 : vector<14x256xf32>
    %swap3A_180 = arith.constant 0 : index
    %swap3A_181 = arith.constant 4 : index
    %swap3A_182 = arith.constant 0 : index
    %swap3A_183 = arith.constant 0 : index
    %swap3A_184 = vector.load %arg13[%swap3A_180, %swap3A_181, %swap3A_182, %swap3A_183] : memref<8x14x14x256xf32, #tpu.memory_space<vmem>>, vector<1x1x14x256xf32>
    %swap3A_185 = vector.shape_cast %swap3A_184 : vector<1x1x14x256xf32> to vector<14x256xf32>
    %swap3A_186 = vector.shape_cast %add3A_179 : vector<14x256xf32> to vector<1x1x14x256xf32>
    tpu.vector_store %arg13[%swap3A_180, %swap3A_181, %swap3A_182, %swap3A_183], %swap3A_186 {strides = array<i32>} : memref<8x14x14x256xf32, #tpu.memory_space<vmem>>, vector<1x1x14x256xf32>,
    %mul3A_187 = arith.constant 112 : i32
    %mul3A_188 = arith.muli %arg0, %mul3A_187 : i32
    %add3A_189 = arith.constant 0 : i32
    %add3A_190 = arith.addi %mul3A_188, %add3A_189 : i32
    %add3A_191 = arith.constant 5 : i32
    %add3A_192 = arith.addi %add3A_190, %add3A_191 : i32
    %get3A_193 = arith.index_cast %add3A_192 : i32 to index
    %get3A_194 = memref.load %arg1[%get3A_193] : memref<14000xi32, #tpu.memory_space<smem>>
    %mul3A_195 = arith.constant 256 : i32
    %mul3A_196 = arith.muli %get3A_194, %mul3A_195 : i32
    %multiple_of3A_197 = tpu.assume_multiple %mul3A_196, 256 : i32
    %get3A_198 = arith.constant 0 : index
    %get3A_199 = arith.index_cast %multiple_of3A_197 : i32 to index
    %get3A_200 = vector.load %arg14[%get3A_198, %get3A_199] : memref<128x16640xf32, #tpu.memory_space<vmem>>, vector<14x512xf32>
    %slice3A_201 = vector.extract_strided_slice %get3A_200 {offsets = [0, 0], sizes = [14, 256], strides = [1, 1]} : vector<14x512xf32> to vector<14x256xf32>
    %get3A_202 = arith.index_cast %add3A_192 : i32 to index
    %get3A_203 = memref.load %arg2[%get3A_202] : memref<14000xf32, #tpu.memory_space<smem>>
    %mul3A_204 = vector.broadcast %get3A_203 : f32 to vector<14x256xf32>
    %mul3A_205 = arith.mulf %slice3A_201, %mul3A_204 : vector<14x256xf32>
    %slice3A_206 = vector.extract_strided_slice %get3A_200 {offsets = [0, 256], sizes = [14, 256], strides = [1, 1]} : vector<14x512xf32> to vector<14x256xf32>
    %get3A_207 = arith.index_cast %add3A_192 : i32 to index
    %get3A_208 = memref.load %arg3[%get3A_207] : memref<14000xf32, #tpu.memory_space<smem>>
    %mul3A_209 = vector.broadcast %get3A_208 : f32 to vector<14x256xf32>
    %mul3A_210 = arith.mulf %slice3A_206, %mul3A_209 : vector<14x256xf32>
    %add3A_211 = arith.addf %mul3A_205, %mul3A_210 : vector<14x256xf32>
    %swap3A_212 = arith.constant 0 : index
    %swap3A_213 = arith.constant 5 : index
    %swap3A_214 = arith.constant 0 : index
    %swap3A_215 = arith.constant 0 : index
    %swap3A_216 = vector.load %arg13[%swap3A_212, %swap3A_213, %swap3A_214, %swap3A_215] : memref<8x14x14x256xf32, #tpu.memory_space<vmem>>, vector<1x1x14x256xf32>
    %swap3A_217 = vector.shape_cast %swap3A_216 : vector<1x1x14x256xf32> to vector<14x256xf32>
    %swap3A_218 = vector.shape_cast %add3A_211 : vector<14x256xf32> to vector<1x1x14x256xf32>
    tpu.vector_store %arg13[%swap3A_212, %swap3A_213, %swap3A_214, %swap3A_215], %swap3A_218 {strides = array<i32>} : memref<8x14x14x256xf32, #tpu.memory_space<vmem>>, vector<1x1x14x256xf32>,
    %mul3A_219 = arith.constant 112 : i32
    %mul3A_220 = arith.muli %arg0, %mul3A_219 : i32
    %add3A_221 = arith.constant 0 : i32
    %add3A_222 = arith.addi %mul3A_220, %add3A_221 : i32
    %add3A_223 = arith.constant 6 : i32
    %add3A_224 = arith.addi %add3A_222, %add3A_223 : i32
    %get3A_225 = arith.index_cast %add3A_224 : i32 to index
    %get3A_226 = memref.load %arg1[%get3A_225] : memref<14000xi32, #tpu.memory_space<smem>>
    %mul3A_227 = arith.constant 256 : i32
    %mul3A_228 = arith.muli %get3A_226, %mul3A_227 : i32
    %multiple_of3A_229 = tpu.assume_multiple %mul3A_228, 256 : i32
    %get3A_230 = arith.constant 0 : index
    %get3A_231 = arith.index_cast %multiple_of3A_229 : i32 to index
    %get3A_232 = vector.load %arg14[%get3A_230, %get3A_231] : memref<128x16640xf32, #tpu.memory_space<vmem>>, vector<14x512xf32>
    %slice3A_233 = vector.extract_strided_slice %get3A_232 {offsets = [0, 0], sizes = [14, 256], strides = [1, 1]} : vector<14x512xf32> to vector<14x256xf32>
    %get3A_234 = arith.index_cast %add3A_224 : i32 to index
    %get3A_235 = memref.load %arg2[%get3A_234] : memref<14000xf32, #tpu.memory_space<smem>>
    %mul3A_236 = vector.broadcast %get3A_235 : f32 to vector<14x256xf32>
    %mul3A_237 = arith.mulf %slice3A_233, %mul3A_236 : vector<14x256xf32>
    %slice3A_238 = vector.extract_strided_slice %get3A_232 {offsets = [0, 256], sizes = [14, 256], strides = [1, 1]} : vector<14x512xf32> to vector<14x256xf32>
    %get3A_239 = arith.index_cast %add3A_224 : i32 to index
    %get3A_240 = memref.load %arg3[%get3A_239] : memref<14000xf32, #tpu.memory_space<smem>>
    %mul3A_241 = vector.broadcast %get3A_240 : f32 to vector<14x256xf32>
    %mul3A_242 = arith.mulf %slice3A_238, %mul3A_241 : vector<14x256xf32>
    %add3A_243 = arith.addf %mul3A_237, %mul3A_242 : vector<14x256xf32>
    %swap3A_244 = arith.constant 0 : index
    %swap3A_245 = arith.constant 6 : index
    %swap3A_246 = arith.constant 0 : index
    %swap3A_247 = arith.constant 0 : index
    %swap3A_248 = vector.load %arg13[%swap3A_244, %swap3A_245, %swap3A_246, %swap3A_247] : memref<8x14x14x256xf32, #tpu.memory_space<vmem>>, vector<1x1x14x256xf32>
    %swap3A_249 = vector.shape_cast %swap3A_248 : vector<1x1x14x256xf32> to vector<14x256xf32>
    %swap3A_250 = vector.shape_cast %add3A_243 : vector<14x256xf32> to vector<1x1x14x256xf32>
    tpu.vector_store %arg13[%swap3A_244, %swap3A_245, %swap3A_246, %swap3A_247], %swap3A_250 {strides = array<i32>} : memref<8x14x14x256xf32, #tpu.memory_space<vmem>>, vector<1x1x14x256xf32>,
    %mul3A_251 = arith.constant 112 : i32
    %mul3A_252 = arith.muli %arg0, %mul3A_251 : i32
    %add3A_253 = arith.constant 0 : i32
    %add3A_254 = arith.addi %mul3A_252, %add3A_253 : i32
    %add3A_255 = arith.constant 7 : i32
    %add3A_256 = arith.addi %add3A_254, %add3A_255 : i32
    %get3A_257 = arith.index_cast %add3A_256 : i32 to index
    %get3A_258 = memref.load %arg1[%get3A_257] : memref<14000xi32, #tpu.memory_space<smem>>
    %mul3A_259 = arith.constant 256 : i32
    %mul3A_260 = arith.muli %get3A_258, %mul3A_259 : i32
    %multiple_of3A_261 = tpu.assume_multiple %mul3A_260, 256 : i32
    %get3A_262 = arith.constant 0 : index
    %get3A_263 = arith.index_cast %multiple_of3A_261 : i32 to index
    %get3A_264 = vector.load %arg14[%get3A_262, %get3A_263] : memref<128x16640xf32, #tpu.memory_space<vmem>>, vector<14x512xf32>
    %slice3A_265 = vector.extract_strided_slice %get3A_264 {offsets = [0, 0], sizes = [14, 256], strides = [1, 1]} : vector<14x512xf32> to vector<14x256xf32>
    %get3A_266 = arith.index_cast %add3A_256 : i32 to index
    %get3A_267 = memref.load %arg2[%get3A_266] : memref<14000xf32, #tpu.memory_space<smem>>
    %mul3A_268 = vector.broadcast %get3A_267 : f32 to vector<14x256xf32>
    %mul3A_269 = arith.mulf %slice3A_265, %mul3A_268 : vector<14x256xf32>
    %slice3A_270 = vector.extract_strided_slice %get3A_264 {offsets = [0, 256], sizes = [14, 256], strides = [1, 1]} : vector<14x512xf32> to vector<14x256xf32>
    %get3A_271 = arith.index_cast %add3A_256 : i32 to index
    %get3A_272 = memref.load %arg3[%get3A_271] : memref<14000xf32, #tpu.memory_space<smem>>
    %mul3A_273 = vector.broadcast %get3A_272 : f32 to vector<14x256xf32>
    %mul3A_274 = arith.mulf %slice3A_270, %mul3A_273 : vector<14x256xf32>
    %add3A_275 = arith.addf %mul3A_269, %mul3A_274 : vector<14x256xf32>
    %swap3A_276 = arith.constant 0 : index
    %swap3A_277 = arith.constant 7 : index
    %swap3A_278 = arith.constant 0 : index
    %swap3A_279 = arith.constant 0 : index
    %swap3A_280 = vector.load %arg13[%swap3A_276, %swap3A_277, %swap3A_278, %swap3A_279] : memref<8x14x14x256xf32, #tpu.memory_space<vmem>>, vector<1x1x14x256xf32>
    %swap3A_281 = vector.shape_cast %swap3A_280 : vector<1x1x14x256xf32> to vector<14x256xf32>
    %swap3A_282 = vector.shape_cast %add3A_275 : vector<14x256xf32> to vector<1x1x14x256xf32>
    tpu.vector_store %arg13[%swap3A_276, %swap3A_277, %swap3A_278, %swap3A_279], %swap3A_282 {strides = array<i32>} : memref<8x14x14x256xf32, #tpu.memory_space<vmem>>, vector<1x1x14x256xf32>,
    %mul3A_283 = arith.constant 112 : i32
    %mul3A_284 = arith.muli %arg0, %mul3A_283 : i32
    %add3A_285 = arith.constant 0 : i32
    %add3A_286 = arith.addi %mul3A_284, %add3A_285 : i32
    %add3A_287 = arith.constant 8 : i32
    %add3A_288 = arith.addi %add3A_286, %add3A_287 : i32
    %get3A_289 = arith.index_cast %add3A_288 : i32 to index
    %get3A_290 = memref.load %arg1[%get3A_289] : memref<14000xi32, #tpu.memory_space<smem>>
    %mul3A_291 = arith.constant 256 : i32
    %mul3A_292 = arith.muli %get3A_290, %mul3A_291 : i32
    %multiple_of3A_293 = tpu.assume_multiple %mul3A_292, 256 : i32
    %get3A_294 = arith.constant 0 : index
    %get3A_295 = arith.index_cast %multiple_of3A_293 : i32 to index
    %get3A_296 = vector.load %arg14[%get3A_294, %get3A_295] : memref<128x16640xf32, #tpu.memory_space<vmem>>, vector<14x512xf32>
    %slice3A_297 = vector.extract_strided_slice %get3A_296 {offsets = [0, 0], sizes = [14, 256], strides = [1, 1]} : vector<14x512xf32> to vector<14x256xf32>
    %get3A_298 = arith.index_cast %add3A_288 : i32 to index
    %get3A_299 = memref.load %arg2[%get3A_298] : memref<14000xf32, #tpu.memory_space<smem>>
    %mul3A_300 = vector.broadcast %get3A_299 : f32 to vector<14x256xf32>
    %mul3A_301 = arith.mulf %slice3A_297, %mul3A_300 : vector<14x256xf32>
    %slice3A_302 = vector.extract_strided_slice %get3A_296 {offsets = [0, 256], sizes = [14, 256], strides = [1, 1]} : vector<14x512xf32> to vector<14x256xf32>
    %get3A_303 = arith.index_cast %add3A_288 : i32 to index
    %get3A_304 = memref.load %arg3[%get3A_303] : memref<14000xf32, #tpu.memory_space<smem>>
    %mul3A_305 = vector.broadcast %get3A_304 : f32 to vector<14x256xf32>
    %mul3A_306 = arith.mulf %slice3A_302, %mul3A_305 : vector<14x256xf32>
    %add3A_307 = arith.addf %mul3A_301, %mul3A_306 : vector<14x256xf32>
    %swap3A_308 = arith.constant 0 : index
    %swap3A_309 = arith.constant 8 : index
    %swap3A_310 = arith.constant 0 : index
    %swap3A_311 = arith.constant 0 : index
    %swap3A_312 = vector.load %arg13[%swap3A_308, %swap3A_309, %swap3A_310, %swap3A_311] : memref<8x14x14x256xf32, #tpu.memory_space<vmem>>, vector<1x1x14x256xf32>
    %swap3A_313 = vector.shape_cast %swap3A_312 : vector<1x1x14x256xf32> to vector<14x256xf32>
    %swap3A_314 = vector.shape_cast %add3A_307 : vector<14x256xf32> to vector<1x1x14x256xf32>
    tpu.vector_store %arg13[%swap3A_308, %swap3A_309, %swap3A_310, %swap3A_311], %swap3A_314 {strides = array<i32>} : memref<8x14x14x256xf32, #tpu.memory_space<vmem>>, vector<1x1x14x256xf32>,
    %mul3A_315 = arith.constant 112 : i32
    %mul3A_316 = arith.muli %arg0, %mul3A_315 : i32
    %add3A_317 = arith.constant 0 : i32
    %add3A_318 = arith.addi %mul3A_316, %add3A_317 : i32
    %add3A_319 = arith.constant 9 : i32
    %add3A_320 = arith.addi %add3A_318, %add3A_319 : i32
    %get3A_321 = arith.index_cast %add3A_320 : i32 to index
    %get3A_322 = memref.load %arg1[%get3A_321] : memref<14000xi32, #tpu.memory_space<smem>>
    %mul3A_323 = arith.constant 256 : i32
    %mul3A_324 = arith.muli %get3A_322, %mul3A_323 : i32
    %multiple_of3A_325 = tpu.assume_multiple %mul3A_324, 256 : i32
    %get3A_326 = arith.constant 0 : index
    %get3A_327 = arith.index_cast %multiple_of3A_325 : i32 to index
    %get3A_328 = vector.load %arg14[%get3A_326, %get3A_327] : memref<128x16640xf32, #tpu.memory_space<vmem>>, vector<14x512xf32>
    %slice3A_329 = vector.extract_strided_slice %get3A_328 {offsets = [0, 0], sizes = [14, 256], strides = [1, 1]} : vector<14x512xf32> to vector<14x256xf32>
    %get3A_330 = arith.index_cast %add3A_320 : i32 to index
    %get3A_331 = memref.load %arg2[%get3A_330] : memref<14000xf32, #tpu.memory_space<smem>>
    %mul3A_332 = vector.broadcast %get3A_331 : f32 to vector<14x256xf32>
    %mul3A_333 = arith.mulf %slice3A_329, %mul3A_332 : vector<14x256xf32>
    %slice3A_334 = vector.extract_strided_slice %get3A_328 {offsets = [0, 256], sizes = [14, 256], strides = [1, 1]} : vector<14x512xf32> to vector<14x256xf32>
    %get3A_335 = arith.index_cast %add3A_320 : i32 to index
    %get3A_336 = memref.load %arg3[%get3A_335] : memref<14000xf32, #tpu.memory_space<smem>>
    %mul3A_337 = vector.broadcast %get3A_336 : f32 to vector<14x256xf32>
    %mul3A_338 = arith.mulf %slice3A_334, %mul3A_337 : vector<14x256xf32>
    %add3A_339 = arith.addf %mul3A_333, %mul3A_338 : vector<14x256xf32>
    %swap3A_340 = arith.constant 0 : index
    %swap3A_341 = arith.constant 9 : index
    %swap3A_342 = arith.constant 0 : index
    %swap3A_343 = arith.constant 0 : index
    %swap3A_344 = vector.load %arg13[%swap3A_340, %swap3A_341, %swap3A_342, %swap3A_343] : memref<8x14x14x256xf32, #tpu.memory_space<vmem>>, vector<1x1x14x256xf32>
    %swap3A_345 = vector.shape_cast %swap3A_344 : vector<1x1x14x256xf32> to vector<14x256xf32>
    %swap3A_346 = vector.shape_cast %add3A_339 : vector<14x256xf32> to vector<1x1x14x256xf32>
    tpu.vector_store %arg13[%swap3A_340, %swap3A_341, %swap3A_342, %swap3A_343], %swap3A_346 {strides = array<i32>} : memref<8x14x14x256xf32, #tpu.memory_space<vmem>>, vector<1x1x14x256xf32>,
    %mul3A_347 = arith.constant 112 : i32
    %mul3A_348 = arith.muli %arg0, %mul3A_347 : i32
    %add3A_349 = arith.constant 0 : i32
    %add3A_350 = arith.addi %mul3A_348, %add3A_349 : i32
    %add3A_351 = arith.constant 10 : i32
    %add3A_352 = arith.addi %add3A_350, %add3A_351 : i32
    %get3A_353 = arith.index_cast %add3A_352 : i32 to index
    %get3A_354 = memref.load %arg1[%get3A_353] : memref<14000xi32, #tpu.memory_space<smem>>
    %mul3A_355 = arith.constant 256 : i32
    %mul3A_356 = arith.muli %get3A_354, %mul3A_355 : i32
    %multiple_of3A_357 = tpu.assume_multiple %mul3A_356, 256 : i32
    %get3A_358 = arith.constant 0 : index
    %get3A_359 = arith.index_cast %multiple_of3A_357 : i32 to index
    %get3A_360 = vector.load %arg14[%get3A_358, %get3A_359] : memref<128x16640xf32, #tpu.memory_space<vmem>>, vector<14x512xf32>
    %slice3A_361 = vector.extract_strided_slice %get3A_360 {offsets = [0, 0], sizes = [14, 256], strides = [1, 1]} : vector<14x512xf32> to vector<14x256xf32>
    %get3A_362 = arith.index_cast %add3A_352 : i32 to index
    %get3A_363 = memref.load %arg2[%get3A_362] : memref<14000xf32, #tpu.memory_space<smem>>
    %mul3A_364 = vector.broadcast %get3A_363 : f32 to vector<14x256xf32>
    %mul3A_365 = arith.mulf %slice3A_361, %mul3A_364 : vector<14x256xf32>
    %slice3A_366 = vector.extract_strided_slice %get3A_360 {offsets = [0, 256], sizes = [14, 256], strides = [1, 1]} : vector<14x512xf32> to vector<14x256xf32>
    %get3A_367 = arith.index_cast %add3A_352 : i32 to index
    %get3A_368 = memref.load %arg3[%get3A_367] : memref<14000xf32, #tpu.memory_space<smem>>
    %mul3A_369 = vector.broadcast %get3A_368 : f32 to vector<14x256xf32>
    %mul3A_370 = arith.mulf %slice3A_366, %mul3A_369 : vector<14x256xf32>
    %add3A_371 = arith.addf %mul3A_365, %mul3A_370 : vector<14x256xf32>
    %swap3A_372 = arith.constant 0 : index
    %swap3A_373 = arith.constant 10 : index
    %swap3A_374 = arith.constant 0 : index
    %swap3A_375 = arith.constant 0 : index
    %swap3A_376 = vector.load %arg13[%swap3A_372, %swap3A_373, %swap3A_374, %swap3A_375] : memref<8x14x14x256xf32, #tpu.memory_space<vmem>>, vector<1x1x14x256xf32>
    %swap3A_377 = vector.shape_cast %swap3A_376 : vector<1x1x14x256xf32> to vector<14x256xf32>
    %swap3A_378 = vector.shape_cast %add3A_371 : vector<14x256xf32> to vector<1x1x14x256xf32>
    tpu.vector_store %arg13[%swap3A_372, %swap3A_373, %swap3A_374, %swap3A_375], %swap3A_378 {strides = array<i32>} : memref<8x14x14x256xf32, #tpu.memory_space<vmem>>, vector<1x1x14x256xf32>,
    %mul3A_379 = arith.constant 112 : i32
    %mul3A_380 = arith.muli %arg0, %mul3A_379 : i32
    %add3A_381 = arith.constant 0 : i32
    %add3A_382 = arith.addi %mul3A_380, %add3A_381 : i32
    %add3A_383 = arith.constant 11 : i32
    %add3A_384 = arith.addi %add3A_382, %add3A_383 : i32
    %get3A_385 = arith.index_cast %add3A_384 : i32 to index
    %get3A_386 = memref.load %arg1[%get3A_385] : memref<14000xi32, #tpu.memory_space<smem>>
    %mul3A_387 = arith.constant 256 : i32
    %mul3A_388 = arith.muli %get3A_386, %mul3A_387 : i32
    %multiple_of3A_389 = tpu.assume_multiple %mul3A_388, 256 : i32
    %get3A_390 = arith.constant 0 : index
    %get3A_391 = arith.index_cast %multiple_of3A_389 : i32 to index
    %get3A_392 = vector.load %arg14[%get3A_390, %get3A_391] : memref<128x16640xf32, #tpu.memory_space<vmem>>, vector<14x512xf32>
    %slice3A_393 = vector.extract_strided_slice %get3A_392 {offsets = [0, 0], sizes = [14, 256], strides = [1, 1]} : vector<14x512xf32> to vector<14x256xf32>
    %get3A_394 = arith.index_cast %add3A_384 : i32 to index
    %get3A_395 = memref.load %arg2[%get3A_394] : memref<14000xf32, #tpu.memory_space<smem>>
    %mul3A_396 = vector.broadcast %get3A_395 : f32 to vector<14x256xf32>
    %mul3A_397 = arith.mulf %slice3A_393, %mul3A_396 : vector<14x256xf32>
    %slice3A_398 = vector.extract_strided_slice %get3A_392 {offsets = [0, 256], sizes = [14, 256], strides = [1, 1]} : vector<14x512xf32> to vector<14x256xf32>
    %get3A_399 = arith.index_cast %add3A_384 : i32 to index
    %get3A_400 = memref.load %arg3[%get3A_399] : memref<14000xf32, #tpu.memory_space<smem>>
    %mul3A_401 = vector.broadcast %get3A_400 : f32 to vector<14x256xf32>
    %mul3A_402 = arith.mulf %slice3A_398, %mul3A_401 : vector<14x256xf32>
    %add3A_403 = arith.addf %mul3A_397, %mul3A_402 : vector<14x256xf32>
    %swap3A_404 = arith.constant 0 : index
    %swap3A_405 = arith.constant 11 : index
    %swap3A_406 = arith.constant 0 : index
    %swap3A_407 = arith.constant 0 : index
    %swap3A_408 = vector.load %arg13[%swap3A_404, %swap3A_405, %swap3A_406, %swap3A_407] : memref<8x14x14x256xf32, #tpu.memory_space<vmem>>, vector<1x1x14x256xf32>
    %swap3A_409 = vector.shape_cast %swap3A_408 : vector<1x1x14x256xf32> to vector<14x256xf32>
    %swap3A_410 = vector.shape_cast %add3A_403 : vector<14x256xf32> to vector<1x1x14x256xf32>
    tpu.vector_store %arg13[%swap3A_404, %swap3A_405, %swap3A_406, %swap3A_407], %swap3A_410 {strides = array<i32>} : memref<8x14x14x256xf32, #tpu.memory_space<vmem>>, vector<1x1x14x256xf32>,
    %mul3A_411 = arith.constant 112 : i32
    %mul3A_412 = arith.muli %arg0, %mul3A_411 : i32
    %add3A_413 = arith.constant 0 : i32
    %add3A_414 = arith.addi %mul3A_412, %add3A_413 : i32
    %add3A_415 = arith.constant 12 : i32
    %add3A_416 = arith.addi %add3A_414, %add3A_415 : i32
    %get3A_417 = arith.index_cast %add3A_416 : i32 to index
    %get3A_418 = memref.load %arg1[%get3A_417] : memref<14000xi32, #tpu.memory_space<smem>>
    %mul3A_419 = arith.constant 256 : i32
    %mul3A_420 = arith.muli %get3A_418, %mul3A_419 : i32
    %multiple_of3A_421 = tpu.assume_multiple %mul3A_420, 256 : i32
    %get3A_422 = arith.constant 0 : index
    %get3A_423 = arith.index_cast %multiple_of3A_421 : i32 to index
    %get3A_424 = vector.load %arg14[%get3A_422, %get3A_423] : memref<128x16640xf32, #tpu.memory_space<vmem>>, vector<14x512xf32>
    %slice3A_425 = vector.extract_strided_slice %get3A_424 {offsets = [0, 0], sizes = [14, 256], strides = [1, 1]} : vector<14x512xf32> to vector<14x256xf32>
    %get3A_426 = arith.index_cast %add3A_416 : i32 to index
    %get3A_427 = memref.load %arg2[%get3A_426] : memref<14000xf32, #tpu.memory_space<smem>>
    %mul3A_428 = vector.broadcast %get3A_427 : f32 to vector<14x256xf32>
    %mul3A_429 = arith.mulf %slice3A_425, %mul3A_428 : vector<14x256xf32>
    %slice3A_430 = vector.extract_strided_slice %get3A_424 {offsets = [0, 256], sizes = [14, 256], strides = [1, 1]} : vector<14x512xf32> to vector<14x256xf32>
    %get3A_431 = arith.index_cast %add3A_416 : i32 to index
    %get3A_432 = memref.load %arg3[%get3A_431] : memref<14000xf32, #tpu.memory_space<smem>>
    %mul3A_433 = vector.broadcast %get3A_432 : f32 to vector<14x256xf32>
    %mul3A_434 = arith.mulf %slice3A_430, %mul3A_433 : vector<14x256xf32>
    %add3A_435 = arith.addf %mul3A_429, %mul3A_434 : vector<14x256xf32>
    %swap3A_436 = arith.constant 0 : index
    %swap3A_437 = arith.constant 12 : index
    %swap3A_438 = arith.constant 0 : index
    %swap3A_439 = arith.constant 0 : index
    %swap3A_440 = vector.load %arg13[%swap3A_436, %swap3A_437, %swap3A_438, %swap3A_439] : memref<8x14x14x256xf32, #tpu.memory_space<vmem>>, vector<1x1x14x256xf32>
    %swap3A_441 = vector.shape_cast %swap3A_440 : vector<1x1x14x256xf32> to vector<14x256xf32>
    %swap3A_442 = vector.shape_cast %add3A_435 : vector<14x256xf32> to vector<1x1x14x256xf32>
    tpu.vector_store %arg13[%swap3A_436, %swap3A_437, %swap3A_438, %swap3A_439], %swap3A_442 {strides = array<i32>} : memref<8x14x14x256xf32, #tpu.memory_space<vmem>>, vector<1x1x14x256xf32>,
    %mul3A_443 = arith.constant 112 : i32
    %mul3A_444 = arith.muli %arg0, %mul3A_443 : i32
    %add3A_445 = arith.constant 0 : i32
    %add3A_446 = arith.addi %mul3A_444, %add3A_445 : i32
    %add3A_447 = arith.constant 13 : i32
    %add3A_448 = arith.addi %add3A_446, %add3A_447 : i32
    %get3A_449 = arith.index_cast %add3A_448 : i32 to index
    %get3A_450 = memref.load %arg1[%get3A_449] : memref<14000xi32, #tpu.memory_space<smem>>
    %mul3A_451 = arith.constant 256 : i32
    %mul3A_452 = arith.muli %get3A_450, %mul3A_451 : i32
    %multiple_of3A_453 = tpu.assume_multiple %mul3A_452, 256 : i32
    %get3A_454 = arith.constant 0 : index
    %get3A_455 = arith.index_cast %multiple_of3A_453 : i32 to index
    %get3A_456 = vector.load %arg14[%get3A_454, %get3A_455] : memref<128x16640xf32, #tpu.memory_space<vmem>>, vector<14x512xf32>
    %slice3A_457 = vector.extract_strided_slice %get3A_456 {offsets = [0, 0], sizes = [14, 256], strides = [1, 1]} : vector<14x512xf32> to vector<14x256xf32>
    %get3A_458 = arith.index_cast %add3A_448 : i32 to index
    %get3A_459 = memref.load %arg2[%get3A_458] : memref<14000xf32, #tpu.memory_space<smem>>
    %mul3A_460 = vector.broadcast %get3A_459 : f32 to vector<14x256xf32>
    %mul3A_461 = arith.mulf %slice3A_457, %mul3A_460 : vector<14x256xf32>
    %slice3A_462 = vector.extract_strided_slice %get3A_456 {offsets = [0, 256], sizes = [14, 256], strides = [1, 1]} : vector<14x512xf32> to vector<14x256xf32>
    %get3A_463 = arith.index_cast %add3A_448 : i32 to index
    %get3A_464 = memref.load %arg3[%get3A_463] : memref<14000xf32, #tpu.memory_space<smem>>
    %mul3A_465 = vector.broadcast %get3A_464 : f32 to vector<14x256xf32>
    %mul3A_466 = arith.mulf %slice3A_462, %mul3A_465 : vector<14x256xf32>
    %add3A_467 = arith.addf %mul3A_461, %mul3A_466 : vector<14x256xf32>
    %swap3A_468 = arith.constant 0 : index
    %swap3A_469 = arith.constant 13 : index
    %swap3A_470 = arith.constant 0 : index
    %swap3A_471 = arith.constant 0 : index
    %swap3A_472 = vector.load %arg13[%swap3A_468, %swap3A_469, %swap3A_470, %swap3A_471] : memref<8x14x14x256xf32, #tpu.memory_space<vmem>>, vector<1x1x14x256xf32>
    %swap3A_473 = vector.shape_cast %swap3A_472 : vector<1x1x14x256xf32> to vector<14x256xf32>
    %swap3A_474 = vector.shape_cast %add3A_467 : vector<14x256xf32> to vector<1x1x14x256xf32>
    tpu.vector_store %arg13[%swap3A_468, %swap3A_469, %swap3A_470, %swap3A_471], %swap3A_474 {strides = array<i32>} : memref<8x14x14x256xf32, #tpu.memory_space<vmem>>, vector<1x1x14x256xf32>,
    %mul3A_475 = arith.constant 112 : i32
    %mul3A_476 = arith.muli %arg0, %mul3A_475 : i32
    %add3A_477 = arith.constant 14 : i32
    %add3A_478 = arith.addi %mul3A_476, %add3A_477 : i32
    %add3A_479 = arith.constant 0 : i32
    %add3A_480 = arith.addi %add3A_478, %add3A_479 : i32
    %get3A_481 = arith.index_cast %add3A_480 : i32 to index
    %get3A_482 = memref.load %arg1[%get3A_481] : memref<14000xi32, #tpu.memory_space<smem>>
    %mul3A_483 = arith.constant 256 : i32
    %mul3A_484 = arith.muli %get3A_482, %mul3A_483 : i32
    %multiple_of3A_485 = tpu.assume_multiple %mul3A_484, 256 : i32
    %get3A_486 = arith.constant 16 : index
    %get3A_487 = arith.index_cast %multiple_of3A_485 : i32 to index
    %get3A_488 = vector.load %arg14[%get3A_486, %get3A_487] : memref<128x16640xf32, #tpu.memory_space<vmem>>, vector<14x512xf32>
    %slice3A_489 = vector.extract_strided_slice %get3A_488 {offsets = [0, 0], sizes = [14, 256], strides = [1, 1]} : vector<14x512xf32> to vector<14x256xf32>
    %get3A_490 = arith.index_cast %add3A_480 : i32 to index
    %get3A_491 = memref.load %arg2[%get3A_490] : memref<14000xf32, #tpu.memory_space<smem>>
    %mul3A_492 = vector.broadcast %get3A_491 : f32 to vector<14x256xf32>
    %mul3A_493 = arith.mulf %slice3A_489, %mul3A_492 : vector<14x256xf32>
    %slice3A_494 = vector.extract_strided_slice %get3A_488 {offsets = [0, 256], sizes = [14, 256], strides = [1, 1]} : vector<14x512xf32> to vector<14x256xf32>
    %get3A_495 = arith.index_cast %add3A_480 : i32 to index
    %get3A_496 = memref.load %arg3[%get3A_495] : memref<14000xf32, #tpu.memory_space<smem>>
    %mul3A_497 = vector.broadcast %get3A_496 : f32 to vector<14x256xf32>
    %mul3A_498 = arith.mulf %slice3A_494, %mul3A_497 : vector<14x256xf32>
    %add3A_499 = arith.addf %mul3A_493, %mul3A_498 : vector<14x256xf32>
    %swap3A_500 = arith.constant 1 : index
    %swap3A_501 = arith.constant 0 : index
    %swap3A_502 = arith.constant 0 : index
    %swap3A_503 = arith.constant 0 : index
    %swap3A_504 = vector.load %arg13[%swap3A_500, %swap3A_501, %swap3A_502, %swap3A_503] : memref<8x14x14x256xf32, #tpu.memory_space<vmem>>, vector<1x1x14x256xf32>
    %swap3A_505 = vector.shape_cast %swap3A_504 : vector<1x1x14x256xf32> to vector<14x256xf32>
    %swap3A_506 = vector.shape_cast %add3A_499 : vector<14x256xf32> to vector<1x1x14x256xf32>
    tpu.vector_store %arg13[%swap3A_500, %swap3A_501, %swap3A_502, %swap3A_503], %swap3A_506 {strides = array<i32>} : memref<8x14x14x256xf32, #tpu.memory_space<vmem>>, vector<1x1x14x256xf32>,
    %mul3A_507 = arith.constant 112 : i32
    %mul3A_508 = arith.muli %arg0, %mul3A_507 : i32
    %add3A_509 = arith.constant 14 : i32
    %add3A_510 = arith.addi %mul3A_508, %add3A_509 : i32
    %add3A_511 = arith.constant 1 : i32
    %add3A_512 = arith.addi %add3A_510, %add3A_511 : i32
    %get3A_513 = arith.index_cast %add3A_512 : i32 to index
    %get3A_514 = memref.load %arg1[%get3A_513] : memref<14000xi32, #tpu.memory_space<smem>>
    %mul3A_515 = arith.constant 256 : i32
    %mul3A_516 = arith.muli %get3A_514, %mul3A_515 : i32
    %multiple_of3A_517 = tpu.assume_multiple %mul3A_516, 256 : i32
    %get3A_518 = arith.constant 16 : index
    %get3A_519 = arith.index_cast %multiple_of3A_517 : i32 to index
    %get3A_520 = vector.load %arg14[%get3A_518, %get3A_519] : memref<128x16640xf32, #tpu.memory_space<vmem>>, vector<14x512xf32>
    %slice3A_521 = vector.extract_strided_slice %get3A_520 {offsets = [0, 0], sizes = [14, 256], strides = [1, 1]} : vector<14x512xf32> to vector<14x256xf32>
    %get3A_522 = arith.index_cast %add3A_512 : i32 to index
    %get3A_523 = memref.load %arg2[%get3A_522] : memref<14000xf32, #tpu.memory_space<smem>>
    %mul3A_524 = vector.broadcast %get3A_523 : f32 to vector<14x256xf32>
    %mul3A_525 = arith.mulf %slice3A_521, %mul3A_524 : vector<14x256xf32>
    %slice3A_526 = vector.extract_strided_slice %get3A_520 {offsets = [0, 256], sizes = [14, 256], strides = [1, 1]} : vector<14x512xf32> to vector<14x256xf32>
    %get3A_527 = arith.index_cast %add3A_512 : i32 to index
    %get3A_528 = memref.load %arg3[%get3A_527] : memref<14000xf32, #tpu.memory_space<smem>>
    %mul3A_529 = vector.broadcast %get3A_528 : f32 to vector<14x256xf32>
    %mul3A_530 = arith.mulf %slice3A_526, %mul3A_529 : vector<14x256xf32>
    %add3A_531 = arith.addf %mul3A_525, %mul3A_530 : vector<14x256xf32>
    %swap3A_532 = arith.constant 1 : index
    %swap3A_533 = arith.constant 1 : index
    %swap3A_534 = arith.constant 0 : index
    %swap3A_535 = arith.constant 0 : index
    %swap3A_536 = vector.load %arg13[%swap3A_532, %swap3A_533, %swap3A_534, %swap3A_535] : memref<8x14x14x256xf32, #tpu.memory_space<vmem>>, vector<1x1x14x256xf32>
    %swap3A_537 = vector.shape_cast %swap3A_536 : vector<1x1x14x256xf32> to vector<14x256xf32>
    %swap3A_538 = vector.shape_cast %add3A_531 : vector<14x256xf32> to vector<1x1x14x256xf32>
    tpu.vector_store %arg13[%swap3A_532, %swap3A_533, %swap3A_534, %swap3A_535], %swap3A_538 {strides = array<i32>} : memref<8x14x14x256xf32, #tpu.memory_space<vmem>>, vector<1x1x14x256xf32>,
    %mul3A_539 = arith.constant 112 : i32
    %mul3A_540 = arith.muli %arg0, %mul3A_539 : i32
    %add3A_541 = arith.constant 14 : i32
    %add3A_542 = arith.addi %mul3A_540, %add3A_541 : i32
    %add3A_543 = arith.constant 2 : i32
    %add3A_544 = arith.addi %add3A_542, %add3A_543 : i32
    %get3A_545 = arith.index_cast %add3A_544 : i32 to index
    %get3A_546 = memref.load %arg1[%get3A_545] : memref<14000xi32, #tpu.memory_space<smem>>
    %mul3A_547 = arith.constant 256 : i32
    %mul3A_548 = arith.muli %get3A_546, %mul3A_547 : i32
    %multiple_of3A_549 = tpu.assume_multiple %mul3A_548, 256 : i32
    %get3A_550 = arith.constant 16 : index
    %get3A_551 = arith.index_cast %multiple_of3A_549 : i32 to index
    %get3A_552 = vector.load %arg14[%get3A_550, %get3A_551] : memref<128x16640xf32, #tpu.memory_space<vmem>>, vector<14x512xf32>
    %slice3A_553 = vector.extract_strided_slice %get3A_552 {offsets = [0, 0], sizes = [14, 256], strides = [1, 1]} : vector<14x512xf32> to vector<14x256xf32>
    %get3A_554 = arith.index_cast %add3A_544 : i32 to index
    %get3A_555 = memref.load %arg2[%get3A_554] : memref<14000xf32, #tpu.memory_space<smem>>
    %mul3A_556 = vector.broadcast %get3A_555 : f32 to vector<14x256xf32>
    %mul3A_557 = arith.mulf %slice3A_553, %mul3A_556 : vector<14x256xf32>
    %slice3A_558 = vector.extract_strided_slice %get3A_552 {offsets = [0, 256], sizes = [14, 256], strides = [1, 1]} : vector<14x512xf32> to vector<14x256xf32>
    %get3A_559 = arith.index_cast %add3A_544 : i32 to index
    %get3A_560 = memref.load %arg3[%get3A_559] : memref<14000xf32, #tpu.memory_space<smem>>
    %mul3A_561 = vector.broadcast %get3A_560 : f32 to vector<14x256xf32>
    %mul3A_562 = arith.mulf %slice3A_558, %mul3A_561 : vector<14x256xf32>
    %add3A_563 = arith.addf %mul3A_557, %mul3A_562 : vector<14x256xf32>
    %swap3A_564 = arith.constant 1 : index
    %swap3A_565 = arith.constant 2 : index
    %swap3A_566 = arith.constant 0 : index
    %swap3A_567 = arith.constant 0 : index
    %swap3A_568 = vector.load %arg13[%swap3A_564, %swap3A_565, %swap3A_566, %swap3A_567] : memref<8x14x14x256xf32, #tpu.memory_space<vmem>>, vector<1x1x14x256xf32>
    %swap3A_569 = vector.shape_cast %swap3A_568 : vector<1x1x14x256xf32> to vector<14x256xf32>
    %swap3A_570 = vector.shape_cast %add3A_563 : vector<14x256xf32> to vector<1x1x14x256xf32>
    tpu.vector_store %arg13[%swap3A_564, %swap3A_565, %swap3A_566, %swap3A_567], %swap3A_570 {strides = array<i32>} : memref<8x14x14x256xf32, #tpu.memory_space<vmem>>, vector<1x1x14x256xf32>,
    %mul3A_571 = arith.constant 112 : i32
    %mul3A_572 = arith.muli %arg0, %mul3A_571 : i32
    %add3A_573 = arith.constant 14 : i32
    %add3A_574 = arith.addi %mul3A_572, %add3A_573 : i32
    %add3A_575 = arith.constant 3 : i32
    %add3A_576 = arith.addi %add3A_574, %add3A_575 : i32
    %get3A_577 = arith.index_cast %add3A_576 : i32 to index
    %get3A_578 = memref.load %arg1[%get3A_577] : memref<14000xi32, #tpu.memory_space<smem>>
    %mul3A_579 = arith.constant 256 : i32
    %mul3A_580 = arith.muli %get3A_578, %mul3A_579 : i32
    %multiple_of3A_581 = tpu.assume_multiple %mul3A_580, 256 : i32
    %get3A_582 = arith.constant 16 : index
    %get3A_583 = arith.index_cast %multiple_of3A_581 : i32 to index
    %get3A_584 = vector.load %arg14[%get3A_582, %get3A_583] : memref<128x16640xf32, #tpu.memory_space<vmem>>, vector<14x512xf32>
    %slice3A_585 = vector.extract_strided_slice %get3A_584 {offsets = [0, 0], sizes = [14, 256], strides = [1, 1]} : vector<14x512xf32> to vector<14x256xf32>
    %get3A_586 = arith.index_cast %add3A_576 : i32 to index
    %get3A_587 = memref.load %arg2[%get3A_586] : memref<14000xf32, #tpu.memory_space<smem>>
    %mul3A_588 = vector.broadcast %get3A_587 : f32 to vector<14x256xf32>
    %mul3A_589 = arith.mulf %slice3A_585, %mul3A_588 : vector<14x256xf32>
    %slice3A_590 = vector.extract_strided_slice %get3A_584 {offsets = [0, 256], sizes = [14, 256], strides = [1, 1]} : vector<14x512xf32> to vector<14x256xf32>
    %get3A_591 = arith.index_cast %add3A_576 : i32 to index
    %get3A_592 = memref.load %arg3[%get3A_591] : memref<14000xf32, #tpu.memory_space<smem>>
    %mul3A_593 = vector.broadcast %get3A_592 : f32 to vector<14x256xf32>
    %mul3A_594 = arith.mulf %slice3A_590, %mul3A_593 : vector<14x256xf32>
    %add3A_595 = arith.addf %mul3A_589, %mul3A_594 : vector<14x256xf32>
    %swap3A_596 = arith.constant 1 : index
    %swap3A_597 = arith.constant 3 : index
    %swap3A_598 = arith.constant 0 : index
    %swap3A_599 = arith.constant 0 : index
    %swap3A_600 = vector.load %arg13[%swap3A_596, %swap3A_597, %swap3A_598, %swap3A_599] : memref<8x14x14x256xf32, #tpu.memory_space<vmem>>, vector<1x1x14x256xf32>
    %swap3A_601 = vector.shape_cast %swap3A_600 : vector<1x1x14x256xf32> to vector<14x256xf32>
    %swap3A_602 = vector.shape_cast %add3A_595 : vector<14x256xf32> to vector<1x1x14x256xf32>
    tpu.vector_store %arg13[%swap3A_596, %swap3A_597, %swap3A_598, %swap3A_599], %swap3A_602 {strides = array<i32>} : memref<8x14x14x256xf32, #tpu.memory_space<vmem>>, vector<1x1x14x256xf32>,
    %mul3A_603 = arith.constant 112 : i32
    %mul3A_604 = arith.muli %arg0, %mul3A_603 : i32
    %add3A_605 = arith.constant 14 : i32
    %add3A_606 = arith.addi %mul3A_604, %add3A_605 : i32
    %add3A_607 = arith.constant 4 : i32
    %add3A_608 = arith.addi %add3A_606, %add3A_607 : i32
    %get3A_609 = arith.index_cast %add3A_608 : i32 to index
    %get3A_610 = memref.load %arg1[%get3A_609] : memref<14000xi32, #tpu.memory_space<smem>>
    %mul3A_611 = arith.constant 256 : i32
    %mul3A_612 = arith.muli %get3A_610, %mul3A_611 : i32
    %multiple_of3A_613 = tpu.assume_multiple %mul3A_612, 256 : i32
    %get3A_614 = arith.constant 16 : index
    %get3A_615 = arith.index_cast %multiple_of3A_613 : i32 to index
    %get3A_616 = vector.load %arg14[%get3A_614, %get3A_615] : memref<128x16640xf32, #tpu.memory_space<vmem>>, vector<14x512xf32>
    %slice3A_617 = vector.extract_strided_slice %get3A_616 {offsets = [0, 0], sizes = [14, 256], strides = [1, 1]} : vector<14x512xf32> to vector<14x256xf32>
    %get3A_618 = arith.index_cast %add3A_608 : i32 to index
    %get3A_619 = memref.load %arg2[%get3A_618] : memref<14000xf32, #tpu.memory_space<smem>>
    %mul3A_620 = vector.broadcast %get3A_619 : f32 to vector<14x256xf32>
    %mul3A_621 = arith.mulf %slice3A_617, %mul3A_620 : vector<14x256xf32>
    %slice3A_622 = vector.extract_strided_slice %get3A_616 {offsets = [0, 256], sizes = [14, 256], strides = [1, 1]} : vector<14x512xf32> to vector<14x256xf32>
    %get3A_623 = arith.index_cast %add3A_608 : i32 to index
    %get3A_624 = memref.load %arg3[%get3A_623] : memref<14000xf32, #tpu.memory_space<smem>>
    %mul3A_625 = vector.broadcast %get3A_624 : f32 to vector<14x256xf32>
    %mul3A_626 = arith.mulf %slice3A_622, %mul3A_625 : vector<14x256xf32>
    %add3A_627 = arith.addf %mul3A_621, %mul3A_626 : vector<14x256xf32>
    %swap3A_628 = arith.constant 1 : index
    %swap3A_629 = arith.constant 4 : index
    %swap3A_630 = arith.constant 0 : index
    %swap3A_631 = arith.constant 0 : index
    %swap3A_632 = vector.load %arg13[%swap3A_628, %swap3A_629, %swap3A_630, %swap3A_631] : memref<8x14x14x256xf32, #tpu.memory_space<vmem>>, vector<1x1x14x256xf32>
    %swap3A_633 = vector.shape_cast %swap3A_632 : vector<1x1x14x256xf32> to vector<14x256xf32>
    %swap3A_634 = vector.shape_cast %add3A_627 : vector<14x256xf32> to vector<1x1x14x256xf32>
    tpu.vector_store %arg13[%swap3A_628, %swap3A_629, %swap3A_630, %swap3A_631], %swap3A_634 {strides = array<i32>} : memref<8x14x14x256xf32, #tpu.memory_space<vmem>>, vector<1x1x14x256xf32>,
    %mul3A_635 = arith.constant 112 : i32
    %mul3A_636 = arith.muli %arg0, %mul3A_635 : i32
    %add3A_637 = arith.constant 14 : i32
    %add3A_638 = arith.addi %mul3A_636, %add3A_637 : i32
    %add3A_639 = arith.constant 5 : i32
    %add3A_640 = arith.addi %add3A_638, %add3A_639 : i32
    %get3A_641 = arith.index_cast %add3A_640 : i32 to index
    %get3A_642 = memref.load %arg1[%get3A_641] : memref<14000xi32, #tpu.memory_space<smem>>
    %mul3A_643 = arith.constant 256 : i32
    %mul3A_644 = arith.muli %get3A_642, %mul3A_643 : i32
    %multiple_of3A_645 = tpu.assume_multiple %mul3A_644, 256 : i32
    %get3A_646 = arith.constant 16 : index
    %get3A_647 = arith.index_cast %multiple_of3A_645 : i32 to index
    %get3A_648 = vector.load %arg14[%get3A_646, %get3A_647] : memref<128x16640xf32, #tpu.memory_space<vmem>>, vector<14x512xf32>
    %slice3A_649 = vector.extract_strided_slice %get3A_648 {offsets = [0, 0], sizes = [14, 256], strides = [1, 1]} : vector<14x512xf32> to vector<14x256xf32>
    %get3A_650 = arith.index_cast %add3A_640 : i32 to index
    %get3A_651 = memref.load %arg2[%get3A_650] : memref<14000xf32, #tpu.memory_space<smem>>
    %mul3A_652 = vector.broadcast %get3A_651 : f32 to vector<14x256xf32>
    %mul3A_653 = arith.mulf %slice3A_649, %mul3A_652 : vector<14x256xf32>
    %slice3A_654 = vector.extract_strided_slice %get3A_648 {offsets = [0, 256], sizes = [14, 256], strides = [1, 1]} : vector<14x512xf32> to vector<14x256xf32>
    %get3A_655 = arith.index_cast %add3A_640 : i32 to index
    %get3A_656 = memref.load %arg3[%get3A_655] : memref<14000xf32, #tpu.memory_space<smem>>
    %mul3A_657 = vector.broadcast %get3A_656 : f32 to vector<14x256xf32>
    %mul3A_658 = arith.mulf %slice3A_654, %mul3A_657 : vector<14x256xf32>
    %add3A_659 = arith.addf %mul3A_653, %mul3A_658 : vector<14x256xf32>
    %swap3A_660 = arith.constant 1 : index
    %swap3A_661 = arith.constant 5 : index
    %swap3A_662 = arith.constant 0 : index
    %swap3A_663 = arith.constant 0 : index
    %swap3A_664 = vector.load %arg13[%swap3A_660, %swap3A_661, %swap3A_662, %swap3A_663] : memref<8x14x14x256xf32, #tpu.memory_space<vmem>>, vector<1x1x14x256xf32>
    %swap3A_665 = vector.shape_cast %swap3A_664 : vector<1x1x14x256xf32> to vector<14x256xf32>
    %swap3A_666 = vector.shape_cast %add3A_659 : vector<14x256xf32> to vector<1x1x14x256xf32>
    tpu.vector_store %arg13[%swap3A_660, %swap3A_661, %swap3A_662, %swap3A_663], %swap3A_666 {strides = array<i32>} : memref<8x14x14x256xf32, #tpu.memory_space<vmem>>, vector<1x1x14x256xf32>,
    %mul3A_667 = arith.constant 112 : i32
    %mul3A_668 = arith.muli %arg0, %mul3A_667 : i32
    %add3A_669 = arith.constant 14 : i32
    %add3A_670 = arith.addi %mul3A_668, %add3A_669 : i32
    %add3A_671 = arith.constant 6 : i32
    %add3A_672 = arith.addi %add3A_670, %add3A_671 : i32
    %get3A_673 = arith.index_cast %add3A_672 : i32 to index
    %get3A_674 = memref.load %arg1[%get3A_673] : memref<14000xi32, #tpu.memory_space<smem>>
    %mul3A_675 = arith.constant 256 : i32
    %mul3A_676 = arith.muli %get3A_674, %mul3A_675 : i32
    %multiple_of3A_677 = tpu.assume_multiple %mul3A_676, 256 : i32
    %get3A_678 = arith.constant 16 : index
    %get3A_679 = arith.index_cast %multiple_of3A_677 : i32 to index
    %get3A_680 = vector.load %arg14[%get3A_678, %get3A_679] : memref<128x16640xf32, #tpu.memory_space<vmem>>, vector<14x512xf32>
    %slice3A_681 = vector.extract_strided_slice %get3A_680 {offsets = [0, 0], sizes = [14, 256], strides = [1, 1]} : vector<14x512xf32> to vector<14x256xf32>
    %get3A_682 = arith.index_cast %add3A_672 : i32 to index
    %get3A_683 = memref.load %arg2[%get3A_682] : memref<14000xf32, #tpu.memory_space<smem>>
    %mul3A_684 = vector.broadcast %get3A_683 : f32 to vector<14x256xf32>
    %mul3A_685 = arith.mulf %slice3A_681, %mul3A_684 : vector<14x256xf32>
    %slice3A_686 = vector.extract_strided_slice %get3A_680 {offsets = [0, 256], sizes = [14, 256], strides = [1, 1]} : vector<14x512xf32> to vector<14x256xf32>
    %get3A_687 = arith.index_cast %add3A_672 : i32 to index
    %get3A_688 = memref.load %arg3[%get3A_687] : memref<14000xf32, #tpu.memory_space<smem>>
    %mul3A_689 = vector.broadcast %get3A_688 : f32 to vector<14x256xf32>
    %mul3A_690 = arith.mulf %slice3A_686, %mul3A_689 : vector<14x256xf32>
    %add3A_691 = arith.addf %mul3A_685, %mul3A_690 : vector<14x256xf32>
    %swap3A_692 = arith.constant 1 : index
    %swap3A_693 = arith.constant 6 : index
    %swap3A_694 = arith.constant 0 : index
    %swap3A_695 = arith.constant 0 : index
    %swap3A_696 = vector.load %arg13[%swap3A_692, %swap3A_693, %swap3A_694, %swap3A_695] : memref<8x14x14x256xf32, #tpu.memory_space<vmem>>, vector<1x1x14x256xf32>
    %swap3A_697 = vector.shape_cast %swap3A_696 : vector<1x1x14x256xf32> to vector<14x256xf32>
    %swap3A_698 = vector.shape_cast %add3A_691 : vector<14x256xf32> to vector<1x1x14x256xf32>
    tpu.vector_store %arg13[%swap3A_692, %swap3A_693, %swap3A_694, %swap3A_695], %swap3A_698 {strides = array<i32>} : memref<8x14x14x256xf32, #tpu.memory_space<vmem>>, vector<1x1x14x256xf32>,
    %mul3A_699 = arith.constant 112 : i32
    %mul3A_700 = arith.muli %arg0, %mul3A_699 : i32
    %add3A_701 = arith.constant 14 : i32
    %add3A_702 = arith.addi %mul3A_700, %add3A_701 : i32
    %add3A_703 = arith.constant 7 : i32
    %add3A_704 = arith.addi %add3A_702, %add3A_703 : i32
    %get3A_705 = arith.index_cast %add3A_704 : i32 to index
    %get3A_706 = memref.load %arg1[%get3A_705] : memref<14000xi32, #tpu.memory_space<smem>>
    %mul3A_707 = arith.constant 256 : i32
    %mul3A_708 = arith.muli %get3A_706, %mul3A_707 : i32
    %multiple_of3A_709 = tpu.assume_multiple %mul3A_708, 256 : i32
    %get3A_710 = arith.constant 16 : index
    %get3A_711 = arith.index_cast %multiple_of3A_709 : i32 to index
    %get3A_712 = vector.load %arg14[%get3A_710, %get3A_711] : memref<128x16640xf32, #tpu.memory_space<vmem>>, vector<14x512xf32>
    %slice3A_713 = vector.extract_strided_slice %get3A_712 {offsets = [0, 0], sizes = [14, 256], strides = [1, 1]} : vector<14x512xf32> to vector<14x256xf32>
    %get3A_714 = arith.index_cast %add3A_704 : i32 to index
    %get3A_715 = memref.load %arg2[%get3A_714] : memref<14000xf32, #tpu.memory_space<smem>>
    %mul3A_716 = vector.broadcast %get3A_715 : f32 to vector<14x256xf32>
    %mul3A_717 = arith.mulf %slice3A_713, %mul3A_716 : vector<14x256xf32>
    %slice3A_718 = vector.extract_strided_slice %get3A_712 {offsets = [0, 256], sizes = [14, 256], strides = [1, 1]} : vector<14x512xf32> to vector<14x256xf32>
    %get3A_719 = arith.index_cast %add3A_704 : i32 to index
    %get3A_720 = memref.load %arg3[%get3A_719] : memref<14000xf32, #tpu.memory_space<smem>>
    %mul3A_721 = vector.broadcast %get3A_720 : f32 to vector<14x256xf32>
    %mul3A_722 = arith.mulf %slice3A_718, %mul3A_721 : vector<14x256xf32>
    %add3A_723 = arith.addf %mul3A_717, %mul3A_722 : vector<14x256xf32>
    %swap3A_724 = arith.constant 1 : index
    %swap3A_725 = arith.constant 7 : index
    %swap3A_726 = arith.constant 0 : index
    %swap3A_727 = arith.constant 0 : index
    %swap3A_728 = vector.load %arg13[%swap3A_724, %swap3A_725, %swap3A_726, %swap3A_727] : memref<8x14x14x256xf32, #tpu.memory_space<vmem>>, vector<1x1x14x256xf32>
    %swap3A_729 = vector.shape_cast %swap3A_728 : vector<1x1x14x256xf32> to vector<14x256xf32>
    %swap3A_730 = vector.shape_cast %add3A_723 : vector<14x256xf32> to vector<1x1x14x256xf32>
    tpu.vector_store %arg13[%swap3A_724, %swap3A_725, %swap3A_726, %swap3A_727], %swap3A_730 {strides = array<i32>} : memref<8x14x14x256xf32, #tpu.memory_space<vmem>>, vector<1x1x14x256xf32>,
    %mul3A_731 = arith.constant 112 : i32
    %mul3A_732 = arith.muli %arg0, %mul3A_731 : i32
    %add3A_733 = arith.constant 14 : i32
    %add3A_734 = arith.addi %mul3A_732, %add3A_733 : i32
    %add3A_735 = arith.constant 8 : i32
    %add3A_736 = arith.addi %add3A_734, %add3A_735 : i32
    %get3A_737 = arith.index_cast %add3A_736 : i32 to index
    %get3A_738 = memref.load %arg1[%get3A_737] : memref<14000xi32, #tpu.memory_space<smem>>
    %mul3A_739 = arith.constant 256 : i32
    %mul3A_740 = arith.muli %get3A_738, %mul3A_739 : i32
    %multiple_of3A_741 = tpu.assume_multiple %mul3A_740, 256 : i32
    %get3A_742 = arith.constant 16 : index
    %get3A_743 = arith.index_cast %multiple_of3A_741 : i32 to index
    %get3A_744 = vector.load %arg14[%get3A_742, %get3A_743] : memref<128x16640xf32, #tpu.memory_space<vmem>>, vector<14x512xf32>
    %slice3A_745 = vector.extract_strided_slice %get3A_744 {offsets = [0, 0], sizes = [14, 256], strides = [1, 1]} : vector<14x512xf32> to vector<14x256xf32>
    %get3A_746 = arith.index_cast %add3A_736 : i32 to index
    %get3A_747 = memref.load %arg2[%get3A_746] : memref<14000xf32, #tpu.memory_space<smem>>
    %mul3A_748 = vector.broadcast %get3A_747 : f32 to vector<14x256xf32>
    %mul3A_749 = arith.mulf %slice3A_745, %mul3A_748 : vector<14x256xf32>
    %slice3A_750 = vector.extract_strided_slice %get3A_744 {offsets = [0, 256], sizes = [14, 256], strides = [1, 1]} : vector<14x512xf32> to vector<14x256xf32>
    %get3A_751 = arith.index_cast %add3A_736 : i32 to index
    %get3A_752 = memref.load %arg3[%get3A_751] : memref<14000xf32, #tpu.memory_space<smem>>
    %mul3A_753 = vector.broadcast %get3A_752 : f32 to vector<14x256xf32>
    %mul3A_754 = arith.mulf %slice3A_750, %mul3A_753 : vector<14x256xf32>
    %add3A_755 = arith.addf %mul3A_749, %mul3A_754 : vector<14x256xf32>
    %swap3A_756 = arith.constant 1 : index
    %swap3A_757 = arith.constant 8 : index
    %swap3A_758 = arith.constant 0 : index
    %swap3A_759 = arith.constant 0 : index
    %swap3A_760 = vector.load %arg13[%swap3A_756, %swap3A_757, %swap3A_758, %swap3A_759] : memref<8x14x14x256xf32, #tpu.memory_space<vmem>>, vector<1x1x14x256xf32>
    %swap3A_761 = vector.shape_cast %swap3A_760 : vector<1x1x14x256xf32> to vector<14x256xf32>
    %swap3A_762 = vector.shape_cast %add3A_755 : vector<14x256xf32> to vector<1x1x14x256xf32>
    tpu.vector_store %arg13[%swap3A_756, %swap3A_757, %swap3A_758, %swap3A_759], %swap3A_762 {strides = array<i32>} : memref<8x14x14x256xf32, #tpu.memory_space<vmem>>, vector<1x1x14x256xf32>,
    %mul3A_763 = arith.constant 112 : i32
    %mul3A_764 = arith.muli %arg0, %mul3A_763 : i32
    %add3A_765 = arith.constant 14 : i32
    %add3A_766 = arith.addi %mul3A_764, %add3A_765 : i32
    %add3A_767 = arith.constant 9 : i32
    %add3A_768 = arith.addi %add3A_766, %add3A_767 : i32
    %get3A_769 = arith.index_cast %add3A_768 : i32 to index
    %get3A_770 = memref.load %arg1[%get3A_769] : memref<14000xi32, #tpu.memory_space<smem>>
    %mul3A_771 = arith.constant 256 : i32
    %mul3A_772 = arith.muli %get3A_770, %mul3A_771 : i32
    %multiple_of3A_773 = tpu.assume_multiple %mul3A_772, 256 : i32
    %get3A_774 = arith.constant 16 : index
    %get3A_775 = arith.index_cast %multiple_of3A_773 : i32 to index
    %get3A_776 = vector.load %arg14[%get3A_774, %get3A_775] : memref<128x16640xf32, #tpu.memory_space<vmem>>, vector<14x512xf32>
    %slice3A_777 = vector.extract_strided_slice %get3A_776 {offsets = [0, 0], sizes = [14, 256], strides = [1, 1]} : vector<14x512xf32> to vector<14x256xf32>
    %get3A_778 = arith.index_cast %add3A_768 : i32 to index
    %get3A_779 = memref.load %arg2[%get3A_778] : memref<14000xf32, #tpu.memory_space<smem>>
    %mul3A_780 = vector.broadcast %get3A_779 : f32 to vector<14x256xf32>
    %mul3A_781 = arith.mulf %slice3A_777, %mul3A_780 : vector<14x256xf32>
    %slice3A_782 = vector.extract_strided_slice %get3A_776 {offsets = [0, 256], sizes = [14, 256], strides = [1, 1]} : vector<14x512xf32> to vector<14x256xf32>
    %get3A_783 = arith.index_cast %add3A_768 : i32 to index
    %get3A_784 = memref.load %arg3[%get3A_783] : memref<14000xf32, #tpu.memory_space<smem>>
    %mul3A_785 = vector.broadcast %get3A_784 : f32 to vector<14x256xf32>
    %mul3A_786 = arith.mulf %slice3A_782, %mul3A_785 : vector<14x256xf32>
    %add3A_787 = arith.addf %mul3A_781, %mul3A_786 : vector<14x256xf32>
    %swap3A_788 = arith.constant 1 : index
    %swap3A_789 = arith.constant 9 : index
    %swap3A_790 = arith.constant 0 : index
    %swap3A_791 = arith.constant 0 : index
    %swap3A_792 = vector.load %arg13[%swap3A_788, %swap3A_789, %swap3A_790, %swap3A_791] : memref<8x14x14x256xf32, #tpu.memory_space<vmem>>, vector<1x1x14x256xf32>
    %swap3A_793 = vector.shape_cast %swap3A_792 : vector<1x1x14x256xf32> to vector<14x256xf32>
    %swap3A_794 = vector.shape_cast %add3A_787 : vector<14x256xf32> to vector<1x1x14x256xf32>
    tpu.vector_store %arg13[%swap3A_788, %swap3A_789, %swap3A_790, %swap3A_791], %swap3A_794 {strides = array<i32>} : memref<8x14x14x256xf32, #tpu.memory_space<vmem>>, vector<1x1x14x256xf32>,
    %mul3A_795 = arith.constant 112 : i32
    %mul3A_796 = arith.muli %arg0, %mul3A_795 : i32
    %add3A_797 = arith.constant 14 : i32
    %add3A_798 = arith.addi %mul3A_796, %add3A_797 : i32
    %add3A_799 = arith.constant 10 : i32
    %add3A_800 = arith.addi %add3A_798, %add3A_799 : i32
    %get3A_801 = arith.index_cast %add3A_800 : i32 to index
    %get3A_802 = memref.load %arg1[%get3A_801] : memref<14000xi32, #tpu.memory_space<smem>>
    %mul3A_803 = arith.constant 256 : i32
    %mul3A_804 = arith.muli %get3A_802, %mul3A_803 : i32
    %multiple_of3A_805 = tpu.assume_multiple %mul3A_804, 256 : i32
    %get3A_806 = arith.constant 16 : index
    %get3A_807 = arith.index_cast %multiple_of3A_805 : i32 to index
    %get3A_808 = vector.load %arg14[%get3A_806, %get3A_807] : memref<128x16640xf32, #tpu.memory_space<vmem>>, vector<14x512xf32>
    %slice3A_809 = vector.extract_strided_slice %get3A_808 {offsets = [0, 0], sizes = [14, 256], strides = [1, 1]} : vector<14x512xf32> to vector<14x256xf32>
    %get3A_810 = arith.index_cast %add3A_800 : i32 to index
    %get3A_811 = memref.load %arg2[%get3A_810] : memref<14000xf32, #tpu.memory_space<smem>>
    %mul3A_812 = vector.broadcast %get3A_811 : f32 to vector<14x256xf32>
    %mul3A_813 = arith.mulf %slice3A_809, %mul3A_812 : vector<14x256xf32>
    %slice3A_814 = vector.extract_strided_slice %get3A_808 {offsets = [0, 256], sizes = [14, 256], strides = [1, 1]} : vector<14x512xf32> to vector<14x256xf32>
    %get3A_815 = arith.index_cast %add3A_800 : i32 to index
    %get3A_816 = memref.load %arg3[%get3A_815] : memref<14000xf32, #tpu.memory_space<smem>>
    %mul3A_817 = vector.broadcast %get3A_816 : f32 to vector<14x256xf32>
    %mul3A_818 = arith.mulf %slice3A_814, %mul3A_817 : vector<14x256xf32>
    %add3A_819 = arith.addf %mul3A_813, %mul3A_818 : vector<14x256xf32>
    %swap3A_820 = arith.constant 1 : index
    %swap3A_821 = arith.constant 10 : index
    %swap3A_822 = arith.constant 0 : index
    %swap3A_823 = arith.constant 0 : index
    %swap3A_824 = vector.load %arg13[%swap3A_820, %swap3A_821, %swap3A_822, %swap3A_823] : memref<8x14x14x256xf32, #tpu.memory_space<vmem>>, vector<1x1x14x256xf32>
    %swap3A_825 = vector.shape_cast %swap3A_824 : vector<1x1x14x256xf32> to vector<14x256xf32>
    %swap3A_826 = vector.shape_cast %add3A_819 : vector<14x256xf32> to vector<1x1x14x256xf32>
    tpu.vector_store %arg13[%swap3A_820, %swap3A_821, %swap3A_822, %swap3A_823], %swap3A_826 {strides = array<i32>} : memref<8x14x14x256xf32, #tpu.memory_space<vmem>>, vector<1x1x14x256xf32>,
    %mul3A_827 = arith.constant 112 : i32
    %mul3A_828 = arith.muli %arg0, %mul3A_827 : i32
    %add3A_829 = arith.constant 14 : i32
    %add3A_830 = arith.addi %mul3A_828, %add3A_829 : i32
    %add3A_831 = arith.constant 11 : i32
    %add3A_832 = arith.addi %add3A_830, %add3A_831 : i32
    %get3A_833 = arith.index_cast %add3A_832 : i32 to index
    %get3A_834 = memref.load %arg1[%get3A_833] : memref<14000xi32, #tpu.memory_space<smem>>
    %mul3A_835 = arith.constant 256 : i32
    %mul3A_836 = arith.muli %get3A_834, %mul3A_835 : i32
    %multiple_of3A_837 = tpu.assume_multiple %mul3A_836, 256 : i32
    %get3A_838 = arith.constant 16 : index
    %get3A_839 = arith.index_cast %multiple_of3A_837 : i32 to index
    %get3A_840 = vector.load %arg14[%get3A_838, %get3A_839] : memref<128x16640xf32, #tpu.memory_space<vmem>>, vector<14x512xf32>
    %slice3A_841 = vector.extract_strided_slice %get3A_840 {offsets = [0, 0], sizes = [14, 256], strides = [1, 1]} : vector<14x512xf32> to vector<14x256xf32>
    %get3A_842 = arith.index_cast %add3A_832 : i32 to index
    %get3A_843 = memref.load %arg2[%get3A_842] : memref<14000xf32, #tpu.memory_space<smem>>
    %mul3A_844 = vector.broadcast %get3A_843 : f32 to vector<14x256xf32>
    %mul3A_845 = arith.mulf %slice3A_841, %mul3A_844 : vector<14x256xf32>
    %slice3A_846 = vector.extract_strided_slice %get3A_840 {offsets = [0, 256], sizes = [14, 256], strides = [1, 1]} : vector<14x512xf32> to vector<14x256xf32>
    %get3A_847 = arith.index_cast %add3A_832 : i32 to index
    %get3A_848 = memref.load %arg3[%get3A_847] : memref<14000xf32, #tpu.memory_space<smem>>
    %mul3A_849 = vector.broadcast %get3A_848 : f32 to vector<14x256xf32>
    %mul3A_850 = arith.mulf %slice3A_846, %mul3A_849 : vector<14x256xf32>
    %add3A_851 = arith.addf %mul3A_845, %mul3A_850 : vector<14x256xf32>
    %swap3A_852 = arith.constant 1 : index
    %swap3A_853 = arith.constant 11 : index
    %swap3A_854 = arith.constant 0 : index
    %swap3A_855 = arith.constant 0 : index
    %swap3A_856 = vector.load %arg13[%swap3A_852, %swap3A_853, %swap3A_854, %swap3A_855] : memref<8x14x14x256xf32, #tpu.memory_space<vmem>>, vector<1x1x14x256xf32>
    %swap3A_857 = vector.shape_cast %swap3A_856 : vector<1x1x14x256xf32> to vector<14x256xf32>
    %swap3A_858 = vector.shape_cast %add3A_851 : vector<14x256xf32> to vector<1x1x14x256xf32>
    tpu.vector_store %arg13[%swap3A_852, %swap3A_853, %swap3A_854, %swap3A_855], %swap3A_858 {strides = array<i32>} : memref<8x14x14x256xf32, #tpu.memory_space<vmem>>, vector<1x1x14x256xf32>,
    %mul3A_859 = arith.constant 112 : i32
    %mul3A_860 = arith.muli %arg0, %mul3A_859 : i32
    %add3A_861 = arith.constant 14 : i32
    %add3A_862 = arith.addi %mul3A_860, %add3A_861 : i32
    %add3A_863 = arith.constant 12 : i32
    %add3A_864 = arith.addi %add3A_862, %add3A_863 : i32
    %get3A_865 = arith.index_cast %add3A_864 : i32 to index
    %get3A_866 = memref.load %arg1[%get3A_865] : memref<14000xi32, #tpu.memory_space<smem>>
    %mul3A_867 = arith.constant 256 : i32
    %mul3A_868 = arith.muli %get3A_866, %mul3A_867 : i32
    %multiple_of3A_869 = tpu.assume_multiple %mul3A_868, 256 : i32
    %get3A_870 = arith.constant 16 : index
    %get3A_871 = arith.index_cast %multiple_of3A_869 : i32 to index
    %get3A_872 = vector.load %arg14[%get3A_870, %get3A_871] : memref<128x16640xf32, #tpu.memory_space<vmem>>, vector<14x512xf32>
    %slice3A_873 = vector.extract_strided_slice %get3A_872 {offsets = [0, 0], sizes = [14, 256], strides = [1, 1]} : vector<14x512xf32> to vector<14x256xf32>
    %get3A_874 = arith.index_cast %add3A_864 : i32 to index
    %get3A_875 = memref.load %arg2[%get3A_874] : memref<14000xf32, #tpu.memory_space<smem>>
    %mul3A_876 = vector.broadcast %get3A_875 : f32 to vector<14x256xf32>
    %mul3A_877 = arith.mulf %slice3A_873, %mul3A_876 : vector<14x256xf32>
    %slice3A_878 = vector.extract_strided_slice %get3A_872 {offsets = [0, 256], sizes = [14, 256], strides = [1, 1]} : vector<14x512xf32> to vector<14x256xf32>
    %get3A_879 = arith.index_cast %add3A_864 : i32 to index
    %get3A_880 = memref.load %arg3[%get3A_879] : memref<14000xf32, #tpu.memory_space<smem>>
    %mul3A_881 = vector.broadcast %get3A_880 : f32 to vector<14x256xf32>
    %mul3A_882 = arith.mulf %slice3A_878, %mul3A_881 : vector<14x256xf32>
    %add3A_883 = arith.addf %mul3A_877, %mul3A_882 : vector<14x256xf32>
    %swap3A_884 = arith.constant 1 : index
    %swap3A_885 = arith.constant 12 : index
    %swap3A_886 = arith.constant 0 : index
    %swap3A_887 = arith.constant 0 : index
    %swap3A_888 = vector.load %arg13[%swap3A_884, %swap3A_885, %swap3A_886, %swap3A_887] : memref<8x14x14x256xf32, #tpu.memory_space<vmem>>, vector<1x1x14x256xf32>
    %swap3A_889 = vector.shape_cast %swap3A_888 : vector<1x1x14x256xf32> to vector<14x256xf32>
    %swap3A_890 = vector.shape_cast %add3A_883 : vector<14x256xf32> to vector<1x1x14x256xf32>
    tpu.vector_store %arg13[%swap3A_884, %swap3A_885, %swap3A_886, %swap3A_887], %swap3A_890 {strides = array<i32>} : memref<8x14x14x256xf32, #tpu.memory_space<vmem>>, vector<1x1x14x256xf32>,
    %mul3A_891 = arith.constant 112 : i32
    %mul3A_892 = arith.muli %arg0, %mul3A_891 : i32
    %add3A_893 = arith.constant 14 : i32
    %add3A_894 = arith.addi %mul3A_892, %add3A_893 : i32
    %add3A_895 = arith.constant 13 : i32
    %add3A_896 = arith.addi %add3A_894, %add3A_895 : i32
    %get3A_897 = arith.index_cast %add3A_896 : i32 to index
    %get3A_898 = memref.load %arg1[%get3A_897] : memref<14000xi32, #tpu.memory_space<smem>>
    %mul3A_899 = arith.constant 256 : i32
    %mul3A_900 = arith.muli %get3A_898, %mul3A_899 : i32
    %multiple_of3A_901 = tpu.assume_multiple %mul3A_900, 256 : i32
    %get3A_902 = arith.constant 16 : index
    %get3A_903 = arith.index_cast %multiple_of3A_901 : i32 to index
    %get3A_904 = vector.load %arg14[%get3A_902, %get3A_903] : memref<128x16640xf32, #tpu.memory_space<vmem>>, vector<14x512xf32>
    %slice3A_905 = vector.extract_strided_slice %get3A_904 {offsets = [0, 0], sizes = [14, 256], strides = [1, 1]} : vector<14x512xf32> to vector<14x256xf32>
    %get3A_906 = arith.index_cast %add3A_896 : i32 to index
    %get3A_907 = memref.load %arg2[%get3A_906] : memref<14000xf32, #tpu.memory_space<smem>>
    %mul3A_908 = vector.broadcast %get3A_907 : f32 to vector<14x256xf32>
    %mul3A_909 = arith.mulf %slice3A_905, %mul3A_908 : vector<14x256xf32>
    %slice3A_910 = vector.extract_strided_slice %get3A_904 {offsets = [0, 256], sizes = [14, 256], strides = [1, 1]} : vector<14x512xf32> to vector<14x256xf32>
    %get3A_911 = arith.index_cast %add3A_896 : i32 to index
    %get3A_912 = memref.load %arg3[%get3A_911] : memref<14000xf32, #tpu.memory_space<smem>>
    %mul3A_913 = vector.broadcast %get3A_912 : f32 to vector<14x256xf32>
    %mul3A_914 = arith.mulf %slice3A_910, %mul3A_913 : vector<14x256xf32>
    %add3A_915 = arith.addf %mul3A_909, %mul3A_914 : vector<14x256xf32>
    %swap3A_916 = arith.constant 1 : index
    %swap3A_917 = arith.constant 13 : index
    %swap3A_918 = arith.constant 0 : index
    %swap3A_919 = arith.constant 0 : index
    %swap3A_920 = vector.load %arg13[%swap3A_916, %swap3A_917, %swap3A_918, %swap3A_919] : memref<8x14x14x256xf32, #tpu.memory_space<vmem>>, vector<1x1x14x256xf32>
    %swap3A_921 = vector.shape_cast %swap3A_920 : vector<1x1x14x256xf32> to vector<14x256xf32>
    %swap3A_922 = vector.shape_cast %add3A_915 : vector<14x256xf32> to vector<1x1x14x256xf32>
    tpu.vector_store %arg13[%swap3A_916, %swap3A_917, %swap3A_918, %swap3A_919], %swap3A_922 {strides = array<i32>} : memref<8x14x14x256xf32, #tpu.memory_space<vmem>>, vector<1x1x14x256xf32>,
    %mul3A_923 = arith.constant 112 : i32
    %mul3A_924 = arith.muli %arg0, %mul3A_923 : i32
    %add3A_925 = arith.constant 28 : i32
    %add3A_926 = arith.addi %mul3A_924, %add3A_925 : i32
    %add3A_927 = arith.constant 0 : i32
    %add3A_928 = arith.addi %add3A_926, %add3A_927 : i32
    %get3A_929 = arith.index_cast %add3A_928 : i32 to index
    %get3A_930 = memref.load %arg1[%get3A_929] : memref<14000xi32, #tpu.memory_space<smem>>
    %mul3A_931 = arith.constant 256 : i32
    %mul3A_932 = arith.muli %get3A_930, %mul3A_931 : i32
    %multiple_of3A_933 = tpu.assume_multiple %mul3A_932, 256 : i32
    %get3A_934 = arith.constant 32 : index
    %get3A_935 = arith.index_cast %multiple_of3A_933 : i32 to index
    %get3A_936 = vector.load %arg14[%get3A_934, %get3A_935] : memref<128x16640xf32, #tpu.memory_space<vmem>>, vector<14x512xf32>
    %slice3A_937 = vector.extract_strided_slice %get3A_936 {offsets = [0, 0], sizes = [14, 256], strides = [1, 1]} : vector<14x512xf32> to vector<14x256xf32>
    %get3A_938 = arith.index_cast %add3A_928 : i32 to index
    %get3A_939 = memref.load %arg2[%get3A_938] : memref<14000xf32, #tpu.memory_space<smem>>
    %mul3A_940 = vector.broadcast %get3A_939 : f32 to vector<14x256xf32>
    %mul3A_941 = arith.mulf %slice3A_937, %mul3A_940 : vector<14x256xf32>
    %slice3A_942 = vector.extract_strided_slice %get3A_936 {offsets = [0, 256], sizes = [14, 256], strides = [1, 1]} : vector<14x512xf32> to vector<14x256xf32>
    %get3A_943 = arith.index_cast %add3A_928 : i32 to index
    %get3A_944 = memref.load %arg3[%get3A_943] : memref<14000xf32, #tpu.memory_space<smem>>
    %mul3A_945 = vector.broadcast %get3A_944 : f32 to vector<14x256xf32>
    %mul3A_946 = arith.mulf %slice3A_942, %mul3A_945 : vector<14x256xf32>
    %add3A_947 = arith.addf %mul3A_941, %mul3A_946 : vector<14x256xf32>
    %swap3A_948 = arith.constant 2 : index
    %swap3A_949 = arith.constant 0 : index
    %swap3A_950 = arith.constant 0 : index
    %swap3A_951 = arith.constant 0 : index
    %swap3A_952 = vector.load %arg13[%swap3A_948, %swap3A_949, %swap3A_950, %swap3A_951] : memref<8x14x14x256xf32, #tpu.memory_space<vmem>>, vector<1x1x14x256xf32>
    %swap3A_953 = vector.shape_cast %swap3A_952 : vector<1x1x14x256xf32> to vector<14x256xf32>
    %swap3A_954 = vector.shape_cast %add3A_947 : vector<14x256xf32> to vector<1x1x14x256xf32>
    tpu.vector_store %arg13[%swap3A_948, %swap3A_949, %swap3A_950, %swap3A_951], %swap3A_954 {strides = array<i32>} : memref<8x14x14x256xf32, #tpu.memory_space<vmem>>, vector<1x1x14x256xf32>,
    %mul3A_955 = arith.constant 112 : i32
    %mul3A_956 = arith.muli %arg0, %mul3A_955 : i32
    %add3A_957 = arith.constant 28 : i32
    %add3A_958 = arith.addi %mul3A_956, %add3A_957 : i32
    %add3A_959 = arith.constant 1 : i32
    %add3A_960 = arith.addi %add3A_958, %add3A_959 : i32
    %get3A_961 = arith.index_cast %add3A_960 : i32 to index
    %get3A_962 = memref.load %arg1[%get3A_961] : memref<14000xi32, #tpu.memory_space<smem>>
    %mul3A_963 = arith.constant 256 : i32
    %mul3A_964 = arith.muli %get3A_962, %mul3A_963 : i32
    %multiple_of3A_965 = tpu.assume_multiple %mul3A_964, 256 : i32
    %get3A_966 = arith.constant 32 : index
    %get3A_967 = arith.index_cast %multiple_of3A_965 : i32 to index
    %get3A_968 = vector.load %arg14[%get3A_966, %get3A_967] : memref<128x16640xf32, #tpu.memory_space<vmem>>, vector<14x512xf32>
    %slice3A_969 = vector.extract_strided_slice %get3A_968 {offsets = [0, 0], sizes = [14, 256], strides = [1, 1]} : vector<14x512xf32> to vector<14x256xf32>
    %get3A_970 = arith.index_cast %add3A_960 : i32 to index
    %get3A_971 = memref.load %arg2[%get3A_970] : memref<14000xf32, #tpu.memory_space<smem>>
    %mul3A_972 = vector.broadcast %get3A_971 : f32 to vector<14x256xf32>
    %mul3A_973 = arith.mulf %slice3A_969, %mul3A_972 : vector<14x256xf32>
    %slice3A_974 = vector.extract_strided_slice %get3A_968 {offsets = [0, 256], sizes = [14, 256], strides = [1, 1]} : vector<14x512xf32> to vector<14x256xf32>
    %get3A_975 = arith.index_cast %add3A_960 : i32 to index
    %get3A_976 = memref.load %arg3[%get3A_975] : memref<14000xf32, #tpu.memory_space<smem>>
    %mul3A_977 = vector.broadcast %get3A_976 : f32 to vector<14x256xf32>
    %mul3A_978 = arith.mulf %slice3A_974, %mul3A_977 : vector<14x256xf32>
    %add3A_979 = arith.addf %mul3A_973, %mul3A_978 : vector<14x256xf32>
    %swap3A_980 = arith.constant 2 : index
    %swap3A_981 = arith.constant 1 : index
    %swap3A_982 = arith.constant 0 : index
    %swap3A_983 = arith.constant 0 : index
    %swap3A_984 = vector.load %arg13[%swap3A_980, %swap3A_981, %swap3A_982, %swap3A_983] : memref<8x14x14x256xf32, #tpu.memory_space<vmem>>, vector<1x1x14x256xf32>
    %swap3A_985 = vector.shape_cast %swap3A_984 : vector<1x1x14x256xf32> to vector<14x256xf32>
    %swap3A_986 = vector.shape_cast %add3A_979 : vector<14x256xf32> to vector<1x1x14x256xf32>
    tpu.vector_store %arg13[%swap3A_980, %swap3A_981, %swap3A_982, %swap3A_983], %swap3A_986 {strides = array<i32>} : memref<8x14x14x256xf32, #tpu.memory_space<vmem>>, vector<1x1x14x256xf32>,
    %mul3A_987 = arith.constant 112 : i32
    %mul3A_988 = arith.muli %arg0, %mul3A_987 : i32
    %add3A_989 = arith.constant 28 : i32
    %add3A_990 = arith.addi %mul3A_988, %add3A_989 : i32
    %add3A_991 = arith.constant 2 : i32
    %add3A_992 = arith.addi %add3A_990, %add3A_991 : i32
    %get3A_993 = arith.index_cast %add3A_992 : i32 to index
    %get3A_994 = memref.load %arg1[%get3A_993] : memref<14000xi32, #tpu.memory_space<smem>>
    %mul3A_995 = arith.constant 256 : i32
    %mul3A_996 = arith.muli %get3A_994, %mul3A_995 : i32
    %multiple_of3A_997 = tpu.assume_multiple %mul3A_996, 256 : i32
    %get3A_998 = arith.constant 32 : index
    %get3A_999 = arith.index_cast %multiple_of3A_997 : i32 to index
    %get3A_1000 = vector.load %arg14[%get3A_998, %get3A_999] : memref<128x16640xf32, #tpu.memory_space<vmem>>, vector<14x512xf32>
    %slice3A_1001 = vector.extract_strided_slice %get3A_1000 {offsets = [0, 0], sizes = [14, 256], strides = [1, 1]} : vector<14x512xf32> to vector<14x256xf32>
    %get3A_1002 = arith.index_cast %add3A_992 : i32 to index
    %get3A_1003 = memref.load %arg2[%get3A_1002] : memref<14000xf32, #tpu.memory_space<smem>>
    %mul3A_1004 = vector.broadcast %get3A_1003 : f32 to vector<14x256xf32>
    %mul3A_1005 = arith.mulf %slice3A_1001, %mul3A_1004 : vector<14x256xf32>
    %slice3A_1006 = vector.extract_strided_slice %get3A_1000 {offsets = [0, 256], sizes = [14, 256], strides = [1, 1]} : vector<14x512xf32> to vector<14x256xf32>
    %get3A_1007 = arith.index_cast %add3A_992 : i32 to index
    %get3A_1008 = memref.load %arg3[%get3A_1007] : memref<14000xf32, #tpu.memory_space<smem>>
    %mul3A_1009 = vector.broadcast %get3A_1008 : f32 to vector<14x256xf32>
    %mul3A_1010 = arith.mulf %slice3A_1006, %mul3A_1009 : vector<14x256xf32>
    %add3A_1011 = arith.addf %mul3A_1005, %mul3A_1010 : vector<14x256xf32>
    %swap3A_1012 = arith.constant 2 : index
    %swap3A_1013 = arith.constant 2 : index
    %swap3A_1014 = arith.constant 0 : index
    %swap3A_1015 = arith.constant 0 : index
    %swap3A_1016 = vector.load %arg13[%swap3A_1012, %swap3A_1013, %swap3A_1014, %swap3A_1015] : memref<8x14x14x256xf32, #tpu.memory_space<vmem>>, vector<1x1x14x256xf32>
    %swap3A_1017 = vector.shape_cast %swap3A_1016 : vector<1x1x14x256xf32> to vector<14x256xf32>
    %swap3A_1018 = vector.shape_cast %add3A_1011 : vector<14x256xf32> to vector<1x1x14x256xf32>
    tpu.vector_store %arg13[%swap3A_1012, %swap3A_1013, %swap3A_1014, %swap3A_1015], %swap3A_1018 {strides = array<i32>} : memref<8x14x14x256xf32, #tpu.memory_space<vmem>>, vector<1x1x14x256xf32>,
    %mul3A_1019 = arith.constant 112 : i32
    %mul3A_1020 = arith.muli %arg0, %mul3A_1019 : i32
    %add3A_1021 = arith.constant 28 : i32
    %add3A_1022 = arith.addi %mul3A_1020, %add3A_1021 : i32
    %add3A_1023 = arith.constant 3 : i32
    %add3A_1024 = arith.addi %add3A_1022, %add3A_1023 : i32
    %get3A_1025 = arith.index_cast %add3A_1024 : i32 to index
    %get3A_1026 = memref.load %arg1[%get3A_1025] : memref<14000xi32, #tpu.memory_space<smem>>
    %mul3A_1027 = arith.constant 256 : i32
    %mul3A_1028 = arith.muli %get3A_1026, %mul3A_1027 : i32
    %multiple_of3A_1029 = tpu.assume_multiple %mul3A_1028, 256 : i32
    %get3A_1030 = arith.constant 32 : index
    %get3A_1031 = arith.index_cast %multiple_of3A_1029 : i32 to index
    %get3A_1032 = vector.load %arg14[%get3A_1030, %get3A_1031] : memref<128x16640xf32, #tpu.memory_space<vmem>>, vector<14x512xf32>
    %slice3A_1033 = vector.extract_strided_slice %get3A_1032 {offsets = [0, 0], sizes = [14, 256], strides = [1, 1]} : vector<14x512xf32> to vector<14x256xf32>
    %get3A_1034 = arith.index_cast %add3A_1024 : i32 to index
    %get3A_1035 = memref.load %arg2[%get3A_1034] : memref<14000xf32, #tpu.memory_space<smem>>
    %mul3A_1036 = vector.broadcast %get3A_1035 : f32 to vector<14x256xf32>
    %mul3A_1037 = arith.mulf %slice3A_1033, %mul3A_1036 : vector<14x256xf32>
    %slice3A_1038 = vector.extract_strided_slice %get3A_1032 {offsets = [0, 256], sizes = [14, 256], strides = [1, 1]} : vector<14x512xf32> to vector<14x256xf32>
    %get3A_1039 = arith.index_cast %add3A_1024 : i32 to index
    %get3A_1040 = memref.load %arg3[%get3A_1039] : memref<14000xf32, #tpu.memory_space<smem>>
    %mul3A_1041 = vector.broadcast %get3A_1040 : f32 to vector<14x256xf32>
    %mul3A_1042 = arith.mulf %slice3A_1038, %mul3A_1041 : vector<14x256xf32>
    %add3A_1043 = arith.addf %mul3A_1037, %mul3A_1042 : vector<14x256xf32>
    %swap3A_1044 = arith.constant 2 : index
    %swap3A_1045 = arith.constant 3 : index
    %swap3A_1046 = arith.constant 0 : index
    %swap3A_1047 = arith.constant 0 : index
    %swap3A_1048 = vector.load %arg13[%swap3A_1044, %swap3A_1045, %swap3A_1046, %swap3A_1047] : memref<8x14x14x256xf32, #tpu.memory_space<vmem>>, vector<1x1x14x256xf32>
    %swap3A_1049 = vector.shape_cast %swap3A_1048 : vector<1x1x14x256xf32> to vector<14x256xf32>
    %swap3A_1050 = vector.shape_cast %add3A_1043 : vector<14x256xf32> to vector<1x1x14x256xf32>
    tpu.vector_store %arg13[%swap3A_1044, %swap3A_1045, %swap3A_1046, %swap3A_1047], %swap3A_1050 {strides = array<i32>} : memref<8x14x14x256xf32, #tpu.memory_space<vmem>>, vector<1x1x14x256xf32>,
    %mul3A_1051 = arith.constant 112 : i32
    %mul3A_1052 = arith.muli %arg0, %mul3A_1051 : i32
    %add3A_1053 = arith.constant 28 : i32
    %add3A_1054 = arith.addi %mul3A_1052, %add3A_1053 : i32
    %add3A_1055 = arith.constant 4 : i32
    %add3A_1056 = arith.addi %add3A_1054, %add3A_1055 : i32
    %get3A_1057 = arith.index_cast %add3A_1056 : i32 to index
    %get3A_1058 = memref.load %arg1[%get3A_1057] : memref<14000xi32, #tpu.memory_space<smem>>
    %mul3A_1059 = arith.constant 256 : i32
    %mul3A_1060 = arith.muli %get3A_1058, %mul3A_1059 : i32
    %multiple_of3A_1061 = tpu.assume_multiple %mul3A_1060, 256 : i32
    %get3A_1062 = arith.constant 32 : index
    %get3A_1063 = arith.index_cast %multiple_of3A_1061 : i32 to index
    %get3A_1064 = vector.load %arg14[%get3A_1062, %get3A_1063] : memref<128x16640xf32, #tpu.memory_space<vmem>>, vector<14x512xf32>
    %slice3A_1065 = vector.extract_strided_slice %get3A_1064 {offsets = [0, 0], sizes = [14, 256], strides = [1, 1]} : vector<14x512xf32> to vector<14x256xf32>
    %get3A_1066 = arith.index_cast %add3A_1056 : i32 to index
    %get3A_1067 = memref.load %arg2[%get3A_1066] : memref<14000xf32, #tpu.memory_space<smem>>
    %mul3A_1068 = vector.broadcast %get3A_1067 : f32 to vector<14x256xf32>
    %mul3A_1069 = arith.mulf %slice3A_1065, %mul3A_1068 : vector<14x256xf32>
    %slice3A_1070 = vector.extract_strided_slice %get3A_1064 {offsets = [0, 256], sizes = [14, 256], strides = [1, 1]} : vector<14x512xf32> to vector<14x256xf32>
    %get3A_1071 = arith.index_cast %add3A_1056 : i32 to index
    %get3A_1072 = memref.load %arg3[%get3A_1071] : memref<14000xf32, #tpu.memory_space<smem>>
    %mul3A_1073 = vector.broadcast %get3A_1072 : f32 to vector<14x256xf32>
    %mul3A_1074 = arith.mulf %slice3A_1070, %mul3A_1073 : vector<14x256xf32>
    %add3A_1075 = arith.addf %mul3A_1069, %mul3A_1074 : vector<14x256xf32>
    %swap3A_1076 = arith.constant 2 : index
    %swap3A_1077 = arith.constant 4 : index
    %swap3A_1078 = arith.constant 0 : index
    %swap3A_1079 = arith.constant 0 : index
    %swap3A_1080 = vector.load %arg13[%swap3A_1076, %swap3A_1077, %swap3A_1078, %swap3A_1079] : memref<8x14x14x256xf32, #tpu.memory_space<vmem>>, vector<1x1x14x256xf32>
    %swap3A_1081 = vector.shape_cast %swap3A_1080 : vector<1x1x14x256xf32> to vector<14x256xf32>
    %swap3A_1082 = vector.shape_cast %add3A_1075 : vector<14x256xf32> to vector<1x1x14x256xf32>
    tpu.vector_store %arg13[%swap3A_1076, %swap3A_1077, %swap3A_1078, %swap3A_1079], %swap3A_1082 {strides = array<i32>} : memref<8x14x14x256xf32, #tpu.memory_space<vmem>>, vector<1x1x14x256xf32>,
    %mul3A_1083 = arith.constant 112 : i32
    %mul3A_1084 = arith.muli %arg0, %mul3A_1083 : i32
    %add3A_1085 = arith.constant 28 : i32
    %add3A_1086 = arith.addi %mul3A_1084, %add3A_1085 : i32
    %add3A_1087 = arith.constant 5 : i32
    %add3A_1088 = arith.addi %add3A_1086, %add3A_1087 : i32
    %get3A_1089 = arith.index_cast %add3A_1088 : i32 to index
    %get3A_1090 = memref.load %arg1[%get3A_1089] : memref<14000xi32, #tpu.memory_space<smem>>
    %mul3A_1091 = arith.constant 256 : i32
    %mul3A_1092 = arith.muli %get3A_1090, %mul3A_1091 : i32
    %multiple_of3A_1093 = tpu.assume_multiple %mul3A_1092, 256 : i32
    %get3A_1094 = arith.constant 32 : index
    %get3A_1095 = arith.index_cast %multiple_of3A_1093 : i32 to index
    %get3A_1096 = vector.load %arg14[%get3A_1094, %get3A_1095] : memref<128x16640xf32, #tpu.memory_space<vmem>>, vector<14x512xf32>
    %slice3A_1097 = vector.extract_strided_slice %get3A_1096 {offsets = [0, 0], sizes = [14, 256], strides = [1, 1]} : vector<14x512xf32> to vector<14x256xf32>
    %get3A_1098 = arith.index_cast %add3A_1088 : i32 to index
    %get3A_1099 = memref.load %arg2[%get3A_1098] : memref<14000xf32, #tpu.memory_space<smem>>
    %mul3A_1100 = vector.broadcast %get3A_1099 : f32 to vector<14x256xf32>
    %mul3A_1101 = arith.mulf %slice3A_1097, %mul3A_1100 : vector<14x256xf32>
    %slice3A_1102 = vector.extract_strided_slice %get3A_1096 {offsets = [0, 256], sizes = [14, 256], strides = [1, 1]} : vector<14x512xf32> to vector<14x256xf32>
    %get3A_1103 = arith.index_cast %add3A_1088 : i32 to index
    %get3A_1104 = memref.load %arg3[%get3A_1103] : memref<14000xf32, #tpu.memory_space<smem>>
    %mul3A_1105 = vector.broadcast %get3A_1104 : f32 to vector<14x256xf32>
    %mul3A_1106 = arith.mulf %slice3A_1102, %mul3A_1105 : vector<14x256xf32>
    %add3A_1107 = arith.addf %mul3A_1101, %mul3A_1106 : vector<14x256xf32>
    %swap3A_1108 = arith.constant 2 : index
    %swap3A_1109 = arith.constant 5 : index
    %swap3A_1110 = arith.constant 0 : index
    %swap3A_1111 = arith.constant 0 : index
    %swap3A_1112 = vector.load %arg13[%swap3A_1108, %swap3A_1109, %swap3A_1110, %swap3A_1111] : memref<8x14x14x256xf32, #tpu.memory_space<vmem>>, vector<1x1x14x256xf32>
    %swap3A_1113 = vector.shape_cast %swap3A_1112 : vector<1x1x14x256xf32> to vector<14x256xf32>
    %swap3A_1114 = vector.shape_cast %add3A_1107 : vector<14x256xf32> to vector<1x1x14x256xf32>
    tpu.vector_store %arg13[%swap3A_1108, %swap3A_1109, %swap3A_1110, %swap3A_1111], %swap3A_1114 {strides = array<i32>} : memref<8x14x14x256xf32, #tpu.memory_space<vmem>>, vector<1x1x14x256xf32>,
    %mul3A_1115 = arith.constant 112 : i32
    %mul3A_1116 = arith.muli %arg0, %mul3A_1115 : i32
    %add3A_1117 = arith.constant 28 : i32
    %add3A_1118 = arith.addi %mul3A_1116, %add3A_1117 : i32
    %add3A_1119 = arith.constant 6 : i32
    %add3A_1120 = arith.addi %add3A_1118, %add3A_1119 : i32
    %get3A_1121 = arith.index_cast %add3A_1120 : i32 to index
    %get3A_1122 = memref.load %arg1[%get3A_1121] : memref<14000xi32, #tpu.memory_space<smem>>
    %mul3A_1123 = arith.constant 256 : i32
    %mul3A_1124 = arith.muli %get3A_1122, %mul3A_1123 : i32
    %multiple_of3A_1125 = tpu.assume_multiple %mul3A_1124, 256 : i32
    %get3A_1126 = arith.constant 32 : index
    %get3A_1127 = arith.index_cast %multiple_of3A_1125 : i32 to index
    %get3A_1128 = vector.load %arg14[%get3A_1126, %get3A_1127] : memref<128x16640xf32, #tpu.memory_space<vmem>>, vector<14x512xf32>
    %slice3A_1129 = vector.extract_strided_slice %get3A_1128 {offsets = [0, 0], sizes = [14, 256], strides = [1, 1]} : vector<14x512xf32> to vector<14x256xf32>
    %get3A_1130 = arith.index_cast %add3A_1120 : i32 to index
    %get3A_1131 = memref.load %arg2[%get3A_1130] : memref<14000xf32, #tpu.memory_space<smem>>
    %mul3A_1132 = vector.broadcast %get3A_1131 : f32 to vector<14x256xf32>
    %mul3A_1133 = arith.mulf %slice3A_1129, %mul3A_1132 : vector<14x256xf32>
    %slice3A_1134 = vector.extract_strided_slice %get3A_1128 {offsets = [0, 256], sizes = [14, 256], strides = [1, 1]} : vector<14x512xf32> to vector<14x256xf32>
    %get3A_1135 = arith.index_cast %add3A_1120 : i32 to index
    %get3A_1136 = memref.load %arg3[%get3A_1135] : memref<14000xf32, #tpu.memory_space<smem>>
    %mul3A_1137 = vector.broadcast %get3A_1136 : f32 to vector<14x256xf32>
    %mul3A_1138 = arith.mulf %slice3A_1134, %mul3A_1137 : vector<14x256xf32>
    %add3A_1139 = arith.addf %mul3A_1133, %mul3A_1138 : vector<14x256xf32>
    %swap3A_1140 = arith.constant 2 : index
    %swap3A_1141 = arith.constant 6 : index
    %swap3A_1142 = arith.constant 0 : index
    %swap3A_1143 = arith.constant 0 : index
    %swap3A_1144 = vector.load %arg13[%swap3A_1140, %swap3A_1141, %swap3A_1142, %swap3A_1143] : memref<8x14x14x256xf32, #tpu.memory_space<vmem>>, vector<1x1x14x256xf32>
    %swap3A_1145 = vector.shape_cast %swap3A_1144 : vector<1x1x14x256xf32> to vector<14x256xf32>
    %swap3A_1146 = vector.shape_cast %add3A_1139 : vector<14x256xf32> to vector<1x1x14x256xf32>
    tpu.vector_store %arg13[%swap3A_1140, %swap3A_1141, %swap3A_1142, %swap3A_1143], %swap3A_1146 {strides = array<i32>} : memref<8x14x14x256xf32, #tpu.memory_space<vmem>>, vector<1x1x14x256xf32>,
    %mul3A_1147 = arith.constant 112 : i32
    %mul3A_1148 = arith.muli %arg0, %mul3A_1147 : i32
    %add3A_1149 = arith.constant 28 : i32
    %add3A_1150 = arith.addi %mul3A_1148, %add3A_1149 : i32
    %add3A_1151 = arith.constant 7 : i32
    %add3A_1152 = arith.addi %add3A_1150, %add3A_1151 : i32
    %get3A_1153 = arith.index_cast %add3A_1152 : i32 to index
    %get3A_1154 = memref.load %arg1[%get3A_1153] : memref<14000xi32, #tpu.memory_space<smem>>
    %mul3A_1155 = arith.constant 256 : i32
    %mul3A_1156 = arith.muli %get3A_1154, %mul3A_1155 : i32
    %multiple_of3A_1157 = tpu.assume_multiple %mul3A_1156, 256 : i32
    %get3A_1158 = arith.constant 32 : index
    %get3A_1159 = arith.index_cast %multiple_of3A_1157 : i32 to index
    %get3A_1160 = vector.load %arg14[%get3A_1158, %get3A_1159] : memref<128x16640xf32, #tpu.memory_space<vmem>>, vector<14x512xf32>
    %slice3A_1161 = vector.extract_strided_slice %get3A_1160 {offsets = [0, 0], sizes = [14, 256], strides = [1, 1]} : vector<14x512xf32> to vector<14x256xf32>
    %get3A_1162 = arith.index_cast %add3A_1152 : i32 to index
    %get3A_1163 = memref.load %arg2[%get3A_1162] : memref<14000xf32, #tpu.memory_space<smem>>
    %mul3A_1164 = vector.broadcast %get3A_1163 : f32 to vector<14x256xf32>
    %mul3A_1165 = arith.mulf %slice3A_1161, %mul3A_1164 : vector<14x256xf32>
    %slice3A_1166 = vector.extract_strided_slice %get3A_1160 {offsets = [0, 256], sizes = [14, 256], strides = [1, 1]} : vector<14x512xf32> to vector<14x256xf32>
    %get3A_1167 = arith.index_cast %add3A_1152 : i32 to index
    %get3A_1168 = memref.load %arg3[%get3A_1167] : memref<14000xf32, #tpu.memory_space<smem>>
    %mul3A_1169 = vector.broadcast %get3A_1168 : f32 to vector<14x256xf32>
    %mul3A_1170 = arith.mulf %slice3A_1166, %mul3A_1169 : vector<14x256xf32>
    %add3A_1171 = arith.addf %mul3A_1165, %mul3A_1170 : vector<14x256xf32>
    %swap3A_1172 = arith.constant 2 : index
    %swap3A_1173 = arith.constant 7 : index
    %swap3A_1174 = arith.constant 0 : index
    %swap3A_1175 = arith.constant 0 : index
    %swap3A_1176 = vector.load %arg13[%swap3A_1172, %swap3A_1173, %swap3A_1174, %swap3A_1175] : memref<8x14x14x256xf32, #tpu.memory_space<vmem>>, vector<1x1x14x256xf32>
    %swap3A_1177 = vector.shape_cast %swap3A_1176 : vector<1x1x14x256xf32> to vector<14x256xf32>
    %swap3A_1178 = vector.shape_cast %add3A_1171 : vector<14x256xf32> to vector<1x1x14x256xf32>
    tpu.vector_store %arg13[%swap3A_1172, %swap3A_1173, %swap3A_1174, %swap3A_1175], %swap3A_1178 {strides = array<i32>} : memref<8x14x14x256xf32, #tpu.memory_space<vmem>>, vector<1x1x14x256xf32>,
    %mul3A_1179 = arith.constant 112 : i32
    %mul3A_1180 = arith.muli %arg0, %mul3A_1179 : i32
    %add3A_1181 = arith.constant 28 : i32
    %add3A_1182 = arith.addi %mul3A_1180, %add3A_1181 : i32
    %add3A_1183 = arith.constant 8 : i32
    %add3A_1184 = arith.addi %add3A_1182, %add3A_1183 : i32
    %get3A_1185 = arith.index_cast %add3A_1184 : i32 to index
    %get3A_1186 = memref.load %arg1[%get3A_1185] : memref<14000xi32, #tpu.memory_space<smem>>
    %mul3A_1187 = arith.constant 256 : i32
    %mul3A_1188 = arith.muli %get3A_1186, %mul3A_1187 : i32
    %multiple_of3A_1189 = tpu.assume_multiple %mul3A_1188, 256 : i32
    %get3A_1190 = arith.constant 32 : index
    %get3A_1191 = arith.index_cast %multiple_of3A_1189 : i32 to index
    %get3A_1192 = vector.load %arg14[%get3A_1190, %get3A_1191] : memref<128x16640xf32, #tpu.memory_space<vmem>>, vector<14x512xf32>
    %slice3A_1193 = vector.extract_strided_slice %get3A_1192 {offsets = [0, 0], sizes = [14, 256], strides = [1, 1]} : vector<14x512xf32> to vector<14x256xf32>
    %get3A_1194 = arith.index_cast %add3A_1184 : i32 to index
    %get3A_1195 = memref.load %arg2[%get3A_1194] : memref<14000xf32, #tpu.memory_space<smem>>
    %mul3A_1196 = vector.broadcast %get3A_1195 : f32 to vector<14x256xf32>
    %mul3A_1197 = arith.mulf %slice3A_1193, %mul3A_1196 : vector<14x256xf32>
    %slice3A_1198 = vector.extract_strided_slice %get3A_1192 {offsets = [0, 256], sizes = [14, 256], strides = [1, 1]} : vector<14x512xf32> to vector<14x256xf32>
    %get3A_1199 = arith.index_cast %add3A_1184 : i32 to index
    %get3A_1200 = memref.load %arg3[%get3A_1199] : memref<14000xf32, #tpu.memory_space<smem>>
    %mul3A_1201 = vector.broadcast %get3A_1200 : f32 to vector<14x256xf32>
    %mul3A_1202 = arith.mulf %slice3A_1198, %mul3A_1201 : vector<14x256xf32>
    %add3A_1203 = arith.addf %mul3A_1197, %mul3A_1202 : vector<14x256xf32>
    %swap3A_1204 = arith.constant 2 : index
    %swap3A_1205 = arith.constant 8 : index
    %swap3A_1206 = arith.constant 0 : index
    %swap3A_1207 = arith.constant 0 : index
    %swap3A_1208 = vector.load %arg13[%swap3A_1204, %swap3A_1205, %swap3A_1206, %swap3A_1207] : memref<8x14x14x256xf32, #tpu.memory_space<vmem>>, vector<1x1x14x256xf32>
    %swap3A_1209 = vector.shape_cast %swap3A_1208 : vector<1x1x14x256xf32> to vector<14x256xf32>
    %swap3A_1210 = vector.shape_cast %add3A_1203 : vector<14x256xf32> to vector<1x1x14x256xf32>
    tpu.vector_store %arg13[%swap3A_1204, %swap3A_1205, %swap3A_1206, %swap3A_1207], %swap3A_1210 {strides = array<i32>} : memref<8x14x14x256xf32, #tpu.memory_space<vmem>>, vector<1x1x14x256xf32>,
    %mul3A_1211 = arith.constant 112 : i32
    %mul3A_1212 = arith.muli %arg0, %mul3A_1211 : i32
    %add3A_1213 = arith.constant 28 : i32
    %add3A_1214 = arith.addi %mul3A_1212, %add3A_1213 : i32
    %add3A_1215 = arith.constant 9 : i32
    %add3A_1216 = arith.addi %add3A_1214, %add3A_1215 : i32
    %get3A_1217 = arith.index_cast %add3A_1216 : i32 to index
    %get3A_1218 = memref.load %arg1[%get3A_1217] : memref<14000xi32, #tpu.memory_space<smem>>
    %mul3A_1219 = arith.constant 256 : i32
    %mul3A_1220 = arith.muli %get3A_1218, %mul3A_1219 : i32
    %multiple_of3A_1221 = tpu.assume_multiple %mul3A_1220, 256 : i32
    %get3A_1222 = arith.constant 32 : index
    %get3A_1223 = arith.index_cast %multiple_of3A_1221 : i32 to index
    %get3A_1224 = vector.load %arg14[%get3A_1222, %get3A_1223] : memref<128x16640xf32, #tpu.memory_space<vmem>>, vector<14x512xf32>
    %slice3A_1225 = vector.extract_strided_slice %get3A_1224 {offsets = [0, 0], sizes = [14, 256], strides = [1, 1]} : vector<14x512xf32> to vector<14x256xf32>
    %get3A_1226 = arith.index_cast %add3A_1216 : i32 to index
    %get3A_1227 = memref.load %arg2[%get3A_1226] : memref<14000xf32, #tpu.memory_space<smem>>
    %mul3A_1228 = vector.broadcast %get3A_1227 : f32 to vector<14x256xf32>
    %mul3A_1229 = arith.mulf %slice3A_1225, %mul3A_1228 : vector<14x256xf32>
    %slice3A_1230 = vector.extract_strided_slice %get3A_1224 {offsets = [0, 256], sizes = [14, 256], strides = [1, 1]} : vector<14x512xf32> to vector<14x256xf32>
    %get3A_1231 = arith.index_cast %add3A_1216 : i32 to index
    %get3A_1232 = memref.load %arg3[%get3A_1231] : memref<14000xf32, #tpu.memory_space<smem>>
    %mul3A_1233 = vector.broadcast %get3A_1232 : f32 to vector<14x256xf32>
    %mul3A_1234 = arith.mulf %slice3A_1230, %mul3A_1233 : vector<14x256xf32>
    %add3A_1235 = arith.addf %mul3A_1229, %mul3A_1234 : vector<14x256xf32>
    %swap3A_1236 = arith.constant 2 : index
    %swap3A_1237 = arith.constant 9 : index
    %swap3A_1238 = arith.constant 0 : index
    %swap3A_1239 = arith.constant 0 : index
    %swap3A_1240 = vector.load %arg13[%swap3A_1236, %swap3A_1237, %swap3A_1238, %swap3A_1239] : memref<8x14x14x256xf32, #tpu.memory_space<vmem>>, vector<1x1x14x256xf32>
    %swap3A_1241 = vector.shape_cast %swap3A_1240 : vector<1x1x14x256xf32> to vector<14x256xf32>
    %swap3A_1242 = vector.shape_cast %add3A_1235 : vector<14x256xf32> to vector<1x1x14x256xf32>
    tpu.vector_store %arg13[%swap3A_1236, %swap3A_1237, %swap3A_1238, %swap3A_1239], %swap3A_1242 {strides = array<i32>} : memref<8x14x14x256xf32, #tpu.memory_space<vmem>>, vector<1x1x14x256xf32>,
    %mul3A_1243 = arith.constant 112 : i32
    %mul3A_1244 = arith.muli %arg0, %mul3A_1243 : i32
    %add3A_1245 = arith.constant 28 : i32
    %add3A_1246 = arith.addi %mul3A_1244, %add3A_1245 : i32
    %add3A_1247 = arith.constant 10 : i32
    %add3A_1248 = arith.addi %add3A_1246, %add3A_1247 : i32
    %get3A_1249 = arith.index_cast %add3A_1248 : i32 to index
    %get3A_1250 = memref.load %arg1[%get3A_1249] : memref<14000xi32, #tpu.memory_space<smem>>
    %mul3A_1251 = arith.constant 256 : i32
    %mul3A_1252 = arith.muli %get3A_1250, %mul3A_1251 : i32
    %multiple_of3A_1253 = tpu.assume_multiple %mul3A_1252, 256 : i32
    %get3A_1254 = arith.constant 32 : index
    %get3A_1255 = arith.index_cast %multiple_of3A_1253 : i32 to index
    %get3A_1256 = vector.load %arg14[%get3A_1254, %get3A_1255] : memref<128x16640xf32, #tpu.memory_space<vmem>>, vector<14x512xf32>
    %slice3A_1257 = vector.extract_strided_slice %get3A_1256 {offsets = [0, 0], sizes = [14, 256], strides = [1, 1]} : vector<14x512xf32> to vector<14x256xf32>
    %get3A_1258 = arith.index_cast %add3A_1248 : i32 to index
    %get3A_1259 = memref.load %arg2[%get3A_1258] : memref<14000xf32, #tpu.memory_space<smem>>
    %mul3A_1260 = vector.broadcast %get3A_1259 : f32 to vector<14x256xf32>
    %mul3A_1261 = arith.mulf %slice3A_1257, %mul3A_1260 : vector<14x256xf32>
    %slice3A_1262 = vector.extract_strided_slice %get3A_1256 {offsets = [0, 256], sizes = [14, 256], strides = [1, 1]} : vector<14x512xf32> to vector<14x256xf32>
    %get3A_1263 = arith.index_cast %add3A_1248 : i32 to index
    %get3A_1264 = memref.load %arg3[%get3A_1263] : memref<14000xf32, #tpu.memory_space<smem>>
    %mul3A_1265 = vector.broadcast %get3A_1264 : f32 to vector<14x256xf32>
    %mul3A_1266 = arith.mulf %slice3A_1262, %mul3A_1265 : vector<14x256xf32>
    %add3A_1267 = arith.addf %mul3A_1261, %mul3A_1266 : vector<14x256xf32>
    %swap3A_1268 = arith.constant 2 : index
    %swap3A_1269 = arith.constant 10 : index
    %swap3A_1270 = arith.constant 0 : index
    %swap3A_1271 = arith.constant 0 : index
    %swap3A_1272 = vector.load %arg13[%swap3A_1268, %swap3A_1269, %swap3A_1270, %swap3A_1271] : memref<8x14x14x256xf32, #tpu.memory_space<vmem>>, vector<1x1x14x256xf32>
    %swap3A_1273 = vector.shape_cast %swap3A_1272 : vector<1x1x14x256xf32> to vector<14x256xf32>
    %swap3A_1274 = vector.shape_cast %add3A_1267 : vector<14x256xf32> to vector<1x1x14x256xf32>
    tpu.vector_store %arg13[%swap3A_1268, %swap3A_1269, %swap3A_1270, %swap3A_1271], %swap3A_1274 {strides = array<i32>} : memref<8x14x14x256xf32, #tpu.memory_space<vmem>>, vector<1x1x14x256xf32>,
    %mul3A_1275 = arith.constant 112 : i32
    %mul3A_1276 = arith.muli %arg0, %mul3A_1275 : i32
    %add3A_1277 = arith.constant 28 : i32
    %add3A_1278 = arith.addi %mul3A_1276, %add3A_1277 : i32
    %add3A_1279 = arith.constant 11 : i32
    %add3A_1280 = arith.addi %add3A_1278, %add3A_1279 : i32
    %get3A_1281 = arith.index_cast %add3A_1280 : i32 to index
    %get3A_1282 = memref.load %arg1[%get3A_1281] : memref<14000xi32, #tpu.memory_space<smem>>
    %mul3A_1283 = arith.constant 256 : i32
    %mul3A_1284 = arith.muli %get3A_1282, %mul3A_1283 : i32
    %multiple_of3A_1285 = tpu.assume_multiple %mul3A_1284, 256 : i32
    %get3A_1286 = arith.constant 32 : index
    %get3A_1287 = arith.index_cast %multiple_of3A_1285 : i32 to index
    %get3A_1288 = vector.load %arg14[%get3A_1286, %get3A_1287] : memref<128x16640xf32, #tpu.memory_space<vmem>>, vector<14x512xf32>
    %slice3A_1289 = vector.extract_strided_slice %get3A_1288 {offsets = [0, 0], sizes = [14, 256], strides = [1, 1]} : vector<14x512xf32> to vector<14x256xf32>
    %get3A_1290 = arith.index_cast %add3A_1280 : i32 to index
    %get3A_1291 = memref.load %arg2[%get3A_1290] : memref<14000xf32, #tpu.memory_space<smem>>
    %mul3A_1292 = vector.broadcast %get3A_1291 : f32 to vector<14x256xf32>
    %mul3A_1293 = arith.mulf %slice3A_1289, %mul3A_1292 : vector<14x256xf32>
    %slice3A_1294 = vector.extract_strided_slice %get3A_1288 {offsets = [0, 256], sizes = [14, 256], strides = [1, 1]} : vector<14x512xf32> to vector<14x256xf32>
    %get3A_1295 = arith.index_cast %add3A_1280 : i32 to index
    %get3A_1296 = memref.load %arg3[%get3A_1295] : memref<14000xf32, #tpu.memory_space<smem>>
    %mul3A_1297 = vector.broadcast %get3A_1296 : f32 to vector<14x256xf32>
    %mul3A_1298 = arith.mulf %slice3A_1294, %mul3A_1297 : vector<14x256xf32>
    %add3A_1299 = arith.addf %mul3A_1293, %mul3A_1298 : vector<14x256xf32>
    %swap3A_1300 = arith.constant 2 : index
    %swap3A_1301 = arith.constant 11 : index
    %swap3A_1302 = arith.constant 0 : index
    %swap3A_1303 = arith.constant 0 : index
    %swap3A_1304 = vector.load %arg13[%swap3A_1300, %swap3A_1301, %swap3A_1302, %swap3A_1303] : memref<8x14x14x256xf32, #tpu.memory_space<vmem>>, vector<1x1x14x256xf32>
    %swap3A_1305 = vector.shape_cast %swap3A_1304 : vector<1x1x14x256xf32> to vector<14x256xf32>
    %swap3A_1306 = vector.shape_cast %add3A_1299 : vector<14x256xf32> to vector<1x1x14x256xf32>
    tpu.vector_store %arg13[%swap3A_1300, %swap3A_1301, %swap3A_1302, %swap3A_1303], %swap3A_1306 {strides = array<i32>} : memref<8x14x14x256xf32, #tpu.memory_space<vmem>>, vector<1x1x14x256xf32>,
    %mul3A_1307 = arith.constant 112 : i32
    %mul3A_1308 = arith.muli %arg0, %mul3A_1307 : i32
    %add3A_1309 = arith.constant 28 : i32
    %add3A_1310 = arith.addi %mul3A_1308, %add3A_1309 : i32
    %add3A_1311 = arith.constant 12 : i32
    %add3A_1312 = arith.addi %add3A_1310, %add3A_1311 : i32
    %get3A_1313 = arith.index_cast %add3A_1312 : i32 to index
    %get3A_1314 = memref.load %arg1[%get3A_1313] : memref<14000xi32, #tpu.memory_space<smem>>
    %mul3A_1315 = arith.constant 256 : i32
    %mul3A_1316 = arith.muli %get3A_1314, %mul3A_1315 : i32
    %multiple_of3A_1317 = tpu.assume_multiple %mul3A_1316, 256 : i32
    %get3A_1318 = arith.constant 32 : index
    %get3A_1319 = arith.index_cast %multiple_of3A_1317 : i32 to index
    %get3A_1320 = vector.load %arg14[%get3A_1318, %get3A_1319] : memref<128x16640xf32, #tpu.memory_space<vmem>>, vector<14x512xf32>
    %slice3A_1321 = vector.extract_strided_slice %get3A_1320 {offsets = [0, 0], sizes = [14, 256], strides = [1, 1]} : vector<14x512xf32> to vector<14x256xf32>
    %get3A_1322 = arith.index_cast %add3A_1312 : i32 to index
    %get3A_1323 = memref.load %arg2[%get3A_1322] : memref<14000xf32, #tpu.memory_space<smem>>
    %mul3A_1324 = vector.broadcast %get3A_1323 : f32 to vector<14x256xf32>
    %mul3A_1325 = arith.mulf %slice3A_1321, %mul3A_1324 : vector<14x256xf32>
    %slice3A_1326 = vector.extract_strided_slice %get3A_1320 {offsets = [0, 256], sizes = [14, 256], strides = [1, 1]} : vector<14x512xf32> to vector<14x256xf32>
    %get3A_1327 = arith.index_cast %add3A_1312 : i32 to index
    %get3A_1328 = memref.load %arg3[%get3A_1327] : memref<14000xf32, #tpu.memory_space<smem>>
    %mul3A_1329 = vector.broadcast %get3A_1328 : f32 to vector<14x256xf32>
    %mul3A_1330 = arith.mulf %slice3A_1326, %mul3A_1329 : vector<14x256xf32>
    %add3A_1331 = arith.addf %mul3A_1325, %mul3A_1330 : vector<14x256xf32>
    %swap3A_1332 = arith.constant 2 : index
    %swap3A_1333 = arith.constant 12 : index
    %swap3A_1334 = arith.constant 0 : index
    %swap3A_1335 = arith.constant 0 : index
    %swap3A_1336 = vector.load %arg13[%swap3A_1332, %swap3A_1333, %swap3A_1334, %swap3A_1335] : memref<8x14x14x256xf32, #tpu.memory_space<vmem>>, vector<1x1x14x256xf32>
    %swap3A_1337 = vector.shape_cast %swap3A_1336 : vector<1x1x14x256xf32> to vector<14x256xf32>
    %swap3A_1338 = vector.shape_cast %add3A_1331 : vector<14x256xf32> to vector<1x1x14x256xf32>
    tpu.vector_store %arg13[%swap3A_1332, %swap3A_1333, %swap3A_1334, %swap3A_1335], %swap3A_1338 {strides = array<i32>} : memref<8x14x14x256xf32, #tpu.memory_space<vmem>>, vector<1x1x14x256xf32>,
    %mul3A_1339 = arith.constant 112 : i32
    %mul3A_1340 = arith.muli %arg0, %mul3A_1339 : i32
    %add3A_1341 = arith.constant 28 : i32
    %add3A_1342 = arith.addi %mul3A_1340, %add3A_1341 : i32
    %add3A_1343 = arith.constant 13 : i32
    %add3A_1344 = arith.addi %add3A_1342, %add3A_1343 : i32
    %get3A_1345 = arith.index_cast %add3A_1344 : i32 to index
    %get3A_1346 = memref.load %arg1[%get3A_1345] : memref<14000xi32, #tpu.memory_space<smem>>
    %mul3A_1347 = arith.constant 256 : i32
    %mul3A_1348 = arith.muli %get3A_1346, %mul3A_1347 : i32
    %multiple_of3A_1349 = tpu.assume_multiple %mul3A_1348, 256 : i32
    %get3A_1350 = arith.constant 32 : index
    %get3A_1351 = arith.index_cast %multiple_of3A_1349 : i32 to index
    %get3A_1352 = vector.load %arg14[%get3A_1350, %get3A_1351] : memref<128x16640xf32, #tpu.memory_space<vmem>>, vector<14x512xf32>
    %slice3A_1353 = vector.extract_strided_slice %get3A_1352 {offsets = [0, 0], sizes = [14, 256], strides = [1, 1]} : vector<14x512xf32> to vector<14x256xf32>
    %get3A_1354 = arith.index_cast %add3A_1344 : i32 to index
    %get3A_1355 = memref.load %arg2[%get3A_1354] : memref<14000xf32, #tpu.memory_space<smem>>
    %mul3A_1356 = vector.broadcast %get3A_1355 : f32 to vector<14x256xf32>
    %mul3A_1357 = arith.mulf %slice3A_1353, %mul3A_1356 : vector<14x256xf32>
    %slice3A_1358 = vector.extract_strided_slice %get3A_1352 {offsets = [0, 256], sizes = [14, 256], strides = [1, 1]} : vector<14x512xf32> to vector<14x256xf32>
    %get3A_1359 = arith.index_cast %add3A_1344 : i32 to index
    %get3A_1360 = memref.load %arg3[%get3A_1359] : memref<14000xf32, #tpu.memory_space<smem>>
    %mul3A_1361 = vector.broadcast %get3A_1360 : f32 to vector<14x256xf32>
    %mul3A_1362 = arith.mulf %slice3A_1358, %mul3A_1361 : vector<14x256xf32>
    %add3A_1363 = arith.addf %mul3A_1357, %mul3A_1362 : vector<14x256xf32>
    %swap3A_1364 = arith.constant 2 : index
    %swap3A_1365 = arith.constant 13 : index
    %swap3A_1366 = arith.constant 0 : index
    %swap3A_1367 = arith.constant 0 : index
    %swap3A_1368 = vector.load %arg13[%swap3A_1364, %swap3A_1365, %swap3A_1366, %swap3A_1367] : memref<8x14x14x256xf32, #tpu.memory_space<vmem>>, vector<1x1x14x256xf32>
    %swap3A_1369 = vector.shape_cast %swap3A_1368 : vector<1x1x14x256xf32> to vector<14x256xf32>
    %swap3A_1370 = vector.shape_cast %add3A_1363 : vector<14x256xf32> to vector<1x1x14x256xf32>
    tpu.vector_store %arg13[%swap3A_1364, %swap3A_1365, %swap3A_1366, %swap3A_1367], %swap3A_1370 {strides = array<i32>} : memref<8x14x14x256xf32, #tpu.memory_space<vmem>>, vector<1x1x14x256xf32>,
    %mul3A_1371 = arith.constant 112 : i32
    %mul3A_1372 = arith.muli %arg0, %mul3A_1371 : i32
    %add3A_1373 = arith.constant 42 : i32
    %add3A_1374 = arith.addi %mul3A_1372, %add3A_1373 : i32
    %add3A_1375 = arith.constant 0 : i32
    %add3A_1376 = arith.addi %add3A_1374, %add3A_1375 : i32
    %get3A_1377 = arith.index_cast %add3A_1376 : i32 to index
    %get3A_1378 = memref.load %arg1[%get3A_1377] : memref<14000xi32, #tpu.memory_space<smem>>
    %mul3A_1379 = arith.constant 256 : i32
    %mul3A_1380 = arith.muli %get3A_1378, %mul3A_1379 : i32
    %multiple_of3A_1381 = tpu.assume_multiple %mul3A_1380, 256 : i32
    %get3A_1382 = arith.constant 48 : index
    %get3A_1383 = arith.index_cast %multiple_of3A_1381 : i32 to index
    %get3A_1384 = vector.load %arg14[%get3A_1382, %get3A_1383] : memref<128x16640xf32, #tpu.memory_space<vmem>>, vector<14x512xf32>
    %slice3A_1385 = vector.extract_strided_slice %get3A_1384 {offsets = [0, 0], sizes = [14, 256], strides = [1, 1]} : vector<14x512xf32> to vector<14x256xf32>
    %get3A_1386 = arith.index_cast %add3A_1376 : i32 to index
    %get3A_1387 = memref.load %arg2[%get3A_1386] : memref<14000xf32, #tpu.memory_space<smem>>
    %mul3A_1388 = vector.broadcast %get3A_1387 : f32 to vector<14x256xf32>
    %mul3A_1389 = arith.mulf %slice3A_1385, %mul3A_1388 : vector<14x256xf32>
    %slice3A_1390 = vector.extract_strided_slice %get3A_1384 {offsets = [0, 256], sizes = [14, 256], strides = [1, 1]} : vector<14x512xf32> to vector<14x256xf32>
    %get3A_1391 = arith.index_cast %add3A_1376 : i32 to index
    %get3A_1392 = memref.load %arg3[%get3A_1391] : memref<14000xf32, #tpu.memory_space<smem>>
    %mul3A_1393 = vector.broadcast %get3A_1392 : f32 to vector<14x256xf32>
    %mul3A_1394 = arith.mulf %slice3A_1390, %mul3A_1393 : vector<14x256xf32>
    %add3A_1395 = arith.addf %mul3A_1389, %mul3A_1394 : vector<14x256xf32>
    %swap3A_1396 = arith.constant 3 : index
    %swap3A_1397 = arith.constant 0 : index
    %swap3A_1398 = arith.constant 0 : index
    %swap3A_1399 = arith.constant 0 : index
    %swap3A_1400 = vector.load %arg13[%swap3A_1396, %swap3A_1397, %swap3A_1398, %swap3A_1399] : memref<8x14x14x256xf32, #tpu.memory_space<vmem>>, vector<1x1x14x256xf32>
    %swap3A_1401 = vector.shape_cast %swap3A_1400 : vector<1x1x14x256xf32> to vector<14x256xf32>
    %swap3A_1402 = vector.shape_cast %add3A_1395 : vector<14x256xf32> to vector<1x1x14x256xf32>
    tpu.vector_store %arg13[%swap3A_1396, %swap3A_1397, %swap3A_1398, %swap3A_1399], %swap3A_1402 {strides = array<i32>} : memref<8x14x14x256xf32, #tpu.memory_space<vmem>>, vector<1x1x14x256xf32>,
    %mul3A_1403 = arith.constant 112 : i32
    %mul3A_1404 = arith.muli %arg0, %mul3A_1403 : i32
    %add3A_1405 = arith.constant 42 : i32
    %add3A_1406 = arith.addi %mul3A_1404, %add3A_1405 : i32
    %add3A_1407 = arith.constant 1 : i32
    %add3A_1408 = arith.addi %add3A_1406, %add3A_1407 : i32
    %get3A_1409 = arith.index_cast %add3A_1408 : i32 to index
    %get3A_1410 = memref.load %arg1[%get3A_1409] : memref<14000xi32, #tpu.memory_space<smem>>
    %mul3A_1411 = arith.constant 256 : i32
    %mul3A_1412 = arith.muli %get3A_1410, %mul3A_1411 : i32
    %multiple_of3A_1413 = tpu.assume_multiple %mul3A_1412, 256 : i32
    %get3A_1414 = arith.constant 48 : index
    %get3A_1415 = arith.index_cast %multiple_of3A_1413 : i32 to index
    %get3A_1416 = vector.load %arg14[%get3A_1414, %get3A_1415] : memref<128x16640xf32, #tpu.memory_space<vmem>>, vector<14x512xf32>
    %slice3A_1417 = vector.extract_strided_slice %get3A_1416 {offsets = [0, 0], sizes = [14, 256], strides = [1, 1]} : vector<14x512xf32> to vector<14x256xf32>
    %get3A_1418 = arith.index_cast %add3A_1408 : i32 to index
    %get3A_1419 = memref.load %arg2[%get3A_1418] : memref<14000xf32, #tpu.memory_space<smem>>
    %mul3A_1420 = vector.broadcast %get3A_1419 : f32 to vector<14x256xf32>
    %mul3A_1421 = arith.mulf %slice3A_1417, %mul3A_1420 : vector<14x256xf32>
    %slice3A_1422 = vector.extract_strided_slice %get3A_1416 {offsets = [0, 256], sizes = [14, 256], strides = [1, 1]} : vector<14x512xf32> to vector<14x256xf32>
    %get3A_1423 = arith.index_cast %add3A_1408 : i32 to index
    %get3A_1424 = memref.load %arg3[%get3A_1423] : memref<14000xf32, #tpu.memory_space<smem>>
    %mul3A_1425 = vector.broadcast %get3A_1424 : f32 to vector<14x256xf32>
    %mul3A_1426 = arith.mulf %slice3A_1422, %mul3A_1425 : vector<14x256xf32>
    %add3A_1427 = arith.addf %mul3A_1421, %mul3A_1426 : vector<14x256xf32>
    %swap3A_1428 = arith.constant 3 : index
    %swap3A_1429 = arith.constant 1 : index
    %swap3A_1430 = arith.constant 0 : index
    %swap3A_1431 = arith.constant 0 : index
    %swap3A_1432 = vector.load %arg13[%swap3A_1428, %swap3A_1429, %swap3A_1430, %swap3A_1431] : memref<8x14x14x256xf32, #tpu.memory_space<vmem>>, vector<1x1x14x256xf32>
    %swap3A_1433 = vector.shape_cast %swap3A_1432 : vector<1x1x14x256xf32> to vector<14x256xf32>
    %swap3A_1434 = vector.shape_cast %add3A_1427 : vector<14x256xf32> to vector<1x1x14x256xf32>
    tpu.vector_store %arg13[%swap3A_1428, %swap3A_1429, %swap3A_1430, %swap3A_1431], %swap3A_1434 {strides = array<i32>} : memref<8x14x14x256xf32, #tpu.memory_space<vmem>>, vector<1x1x14x256xf32>,
    %mul3A_1435 = arith.constant 112 : i32
    %mul3A_1436 = arith.muli %arg0, %mul3A_1435 : i32
    %add3A_1437 = arith.constant 42 : i32
    %add3A_1438 = arith.addi %mul3A_1436, %add3A_1437 : i32
    %add3A_1439 = arith.constant 2 : i32
    %add3A_1440 = arith.addi %add3A_1438, %add3A_1439 : i32
    %get3A_1441 = arith.index_cast %add3A_1440 : i32 to index
    %get3A_1442 = memref.load %arg1[%get3A_1441] : memref<14000xi32, #tpu.memory_space<smem>>
    %mul3A_1443 = arith.constant 256 : i32
    %mul3A_1444 = arith.muli %get3A_1442, %mul3A_1443 : i32
    %multiple_of3A_1445 = tpu.assume_multiple %mul3A_1444, 256 : i32
    %get3A_1446 = arith.constant 48 : index
    %get3A_1447 = arith.index_cast %multiple_of3A_1445 : i32 to index
    %get3A_1448 = vector.load %arg14[%get3A_1446, %get3A_1447] : memref<128x16640xf32, #tpu.memory_space<vmem>>, vector<14x512xf32>
    %slice3A_1449 = vector.extract_strided_slice %get3A_1448 {offsets = [0, 0], sizes = [14, 256], strides = [1, 1]} : vector<14x512xf32> to vector<14x256xf32>
    %get3A_1450 = arith.index_cast %add3A_1440 : i32 to index
    %get3A_1451 = memref.load %arg2[%get3A_1450] : memref<14000xf32, #tpu.memory_space<smem>>
    %mul3A_1452 = vector.broadcast %get3A_1451 : f32 to vector<14x256xf32>
    %mul3A_1453 = arith.mulf %slice3A_1449, %mul3A_1452 : vector<14x256xf32>
    %slice3A_1454 = vector.extract_strided_slice %get3A_1448 {offsets = [0, 256], sizes = [14, 256], strides = [1, 1]} : vector<14x512xf32> to vector<14x256xf32>
    %get3A_1455 = arith.index_cast %add3A_1440 : i32 to index
    %get3A_1456 = memref.load %arg3[%get3A_1455] : memref<14000xf32, #tpu.memory_space<smem>>
    %mul3A_1457 = vector.broadcast %get3A_1456 : f32 to vector<14x256xf32>
    %mul3A_1458 = arith.mulf %slice3A_1454, %mul3A_1457 : vector<14x256xf32>
    %add3A_1459 = arith.addf %mul3A_1453, %mul3A_1458 : vector<14x256xf32>
    %swap3A_1460 = arith.constant 3 : index
    %swap3A_1461 = arith.constant 2 : index
    %swap3A_1462 = arith.constant 0 : index
    %swap3A_1463 = arith.constant 0 : index
    %swap3A_1464 = vector.load %arg13[%swap3A_1460, %swap3A_1461, %swap3A_1462, %swap3A_1463] : memref<8x14x14x256xf32, #tpu.memory_space<vmem>>, vector<1x1x14x256xf32>
    %swap3A_1465 = vector.shape_cast %swap3A_1464 : vector<1x1x14x256xf32> to vector<14x256xf32>
    %swap3A_1466 = vector.shape_cast %add3A_1459 : vector<14x256xf32> to vector<1x1x14x256xf32>
    tpu.vector_store %arg13[%swap3A_1460, %swap3A_1461, %swap3A_1462, %swap3A_1463], %swap3A_1466 {strides = array<i32>} : memref<8x14x14x256xf32, #tpu.memory_space<vmem>>, vector<1x1x14x256xf32>,
    %mul3A_1467 = arith.constant 112 : i32
    %mul3A_1468 = arith.muli %arg0, %mul3A_1467 : i32
    %add3A_1469 = arith.constant 42 : i32
    %add3A_1470 = arith.addi %mul3A_1468, %add3A_1469 : i32
    %add3A_1471 = arith.constant 3 : i32
    %add3A_1472 = arith.addi %add3A_1470, %add3A_1471 : i32
    %get3A_1473 = arith.index_cast %add3A_1472 : i32 to index
    %get3A_1474 = memref.load %arg1[%get3A_1473] : memref<14000xi32, #tpu.memory_space<smem>>
    %mul3A_1475 = arith.constant 256 : i32
    %mul3A_1476 = arith.muli %get3A_1474, %mul3A_1475 : i32
    %multiple_of3A_1477 = tpu.assume_multiple %mul3A_1476, 256 : i32
    %get3A_1478 = arith.constant 48 : index
    %get3A_1479 = arith.index_cast %multiple_of3A_1477 : i32 to index
    %get3A_1480 = vector.load %arg14[%get3A_1478, %get3A_1479] : memref<128x16640xf32, #tpu.memory_space<vmem>>, vector<14x512xf32>
    %slice3A_1481 = vector.extract_strided_slice %get3A_1480 {offsets = [0, 0], sizes = [14, 256], strides = [1, 1]} : vector<14x512xf32> to vector<14x256xf32>
    %get3A_1482 = arith.index_cast %add3A_1472 : i32 to index
    %get3A_1483 = memref.load %arg2[%get3A_1482] : memref<14000xf32, #tpu.memory_space<smem>>
    %mul3A_1484 = vector.broadcast %get3A_1483 : f32 to vector<14x256xf32>
    %mul3A_1485 = arith.mulf %slice3A_1481, %mul3A_1484 : vector<14x256xf32>
    %slice3A_1486 = vector.extract_strided_slice %get3A_1480 {offsets = [0, 256], sizes = [14, 256], strides = [1, 1]} : vector<14x512xf32> to vector<14x256xf32>
    %get3A_1487 = arith.index_cast %add3A_1472 : i32 to index
    %get3A_1488 = memref.load %arg3[%get3A_1487] : memref<14000xf32, #tpu.memory_space<smem>>
    %mul3A_1489 = vector.broadcast %get3A_1488 : f32 to vector<14x256xf32>
    %mul3A_1490 = arith.mulf %slice3A_1486, %mul3A_1489 : vector<14x256xf32>
    %add3A_1491 = arith.addf %mul3A_1485, %mul3A_1490 : vector<14x256xf32>
    %swap3A_1492 = arith.constant 3 : index
    %swap3A_1493 = arith.constant 3 : index
    %swap3A_1494 = arith.constant 0 : index
    %swap3A_1495 = arith.constant 0 : index
    %swap3A_1496 = vector.load %arg13[%swap3A_1492, %swap3A_1493, %swap3A_1494, %swap3A_1495] : memref<8x14x14x256xf32, #tpu.memory_space<vmem>>, vector<1x1x14x256xf32>
    %swap3A_1497 = vector.shape_cast %swap3A_1496 : vector<1x1x14x256xf32> to vector<14x256xf32>
    %swap3A_1498 = vector.shape_cast %add3A_1491 : vector<14x256xf32> to vector<1x1x14x256xf32>
    tpu.vector_store %arg13[%swap3A_1492, %swap3A_1493, %swap3A_1494, %swap3A_1495], %swap3A_1498 {strides = array<i32>} : memref<8x14x14x256xf32, #tpu.memory_space<vmem>>, vector<1x1x14x256xf32>,
    %mul3A_1499 = arith.constant 112 : i32
    %mul3A_1500 = arith.muli %arg0, %mul3A_1499 : i32
    %add3A_1501 = arith.constant 42 : i32
    %add3A_1502 = arith.addi %mul3A_1500, %add3A_1501 : i32
    %add3A_1503 = arith.constant 4 : i32
    %add3A_1504 = arith.addi %add3A_1502, %add3A_1503 : i32
    %get3A_1505 = arith.index_cast %add3A_1504 : i32 to index
    %get3A_1506 = memref.load %arg1[%get3A_1505] : memref<14000xi32, #tpu.memory_space<smem>>
    %mul3A_1507 = arith.constant 256 : i32
    %mul3A_1508 = arith.muli %get3A_1506, %mul3A_1507 : i32
    %multiple_of3A_1509 = tpu.assume_multiple %mul3A_1508, 256 : i32
    %get3A_1510 = arith.constant 48 : index
    %get3A_1511 = arith.index_cast %multiple_of3A_1509 : i32 to index
    %get3A_1512 = vector.load %arg14[%get3A_1510, %get3A_1511] : memref<128x16640xf32, #tpu.memory_space<vmem>>, vector<14x512xf32>
    %slice3A_1513 = vector.extract_strided_slice %get3A_1512 {offsets = [0, 0], sizes = [14, 256], strides = [1, 1]} : vector<14x512xf32> to vector<14x256xf32>
    %get3A_1514 = arith.index_cast %add3A_1504 : i32 to index
    %get3A_1515 = memref.load %arg2[%get3A_1514] : memref<14000xf32, #tpu.memory_space<smem>>
    %mul3A_1516 = vector.broadcast %get3A_1515 : f32 to vector<14x256xf32>
    %mul3A_1517 = arith.mulf %slice3A_1513, %mul3A_1516 : vector<14x256xf32>
    %slice3A_1518 = vector.extract_strided_slice %get3A_1512 {offsets = [0, 256], sizes = [14, 256], strides = [1, 1]} : vector<14x512xf32> to vector<14x256xf32>
    %get3A_1519 = arith.index_cast %add3A_1504 : i32 to index
    %get3A_1520 = memref.load %arg3[%get3A_1519] : memref<14000xf32, #tpu.memory_space<smem>>
    %mul3A_1521 = vector.broadcast %get3A_1520 : f32 to vector<14x256xf32>
    %mul3A_1522 = arith.mulf %slice3A_1518, %mul3A_1521 : vector<14x256xf32>
    %add3A_1523 = arith.addf %mul3A_1517, %mul3A_1522 : vector<14x256xf32>
    %swap3A_1524 = arith.constant 3 : index
    %swap3A_1525 = arith.constant 4 : index
    %swap3A_1526 = arith.constant 0 : index
    %swap3A_1527 = arith.constant 0 : index
    %swap3A_1528 = vector.load %arg13[%swap3A_1524, %swap3A_1525, %swap3A_1526, %swap3A_1527] : memref<8x14x14x256xf32, #tpu.memory_space<vmem>>, vector<1x1x14x256xf32>
    %swap3A_1529 = vector.shape_cast %swap3A_1528 : vector<1x1x14x256xf32> to vector<14x256xf32>
    %swap3A_1530 = vector.shape_cast %add3A_1523 : vector<14x256xf32> to vector<1x1x14x256xf32>
    tpu.vector_store %arg13[%swap3A_1524, %swap3A_1525, %swap3A_1526, %swap3A_1527], %swap3A_1530 {strides = array<i32>} : memref<8x14x14x256xf32, #tpu.memory_space<vmem>>, vector<1x1x14x256xf32>,
    %mul3A_1531 = arith.constant 112 : i32
    %mul3A_1532 = arith.muli %arg0, %mul3A_1531 : i32
    %add3A_1533 = arith.constant 42 : i32
    %add3A_1534 = arith.addi %mul3A_1532, %add3A_1533 : i32
    %add3A_1535 = arith.constant 5 : i32
    %add3A_1536 = arith.addi %add3A_1534, %add3A_1535 : i32
    %get3A_1537 = arith.index_cast %add3A_1536 : i32 to index
    %get3A_1538 = memref.load %arg1[%get3A_1537] : memref<14000xi32, #tpu.memory_space<smem>>
    %mul3A_1539 = arith.constant 256 : i32
    %mul3A_1540 = arith.muli %get3A_1538, %mul3A_1539 : i32
    %multiple_of3A_1541 = tpu.assume_multiple %mul3A_1540, 256 : i32
    %get3A_1542 = arith.constant 48 : index
    %get3A_1543 = arith.index_cast %multiple_of3A_1541 : i32 to index
    %get3A_1544 = vector.load %arg14[%get3A_1542, %get3A_1543] : memref<128x16640xf32, #tpu.memory_space<vmem>>, vector<14x512xf32>
    %slice3A_1545 = vector.extract_strided_slice %get3A_1544 {offsets = [0, 0], sizes = [14, 256], strides = [1, 1]} : vector<14x512xf32> to vector<14x256xf32>
    %get3A_1546 = arith.index_cast %add3A_1536 : i32 to index
    %get3A_1547 = memref.load %arg2[%get3A_1546] : memref<14000xf32, #tpu.memory_space<smem>>
    %mul3A_1548 = vector.broadcast %get3A_1547 : f32 to vector<14x256xf32>
    %mul3A_1549 = arith.mulf %slice3A_1545, %mul3A_1548 : vector<14x256xf32>
    %slice3A_1550 = vector.extract_strided_slice %get3A_1544 {offsets = [0, 256], sizes = [14, 256], strides = [1, 1]} : vector<14x512xf32> to vector<14x256xf32>
    %get3A_1551 = arith.index_cast %add3A_1536 : i32 to index
    %get3A_1552 = memref.load %arg3[%get3A_1551] : memref<14000xf32, #tpu.memory_space<smem>>
    %mul3A_1553 = vector.broadcast %get3A_1552 : f32 to vector<14x256xf32>
    %mul3A_1554 = arith.mulf %slice3A_1550, %mul3A_1553 : vector<14x256xf32>
    %add3A_1555 = arith.addf %mul3A_1549, %mul3A_1554 : vector<14x256xf32>
    %swap3A_1556 = arith.constant 3 : index
    %swap3A_1557 = arith.constant 5 : index
    %swap3A_1558 = arith.constant 0 : index
    %swap3A_1559 = arith.constant 0 : index
    %swap3A_1560 = vector.load %arg13[%swap3A_1556, %swap3A_1557, %swap3A_1558, %swap3A_1559] : memref<8x14x14x256xf32, #tpu.memory_space<vmem>>, vector<1x1x14x256xf32>
    %swap3A_1561 = vector.shape_cast %swap3A_1560 : vector<1x1x14x256xf32> to vector<14x256xf32>
    %swap3A_1562 = vector.shape_cast %add3A_1555 : vector<14x256xf32> to vector<1x1x14x256xf32>
    tpu.vector_store %arg13[%swap3A_1556, %swap3A_1557, %swap3A_1558, %swap3A_1559], %swap3A_1562 {strides = array<i32>} : memref<8x14x14x256xf32, #tpu.memory_space<vmem>>, vector<1x1x14x256xf32>,
    %mul3A_1563 = arith.constant 112 : i32
    %mul3A_1564 = arith.muli %arg0, %mul3A_1563 : i32
    %add3A_1565 = arith.constant 42 : i32
    %add3A_1566 = arith.addi %mul3A_1564, %add3A_1565 : i32
    %add3A_1567 = arith.constant 6 : i32
    %add3A_1568 = arith.addi %add3A_1566, %add3A_1567 : i32
    %get3A_1569 = arith.index_cast %add3A_1568 : i32 to index
    %get3A_1570 = memref.load %arg1[%get3A_1569] : memref<14000xi32, #tpu.memory_space<smem>>
    %mul3A_1571 = arith.constant 256 : i32
    %mul3A_1572 = arith.muli %get3A_1570, %mul3A_1571 : i32
    %multiple_of3A_1573 = tpu.assume_multiple %mul3A_1572, 256 : i32
    %get3A_1574 = arith.constant 48 : index
    %get3A_1575 = arith.index_cast %multiple_of3A_1573 : i32 to index
    %get3A_1576 = vector.load %arg14[%get3A_1574, %get3A_1575] : memref<128x16640xf32, #tpu.memory_space<vmem>>, vector<14x512xf32>
    %slice3A_1577 = vector.extract_strided_slice %get3A_1576 {offsets = [0, 0], sizes = [14, 256], strides = [1, 1]} : vector<14x512xf32> to vector<14x256xf32>
    %get3A_1578 = arith.index_cast %add3A_1568 : i32 to index
    %get3A_1579 = memref.load %arg2[%get3A_1578] : memref<14000xf32, #tpu.memory_space<smem>>
    %mul3A_1580 = vector.broadcast %get3A_1579 : f32 to vector<14x256xf32>
    %mul3A_1581 = arith.mulf %slice3A_1577, %mul3A_1580 : vector<14x256xf32>
    %slice3A_1582 = vector.extract_strided_slice %get3A_1576 {offsets = [0, 256], sizes = [14, 256], strides = [1, 1]} : vector<14x512xf32> to vector<14x256xf32>
    %get3A_1583 = arith.index_cast %add3A_1568 : i32 to index
    %get3A_1584 = memref.load %arg3[%get3A_1583] : memref<14000xf32, #tpu.memory_space<smem>>
    %mul3A_1585 = vector.broadcast %get3A_1584 : f32 to vector<14x256xf32>
    %mul3A_1586 = arith.mulf %slice3A_1582, %mul3A_1585 : vector<14x256xf32>
    %add3A_1587 = arith.addf %mul3A_1581, %mul3A_1586 : vector<14x256xf32>
    %swap3A_1588 = arith.constant 3 : index
    %swap3A_1589 = arith.constant 6 : index
    %swap3A_1590 = arith.constant 0 : index
    %swap3A_1591 = arith.constant 0 : index
    %swap3A_1592 = vector.load %arg13[%swap3A_1588, %swap3A_1589, %swap3A_1590, %swap3A_1591] : memref<8x14x14x256xf32, #tpu.memory_space<vmem>>, vector<1x1x14x256xf32>
    %swap3A_1593 = vector.shape_cast %swap3A_1592 : vector<1x1x14x256xf32> to vector<14x256xf32>
    %swap3A_1594 = vector.shape_cast %add3A_1587 : vector<14x256xf32> to vector<1x1x14x256xf32>
    tpu.vector_store %arg13[%swap3A_1588, %swap3A_1589, %swap3A_1590, %swap3A_1591], %swap3A_1594 {strides = array<i32>} : memref<8x14x14x256xf32, #tpu.memory_space<vmem>>, vector<1x1x14x256xf32>,
    %mul3A_1595 = arith.constant 112 : i32
    %mul3A_1596 = arith.muli %arg0, %mul3A_1595 : i32
    %add3A_1597 = arith.constant 42 : i32
    %add3A_1598 = arith.addi %mul3A_1596, %add3A_1597 : i32
    %add3A_1599 = arith.constant 7 : i32
    %add3A_1600 = arith.addi %add3A_1598, %add3A_1599 : i32
    %get3A_1601 = arith.index_cast %add3A_1600 : i32 to index
    %get3A_1602 = memref.load %arg1[%get3A_1601] : memref<14000xi32, #tpu.memory_space<smem>>
    %mul3A_1603 = arith.constant 256 : i32
    %mul3A_1604 = arith.muli %get3A_1602, %mul3A_1603 : i32
    %multiple_of3A_1605 = tpu.assume_multiple %mul3A_1604, 256 : i32
    %get3A_1606 = arith.constant 48 : index
    %get3A_1607 = arith.index_cast %multiple_of3A_1605 : i32 to index
    %get3A_1608 = vector.load %arg14[%get3A_1606, %get3A_1607] : memref<128x16640xf32, #tpu.memory_space<vmem>>, vector<14x512xf32>
    %slice3A_1609 = vector.extract_strided_slice %get3A_1608 {offsets = [0, 0], sizes = [14, 256], strides = [1, 1]} : vector<14x512xf32> to vector<14x256xf32>
    %get3A_1610 = arith.index_cast %add3A_1600 : i32 to index
    %get3A_1611 = memref.load %arg2[%get3A_1610] : memref<14000xf32, #tpu.memory_space<smem>>
    %mul3A_1612 = vector.broadcast %get3A_1611 : f32 to vector<14x256xf32>
    %mul3A_1613 = arith.mulf %slice3A_1609, %mul3A_1612 : vector<14x256xf32>
    %slice3A_1614 = vector.extract_strided_slice %get3A_1608 {offsets = [0, 256], sizes = [14, 256], strides = [1, 1]} : vector<14x512xf32> to vector<14x256xf32>
    %get3A_1615 = arith.index_cast %add3A_1600 : i32 to index
    %get3A_1616 = memref.load %arg3[%get3A_1615] : memref<14000xf32, #tpu.memory_space<smem>>
    %mul3A_1617 = vector.broadcast %get3A_1616 : f32 to vector<14x256xf32>
    %mul3A_1618 = arith.mulf %slice3A_1614, %mul3A_1617 : vector<14x256xf32>
    %add3A_1619 = arith.addf %mul3A_1613, %mul3A_1618 : vector<14x256xf32>
    %swap3A_1620 = arith.constant 3 : index
    %swap3A_1621 = arith.constant 7 : index
    %swap3A_1622 = arith.constant 0 : index
    %swap3A_1623 = arith.constant 0 : index
    %swap3A_1624 = vector.load %arg13[%swap3A_1620, %swap3A_1621, %swap3A_1622, %swap3A_1623] : memref<8x14x14x256xf32, #tpu.memory_space<vmem>>, vector<1x1x14x256xf32>
    %swap3A_1625 = vector.shape_cast %swap3A_1624 : vector<1x1x14x256xf32> to vector<14x256xf32>
    %swap3A_1626 = vector.shape_cast %add3A_1619 : vector<14x256xf32> to vector<1x1x14x256xf32>
    tpu.vector_store %arg13[%swap3A_1620, %swap3A_1621, %swap3A_1622, %swap3A_1623], %swap3A_1626 {strides = array<i32>} : memref<8x14x14x256xf32, #tpu.memory_space<vmem>>, vector<1x1x14x256xf32>,
    %mul3A_1627 = arith.constant 112 : i32
    %mul3A_1628 = arith.muli %arg0, %mul3A_1627 : i32
    %add3A_1629 = arith.constant 42 : i32
    %add3A_1630 = arith.addi %mul3A_1628, %add3A_1629 : i32
    %add3A_1631 = arith.constant 8 : i32
    %add3A_1632 = arith.addi %add3A_1630, %add3A_1631 : i32
    %get3A_1633 = arith.index_cast %add3A_1632 : i32 to index
    %get3A_1634 = memref.load %arg1[%get3A_1633] : memref<14000xi32, #tpu.memory_space<smem>>
    %mul3A_1635 = arith.constant 256 : i32
    %mul3A_1636 = arith.muli %get3A_1634, %mul3A_1635 : i32
    %multiple_of3A_1637 = tpu.assume_multiple %mul3A_1636, 256 : i32
    %get3A_1638 = arith.constant 48 : index
    %get3A_1639 = arith.index_cast %multiple_of3A_1637 : i32 to index
    %get3A_1640 = vector.load %arg14[%get3A_1638, %get3A_1639] : memref<128x16640xf32, #tpu.memory_space<vmem>>, vector<14x512xf32>
    %slice3A_1641 = vector.extract_strided_slice %get3A_1640 {offsets = [0, 0], sizes = [14, 256], strides = [1, 1]} : vector<14x512xf32> to vector<14x256xf32>
    %get3A_1642 = arith.index_cast %add3A_1632 : i32 to index
    %get3A_1643 = memref.load %arg2[%get3A_1642] : memref<14000xf32, #tpu.memory_space<smem>>
    %mul3A_1644 = vector.broadcast %get3A_1643 : f32 to vector<14x256xf32>
    %mul3A_1645 = arith.mulf %slice3A_1641, %mul3A_1644 : vector<14x256xf32>
    %slice3A_1646 = vector.extract_strided_slice %get3A_1640 {offsets = [0, 256], sizes = [14, 256], strides = [1, 1]} : vector<14x512xf32> to vector<14x256xf32>
    %get3A_1647 = arith.index_cast %add3A_1632 : i32 to index
    %get3A_1648 = memref.load %arg3[%get3A_1647] : memref<14000xf32, #tpu.memory_space<smem>>
    %mul3A_1649 = vector.broadcast %get3A_1648 : f32 to vector<14x256xf32>
    %mul3A_1650 = arith.mulf %slice3A_1646, %mul3A_1649 : vector<14x256xf32>
    %add3A_1651 = arith.addf %mul3A_1645, %mul3A_1650 : vector<14x256xf32>
    %swap3A_1652 = arith.constant 3 : index
    %swap3A_1653 = arith.constant 8 : index
    %swap3A_1654 = arith.constant 0 : index
    %swap3A_1655 = arith.constant 0 : index
    %swap3A_1656 = vector.load %arg13[%swap3A_1652, %swap3A_1653, %swap3A_1654, %swap3A_1655] : memref<8x14x14x256xf32, #tpu.memory_space<vmem>>, vector<1x1x14x256xf32>
    %swap3A_1657 = vector.shape_cast %swap3A_1656 : vector<1x1x14x256xf32> to vector<14x256xf32>
    %swap3A_1658 = vector.shape_cast %add3A_1651 : vector<14x256xf32> to vector<1x1x14x256xf32>
    tpu.vector_store %arg13[%swap3A_1652, %swap3A_1653, %swap3A_1654, %swap3A_1655], %swap3A_1658 {strides = array<i32>} : memref<8x14x14x256xf32, #tpu.memory_space<vmem>>, vector<1x1x14x256xf32>,
    %mul3A_1659 = arith.constant 112 : i32
    %mul3A_1660 = arith.muli %arg0, %mul3A_1659 : i32
    %add3A_1661 = arith.constant 42 : i32
    %add3A_1662 = arith.addi %mul3A_1660, %add3A_1661 : i32
    %add3A_1663 = arith.constant 9 : i32
    %add3A_1664 = arith.addi %add3A_1662, %add3A_1663 : i32
    %get3A_1665 = arith.index_cast %add3A_1664 : i32 to index
    %get3A_1666 = memref.load %arg1[%get3A_1665] : memref<14000xi32, #tpu.memory_space<smem>>
    %mul3A_1667 = arith.constant 256 : i32
    %mul3A_1668 = arith.muli %get3A_1666, %mul3A_1667 : i32
    %multiple_of3A_1669 = tpu.assume_multiple %mul3A_1668, 256 : i32
    %get3A_1670 = arith.constant 48 : index
    %get3A_1671 = arith.index_cast %multiple_of3A_1669 : i32 to index
    %get3A_1672 = vector.load %arg14[%get3A_1670, %get3A_1671] : memref<128x16640xf32, #tpu.memory_space<vmem>>, vector<14x512xf32>
    %slice3A_1673 = vector.extract_strided_slice %get3A_1672 {offsets = [0, 0], sizes = [14, 256], strides = [1, 1]} : vector<14x512xf32> to vector<14x256xf32>
    %get3A_1674 = arith.index_cast %add3A_1664 : i32 to index
    %get3A_1675 = memref.load %arg2[%get3A_1674] : memref<14000xf32, #tpu.memory_space<smem>>
    %mul3A_1676 = vector.broadcast %get3A_1675 : f32 to vector<14x256xf32>
    %mul3A_1677 = arith.mulf %slice3A_1673, %mul3A_1676 : vector<14x256xf32>
    %slice3A_1678 = vector.extract_strided_slice %get3A_1672 {offsets = [0, 256], sizes = [14, 256], strides = [1, 1]} : vector<14x512xf32> to vector<14x256xf32>
    %get3A_1679 = arith.index_cast %add3A_1664 : i32 to index
    %get3A_1680 = memref.load %arg3[%get3A_1679] : memref<14000xf32, #tpu.memory_space<smem>>
    %mul3A_1681 = vector.broadcast %get3A_1680 : f32 to vector<14x256xf32>
    %mul3A_1682 = arith.mulf %slice3A_1678, %mul3A_1681 : vector<14x256xf32>
    %add3A_1683 = arith.addf %mul3A_1677, %mul3A_1682 : vector<14x256xf32>
    %swap3A_1684 = arith.constant 3 : index
    %swap3A_1685 = arith.constant 9 : index
    %swap3A_1686 = arith.constant 0 : index
    %swap3A_1687 = arith.constant 0 : index
    %swap3A_1688 = vector.load %arg13[%swap3A_1684, %swap3A_1685, %swap3A_1686, %swap3A_1687] : memref<8x14x14x256xf32, #tpu.memory_space<vmem>>, vector<1x1x14x256xf32>
    %swap3A_1689 = vector.shape_cast %swap3A_1688 : vector<1x1x14x256xf32> to vector<14x256xf32>
    %swap3A_1690 = vector.shape_cast %add3A_1683 : vector<14x256xf32> to vector<1x1x14x256xf32>
    tpu.vector_store %arg13[%swap3A_1684, %swap3A_1685, %swap3A_1686, %swap3A_1687], %swap3A_1690 {strides = array<i32>} : memref<8x14x14x256xf32, #tpu.memory_space<vmem>>, vector<1x1x14x256xf32>,
    %mul3A_1691 = arith.constant 112 : i32
    %mul3A_1692 = arith.muli %arg0, %mul3A_1691 : i32
    %add3A_1693 = arith.constant 42 : i32
    %add3A_1694 = arith.addi %mul3A_1692, %add3A_1693 : i32
    %add3A_1695 = arith.constant 10 : i32
    %add3A_1696 = arith.addi %add3A_1694, %add3A_1695 : i32
    %get3A_1697 = arith.index_cast %add3A_1696 : i32 to index
    %get3A_1698 = memref.load %arg1[%get3A_1697] : memref<14000xi32, #tpu.memory_space<smem>>
    %mul3A_1699 = arith.constant 256 : i32
    %mul3A_1700 = arith.muli %get3A_1698, %mul3A_1699 : i32
    %multiple_of3A_1701 = tpu.assume_multiple %mul3A_1700, 256 : i32
    %get3A_1702 = arith.constant 48 : index
    %get3A_1703 = arith.index_cast %multiple_of3A_1701 : i32 to index
    %get3A_1704 = vector.load %arg14[%get3A_1702, %get3A_1703] : memref<128x16640xf32, #tpu.memory_space<vmem>>, vector<14x512xf32>
    %slice3A_1705 = vector.extract_strided_slice %get3A_1704 {offsets = [0, 0], sizes = [14, 256], strides = [1, 1]} : vector<14x512xf32> to vector<14x256xf32>
    %get3A_1706 = arith.index_cast %add3A_1696 : i32 to index
    %get3A_1707 = memref.load %arg2[%get3A_1706] : memref<14000xf32, #tpu.memory_space<smem>>
    %mul3A_1708 = vector.broadcast %get3A_1707 : f32 to vector<14x256xf32>
    %mul3A_1709 = arith.mulf %slice3A_1705, %mul3A_1708 : vector<14x256xf32>
    %slice3A_1710 = vector.extract_strided_slice %get3A_1704 {offsets = [0, 256], sizes = [14, 256], strides = [1, 1]} : vector<14x512xf32> to vector<14x256xf32>
    %get3A_1711 = arith.index_cast %add3A_1696 : i32 to index
    %get3A_1712 = memref.load %arg3[%get3A_1711] : memref<14000xf32, #tpu.memory_space<smem>>
    %mul3A_1713 = vector.broadcast %get3A_1712 : f32 to vector<14x256xf32>
    %mul3A_1714 = arith.mulf %slice3A_1710, %mul3A_1713 : vector<14x256xf32>
    %add3A_1715 = arith.addf %mul3A_1709, %mul3A_1714 : vector<14x256xf32>
    %swap3A_1716 = arith.constant 3 : index
    %swap3A_1717 = arith.constant 10 : index
    %swap3A_1718 = arith.constant 0 : index
    %swap3A_1719 = arith.constant 0 : index
    %swap3A_1720 = vector.load %arg13[%swap3A_1716, %swap3A_1717, %swap3A_1718, %swap3A_1719] : memref<8x14x14x256xf32, #tpu.memory_space<vmem>>, vector<1x1x14x256xf32>
    %swap3A_1721 = vector.shape_cast %swap3A_1720 : vector<1x1x14x256xf32> to vector<14x256xf32>
    %swap3A_1722 = vector.shape_cast %add3A_1715 : vector<14x256xf32> to vector<1x1x14x256xf32>
    tpu.vector_store %arg13[%swap3A_1716, %swap3A_1717, %swap3A_1718, %swap3A_1719], %swap3A_1722 {strides = array<i32>} : memref<8x14x14x256xf32, #tpu.memory_space<vmem>>, vector<1x1x14x256xf32>,
    %mul3A_1723 = arith.constant 112 : i32
    %mul3A_1724 = arith.muli %arg0, %mul3A_1723 : i32
    %add3A_1725 = arith.constant 42 : i32
    %add3A_1726 = arith.addi %mul3A_1724, %add3A_1725 : i32
    %add3A_1727 = arith.constant 11 : i32
    %add3A_1728 = arith.addi %add3A_1726, %add3A_1727 : i32
    %get3A_1729 = arith.index_cast %add3A_1728 : i32 to index
    %get3A_1730 = memref.load %arg1[%get3A_1729] : memref<14000xi32, #tpu.memory_space<smem>>
    %mul3A_1731 = arith.constant 256 : i32
    %mul3A_1732 = arith.muli %get3A_1730, %mul3A_1731 : i32
    %multiple_of3A_1733 = tpu.assume_multiple %mul3A_1732, 256 : i32
    %get3A_1734 = arith.constant 48 : index
    %get3A_1735 = arith.index_cast %multiple_of3A_1733 : i32 to index
    %get3A_1736 = vector.load %arg14[%get3A_1734, %get3A_1735] : memref<128x16640xf32, #tpu.memory_space<vmem>>, vector<14x512xf32>
    %slice3A_1737 = vector.extract_strided_slice %get3A_1736 {offsets = [0, 0], sizes = [14, 256], strides = [1, 1]} : vector<14x512xf32> to vector<14x256xf32>
    %get3A_1738 = arith.index_cast %add3A_1728 : i32 to index
    %get3A_1739 = memref.load %arg2[%get3A_1738] : memref<14000xf32, #tpu.memory_space<smem>>
    %mul3A_1740 = vector.broadcast %get3A_1739 : f32 to vector<14x256xf32>
    %mul3A_1741 = arith.mulf %slice3A_1737, %mul3A_1740 : vector<14x256xf32>
    %slice3A_1742 = vector.extract_strided_slice %get3A_1736 {offsets = [0, 256], sizes = [14, 256], strides = [1, 1]} : vector<14x512xf32> to vector<14x256xf32>
    %get3A_1743 = arith.index_cast %add3A_1728 : i32 to index
    %get3A_1744 = memref.load %arg3[%get3A_1743] : memref<14000xf32, #tpu.memory_space<smem>>
    %mul3A_1745 = vector.broadcast %get3A_1744 : f32 to vector<14x256xf32>
    %mul3A_1746 = arith.mulf %slice3A_1742, %mul3A_1745 : vector<14x256xf32>
    %add3A_1747 = arith.addf %mul3A_1741, %mul3A_1746 : vector<14x256xf32>
    %swap3A_1748 = arith.constant 3 : index
    %swap3A_1749 = arith.constant 11 : index
    %swap3A_1750 = arith.constant 0 : index
    %swap3A_1751 = arith.constant 0 : index
    %swap3A_1752 = vector.load %arg13[%swap3A_1748, %swap3A_1749, %swap3A_1750, %swap3A_1751] : memref<8x14x14x256xf32, #tpu.memory_space<vmem>>, vector<1x1x14x256xf32>
    %swap3A_1753 = vector.shape_cast %swap3A_1752 : vector<1x1x14x256xf32> to vector<14x256xf32>
    %swap3A_1754 = vector.shape_cast %add3A_1747 : vector<14x256xf32> to vector<1x1x14x256xf32>
    tpu.vector_store %arg13[%swap3A_1748, %swap3A_1749, %swap3A_1750, %swap3A_1751], %swap3A_1754 {strides = array<i32>} : memref<8x14x14x256xf32, #tpu.memory_space<vmem>>, vector<1x1x14x256xf32>,
    %mul3A_1755 = arith.constant 112 : i32
    %mul3A_1756 = arith.muli %arg0, %mul3A_1755 : i32
    %add3A_1757 = arith.constant 42 : i32
    %add3A_1758 = arith.addi %mul3A_1756, %add3A_1757 : i32
    %add3A_1759 = arith.constant 12 : i32
    %add3A_1760 = arith.addi %add3A_1758, %add3A_1759 : i32
    %get3A_1761 = arith.index_cast %add3A_1760 : i32 to index
    %get3A_1762 = memref.load %arg1[%get3A_1761] : memref<14000xi32, #tpu.memory_space<smem>>
    %mul3A_1763 = arith.constant 256 : i32
    %mul3A_1764 = arith.muli %get3A_1762, %mul3A_1763 : i32
    %multiple_of3A_1765 = tpu.assume_multiple %mul3A_1764, 256 : i32
    %get3A_1766 = arith.constant 48 : index
    %get3A_1767 = arith.index_cast %multiple_of3A_1765 : i32 to index
    %get3A_1768 = vector.load %arg14[%get3A_1766, %get3A_1767] : memref<128x16640xf32, #tpu.memory_space<vmem>>, vector<14x512xf32>
    %slice3A_1769 = vector.extract_strided_slice %get3A_1768 {offsets = [0, 0], sizes = [14, 256], strides = [1, 1]} : vector<14x512xf32> to vector<14x256xf32>
    %get3A_1770 = arith.index_cast %add3A_1760 : i32 to index
    %get3A_1771 = memref.load %arg2[%get3A_1770] : memref<14000xf32, #tpu.memory_space<smem>>
    %mul3A_1772 = vector.broadcast %get3A_1771 : f32 to vector<14x256xf32>
    %mul3A_1773 = arith.mulf %slice3A_1769, %mul3A_1772 : vector<14x256xf32>
    %slice3A_1774 = vector.extract_strided_slice %get3A_1768 {offsets = [0, 256], sizes = [14, 256], strides = [1, 1]} : vector<14x512xf32> to vector<14x256xf32>
    %get3A_1775 = arith.index_cast %add3A_1760 : i32 to index
    %get3A_1776 = memref.load %arg3[%get3A_1775] : memref<14000xf32, #tpu.memory_space<smem>>
    %mul3A_1777 = vector.broadcast %get3A_1776 : f32 to vector<14x256xf32>
    %mul3A_1778 = arith.mulf %slice3A_1774, %mul3A_1777 : vector<14x256xf32>
    %add3A_1779 = arith.addf %mul3A_1773, %mul3A_1778 : vector<14x256xf32>
    %swap3A_1780 = arith.constant 3 : index
    %swap3A_1781 = arith.constant 12 : index
    %swap3A_1782 = arith.constant 0 : index
    %swap3A_1783 = arith.constant 0 : index
    %swap3A_1784 = vector.load %arg13[%swap3A_1780, %swap3A_1781, %swap3A_1782, %swap3A_1783] : memref<8x14x14x256xf32, #tpu.memory_space<vmem>>, vector<1x1x14x256xf32>
    %swap3A_1785 = vector.shape_cast %swap3A_1784 : vector<1x1x14x256xf32> to vector<14x256xf32>
    %swap3A_1786 = vector.shape_cast %add3A_1779 : vector<14x256xf32> to vector<1x1x14x256xf32>
    tpu.vector_store %arg13[%swap3A_1780, %swap3A_1781, %swap3A_1782, %swap3A_1783], %swap3A_1786 {strides = array<i32>} : memref<8x14x14x256xf32, #tpu.memory_space<vmem>>, vector<1x1x14x256xf32>,
    %mul3A_1787 = arith.constant 112 : i32
    %mul3A_1788 = arith.muli %arg0, %mul3A_1787 : i32
    %add3A_1789 = arith.constant 42 : i32
    %add3A_1790 = arith.addi %mul3A_1788, %add3A_1789 : i32
    %add3A_1791 = arith.constant 13 : i32
    %add3A_1792 = arith.addi %add3A_1790, %add3A_1791 : i32
    %get3A_1793 = arith.index_cast %add3A_1792 : i32 to index
    %get3A_1794 = memref.load %arg1[%get3A_1793] : memref<14000xi32, #tpu.memory_space<smem>>
    %mul3A_1795 = arith.constant 256 : i32
    %mul3A_1796 = arith.muli %get3A_1794, %mul3A_1795 : i32
    %multiple_of3A_1797 = tpu.assume_multiple %mul3A_1796, 256 : i32
    %get3A_1798 = arith.constant 48 : index
    %get3A_1799 = arith.index_cast %multiple_of3A_1797 : i32 to index
    %get3A_1800 = vector.load %arg14[%get3A_1798, %get3A_1799] : memref<128x16640xf32, #tpu.memory_space<vmem>>, vector<14x512xf32>
    %slice3A_1801 = vector.extract_strided_slice %get3A_1800 {offsets = [0, 0], sizes = [14, 256], strides = [1, 1]} : vector<14x512xf32> to vector<14x256xf32>
    %get3A_1802 = arith.index_cast %add3A_1792 : i32 to index
    %get3A_1803 = memref.load %arg2[%get3A_1802] : memref<14000xf32, #tpu.memory_space<smem>>
    %mul3A_1804 = vector.broadcast %get3A_1803 : f32 to vector<14x256xf32>
    %mul3A_1805 = arith.mulf %slice3A_1801, %mul3A_1804 : vector<14x256xf32>
    %slice3A_1806 = vector.extract_strided_slice %get3A_1800 {offsets = [0, 256], sizes = [14, 256], strides = [1, 1]} : vector<14x512xf32> to vector<14x256xf32>
    %get3A_1807 = arith.index_cast %add3A_1792 : i32 to index
    %get3A_1808 = memref.load %arg3[%get3A_1807] : memref<14000xf32, #tpu.memory_space<smem>>
    %mul3A_1809 = vector.broadcast %get3A_1808 : f32 to vector<14x256xf32>
    %mul3A_1810 = arith.mulf %slice3A_1806, %mul3A_1809 : vector<14x256xf32>
    %add3A_1811 = arith.addf %mul3A_1805, %mul3A_1810 : vector<14x256xf32>
    %swap3A_1812 = arith.constant 3 : index
    %swap3A_1813 = arith.constant 13 : index
    %swap3A_1814 = arith.constant 0 : index
    %swap3A_1815 = arith.constant 0 : index
    %swap3A_1816 = vector.load %arg13[%swap3A_1812, %swap3A_1813, %swap3A_1814, %swap3A_1815] : memref<8x14x14x256xf32, #tpu.memory_space<vmem>>, vector<1x1x14x256xf32>
    %swap3A_1817 = vector.shape_cast %swap3A_1816 : vector<1x1x14x256xf32> to vector<14x256xf32>
    %swap3A_1818 = vector.shape_cast %add3A_1811 : vector<14x256xf32> to vector<1x1x14x256xf32>
    tpu.vector_store %arg13[%swap3A_1812, %swap3A_1813, %swap3A_1814, %swap3A_1815], %swap3A_1818 {strides = array<i32>} : memref<8x14x14x256xf32, #tpu.memory_space<vmem>>, vector<1x1x14x256xf32>,
    %mul3A_1819 = arith.constant 112 : i32
    %mul3A_1820 = arith.muli %arg0, %mul3A_1819 : i32
    %add3A_1821 = arith.constant 56 : i32
    %add3A_1822 = arith.addi %mul3A_1820, %add3A_1821 : i32
    %add3A_1823 = arith.constant 0 : i32
    %add3A_1824 = arith.addi %add3A_1822, %add3A_1823 : i32
    %get3A_1825 = arith.index_cast %add3A_1824 : i32 to index
    %get3A_1826 = memref.load %arg1[%get3A_1825] : memref<14000xi32, #tpu.memory_space<smem>>
    %mul3A_1827 = arith.constant 256 : i32
    %mul3A_1828 = arith.muli %get3A_1826, %mul3A_1827 : i32
    %multiple_of3A_1829 = tpu.assume_multiple %mul3A_1828, 256 : i32
    %get3A_1830 = arith.constant 64 : index
    %get3A_1831 = arith.index_cast %multiple_of3A_1829 : i32 to index
    %get3A_1832 = vector.load %arg14[%get3A_1830, %get3A_1831] : memref<128x16640xf32, #tpu.memory_space<vmem>>, vector<14x512xf32>
    %slice3A_1833 = vector.extract_strided_slice %get3A_1832 {offsets = [0, 0], sizes = [14, 256], strides = [1, 1]} : vector<14x512xf32> to vector<14x256xf32>
    %get3A_1834 = arith.index_cast %add3A_1824 : i32 to index
    %get3A_1835 = memref.load %arg2[%get3A_1834] : memref<14000xf32, #tpu.memory_space<smem>>
    %mul3A_1836 = vector.broadcast %get3A_1835 : f32 to vector<14x256xf32>
    %mul3A_1837 = arith.mulf %slice3A_1833, %mul3A_1836 : vector<14x256xf32>
    %slice3A_1838 = vector.extract_strided_slice %get3A_1832 {offsets = [0, 256], sizes = [14, 256], strides = [1, 1]} : vector<14x512xf32> to vector<14x256xf32>
    %get3A_1839 = arith.index_cast %add3A_1824 : i32 to index
    %get3A_1840 = memref.load %arg3[%get3A_1839] : memref<14000xf32, #tpu.memory_space<smem>>
    %mul3A_1841 = vector.broadcast %get3A_1840 : f32 to vector<14x256xf32>
    %mul3A_1842 = arith.mulf %slice3A_1838, %mul3A_1841 : vector<14x256xf32>
    %add3A_1843 = arith.addf %mul3A_1837, %mul3A_1842 : vector<14x256xf32>
    %swap3A_1844 = arith.constant 4 : index
    %swap3A_1845 = arith.constant 0 : index
    %swap3A_1846 = arith.constant 0 : index
    %swap3A_1847 = arith.constant 0 : index
    %swap3A_1848 = vector.load %arg13[%swap3A_1844, %swap3A_1845, %swap3A_1846, %swap3A_1847] : memref<8x14x14x256xf32, #tpu.memory_space<vmem>>, vector<1x1x14x256xf32>
    %swap3A_1849 = vector.shape_cast %swap3A_1848 : vector<1x1x14x256xf32> to vector<14x256xf32>
    %swap3A_1850 = vector.shape_cast %add3A_1843 : vector<14x256xf32> to vector<1x1x14x256xf32>
    tpu.vector_store %arg13[%swap3A_1844, %swap3A_1845, %swap3A_1846, %swap3A_1847], %swap3A_1850 {strides = array<i32>} : memref<8x14x14x256xf32, #tpu.memory_space<vmem>>, vector<1x1x14x256xf32>,
    %mul3A_1851 = arith.constant 112 : i32
    %mul3A_1852 = arith.muli %arg0, %mul3A_1851 : i32
    %add3A_1853 = arith.constant 56 : i32
    %add3A_1854 = arith.addi %mul3A_1852, %add3A_1853 : i32
    %add3A_1855 = arith.constant 1 : i32
    %add3A_1856 = arith.addi %add3A_1854, %add3A_1855 : i32
    %get3A_1857 = arith.index_cast %add3A_1856 : i32 to index
    %get3A_1858 = memref.load %arg1[%get3A_1857] : memref<14000xi32, #tpu.memory_space<smem>>
    %mul3A_1859 = arith.constant 256 : i32
    %mul3A_1860 = arith.muli %get3A_1858, %mul3A_1859 : i32
    %multiple_of3A_1861 = tpu.assume_multiple %mul3A_1860, 256 : i32
    %get3A_1862 = arith.constant 64 : index
    %get3A_1863 = arith.index_cast %multiple_of3A_1861 : i32 to index
    %get3A_1864 = vector.load %arg14[%get3A_1862, %get3A_1863] : memref<128x16640xf32, #tpu.memory_space<vmem>>, vector<14x512xf32>
    %slice3A_1865 = vector.extract_strided_slice %get3A_1864 {offsets = [0, 0], sizes = [14, 256], strides = [1, 1]} : vector<14x512xf32> to vector<14x256xf32>
    %get3A_1866 = arith.index_cast %add3A_1856 : i32 to index
    %get3A_1867 = memref.load %arg2[%get3A_1866] : memref<14000xf32, #tpu.memory_space<smem>>
    %mul3A_1868 = vector.broadcast %get3A_1867 : f32 to vector<14x256xf32>
    %mul3A_1869 = arith.mulf %slice3A_1865, %mul3A_1868 : vector<14x256xf32>
    %slice3A_1870 = vector.extract_strided_slice %get3A_1864 {offsets = [0, 256], sizes = [14, 256], strides = [1, 1]} : vector<14x512xf32> to vector<14x256xf32>
    %get3A_1871 = arith.index_cast %add3A_1856 : i32 to index
    %get3A_1872 = memref.load %arg3[%get3A_1871] : memref<14000xf32, #tpu.memory_space<smem>>
    %mul3A_1873 = vector.broadcast %get3A_1872 : f32 to vector<14x256xf32>
    %mul3A_1874 = arith.mulf %slice3A_1870, %mul3A_1873 : vector<14x256xf32>
    %add3A_1875 = arith.addf %mul3A_1869, %mul3A_1874 : vector<14x256xf32>
    %swap3A_1876 = arith.constant 4 : index
    %swap3A_1877 = arith.constant 1 : index
    %swap3A_1878 = arith.constant 0 : index
    %swap3A_1879 = arith.constant 0 : index
    %swap3A_1880 = vector.load %arg13[%swap3A_1876, %swap3A_1877, %swap3A_1878, %swap3A_1879] : memref<8x14x14x256xf32, #tpu.memory_space<vmem>>, vector<1x1x14x256xf32>
    %swap3A_1881 = vector.shape_cast %swap3A_1880 : vector<1x1x14x256xf32> to vector<14x256xf32>
    %swap3A_1882 = vector.shape_cast %add3A_1875 : vector<14x256xf32> to vector<1x1x14x256xf32>
    tpu.vector_store %arg13[%swap3A_1876, %swap3A_1877, %swap3A_1878, %swap3A_1879], %swap3A_1882 {strides = array<i32>} : memref<8x14x14x256xf32, #tpu.memory_space<vmem>>, vector<1x1x14x256xf32>,
    %mul3A_1883 = arith.constant 112 : i32
    %mul3A_1884 = arith.muli %arg0, %mul3A_1883 : i32
    %add3A_1885 = arith.constant 56 : i32
    %add3A_1886 = arith.addi %mul3A_1884, %add3A_1885 : i32
    %add3A_1887 = arith.constant 2 : i32
    %add3A_1888 = arith.addi %add3A_1886, %add3A_1887 : i32
    %get3A_1889 = arith.index_cast %add3A_1888 : i32 to index
    %get3A_1890 = memref.load %arg1[%get3A_1889] : memref<14000xi32, #tpu.memory_space<smem>>
    %mul3A_1891 = arith.constant 256 : i32
    %mul3A_1892 = arith.muli %get3A_1890, %mul3A_1891 : i32
    %multiple_of3A_1893 = tpu.assume_multiple %mul3A_1892, 256 : i32
    %get3A_1894 = arith.constant 64 : index
    %get3A_1895 = arith.index_cast %multiple_of3A_1893 : i32 to index
    %get3A_1896 = vector.load %arg14[%get3A_1894, %get3A_1895] : memref<128x16640xf32, #tpu.memory_space<vmem>>, vector<14x512xf32>
    %slice3A_1897 = vector.extract_strided_slice %get3A_1896 {offsets = [0, 0], sizes = [14, 256], strides = [1, 1]} : vector<14x512xf32> to vector<14x256xf32>
    %get3A_1898 = arith.index_cast %add3A_1888 : i32 to index
    %get3A_1899 = memref.load %arg2[%get3A_1898] : memref<14000xf32, #tpu.memory_space<smem>>
    %mul3A_1900 = vector.broadcast %get3A_1899 : f32 to vector<14x256xf32>
    %mul3A_1901 = arith.mulf %slice3A_1897, %mul3A_1900 : vector<14x256xf32>
    %slice3A_1902 = vector.extract_strided_slice %get3A_1896 {offsets = [0, 256], sizes = [14, 256], strides = [1, 1]} : vector<14x512xf32> to vector<14x256xf32>
    %get3A_1903 = arith.index_cast %add3A_1888 : i32 to index
    %get3A_1904 = memref.load %arg3[%get3A_1903] : memref<14000xf32, #tpu.memory_space<smem>>
    %mul3A_1905 = vector.broadcast %get3A_1904 : f32 to vector<14x256xf32>
    %mul3A_1906 = arith.mulf %slice3A_1902, %mul3A_1905 : vector<14x256xf32>
    %add3A_1907 = arith.addf %mul3A_1901, %mul3A_1906 : vector<14x256xf32>
    %swap3A_1908 = arith.constant 4 : index
    %swap3A_1909 = arith.constant 2 : index
    %swap3A_1910 = arith.constant 0 : index
    %swap3A_1911 = arith.constant 0 : index
    %swap3A_1912 = vector.load %arg13[%swap3A_1908, %swap3A_1909, %swap3A_1910, %swap3A_1911] : memref<8x14x14x256xf32, #tpu.memory_space<vmem>>, vector<1x1x14x256xf32>
    %swap3A_1913 = vector.shape_cast %swap3A_1912 : vector<1x1x14x256xf32> to vector<14x256xf32>
    %swap3A_1914 = vector.shape_cast %add3A_1907 : vector<14x256xf32> to vector<1x1x14x256xf32>
    tpu.vector_store %arg13[%swap3A_1908, %swap3A_1909, %swap3A_1910, %swap3A_1911], %swap3A_1914 {strides = array<i32>} : memref<8x14x14x256xf32, #tpu.memory_space<vmem>>, vector<1x1x14x256xf32>,
    %mul3A_1915 = arith.constant 112 : i32
    %mul3A_1916 = arith.muli %arg0, %mul3A_1915 : i32
    %add3A_1917 = arith.constant 56 : i32
    %add3A_1918 = arith.addi %mul3A_1916, %add3A_1917 : i32
    %add3A_1919 = arith.constant 3 : i32
    %add3A_1920 = arith.addi %add3A_1918, %add3A_1919 : i32
    %get3A_1921 = arith.index_cast %add3A_1920 : i32 to index
    %get3A_1922 = memref.load %arg1[%get3A_1921] : memref<14000xi32, #tpu.memory_space<smem>>
    %mul3A_1923 = arith.constant 256 : i32
    %mul3A_1924 = arith.muli %get3A_1922, %mul3A_1923 : i32
    %multiple_of3A_1925 = tpu.assume_multiple %mul3A_1924, 256 : i32
    %get3A_1926 = arith.constant 64 : index
    %get3A_1927 = arith.index_cast %multiple_of3A_1925 : i32 to index
    %get3A_1928 = vector.load %arg14[%get3A_1926, %get3A_1927] : memref<128x16640xf32, #tpu.memory_space<vmem>>, vector<14x512xf32>
    %slice3A_1929 = vector.extract_strided_slice %get3A_1928 {offsets = [0, 0], sizes = [14, 256], strides = [1, 1]} : vector<14x512xf32> to vector<14x256xf32>
    %get3A_1930 = arith.index_cast %add3A_1920 : i32 to index
    %get3A_1931 = memref.load %arg2[%get3A_1930] : memref<14000xf32, #tpu.memory_space<smem>>
    %mul3A_1932 = vector.broadcast %get3A_1931 : f32 to vector<14x256xf32>
    %mul3A_1933 = arith.mulf %slice3A_1929, %mul3A_1932 : vector<14x256xf32>
    %slice3A_1934 = vector.extract_strided_slice %get3A_1928 {offsets = [0, 256], sizes = [14, 256], strides = [1, 1]} : vector<14x512xf32> to vector<14x256xf32>
    %get3A_1935 = arith.index_cast %add3A_1920 : i32 to index
    %get3A_1936 = memref.load %arg3[%get3A_1935] : memref<14000xf32, #tpu.memory_space<smem>>
    %mul3A_1937 = vector.broadcast %get3A_1936 : f32 to vector<14x256xf32>
    %mul3A_1938 = arith.mulf %slice3A_1934, %mul3A_1937 : vector<14x256xf32>
    %add3A_1939 = arith.addf %mul3A_1933, %mul3A_1938 : vector<14x256xf32>
    %swap3A_1940 = arith.constant 4 : index
    %swap3A_1941 = arith.constant 3 : index
    %swap3A_1942 = arith.constant 0 : index
    %swap3A_1943 = arith.constant 0 : index
    %swap3A_1944 = vector.load %arg13[%swap3A_1940, %swap3A_1941, %swap3A_1942, %swap3A_1943] : memref<8x14x14x256xf32, #tpu.memory_space<vmem>>, vector<1x1x14x256xf32>
    %swap3A_1945 = vector.shape_cast %swap3A_1944 : vector<1x1x14x256xf32> to vector<14x256xf32>
    %swap3A_1946 = vector.shape_cast %add3A_1939 : vector<14x256xf32> to vector<1x1x14x256xf32>
    tpu.vector_store %arg13[%swap3A_1940, %swap3A_1941, %swap3A_1942, %swap3A_1943], %swap3A_1946 {strides = array<i32>} : memref<8x14x14x256xf32, #tpu.memory_space<vmem>>, vector<1x1x14x256xf32>,
    %mul3A_1947 = arith.constant 112 : i32
    %mul3A_1948 = arith.muli %arg0, %mul3A_1947 : i32
    %add3A_1949 = arith.constant 56 : i32
    %add3A_1950 = arith.addi %mul3A_1948, %add3A_1949 : i32
    %add3A_1951 = arith.constant 4 : i32
    %add3A_1952 = arith.addi %add3A_1950, %add3A_1951 : i32
    %get3A_1953 = arith.index_cast %add3A_1952 : i32 to index
    %get3A_1954 = memref.load %arg1[%get3A_1953] : memref<14000xi32, #tpu.memory_space<smem>>
    %mul3A_1955 = arith.constant 256 : i32
    %mul3A_1956 = arith.muli %get3A_1954, %mul3A_1955 : i32
    %multiple_of3A_1957 = tpu.assume_multiple %mul3A_1956, 256 : i32
    %get3A_1958 = arith.constant 64 : index
    %get3A_1959 = arith.index_cast %multiple_of3A_1957 : i32 to index
    %get3A_1960 = vector.load %arg14[%get3A_1958, %get3A_1959] : memref<128x16640xf32, #tpu.memory_space<vmem>>, vector<14x512xf32>
    %slice3A_1961 = vector.extract_strided_slice %get3A_1960 {offsets = [0, 0], sizes = [14, 256], strides = [1, 1]} : vector<14x512xf32> to vector<14x256xf32>
    %get3A_1962 = arith.index_cast %add3A_1952 : i32 to index
    %get3A_1963 = memref.load %arg2[%get3A_1962] : memref<14000xf32, #tpu.memory_space<smem>>
    %mul3A_1964 = vector.broadcast %get3A_1963 : f32 to vector<14x256xf32>
    %mul3A_1965 = arith.mulf %slice3A_1961, %mul3A_1964 : vector<14x256xf32>
    %slice3A_1966 = vector.extract_strided_slice %get3A_1960 {offsets = [0, 256], sizes = [14, 256], strides = [1, 1]} : vector<14x512xf32> to vector<14x256xf32>
    %get3A_1967 = arith.index_cast %add3A_1952 : i32 to index
    %get3A_1968 = memref.load %arg3[%get3A_1967] : memref<14000xf32, #tpu.memory_space<smem>>
    %mul3A_1969 = vector.broadcast %get3A_1968 : f32 to vector<14x256xf32>
    %mul3A_1970 = arith.mulf %slice3A_1966, %mul3A_1969 : vector<14x256xf32>
    %add3A_1971 = arith.addf %mul3A_1965, %mul3A_1970 : vector<14x256xf32>
    %swap3A_1972 = arith.constant 4 : index
    %swap3A_1973 = arith.constant 4 : index
    %swap3A_1974 = arith.constant 0 : index
    %swap3A_1975 = arith.constant 0 : index
    %swap3A_1976 = vector.load %arg13[%swap3A_1972, %swap3A_1973, %swap3A_1974, %swap3A_1975] : memref<8x14x14x256xf32, #tpu.memory_space<vmem>>, vector<1x1x14x256xf32>
    %swap3A_1977 = vector.shape_cast %swap3A_1976 : vector<1x1x14x256xf32> to vector<14x256xf32>
    %swap3A_1978 = vector.shape_cast %add3A_1971 : vector<14x256xf32> to vector<1x1x14x256xf32>
    tpu.vector_store %arg13[%swap3A_1972, %swap3A_1973, %swap3A_1974, %swap3A_1975], %swap3A_1978 {strides = array<i32>} : memref<8x14x14x256xf32, #tpu.memory_space<vmem>>, vector<1x1x14x256xf32>,
    %mul3A_1979 = arith.constant 112 : i32
    %mul3A_1980 = arith.muli %arg0, %mul3A_1979 : i32
    %add3A_1981 = arith.constant 56 : i32
    %add3A_1982 = arith.addi %mul3A_1980, %add3A_1981 : i32
    %add3A_1983 = arith.constant 5 : i32
    %add3A_1984 = arith.addi %add3A_1982, %add3A_1983 : i32
    %get3A_1985 = arith.index_cast %add3A_1984 : i32 to index
    %get3A_1986 = memref.load %arg1[%get3A_1985] : memref<14000xi32, #tpu.memory_space<smem>>
    %mul3A_1987 = arith.constant 256 : i32
    %mul3A_1988 = arith.muli %get3A_1986, %mul3A_1987 : i32
    %multiple_of3A_1989 = tpu.assume_multiple %mul3A_1988, 256 : i32
    %get3A_1990 = arith.constant 64 : index
    %get3A_1991 = arith.index_cast %multiple_of3A_1989 : i32 to index
    %get3A_1992 = vector.load %arg14[%get3A_1990, %get3A_1991] : memref<128x16640xf32, #tpu.memory_space<vmem>>, vector<14x512xf32>
    %slice3A_1993 = vector.extract_strided_slice %get3A_1992 {offsets = [0, 0], sizes = [14, 256], strides = [1, 1]} : vector<14x512xf32> to vector<14x256xf32>
    %get3A_1994 = arith.index_cast %add3A_1984 : i32 to index
    %get3A_1995 = memref.load %arg2[%get3A_1994] : memref<14000xf32, #tpu.memory_space<smem>>
    %mul3A_1996 = vector.broadcast %get3A_1995 : f32 to vector<14x256xf32>
    %mul3A_1997 = arith.mulf %slice3A_1993, %mul3A_1996 : vector<14x256xf32>
    %slice3A_1998 = vector.extract_strided_slice %get3A_1992 {offsets = [0, 256], sizes = [14, 256], strides = [1, 1]} : vector<14x512xf32> to vector<14x256xf32>
    %get3A_1999 = arith.index_cast %add3A_1984 : i32 to index
    %get3A_2000 = memref.load %arg3[%get3A_1999] : memref<14000xf32, #tpu.memory_space<smem>>
    %mul3A_2001 = vector.broadcast %get3A_2000 : f32 to vector<14x256xf32>
    %mul3A_2002 = arith.mulf %slice3A_1998, %mul3A_2001 : vector<14x256xf32>
    %add3A_2003 = arith.addf %mul3A_1997, %mul3A_2002 : vector<14x256xf32>
    %swap3A_2004 = arith.constant 4 : index
    %swap3A_2005 = arith.constant 5 : index
    %swap3A_2006 = arith.constant 0 : index
    %swap3A_2007 = arith.constant 0 : index
    %swap3A_2008 = vector.load %arg13[%swap3A_2004, %swap3A_2005, %swap3A_2006, %swap3A_2007] : memref<8x14x14x256xf32, #tpu.memory_space<vmem>>, vector<1x1x14x256xf32>
    %swap3A_2009 = vector.shape_cast %swap3A_2008 : vector<1x1x14x256xf32> to vector<14x256xf32>
    %swap3A_2010 = vector.shape_cast %add3A_2003 : vector<14x256xf32> to vector<1x1x14x256xf32>
    tpu.vector_store %arg13[%swap3A_2004, %swap3A_2005, %swap3A_2006, %swap3A_2007], %swap3A_2010 {strides = array<i32>} : memref<8x14x14x256xf32, #tpu.memory_space<vmem>>, vector<1x1x14x256xf32>,
    %mul3A_2011 = arith.constant 112 : i32
    %mul3A_2012 = arith.muli %arg0, %mul3A_2011 : i32
    %add3A_2013 = arith.constant 56 : i32
    %add3A_2014 = arith.addi %mul3A_2012, %add3A_2013 : i32
    %add3A_2015 = arith.constant 6 : i32
    %add3A_2016 = arith.addi %add3A_2014, %add3A_2015 : i32
    %get3A_2017 = arith.index_cast %add3A_2016 : i32 to index
    %get3A_2018 = memref.load %arg1[%get3A_2017] : memref<14000xi32, #tpu.memory_space<smem>>
    %mul3A_2019 = arith.constant 256 : i32
    %mul3A_2020 = arith.muli %get3A_2018, %mul3A_2019 : i32
    %multiple_of3A_2021 = tpu.assume_multiple %mul3A_2020, 256 : i32
    %get3A_2022 = arith.constant 64 : index
    %get3A_2023 = arith.index_cast %multiple_of3A_2021 : i32 to index
    %get3A_2024 = vector.load %arg14[%get3A_2022, %get3A_2023] : memref<128x16640xf32, #tpu.memory_space<vmem>>, vector<14x512xf32>
    %slice3A_2025 = vector.extract_strided_slice %get3A_2024 {offsets = [0, 0], sizes = [14, 256], strides = [1, 1]} : vector<14x512xf32> to vector<14x256xf32>
    %get3A_2026 = arith.index_cast %add3A_2016 : i32 to index
    %get3A_2027 = memref.load %arg2[%get3A_2026] : memref<14000xf32, #tpu.memory_space<smem>>
    %mul3A_2028 = vector.broadcast %get3A_2027 : f32 to vector<14x256xf32>
    %mul3A_2029 = arith.mulf %slice3A_2025, %mul3A_2028 : vector<14x256xf32>
    %slice3A_2030 = vector.extract_strided_slice %get3A_2024 {offsets = [0, 256], sizes = [14, 256], strides = [1, 1]} : vector<14x512xf32> to vector<14x256xf32>
    %get3A_2031 = arith.index_cast %add3A_2016 : i32 to index
    %get3A_2032 = memref.load %arg3[%get3A_2031] : memref<14000xf32, #tpu.memory_space<smem>>
    %mul3A_2033 = vector.broadcast %get3A_2032 : f32 to vector<14x256xf32>
    %mul3A_2034 = arith.mulf %slice3A_2030, %mul3A_2033 : vector<14x256xf32>
    %add3A_2035 = arith.addf %mul3A_2029, %mul3A_2034 : vector<14x256xf32>
    %swap3A_2036 = arith.constant 4 : index
    %swap3A_2037 = arith.constant 6 : index
    %swap3A_2038 = arith.constant 0 : index
    %swap3A_2039 = arith.constant 0 : index
    %swap3A_2040 = vector.load %arg13[%swap3A_2036, %swap3A_2037, %swap3A_2038, %swap3A_2039] : memref<8x14x14x256xf32, #tpu.memory_space<vmem>>, vector<1x1x14x256xf32>
    %swap3A_2041 = vector.shape_cast %swap3A_2040 : vector<1x1x14x256xf32> to vector<14x256xf32>
    %swap3A_2042 = vector.shape_cast %add3A_2035 : vector<14x256xf32> to vector<1x1x14x256xf32>
    tpu.vector_store %arg13[%swap3A_2036, %swap3A_2037, %swap3A_2038, %swap3A_2039], %swap3A_2042 {strides = array<i32>} : memref<8x14x14x256xf32, #tpu.memory_space<vmem>>, vector<1x1x14x256xf32>,
    %mul3A_2043 = arith.constant 112 : i32
    %mul3A_2044 = arith.muli %arg0, %mul3A_2043 : i32
    %add3A_2045 = arith.constant 56 : i32
    %add3A_2046 = arith.addi %mul3A_2044, %add3A_2045 : i32
    %add3A_2047 = arith.constant 7 : i32
    %add3A_2048 = arith.addi %add3A_2046, %add3A_2047 : i32
    %get3A_2049 = arith.index_cast %add3A_2048 : i32 to index
    %get3A_2050 = memref.load %arg1[%get3A_2049] : memref<14000xi32, #tpu.memory_space<smem>>
    %mul3A_2051 = arith.constant 256 : i32
    %mul3A_2052 = arith.muli %get3A_2050, %mul3A_2051 : i32
    %multiple_of3A_2053 = tpu.assume_multiple %mul3A_2052, 256 : i32
    %get3A_2054 = arith.constant 64 : index
    %get3A_2055 = arith.index_cast %multiple_of3A_2053 : i32 to index
    %get3A_2056 = vector.load %arg14[%get3A_2054, %get3A_2055] : memref<128x16640xf32, #tpu.memory_space<vmem>>, vector<14x512xf32>
    %slice3A_2057 = vector.extract_strided_slice %get3A_2056 {offsets = [0, 0], sizes = [14, 256], strides = [1, 1]} : vector<14x512xf32> to vector<14x256xf32>
    %get3A_2058 = arith.index_cast %add3A_2048 : i32 to index
    %get3A_2059 = memref.load %arg2[%get3A_2058] : memref<14000xf32, #tpu.memory_space<smem>>
    %mul3A_2060 = vector.broadcast %get3A_2059 : f32 to vector<14x256xf32>
    %mul3A_2061 = arith.mulf %slice3A_2057, %mul3A_2060 : vector<14x256xf32>
    %slice3A_2062 = vector.extract_strided_slice %get3A_2056 {offsets = [0, 256], sizes = [14, 256], strides = [1, 1]} : vector<14x512xf32> to vector<14x256xf32>
    %get3A_2063 = arith.index_cast %add3A_2048 : i32 to index
    %get3A_2064 = memref.load %arg3[%get3A_2063] : memref<14000xf32, #tpu.memory_space<smem>>
    %mul3A_2065 = vector.broadcast %get3A_2064 : f32 to vector<14x256xf32>
    %mul3A_2066 = arith.mulf %slice3A_2062, %mul3A_2065 : vector<14x256xf32>
    %add3A_2067 = arith.addf %mul3A_2061, %mul3A_2066 : vector<14x256xf32>
    %swap3A_2068 = arith.constant 4 : index
    %swap3A_2069 = arith.constant 7 : index
    %swap3A_2070 = arith.constant 0 : index
    %swap3A_2071 = arith.constant 0 : index
    %swap3A_2072 = vector.load %arg13[%swap3A_2068, %swap3A_2069, %swap3A_2070, %swap3A_2071] : memref<8x14x14x256xf32, #tpu.memory_space<vmem>>, vector<1x1x14x256xf32>
    %swap3A_2073 = vector.shape_cast %swap3A_2072 : vector<1x1x14x256xf32> to vector<14x256xf32>
    %swap3A_2074 = vector.shape_cast %add3A_2067 : vector<14x256xf32> to vector<1x1x14x256xf32>
    tpu.vector_store %arg13[%swap3A_2068, %swap3A_2069, %swap3A_2070, %swap3A_2071], %swap3A_2074 {strides = array<i32>} : memref<8x14x14x256xf32, #tpu.memory_space<vmem>>, vector<1x1x14x256xf32>,
    %mul3A_2075 = arith.constant 112 : i32
    %mul3A_2076 = arith.muli %arg0, %mul3A_2075 : i32
    %add3A_2077 = arith.constant 56 : i32
    %add3A_2078 = arith.addi %mul3A_2076, %add3A_2077 : i32
    %add3A_2079 = arith.constant 8 : i32
    %add3A_2080 = arith.addi %add3A_2078, %add3A_2079 : i32
    %get3A_2081 = arith.index_cast %add3A_2080 : i32 to index
    %get3A_2082 = memref.load %arg1[%get3A_2081] : memref<14000xi32, #tpu.memory_space<smem>>
    %mul3A_2083 = arith.constant 256 : i32
    %mul3A_2084 = arith.muli %get3A_2082, %mul3A_2083 : i32
    %multiple_of3A_2085 = tpu.assume_multiple %mul3A_2084, 256 : i32
    %get3A_2086 = arith.constant 64 : index
    %get3A_2087 = arith.index_cast %multiple_of3A_2085 : i32 to index
    %get3A_2088 = vector.load %arg14[%get3A_2086, %get3A_2087] : memref<128x16640xf32, #tpu.memory_space<vmem>>, vector<14x512xf32>
    %slice3A_2089 = vector.extract_strided_slice %get3A_2088 {offsets = [0, 0], sizes = [14, 256], strides = [1, 1]} : vector<14x512xf32> to vector<14x256xf32>
    %get3A_2090 = arith.index_cast %add3A_2080 : i32 to index
    %get3A_2091 = memref.load %arg2[%get3A_2090] : memref<14000xf32, #tpu.memory_space<smem>>
    %mul3A_2092 = vector.broadcast %get3A_2091 : f32 to vector<14x256xf32>
    %mul3A_2093 = arith.mulf %slice3A_2089, %mul3A_2092 : vector<14x256xf32>
    %slice3A_2094 = vector.extract_strided_slice %get3A_2088 {offsets = [0, 256], sizes = [14, 256], strides = [1, 1]} : vector<14x512xf32> to vector<14x256xf32>
    %get3A_2095 = arith.index_cast %add3A_2080 : i32 to index
    %get3A_2096 = memref.load %arg3[%get3A_2095] : memref<14000xf32, #tpu.memory_space<smem>>
    %mul3A_2097 = vector.broadcast %get3A_2096 : f32 to vector<14x256xf32>
    %mul3A_2098 = arith.mulf %slice3A_2094, %mul3A_2097 : vector<14x256xf32>
    %add3A_2099 = arith.addf %mul3A_2093, %mul3A_2098 : vector<14x256xf32>
    %swap3A_2100 = arith.constant 4 : index
    %swap3A_2101 = arith.constant 8 : index
    %swap3A_2102 = arith.constant 0 : index
    %swap3A_2103 = arith.constant 0 : index
    %swap3A_2104 = vector.load %arg13[%swap3A_2100, %swap3A_2101, %swap3A_2102, %swap3A_2103] : memref<8x14x14x256xf32, #tpu.memory_space<vmem>>, vector<1x1x14x256xf32>
    %swap3A_2105 = vector.shape_cast %swap3A_2104 : vector<1x1x14x256xf32> to vector<14x256xf32>
    %swap3A_2106 = vector.shape_cast %add3A_2099 : vector<14x256xf32> to vector<1x1x14x256xf32>
    tpu.vector_store %arg13[%swap3A_2100, %swap3A_2101, %swap3A_2102, %swap3A_2103], %swap3A_2106 {strides = array<i32>} : memref<8x14x14x256xf32, #tpu.memory_space<vmem>>, vector<1x1x14x256xf32>,
    %mul3A_2107 = arith.constant 112 : i32
    %mul3A_2108 = arith.muli %arg0, %mul3A_2107 : i32
    %add3A_2109 = arith.constant 56 : i32
    %add3A_2110 = arith.addi %mul3A_2108, %add3A_2109 : i32
    %add3A_2111 = arith.constant 9 : i32
    %add3A_2112 = arith.addi %add3A_2110, %add3A_2111 : i32
    %get3A_2113 = arith.index_cast %add3A_2112 : i32 to index
    %get3A_2114 = memref.load %arg1[%get3A_2113] : memref<14000xi32, #tpu.memory_space<smem>>
    %mul3A_2115 = arith.constant 256 : i32
    %mul3A_2116 = arith.muli %get3A_2114, %mul3A_2115 : i32
    %multiple_of3A_2117 = tpu.assume_multiple %mul3A_2116, 256 : i32
    %get3A_2118 = arith.constant 64 : index
    %get3A_2119 = arith.index_cast %multiple_of3A_2117 : i32 to index
    %get3A_2120 = vector.load %arg14[%get3A_2118, %get3A_2119] : memref<128x16640xf32, #tpu.memory_space<vmem>>, vector<14x512xf32>
    %slice3A_2121 = vector.extract_strided_slice %get3A_2120 {offsets = [0, 0], sizes = [14, 256], strides = [1, 1]} : vector<14x512xf32> to vector<14x256xf32>
    %get3A_2122 = arith.index_cast %add3A_2112 : i32 to index
    %get3A_2123 = memref.load %arg2[%get3A_2122] : memref<14000xf32, #tpu.memory_space<smem>>
    %mul3A_2124 = vector.broadcast %get3A_2123 : f32 to vector<14x256xf32>
    %mul3A_2125 = arith.mulf %slice3A_2121, %mul3A_2124 : vector<14x256xf32>
    %slice3A_2126 = vector.extract_strided_slice %get3A_2120 {offsets = [0, 256], sizes = [14, 256], strides = [1, 1]} : vector<14x512xf32> to vector<14x256xf32>
    %get3A_2127 = arith.index_cast %add3A_2112 : i32 to index
    %get3A_2128 = memref.load %arg3[%get3A_2127] : memref<14000xf32, #tpu.memory_space<smem>>
    %mul3A_2129 = vector.broadcast %get3A_2128 : f32 to vector<14x256xf32>
    %mul3A_2130 = arith.mulf %slice3A_2126, %mul3A_2129 : vector<14x256xf32>
    %add3A_2131 = arith.addf %mul3A_2125, %mul3A_2130 : vector<14x256xf32>
    %swap3A_2132 = arith.constant 4 : index
    %swap3A_2133 = arith.constant 9 : index
    %swap3A_2134 = arith.constant 0 : index
    %swap3A_2135 = arith.constant 0 : index
    %swap3A_2136 = vector.load %arg13[%swap3A_2132, %swap3A_2133, %swap3A_2134, %swap3A_2135] : memref<8x14x14x256xf32, #tpu.memory_space<vmem>>, vector<1x1x14x256xf32>
    %swap3A_2137 = vector.shape_cast %swap3A_2136 : vector<1x1x14x256xf32> to vector<14x256xf32>
    %swap3A_2138 = vector.shape_cast %add3A_2131 : vector<14x256xf32> to vector<1x1x14x256xf32>
    tpu.vector_store %arg13[%swap3A_2132, %swap3A_2133, %swap3A_2134, %swap3A_2135], %swap3A_2138 {strides = array<i32>} : memref<8x14x14x256xf32, #tpu.memory_space<vmem>>, vector<1x1x14x256xf32>,
    %mul3A_2139 = arith.constant 112 : i32
    %mul3A_2140 = arith.muli %arg0, %mul3A_2139 : i32
    %add3A_2141 = arith.constant 56 : i32
    %add3A_2142 = arith.addi %mul3A_2140, %add3A_2141 : i32
    %add3A_2143 = arith.constant 10 : i32
    %add3A_2144 = arith.addi %add3A_2142, %add3A_2143 : i32
    %get3A_2145 = arith.index_cast %add3A_2144 : i32 to index
    %get3A_2146 = memref.load %arg1[%get3A_2145] : memref<14000xi32, #tpu.memory_space<smem>>
    %mul3A_2147 = arith.constant 256 : i32
    %mul3A_2148 = arith.muli %get3A_2146, %mul3A_2147 : i32
    %multiple_of3A_2149 = tpu.assume_multiple %mul3A_2148, 256 : i32
    %get3A_2150 = arith.constant 64 : index
    %get3A_2151 = arith.index_cast %multiple_of3A_2149 : i32 to index
    %get3A_2152 = vector.load %arg14[%get3A_2150, %get3A_2151] : memref<128x16640xf32, #tpu.memory_space<vmem>>, vector<14x512xf32>
    %slice3A_2153 = vector.extract_strided_slice %get3A_2152 {offsets = [0, 0], sizes = [14, 256], strides = [1, 1]} : vector<14x512xf32> to vector<14x256xf32>
    %get3A_2154 = arith.index_cast %add3A_2144 : i32 to index
    %get3A_2155 = memref.load %arg2[%get3A_2154] : memref<14000xf32, #tpu.memory_space<smem>>
    %mul3A_2156 = vector.broadcast %get3A_2155 : f32 to vector<14x256xf32>
    %mul3A_2157 = arith.mulf %slice3A_2153, %mul3A_2156 : vector<14x256xf32>
    %slice3A_2158 = vector.extract_strided_slice %get3A_2152 {offsets = [0, 256], sizes = [14, 256], strides = [1, 1]} : vector<14x512xf32> to vector<14x256xf32>
    %get3A_2159 = arith.index_cast %add3A_2144 : i32 to index
    %get3A_2160 = memref.load %arg3[%get3A_2159] : memref<14000xf32, #tpu.memory_space<smem>>
    %mul3A_2161 = vector.broadcast %get3A_2160 : f32 to vector<14x256xf32>
    %mul3A_2162 = arith.mulf %slice3A_2158, %mul3A_2161 : vector<14x256xf32>
    %add3A_2163 = arith.addf %mul3A_2157, %mul3A_2162 : vector<14x256xf32>
    %swap3A_2164 = arith.constant 4 : index
    %swap3A_2165 = arith.constant 10 : index
    %swap3A_2166 = arith.constant 0 : index
    %swap3A_2167 = arith.constant 0 : index
    %swap3A_2168 = vector.load %arg13[%swap3A_2164, %swap3A_2165, %swap3A_2166, %swap3A_2167] : memref<8x14x14x256xf32, #tpu.memory_space<vmem>>, vector<1x1x14x256xf32>
    %swap3A_2169 = vector.shape_cast %swap3A_2168 : vector<1x1x14x256xf32> to vector<14x256xf32>
    %swap3A_2170 = vector.shape_cast %add3A_2163 : vector<14x256xf32> to vector<1x1x14x256xf32>
    tpu.vector_store %arg13[%swap3A_2164, %swap3A_2165, %swap3A_2166, %swap3A_2167], %swap3A_2170 {strides = array<i32>} : memref<8x14x14x256xf32, #tpu.memory_space<vmem>>, vector<1x1x14x256xf32>,
    %mul3A_2171 = arith.constant 112 : i32
    %mul3A_2172 = arith.muli %arg0, %mul3A_2171 : i32
    %add3A_2173 = arith.constant 56 : i32
    %add3A_2174 = arith.addi %mul3A_2172, %add3A_2173 : i32
    %add3A_2175 = arith.constant 11 : i32
    %add3A_2176 = arith.addi %add3A_2174, %add3A_2175 : i32
    %get3A_2177 = arith.index_cast %add3A_2176 : i32 to index
    %get3A_2178 = memref.load %arg1[%get3A_2177] : memref<14000xi32, #tpu.memory_space<smem>>
    %mul3A_2179 = arith.constant 256 : i32
    %mul3A_2180 = arith.muli %get3A_2178, %mul3A_2179 : i32
    %multiple_of3A_2181 = tpu.assume_multiple %mul3A_2180, 256 : i32
    %get3A_2182 = arith.constant 64 : index
    %get3A_2183 = arith.index_cast %multiple_of3A_2181 : i32 to index
    %get3A_2184 = vector.load %arg14[%get3A_2182, %get3A_2183] : memref<128x16640xf32, #tpu.memory_space<vmem>>, vector<14x512xf32>
    %slice3A_2185 = vector.extract_strided_slice %get3A_2184 {offsets = [0, 0], sizes = [14, 256], strides = [1, 1]} : vector<14x512xf32> to vector<14x256xf32>
    %get3A_2186 = arith.index_cast %add3A_2176 : i32 to index
    %get3A_2187 = memref.load %arg2[%get3A_2186] : memref<14000xf32, #tpu.memory_space<smem>>
    %mul3A_2188 = vector.broadcast %get3A_2187 : f32 to vector<14x256xf32>
    %mul3A_2189 = arith.mulf %slice3A_2185, %mul3A_2188 : vector<14x256xf32>
    %slice3A_2190 = vector.extract_strided_slice %get3A_2184 {offsets = [0, 256], sizes = [14, 256], strides = [1, 1]} : vector<14x512xf32> to vector<14x256xf32>
    %get3A_2191 = arith.index_cast %add3A_2176 : i32 to index
    %get3A_2192 = memref.load %arg3[%get3A_2191] : memref<14000xf32, #tpu.memory_space<smem>>
    %mul3A_2193 = vector.broadcast %get3A_2192 : f32 to vector<14x256xf32>
    %mul3A_2194 = arith.mulf %slice3A_2190, %mul3A_2193 : vector<14x256xf32>
    %add3A_2195 = arith.addf %mul3A_2189, %mul3A_2194 : vector<14x256xf32>
    %swap3A_2196 = arith.constant 4 : index
    %swap3A_2197 = arith.constant 11 : index
    %swap3A_2198 = arith.constant 0 : index
    %swap3A_2199 = arith.constant 0 : index
    %swap3A_2200 = vector.load %arg13[%swap3A_2196, %swap3A_2197, %swap3A_2198, %swap3A_2199] : memref<8x14x14x256xf32, #tpu.memory_space<vmem>>, vector<1x1x14x256xf32>
    %swap3A_2201 = vector.shape_cast %swap3A_2200 : vector<1x1x14x256xf32> to vector<14x256xf32>
    %swap3A_2202 = vector.shape_cast %add3A_2195 : vector<14x256xf32> to vector<1x1x14x256xf32>
    tpu.vector_store %arg13[%swap3A_2196, %swap3A_2197, %swap3A_2198, %swap3A_2199], %swap3A_2202 {strides = array<i32>} : memref<8x14x14x256xf32, #tpu.memory_space<vmem>>, vector<1x1x14x256xf32>,
    %mul3A_2203 = arith.constant 112 : i32
    %mul3A_2204 = arith.muli %arg0, %mul3A_2203 : i32
    %add3A_2205 = arith.constant 56 : i32
    %add3A_2206 = arith.addi %mul3A_2204, %add3A_2205 : i32
    %add3A_2207 = arith.constant 12 : i32
    %add3A_2208 = arith.addi %add3A_2206, %add3A_2207 : i32
    %get3A_2209 = arith.index_cast %add3A_2208 : i32 to index
    %get3A_2210 = memref.load %arg1[%get3A_2209] : memref<14000xi32, #tpu.memory_space<smem>>
    %mul3A_2211 = arith.constant 256 : i32
    %mul3A_2212 = arith.muli %get3A_2210, %mul3A_2211 : i32
    %multiple_of3A_2213 = tpu.assume_multiple %mul3A_2212, 256 : i32
    %get3A_2214 = arith.constant 64 : index
    %get3A_2215 = arith.index_cast %multiple_of3A_2213 : i32 to index
    %get3A_2216 = vector.load %arg14[%get3A_2214, %get3A_2215] : memref<128x16640xf32, #tpu.memory_space<vmem>>, vector<14x512xf32>
    %slice3A_2217 = vector.extract_strided_slice %get3A_2216 {offsets = [0, 0], sizes = [14, 256], strides = [1, 1]} : vector<14x512xf32> to vector<14x256xf32>
    %get3A_2218 = arith.index_cast %add3A_2208 : i32 to index
    %get3A_2219 = memref.load %arg2[%get3A_2218] : memref<14000xf32, #tpu.memory_space<smem>>
    %mul3A_2220 = vector.broadcast %get3A_2219 : f32 to vector<14x256xf32>
    %mul3A_2221 = arith.mulf %slice3A_2217, %mul3A_2220 : vector<14x256xf32>
    %slice3A_2222 = vector.extract_strided_slice %get3A_2216 {offsets = [0, 256], sizes = [14, 256], strides = [1, 1]} : vector<14x512xf32> to vector<14x256xf32>
    %get3A_2223 = arith.index_cast %add3A_2208 : i32 to index
    %get3A_2224 = memref.load %arg3[%get3A_2223] : memref<14000xf32, #tpu.memory_space<smem>>
    %mul3A_2225 = vector.broadcast %get3A_2224 : f32 to vector<14x256xf32>
    %mul3A_2226 = arith.mulf %slice3A_2222, %mul3A_2225 : vector<14x256xf32>
    %add3A_2227 = arith.addf %mul3A_2221, %mul3A_2226 : vector<14x256xf32>
    %swap3A_2228 = arith.constant 4 : index
    %swap3A_2229 = arith.constant 12 : index
    %swap3A_2230 = arith.constant 0 : index
    %swap3A_2231 = arith.constant 0 : index
    %swap3A_2232 = vector.load %arg13[%swap3A_2228, %swap3A_2229, %swap3A_2230, %swap3A_2231] : memref<8x14x14x256xf32, #tpu.memory_space<vmem>>, vector<1x1x14x256xf32>
    %swap3A_2233 = vector.shape_cast %swap3A_2232 : vector<1x1x14x256xf32> to vector<14x256xf32>
    %swap3A_2234 = vector.shape_cast %add3A_2227 : vector<14x256xf32> to vector<1x1x14x256xf32>
    tpu.vector_store %arg13[%swap3A_2228, %swap3A_2229, %swap3A_2230, %swap3A_2231], %swap3A_2234 {strides = array<i32>} : memref<8x14x14x256xf32, #tpu.memory_space<vmem>>, vector<1x1x14x256xf32>,
    %mul3A_2235 = arith.constant 112 : i32
    %mul3A_2236 = arith.muli %arg0, %mul3A_2235 : i32
    %add3A_2237 = arith.constant 56 : i32
    %add3A_2238 = arith.addi %mul3A_2236, %add3A_2237 : i32
    %add3A_2239 = arith.constant 13 : i32
    %add3A_2240 = arith.addi %add3A_2238, %add3A_2239 : i32
    %get3A_2241 = arith.index_cast %add3A_2240 : i32 to index
    %get3A_2242 = memref.load %arg1[%get3A_2241] : memref<14000xi32, #tpu.memory_space<smem>>
    %mul3A_2243 = arith.constant 256 : i32
    %mul3A_2244 = arith.muli %get3A_2242, %mul3A_2243 : i32
    %multiple_of3A_2245 = tpu.assume_multiple %mul3A_2244, 256 : i32
    %get3A_2246 = arith.constant 64 : index
    %get3A_2247 = arith.index_cast %multiple_of3A_2245 : i32 to index
    %get3A_2248 = vector.load %arg14[%get3A_2246, %get3A_2247] : memref<128x16640xf32, #tpu.memory_space<vmem>>, vector<14x512xf32>
    %slice3A_2249 = vector.extract_strided_slice %get3A_2248 {offsets = [0, 0], sizes = [14, 256], strides = [1, 1]} : vector<14x512xf32> to vector<14x256xf32>
    %get3A_2250 = arith.index_cast %add3A_2240 : i32 to index
    %get3A_2251 = memref.load %arg2[%get3A_2250] : memref<14000xf32, #tpu.memory_space<smem>>
    %mul3A_2252 = vector.broadcast %get3A_2251 : f32 to vector<14x256xf32>
    %mul3A_2253 = arith.mulf %slice3A_2249, %mul3A_2252 : vector<14x256xf32>
    %slice3A_2254 = vector.extract_strided_slice %get3A_2248 {offsets = [0, 256], sizes = [14, 256], strides = [1, 1]} : vector<14x512xf32> to vector<14x256xf32>
    %get3A_2255 = arith.index_cast %add3A_2240 : i32 to index
    %get3A_2256 = memref.load %arg3[%get3A_2255] : memref<14000xf32, #tpu.memory_space<smem>>
    %mul3A_2257 = vector.broadcast %get3A_2256 : f32 to vector<14x256xf32>
    %mul3A_2258 = arith.mulf %slice3A_2254, %mul3A_2257 : vector<14x256xf32>
    %add3A_2259 = arith.addf %mul3A_2253, %mul3A_2258 : vector<14x256xf32>
    %swap3A_2260 = arith.constant 4 : index
    %swap3A_2261 = arith.constant 13 : index
    %swap3A_2262 = arith.constant 0 : index
    %swap3A_2263 = arith.constant 0 : index
    %swap3A_2264 = vector.load %arg13[%swap3A_2260, %swap3A_2261, %swap3A_2262, %swap3A_2263] : memref<8x14x14x256xf32, #tpu.memory_space<vmem>>, vector<1x1x14x256xf32>
    %swap3A_2265 = vector.shape_cast %swap3A_2264 : vector<1x1x14x256xf32> to vector<14x256xf32>
    %swap3A_2266 = vector.shape_cast %add3A_2259 : vector<14x256xf32> to vector<1x1x14x256xf32>
    tpu.vector_store %arg13[%swap3A_2260, %swap3A_2261, %swap3A_2262, %swap3A_2263], %swap3A_2266 {strides = array<i32>} : memref<8x14x14x256xf32, #tpu.memory_space<vmem>>, vector<1x1x14x256xf32>,
    %mul3A_2267 = arith.constant 112 : i32
    %mul3A_2268 = arith.muli %arg0, %mul3A_2267 : i32
    %add3A_2269 = arith.constant 70 : i32
    %add3A_2270 = arith.addi %mul3A_2268, %add3A_2269 : i32
    %add3A_2271 = arith.constant 0 : i32
    %add3A_2272 = arith.addi %add3A_2270, %add3A_2271 : i32
    %get3A_2273 = arith.index_cast %add3A_2272 : i32 to index
    %get3A_2274 = memref.load %arg1[%get3A_2273] : memref<14000xi32, #tpu.memory_space<smem>>
    %mul3A_2275 = arith.constant 256 : i32
    %mul3A_2276 = arith.muli %get3A_2274, %mul3A_2275 : i32
    %multiple_of3A_2277 = tpu.assume_multiple %mul3A_2276, 256 : i32
    %get3A_2278 = arith.constant 80 : index
    %get3A_2279 = arith.index_cast %multiple_of3A_2277 : i32 to index
    %get3A_2280 = vector.load %arg14[%get3A_2278, %get3A_2279] : memref<128x16640xf32, #tpu.memory_space<vmem>>, vector<14x512xf32>
    %slice3A_2281 = vector.extract_strided_slice %get3A_2280 {offsets = [0, 0], sizes = [14, 256], strides = [1, 1]} : vector<14x512xf32> to vector<14x256xf32>
    %get3A_2282 = arith.index_cast %add3A_2272 : i32 to index
    %get3A_2283 = memref.load %arg2[%get3A_2282] : memref<14000xf32, #tpu.memory_space<smem>>
    %mul3A_2284 = vector.broadcast %get3A_2283 : f32 to vector<14x256xf32>
    %mul3A_2285 = arith.mulf %slice3A_2281, %mul3A_2284 : vector<14x256xf32>
    %slice3A_2286 = vector.extract_strided_slice %get3A_2280 {offsets = [0, 256], sizes = [14, 256], strides = [1, 1]} : vector<14x512xf32> to vector<14x256xf32>
    %get3A_2287 = arith.index_cast %add3A_2272 : i32 to index
    %get3A_2288 = memref.load %arg3[%get3A_2287] : memref<14000xf32, #tpu.memory_space<smem>>
    %mul3A_2289 = vector.broadcast %get3A_2288 : f32 to vector<14x256xf32>
    %mul3A_2290 = arith.mulf %slice3A_2286, %mul3A_2289 : vector<14x256xf32>
    %add3A_2291 = arith.addf %mul3A_2285, %mul3A_2290 : vector<14x256xf32>
    %swap3A_2292 = arith.constant 5 : index
    %swap3A_2293 = arith.constant 0 : index
    %swap3A_2294 = arith.constant 0 : index
    %swap3A_2295 = arith.constant 0 : index
    %swap3A_2296 = vector.load %arg13[%swap3A_2292, %swap3A_2293, %swap3A_2294, %swap3A_2295] : memref<8x14x14x256xf32, #tpu.memory_space<vmem>>, vector<1x1x14x256xf32>
    %swap3A_2297 = vector.shape_cast %swap3A_2296 : vector<1x1x14x256xf32> to vector<14x256xf32>
    %swap3A_2298 = vector.shape_cast %add3A_2291 : vector<14x256xf32> to vector<1x1x14x256xf32>
    tpu.vector_store %arg13[%swap3A_2292, %swap3A_2293, %swap3A_2294, %swap3A_2295], %swap3A_2298 {strides = array<i32>} : memref<8x14x14x256xf32, #tpu.memory_space<vmem>>, vector<1x1x14x256xf32>,
    %mul3A_2299 = arith.constant 112 : i32
    %mul3A_2300 = arith.muli %arg0, %mul3A_2299 : i32
    %add3A_2301 = arith.constant 70 : i32
    %add3A_2302 = arith.addi %mul3A_2300, %add3A_2301 : i32
    %add3A_2303 = arith.constant 1 : i32
    %add3A_2304 = arith.addi %add3A_2302, %add3A_2303 : i32
    %get3A_2305 = arith.index_cast %add3A_2304 : i32 to index
    %get3A_2306 = memref.load %arg1[%get3A_2305] : memref<14000xi32, #tpu.memory_space<smem>>
    %mul3A_2307 = arith.constant 256 : i32
    %mul3A_2308 = arith.muli %get3A_2306, %mul3A_2307 : i32
    %multiple_of3A_2309 = tpu.assume_multiple %mul3A_2308, 256 : i32
    %get3A_2310 = arith.constant 80 : index
    %get3A_2311 = arith.index_cast %multiple_of3A_2309 : i32 to index
    %get3A_2312 = vector.load %arg14[%get3A_2310, %get3A_2311] : memref<128x16640xf32, #tpu.memory_space<vmem>>, vector<14x512xf32>
    %slice3A_2313 = vector.extract_strided_slice %get3A_2312 {offsets = [0, 0], sizes = [14, 256], strides = [1, 1]} : vector<14x512xf32> to vector<14x256xf32>
    %get3A_2314 = arith.index_cast %add3A_2304 : i32 to index
    %get3A_2315 = memref.load %arg2[%get3A_2314] : memref<14000xf32, #tpu.memory_space<smem>>
    %mul3A_2316 = vector.broadcast %get3A_2315 : f32 to vector<14x256xf32>
    %mul3A_2317 = arith.mulf %slice3A_2313, %mul3A_2316 : vector<14x256xf32>
    %slice3A_2318 = vector.extract_strided_slice %get3A_2312 {offsets = [0, 256], sizes = [14, 256], strides = [1, 1]} : vector<14x512xf32> to vector<14x256xf32>
    %get3A_2319 = arith.index_cast %add3A_2304 : i32 to index
    %get3A_2320 = memref.load %arg3[%get3A_2319] : memref<14000xf32, #tpu.memory_space<smem>>
    %mul3A_2321 = vector.broadcast %get3A_2320 : f32 to vector<14x256xf32>
    %mul3A_2322 = arith.mulf %slice3A_2318, %mul3A_2321 : vector<14x256xf32>
    %add3A_2323 = arith.addf %mul3A_2317, %mul3A_2322 : vector<14x256xf32>
    %swap3A_2324 = arith.constant 5 : index
    %swap3A_2325 = arith.constant 1 : index
    %swap3A_2326 = arith.constant 0 : index
    %swap3A_2327 = arith.constant 0 : index
    %swap3A_2328 = vector.load %arg13[%swap3A_2324, %swap3A_2325, %swap3A_2326, %swap3A_2327] : memref<8x14x14x256xf32, #tpu.memory_space<vmem>>, vector<1x1x14x256xf32>
    %swap3A_2329 = vector.shape_cast %swap3A_2328 : vector<1x1x14x256xf32> to vector<14x256xf32>
    %swap3A_2330 = vector.shape_cast %add3A_2323 : vector<14x256xf32> to vector<1x1x14x256xf32>
    tpu.vector_store %arg13[%swap3A_2324, %swap3A_2325, %swap3A_2326, %swap3A_2327], %swap3A_2330 {strides = array<i32>} : memref<8x14x14x256xf32, #tpu.memory_space<vmem>>, vector<1x1x14x256xf32>,
    %mul3A_2331 = arith.constant 112 : i32
    %mul3A_2332 = arith.muli %arg0, %mul3A_2331 : i32
    %add3A_2333 = arith.constant 70 : i32
    %add3A_2334 = arith.addi %mul3A_2332, %add3A_2333 : i32
    %add3A_2335 = arith.constant 2 : i32
    %add3A_2336 = arith.addi %add3A_2334, %add3A_2335 : i32
    %get3A_2337 = arith.index_cast %add3A_2336 : i32 to index
    %get3A_2338 = memref.load %arg1[%get3A_2337] : memref<14000xi32, #tpu.memory_space<smem>>
    %mul3A_2339 = arith.constant 256 : i32
    %mul3A_2340 = arith.muli %get3A_2338, %mul3A_2339 : i32
    %multiple_of3A_2341 = tpu.assume_multiple %mul3A_2340, 256 : i32
    %get3A_2342 = arith.constant 80 : index
    %get3A_2343 = arith.index_cast %multiple_of3A_2341 : i32 to index
    %get3A_2344 = vector.load %arg14[%get3A_2342, %get3A_2343] : memref<128x16640xf32, #tpu.memory_space<vmem>>, vector<14x512xf32>
    %slice3A_2345 = vector.extract_strided_slice %get3A_2344 {offsets = [0, 0], sizes = [14, 256], strides = [1, 1]} : vector<14x512xf32> to vector<14x256xf32>
    %get3A_2346 = arith.index_cast %add3A_2336 : i32 to index
    %get3A_2347 = memref.load %arg2[%get3A_2346] : memref<14000xf32, #tpu.memory_space<smem>>
    %mul3A_2348 = vector.broadcast %get3A_2347 : f32 to vector<14x256xf32>
    %mul3A_2349 = arith.mulf %slice3A_2345, %mul3A_2348 : vector<14x256xf32>
    %slice3A_2350 = vector.extract_strided_slice %get3A_2344 {offsets = [0, 256], sizes = [14, 256], strides = [1, 1]} : vector<14x512xf32> to vector<14x256xf32>
    %get3A_2351 = arith.index_cast %add3A_2336 : i32 to index
    %get3A_2352 = memref.load %arg3[%get3A_2351] : memref<14000xf32, #tpu.memory_space<smem>>
    %mul3A_2353 = vector.broadcast %get3A_2352 : f32 to vector<14x256xf32>
    %mul3A_2354 = arith.mulf %slice3A_2350, %mul3A_2353 : vector<14x256xf32>
    %add3A_2355 = arith.addf %mul3A_2349, %mul3A_2354 : vector<14x256xf32>
    %swap3A_2356 = arith.constant 5 : index
    %swap3A_2357 = arith.constant 2 : index
    %swap3A_2358 = arith.constant 0 : index
    %swap3A_2359 = arith.constant 0 : index
    %swap3A_2360 = vector.load %arg13[%swap3A_2356, %swap3A_2357, %swap3A_2358, %swap3A_2359] : memref<8x14x14x256xf32, #tpu.memory_space<vmem>>, vector<1x1x14x256xf32>
    %swap3A_2361 = vector.shape_cast %swap3A_2360 : vector<1x1x14x256xf32> to vector<14x256xf32>
    %swap3A_2362 = vector.shape_cast %add3A_2355 : vector<14x256xf32> to vector<1x1x14x256xf32>
    tpu.vector_store %arg13[%swap3A_2356, %swap3A_2357, %swap3A_2358, %swap3A_2359], %swap3A_2362 {strides = array<i32>} : memref<8x14x14x256xf32, #tpu.memory_space<vmem>>, vector<1x1x14x256xf32>,
    %mul3A_2363 = arith.constant 112 : i32
    %mul3A_2364 = arith.muli %arg0, %mul3A_2363 : i32
    %add3A_2365 = arith.constant 70 : i32
    %add3A_2366 = arith.addi %mul3A_2364, %add3A_2365 : i32
    %add3A_2367 = arith.constant 3 : i32
    %add3A_2368 = arith.addi %add3A_2366, %add3A_2367 : i32
    %get3A_2369 = arith.index_cast %add3A_2368 : i32 to index
    %get3A_2370 = memref.load %arg1[%get3A_2369] : memref<14000xi32, #tpu.memory_space<smem>>
    %mul3A_2371 = arith.constant 256 : i32
    %mul3A_2372 = arith.muli %get3A_2370, %mul3A_2371 : i32
    %multiple_of3A_2373 = tpu.assume_multiple %mul3A_2372, 256 : i32
    %get3A_2374 = arith.constant 80 : index
    %get3A_2375 = arith.index_cast %multiple_of3A_2373 : i32 to index
    %get3A_2376 = vector.load %arg14[%get3A_2374, %get3A_2375] : memref<128x16640xf32, #tpu.memory_space<vmem>>, vector<14x512xf32>
    %slice3A_2377 = vector.extract_strided_slice %get3A_2376 {offsets = [0, 0], sizes = [14, 256], strides = [1, 1]} : vector<14x512xf32> to vector<14x256xf32>
    %get3A_2378 = arith.index_cast %add3A_2368 : i32 to index
    %get3A_2379 = memref.load %arg2[%get3A_2378] : memref<14000xf32, #tpu.memory_space<smem>>
    %mul3A_2380 = vector.broadcast %get3A_2379 : f32 to vector<14x256xf32>
    %mul3A_2381 = arith.mulf %slice3A_2377, %mul3A_2380 : vector<14x256xf32>
    %slice3A_2382 = vector.extract_strided_slice %get3A_2376 {offsets = [0, 256], sizes = [14, 256], strides = [1, 1]} : vector<14x512xf32> to vector<14x256xf32>
    %get3A_2383 = arith.index_cast %add3A_2368 : i32 to index
    %get3A_2384 = memref.load %arg3[%get3A_2383] : memref<14000xf32, #tpu.memory_space<smem>>
    %mul3A_2385 = vector.broadcast %get3A_2384 : f32 to vector<14x256xf32>
    %mul3A_2386 = arith.mulf %slice3A_2382, %mul3A_2385 : vector<14x256xf32>
    %add3A_2387 = arith.addf %mul3A_2381, %mul3A_2386 : vector<14x256xf32>
    %swap3A_2388 = arith.constant 5 : index
    %swap3A_2389 = arith.constant 3 : index
    %swap3A_2390 = arith.constant 0 : index
    %swap3A_2391 = arith.constant 0 : index
    %swap3A_2392 = vector.load %arg13[%swap3A_2388, %swap3A_2389, %swap3A_2390, %swap3A_2391] : memref<8x14x14x256xf32, #tpu.memory_space<vmem>>, vector<1x1x14x256xf32>
    %swap3A_2393 = vector.shape_cast %swap3A_2392 : vector<1x1x14x256xf32> to vector<14x256xf32>
    %swap3A_2394 = vector.shape_cast %add3A_2387 : vector<14x256xf32> to vector<1x1x14x256xf32>
    tpu.vector_store %arg13[%swap3A_2388, %swap3A_2389, %swap3A_2390, %swap3A_2391], %swap3A_2394 {strides = array<i32>} : memref<8x14x14x256xf32, #tpu.memory_space<vmem>>, vector<1x1x14x256xf32>,
    %mul3A_2395 = arith.constant 112 : i32
    %mul3A_2396 = arith.muli %arg0, %mul3A_2395 : i32
    %add3A_2397 = arith.constant 70 : i32
    %add3A_2398 = arith.addi %mul3A_2396, %add3A_2397 : i32
    %add3A_2399 = arith.constant 4 : i32
    %add3A_2400 = arith.addi %add3A_2398, %add3A_2399 : i32
    %get3A_2401 = arith.index_cast %add3A_2400 : i32 to index
    %get3A_2402 = memref.load %arg1[%get3A_2401] : memref<14000xi32, #tpu.memory_space<smem>>
    %mul3A_2403 = arith.constant 256 : i32
    %mul3A_2404 = arith.muli %get3A_2402, %mul3A_2403 : i32
    %multiple_of3A_2405 = tpu.assume_multiple %mul3A_2404, 256 : i32
    %get3A_2406 = arith.constant 80 : index
    %get3A_2407 = arith.index_cast %multiple_of3A_2405 : i32 to index
    %get3A_2408 = vector.load %arg14[%get3A_2406, %get3A_2407] : memref<128x16640xf32, #tpu.memory_space<vmem>>, vector<14x512xf32>
    %slice3A_2409 = vector.extract_strided_slice %get3A_2408 {offsets = [0, 0], sizes = [14, 256], strides = [1, 1]} : vector<14x512xf32> to vector<14x256xf32>
    %get3A_2410 = arith.index_cast %add3A_2400 : i32 to index
    %get3A_2411 = memref.load %arg2[%get3A_2410] : memref<14000xf32, #tpu.memory_space<smem>>
    %mul3A_2412 = vector.broadcast %get3A_2411 : f32 to vector<14x256xf32>
    %mul3A_2413 = arith.mulf %slice3A_2409, %mul3A_2412 : vector<14x256xf32>
    %slice3A_2414 = vector.extract_strided_slice %get3A_2408 {offsets = [0, 256], sizes = [14, 256], strides = [1, 1]} : vector<14x512xf32> to vector<14x256xf32>
    %get3A_2415 = arith.index_cast %add3A_2400 : i32 to index
    %get3A_2416 = memref.load %arg3[%get3A_2415] : memref<14000xf32, #tpu.memory_space<smem>>
    %mul3A_2417 = vector.broadcast %get3A_2416 : f32 to vector<14x256xf32>
    %mul3A_2418 = arith.mulf %slice3A_2414, %mul3A_2417 : vector<14x256xf32>
    %add3A_2419 = arith.addf %mul3A_2413, %mul3A_2418 : vector<14x256xf32>
    %swap3A_2420 = arith.constant 5 : index
    %swap3A_2421 = arith.constant 4 : index
    %swap3A_2422 = arith.constant 0 : index
    %swap3A_2423 = arith.constant 0 : index
    %swap3A_2424 = vector.load %arg13[%swap3A_2420, %swap3A_2421, %swap3A_2422, %swap3A_2423] : memref<8x14x14x256xf32, #tpu.memory_space<vmem>>, vector<1x1x14x256xf32>
    %swap3A_2425 = vector.shape_cast %swap3A_2424 : vector<1x1x14x256xf32> to vector<14x256xf32>
    %swap3A_2426 = vector.shape_cast %add3A_2419 : vector<14x256xf32> to vector<1x1x14x256xf32>
    tpu.vector_store %arg13[%swap3A_2420, %swap3A_2421, %swap3A_2422, %swap3A_2423], %swap3A_2426 {strides = array<i32>} : memref<8x14x14x256xf32, #tpu.memory_space<vmem>>, vector<1x1x14x256xf32>,
    %mul3A_2427 = arith.constant 112 : i32
    %mul3A_2428 = arith.muli %arg0, %mul3A_2427 : i32
    %add3A_2429 = arith.constant 70 : i32
    %add3A_2430 = arith.addi %mul3A_2428, %add3A_2429 : i32
    %add3A_2431 = arith.constant 5 : i32
    %add3A_2432 = arith.addi %add3A_2430, %add3A_2431 : i32
    %get3A_2433 = arith.index_cast %add3A_2432 : i32 to index
    %get3A_2434 = memref.load %arg1[%get3A_2433] : memref<14000xi32, #tpu.memory_space<smem>>
    %mul3A_2435 = arith.constant 256 : i32
    %mul3A_2436 = arith.muli %get3A_2434, %mul3A_2435 : i32
    %multiple_of3A_2437 = tpu.assume_multiple %mul3A_2436, 256 : i32
    %get3A_2438 = arith.constant 80 : index
    %get3A_2439 = arith.index_cast %multiple_of3A_2437 : i32 to index
    %get3A_2440 = vector.load %arg14[%get3A_2438, %get3A_2439] : memref<128x16640xf32, #tpu.memory_space<vmem>>, vector<14x512xf32>
    %slice3A_2441 = vector.extract_strided_slice %get3A_2440 {offsets = [0, 0], sizes = [14, 256], strides = [1, 1]} : vector<14x512xf32> to vector<14x256xf32>
    %get3A_2442 = arith.index_cast %add3A_2432 : i32 to index
    %get3A_2443 = memref.load %arg2[%get3A_2442] : memref<14000xf32, #tpu.memory_space<smem>>
    %mul3A_2444 = vector.broadcast %get3A_2443 : f32 to vector<14x256xf32>
    %mul3A_2445 = arith.mulf %slice3A_2441, %mul3A_2444 : vector<14x256xf32>
    %slice3A_2446 = vector.extract_strided_slice %get3A_2440 {offsets = [0, 256], sizes = [14, 256], strides = [1, 1]} : vector<14x512xf32> to vector<14x256xf32>
    %get3A_2447 = arith.index_cast %add3A_2432 : i32 to index
    %get3A_2448 = memref.load %arg3[%get3A_2447] : memref<14000xf32, #tpu.memory_space<smem>>
    %mul3A_2449 = vector.broadcast %get3A_2448 : f32 to vector<14x256xf32>
    %mul3A_2450 = arith.mulf %slice3A_2446, %mul3A_2449 : vector<14x256xf32>
    %add3A_2451 = arith.addf %mul3A_2445, %mul3A_2450 : vector<14x256xf32>
    %swap3A_2452 = arith.constant 5 : index
    %swap3A_2453 = arith.constant 5 : index
    %swap3A_2454 = arith.constant 0 : index
    %swap3A_2455 = arith.constant 0 : index
    %swap3A_2456 = vector.load %arg13[%swap3A_2452, %swap3A_2453, %swap3A_2454, %swap3A_2455] : memref<8x14x14x256xf32, #tpu.memory_space<vmem>>, vector<1x1x14x256xf32>
    %swap3A_2457 = vector.shape_cast %swap3A_2456 : vector<1x1x14x256xf32> to vector<14x256xf32>
    %swap3A_2458 = vector.shape_cast %add3A_2451 : vector<14x256xf32> to vector<1x1x14x256xf32>
    tpu.vector_store %arg13[%swap3A_2452, %swap3A_2453, %swap3A_2454, %swap3A_2455], %swap3A_2458 {strides = array<i32>} : memref<8x14x14x256xf32, #tpu.memory_space<vmem>>, vector<1x1x14x256xf32>,
    %mul3A_2459 = arith.constant 112 : i32
    %mul3A_2460 = arith.muli %arg0, %mul3A_2459 : i32
    %add3A_2461 = arith.constant 70 : i32
    %add3A_2462 = arith.addi %mul3A_2460, %add3A_2461 : i32
    %add3A_2463 = arith.constant 6 : i32
    %add3A_2464 = arith.addi %add3A_2462, %add3A_2463 : i32
    %get3A_2465 = arith.index_cast %add3A_2464 : i32 to index
    %get3A_2466 = memref.load %arg1[%get3A_2465] : memref<14000xi32, #tpu.memory_space<smem>>
    %mul3A_2467 = arith.constant 256 : i32
    %mul3A_2468 = arith.muli %get3A_2466, %mul3A_2467 : i32
    %multiple_of3A_2469 = tpu.assume_multiple %mul3A_2468, 256 : i32
    %get3A_2470 = arith.constant 80 : index
    %get3A_2471 = arith.index_cast %multiple_of3A_2469 : i32 to index
    %get3A_2472 = vector.load %arg14[%get3A_2470, %get3A_2471] : memref<128x16640xf32, #tpu.memory_space<vmem>>, vector<14x512xf32>
    %slice3A_2473 = vector.extract_strided_slice %get3A_2472 {offsets = [0, 0], sizes = [14, 256], strides = [1, 1]} : vector<14x512xf32> to vector<14x256xf32>
    %get3A_2474 = arith.index_cast %add3A_2464 : i32 to index
    %get3A_2475 = memref.load %arg2[%get3A_2474] : memref<14000xf32, #tpu.memory_space<smem>>
    %mul3A_2476 = vector.broadcast %get3A_2475 : f32 to vector<14x256xf32>
    %mul3A_2477 = arith.mulf %slice3A_2473, %mul3A_2476 : vector<14x256xf32>
    %slice3A_2478 = vector.extract_strided_slice %get3A_2472 {offsets = [0, 256], sizes = [14, 256], strides = [1, 1]} : vector<14x512xf32> to vector<14x256xf32>
    %get3A_2479 = arith.index_cast %add3A_2464 : i32 to index
    %get3A_2480 = memref.load %arg3[%get3A_2479] : memref<14000xf32, #tpu.memory_space<smem>>
    %mul3A_2481 = vector.broadcast %get3A_2480 : f32 to vector<14x256xf32>
    %mul3A_2482 = arith.mulf %slice3A_2478, %mul3A_2481 : vector<14x256xf32>
    %add3A_2483 = arith.addf %mul3A_2477, %mul3A_2482 : vector<14x256xf32>
    %swap3A_2484 = arith.constant 5 : index
    %swap3A_2485 = arith.constant 6 : index
    %swap3A_2486 = arith.constant 0 : index
    %swap3A_2487 = arith.constant 0 : index
    %swap3A_2488 = vector.load %arg13[%swap3A_2484, %swap3A_2485, %swap3A_2486, %swap3A_2487] : memref<8x14x14x256xf32, #tpu.memory_space<vmem>>, vector<1x1x14x256xf32>
    %swap3A_2489 = vector.shape_cast %swap3A_2488 : vector<1x1x14x256xf32> to vector<14x256xf32>
    %swap3A_2490 = vector.shape_cast %add3A_2483 : vector<14x256xf32> to vector<1x1x14x256xf32>
    tpu.vector_store %arg13[%swap3A_2484, %swap3A_2485, %swap3A_2486, %swap3A_2487], %swap3A_2490 {strides = array<i32>} : memref<8x14x14x256xf32, #tpu.memory_space<vmem>>, vector<1x1x14x256xf32>,
    %mul3A_2491 = arith.constant 112 : i32
    %mul3A_2492 = arith.muli %arg0, %mul3A_2491 : i32
    %add3A_2493 = arith.constant 70 : i32
    %add3A_2494 = arith.addi %mul3A_2492, %add3A_2493 : i32
    %add3A_2495 = arith.constant 7 : i32
    %add3A_2496 = arith.addi %add3A_2494, %add3A_2495 : i32
    %get3A_2497 = arith.index_cast %add3A_2496 : i32 to index
    %get3A_2498 = memref.load %arg1[%get3A_2497] : memref<14000xi32, #tpu.memory_space<smem>>
    %mul3A_2499 = arith.constant 256 : i32
    %mul3A_2500 = arith.muli %get3A_2498, %mul3A_2499 : i32
    %multiple_of3A_2501 = tpu.assume_multiple %mul3A_2500, 256 : i32
    %get3A_2502 = arith.constant 80 : index
    %get3A_2503 = arith.index_cast %multiple_of3A_2501 : i32 to index
    %get3A_2504 = vector.load %arg14[%get3A_2502, %get3A_2503] : memref<128x16640xf32, #tpu.memory_space<vmem>>, vector<14x512xf32>
    %slice3A_2505 = vector.extract_strided_slice %get3A_2504 {offsets = [0, 0], sizes = [14, 256], strides = [1, 1]} : vector<14x512xf32> to vector<14x256xf32>
    %get3A_2506 = arith.index_cast %add3A_2496 : i32 to index
    %get3A_2507 = memref.load %arg2[%get3A_2506] : memref<14000xf32, #tpu.memory_space<smem>>
    %mul3A_2508 = vector.broadcast %get3A_2507 : f32 to vector<14x256xf32>
    %mul3A_2509 = arith.mulf %slice3A_2505, %mul3A_2508 : vector<14x256xf32>
    %slice3A_2510 = vector.extract_strided_slice %get3A_2504 {offsets = [0, 256], sizes = [14, 256], strides = [1, 1]} : vector<14x512xf32> to vector<14x256xf32>
    %get3A_2511 = arith.index_cast %add3A_2496 : i32 to index
    %get3A_2512 = memref.load %arg3[%get3A_2511] : memref<14000xf32, #tpu.memory_space<smem>>
    %mul3A_2513 = vector.broadcast %get3A_2512 : f32 to vector<14x256xf32>
    %mul3A_2514 = arith.mulf %slice3A_2510, %mul3A_2513 : vector<14x256xf32>
    %add3A_2515 = arith.addf %mul3A_2509, %mul3A_2514 : vector<14x256xf32>
    %swap3A_2516 = arith.constant 5 : index
    %swap3A_2517 = arith.constant 7 : index
    %swap3A_2518 = arith.constant 0 : index
    %swap3A_2519 = arith.constant 0 : index
    %swap3A_2520 = vector.load %arg13[%swap3A_2516, %swap3A_2517, %swap3A_2518, %swap3A_2519] : memref<8x14x14x256xf32, #tpu.memory_space<vmem>>, vector<1x1x14x256xf32>
    %swap3A_2521 = vector.shape_cast %swap3A_2520 : vector<1x1x14x256xf32> to vector<14x256xf32>
    %swap3A_2522 = vector.shape_cast %add3A_2515 : vector<14x256xf32> to vector<1x1x14x256xf32>
    tpu.vector_store %arg13[%swap3A_2516, %swap3A_2517, %swap3A_2518, %swap3A_2519], %swap3A_2522 {strides = array<i32>} : memref<8x14x14x256xf32, #tpu.memory_space<vmem>>, vector<1x1x14x256xf32>,
    %mul3A_2523 = arith.constant 112 : i32
    %mul3A_2524 = arith.muli %arg0, %mul3A_2523 : i32
    %add3A_2525 = arith.constant 70 : i32
    %add3A_2526 = arith.addi %mul3A_2524, %add3A_2525 : i32
    %add3A_2527 = arith.constant 8 : i32
    %add3A_2528 = arith.addi %add3A_2526, %add3A_2527 : i32
    %get3A_2529 = arith.index_cast %add3A_2528 : i32 to index
    %get3A_2530 = memref.load %arg1[%get3A_2529] : memref<14000xi32, #tpu.memory_space<smem>>
    %mul3A_2531 = arith.constant 256 : i32
    %mul3A_2532 = arith.muli %get3A_2530, %mul3A_2531 : i32
    %multiple_of3A_2533 = tpu.assume_multiple %mul3A_2532, 256 : i32
    %get3A_2534 = arith.constant 80 : index
    %get3A_2535 = arith.index_cast %multiple_of3A_2533 : i32 to index
    %get3A_2536 = vector.load %arg14[%get3A_2534, %get3A_2535] : memref<128x16640xf32, #tpu.memory_space<vmem>>, vector<14x512xf32>
    %slice3A_2537 = vector.extract_strided_slice %get3A_2536 {offsets = [0, 0], sizes = [14, 256], strides = [1, 1]} : vector<14x512xf32> to vector<14x256xf32>
    %get3A_2538 = arith.index_cast %add3A_2528 : i32 to index
    %get3A_2539 = memref.load %arg2[%get3A_2538] : memref<14000xf32, #tpu.memory_space<smem>>
    %mul3A_2540 = vector.broadcast %get3A_2539 : f32 to vector<14x256xf32>
    %mul3A_2541 = arith.mulf %slice3A_2537, %mul3A_2540 : vector<14x256xf32>
    %slice3A_2542 = vector.extract_strided_slice %get3A_2536 {offsets = [0, 256], sizes = [14, 256], strides = [1, 1]} : vector<14x512xf32> to vector<14x256xf32>
    %get3A_2543 = arith.index_cast %add3A_2528 : i32 to index
    %get3A_2544 = memref.load %arg3[%get3A_2543] : memref<14000xf32, #tpu.memory_space<smem>>
    %mul3A_2545 = vector.broadcast %get3A_2544 : f32 to vector<14x256xf32>
    %mul3A_2546 = arith.mulf %slice3A_2542, %mul3A_2545 : vector<14x256xf32>
    %add3A_2547 = arith.addf %mul3A_2541, %mul3A_2546 : vector<14x256xf32>
    %swap3A_2548 = arith.constant 5 : index
    %swap3A_2549 = arith.constant 8 : index
    %swap3A_2550 = arith.constant 0 : index
    %swap3A_2551 = arith.constant 0 : index
    %swap3A_2552 = vector.load %arg13[%swap3A_2548, %swap3A_2549, %swap3A_2550, %swap3A_2551] : memref<8x14x14x256xf32, #tpu.memory_space<vmem>>, vector<1x1x14x256xf32>
    %swap3A_2553 = vector.shape_cast %swap3A_2552 : vector<1x1x14x256xf32> to vector<14x256xf32>
    %swap3A_2554 = vector.shape_cast %add3A_2547 : vector<14x256xf32> to vector<1x1x14x256xf32>
    tpu.vector_store %arg13[%swap3A_2548, %swap3A_2549, %swap3A_2550, %swap3A_2551], %swap3A_2554 {strides = array<i32>} : memref<8x14x14x256xf32, #tpu.memory_space<vmem>>, vector<1x1x14x256xf32>,
    %mul3A_2555 = arith.constant 112 : i32
    %mul3A_2556 = arith.muli %arg0, %mul3A_2555 : i32
    %add3A_2557 = arith.constant 70 : i32
    %add3A_2558 = arith.addi %mul3A_2556, %add3A_2557 : i32
    %add3A_2559 = arith.constant 9 : i32
    %add3A_2560 = arith.addi %add3A_2558, %add3A_2559 : i32
    %get3A_2561 = arith.index_cast %add3A_2560 : i32 to index
    %get3A_2562 = memref.load %arg1[%get3A_2561] : memref<14000xi32, #tpu.memory_space<smem>>
    %mul3A_2563 = arith.constant 256 : i32
    %mul3A_2564 = arith.muli %get3A_2562, %mul3A_2563 : i32
    %multiple_of3A_2565 = tpu.assume_multiple %mul3A_2564, 256 : i32
    %get3A_2566 = arith.constant 80 : index
    %get3A_2567 = arith.index_cast %multiple_of3A_2565 : i32 to index
    %get3A_2568 = vector.load %arg14[%get3A_2566, %get3A_2567] : memref<128x16640xf32, #tpu.memory_space<vmem>>, vector<14x512xf32>
    %slice3A_2569 = vector.extract_strided_slice %get3A_2568 {offsets = [0, 0], sizes = [14, 256], strides = [1, 1]} : vector<14x512xf32> to vector<14x256xf32>
    %get3A_2570 = arith.index_cast %add3A_2560 : i32 to index
    %get3A_2571 = memref.load %arg2[%get3A_2570] : memref<14000xf32, #tpu.memory_space<smem>>
    %mul3A_2572 = vector.broadcast %get3A_2571 : f32 to vector<14x256xf32>
    %mul3A_2573 = arith.mulf %slice3A_2569, %mul3A_2572 : vector<14x256xf32>
    %slice3A_2574 = vector.extract_strided_slice %get3A_2568 {offsets = [0, 256], sizes = [14, 256], strides = [1, 1]} : vector<14x512xf32> to vector<14x256xf32>
    %get3A_2575 = arith.index_cast %add3A_2560 : i32 to index
    %get3A_2576 = memref.load %arg3[%get3A_2575] : memref<14000xf32, #tpu.memory_space<smem>>
    %mul3A_2577 = vector.broadcast %get3A_2576 : f32 to vector<14x256xf32>
    %mul3A_2578 = arith.mulf %slice3A_2574, %mul3A_2577 : vector<14x256xf32>
    %add3A_2579 = arith.addf %mul3A_2573, %mul3A_2578 : vector<14x256xf32>
    %swap3A_2580 = arith.constant 5 : index
    %swap3A_2581 = arith.constant 9 : index
    %swap3A_2582 = arith.constant 0 : index
    %swap3A_2583 = arith.constant 0 : index
    %swap3A_2584 = vector.load %arg13[%swap3A_2580, %swap3A_2581, %swap3A_2582, %swap3A_2583] : memref<8x14x14x256xf32, #tpu.memory_space<vmem>>, vector<1x1x14x256xf32>
    %swap3A_2585 = vector.shape_cast %swap3A_2584 : vector<1x1x14x256xf32> to vector<14x256xf32>
    %swap3A_2586 = vector.shape_cast %add3A_2579 : vector<14x256xf32> to vector<1x1x14x256xf32>
    tpu.vector_store %arg13[%swap3A_2580, %swap3A_2581, %swap3A_2582, %swap3A_2583], %swap3A_2586 {strides = array<i32>} : memref<8x14x14x256xf32, #tpu.memory_space<vmem>>, vector<1x1x14x256xf32>,
    %mul3A_2587 = arith.constant 112 : i32
    %mul3A_2588 = arith.muli %arg0, %mul3A_2587 : i32
    %add3A_2589 = arith.constant 70 : i32
    %add3A_2590 = arith.addi %mul3A_2588, %add3A_2589 : i32
    %add3A_2591 = arith.constant 10 : i32
    %add3A_2592 = arith.addi %add3A_2590, %add3A_2591 : i32
    %get3A_2593 = arith.index_cast %add3A_2592 : i32 to index
    %get3A_2594 = memref.load %arg1[%get3A_2593] : memref<14000xi32, #tpu.memory_space<smem>>
    %mul3A_2595 = arith.constant 256 : i32
    %mul3A_2596 = arith.muli %get3A_2594, %mul3A_2595 : i32
    %multiple_of3A_2597 = tpu.assume_multiple %mul3A_2596, 256 : i32
    %get3A_2598 = arith.constant 80 : index
    %get3A_2599 = arith.index_cast %multiple_of3A_2597 : i32 to index
    %get3A_2600 = vector.load %arg14[%get3A_2598, %get3A_2599] : memref<128x16640xf32, #tpu.memory_space<vmem>>, vector<14x512xf32>
    %slice3A_2601 = vector.extract_strided_slice %get3A_2600 {offsets = [0, 0], sizes = [14, 256], strides = [1, 1]} : vector<14x512xf32> to vector<14x256xf32>
    %get3A_2602 = arith.index_cast %add3A_2592 : i32 to index
    %get3A_2603 = memref.load %arg2[%get3A_2602] : memref<14000xf32, #tpu.memory_space<smem>>
    %mul3A_2604 = vector.broadcast %get3A_2603 : f32 to vector<14x256xf32>
    %mul3A_2605 = arith.mulf %slice3A_2601, %mul3A_2604 : vector<14x256xf32>
    %slice3A_2606 = vector.extract_strided_slice %get3A_2600 {offsets = [0, 256], sizes = [14, 256], strides = [1, 1]} : vector<14x512xf32> to vector<14x256xf32>
    %get3A_2607 = arith.index_cast %add3A_2592 : i32 to index
    %get3A_2608 = memref.load %arg3[%get3A_2607] : memref<14000xf32, #tpu.memory_space<smem>>
    %mul3A_2609 = vector.broadcast %get3A_2608 : f32 to vector<14x256xf32>
    %mul3A_2610 = arith.mulf %slice3A_2606, %mul3A_2609 : vector<14x256xf32>
    %add3A_2611 = arith.addf %mul3A_2605, %mul3A_2610 : vector<14x256xf32>
    %swap3A_2612 = arith.constant 5 : index
    %swap3A_2613 = arith.constant 10 : index
    %swap3A_2614 = arith.constant 0 : index
    %swap3A_2615 = arith.constant 0 : index
    %swap3A_2616 = vector.load %arg13[%swap3A_2612, %swap3A_2613, %swap3A_2614, %swap3A_2615] : memref<8x14x14x256xf32, #tpu.memory_space<vmem>>, vector<1x1x14x256xf32>
    %swap3A_2617 = vector.shape_cast %swap3A_2616 : vector<1x1x14x256xf32> to vector<14x256xf32>
    %swap3A_2618 = vector.shape_cast %add3A_2611 : vector<14x256xf32> to vector<1x1x14x256xf32>
    tpu.vector_store %arg13[%swap3A_2612, %swap3A_2613, %swap3A_2614, %swap3A_2615], %swap3A_2618 {strides = array<i32>} : memref<8x14x14x256xf32, #tpu.memory_space<vmem>>, vector<1x1x14x256xf32>,
    %mul3A_2619 = arith.constant 112 : i32
    %mul3A_2620 = arith.muli %arg0, %mul3A_2619 : i32
    %add3A_2621 = arith.constant 70 : i32
    %add3A_2622 = arith.addi %mul3A_2620, %add3A_2621 : i32
    %add3A_2623 = arith.constant 11 : i32
    %add3A_2624 = arith.addi %add3A_2622, %add3A_2623 : i32
    %get3A_2625 = arith.index_cast %add3A_2624 : i32 to index
    %get3A_2626 = memref.load %arg1[%get3A_2625] : memref<14000xi32, #tpu.memory_space<smem>>
    %mul3A_2627 = arith.constant 256 : i32
    %mul3A_2628 = arith.muli %get3A_2626, %mul3A_2627 : i32
    %multiple_of3A_2629 = tpu.assume_multiple %mul3A_2628, 256 : i32
    %get3A_2630 = arith.constant 80 : index
    %get3A_2631 = arith.index_cast %multiple_of3A_2629 : i32 to index
    %get3A_2632 = vector.load %arg14[%get3A_2630, %get3A_2631] : memref<128x16640xf32, #tpu.memory_space<vmem>>, vector<14x512xf32>
    %slice3A_2633 = vector.extract_strided_slice %get3A_2632 {offsets = [0, 0], sizes = [14, 256], strides = [1, 1]} : vector<14x512xf32> to vector<14x256xf32>
    %get3A_2634 = arith.index_cast %add3A_2624 : i32 to index
    %get3A_2635 = memref.load %arg2[%get3A_2634] : memref<14000xf32, #tpu.memory_space<smem>>
    %mul3A_2636 = vector.broadcast %get3A_2635 : f32 to vector<14x256xf32>
    %mul3A_2637 = arith.mulf %slice3A_2633, %mul3A_2636 : vector<14x256xf32>
    %slice3A_2638 = vector.extract_strided_slice %get3A_2632 {offsets = [0, 256], sizes = [14, 256], strides = [1, 1]} : vector<14x512xf32> to vector<14x256xf32>
    %get3A_2639 = arith.index_cast %add3A_2624 : i32 to index
    %get3A_2640 = memref.load %arg3[%get3A_2639] : memref<14000xf32, #tpu.memory_space<smem>>
    %mul3A_2641 = vector.broadcast %get3A_2640 : f32 to vector<14x256xf32>
    %mul3A_2642 = arith.mulf %slice3A_2638, %mul3A_2641 : vector<14x256xf32>
    %add3A_2643 = arith.addf %mul3A_2637, %mul3A_2642 : vector<14x256xf32>
    %swap3A_2644 = arith.constant 5 : index
    %swap3A_2645 = arith.constant 11 : index
    %swap3A_2646 = arith.constant 0 : index
    %swap3A_2647 = arith.constant 0 : index
    %swap3A_2648 = vector.load %arg13[%swap3A_2644, %swap3A_2645, %swap3A_2646, %swap3A_2647] : memref<8x14x14x256xf32, #tpu.memory_space<vmem>>, vector<1x1x14x256xf32>
    %swap3A_2649 = vector.shape_cast %swap3A_2648 : vector<1x1x14x256xf32> to vector<14x256xf32>
    %swap3A_2650 = vector.shape_cast %add3A_2643 : vector<14x256xf32> to vector<1x1x14x256xf32>
    tpu.vector_store %arg13[%swap3A_2644, %swap3A_2645, %swap3A_2646, %swap3A_2647], %swap3A_2650 {strides = array<i32>} : memref<8x14x14x256xf32, #tpu.memory_space<vmem>>, vector<1x1x14x256xf32>,
    %mul3A_2651 = arith.constant 112 : i32
    %mul3A_2652 = arith.muli %arg0, %mul3A_2651 : i32
    %add3A_2653 = arith.constant 70 : i32
    %add3A_2654 = arith.addi %mul3A_2652, %add3A_2653 : i32
    %add3A_2655 = arith.constant 12 : i32
    %add3A_2656 = arith.addi %add3A_2654, %add3A_2655 : i32
    %get3A_2657 = arith.index_cast %add3A_2656 : i32 to index
    %get3A_2658 = memref.load %arg1[%get3A_2657] : memref<14000xi32, #tpu.memory_space<smem>>
    %mul3A_2659 = arith.constant 256 : i32
    %mul3A_2660 = arith.muli %get3A_2658, %mul3A_2659 : i32
    %multiple_of3A_2661 = tpu.assume_multiple %mul3A_2660, 256 : i32
    %get3A_2662 = arith.constant 80 : index
    %get3A_2663 = arith.index_cast %multiple_of3A_2661 : i32 to index
    %get3A_2664 = vector.load %arg14[%get3A_2662, %get3A_2663] : memref<128x16640xf32, #tpu.memory_space<vmem>>, vector<14x512xf32>
    %slice3A_2665 = vector.extract_strided_slice %get3A_2664 {offsets = [0, 0], sizes = [14, 256], strides = [1, 1]} : vector<14x512xf32> to vector<14x256xf32>
    %get3A_2666 = arith.index_cast %add3A_2656 : i32 to index
    %get3A_2667 = memref.load %arg2[%get3A_2666] : memref<14000xf32, #tpu.memory_space<smem>>
    %mul3A_2668 = vector.broadcast %get3A_2667 : f32 to vector<14x256xf32>
    %mul3A_2669 = arith.mulf %slice3A_2665, %mul3A_2668 : vector<14x256xf32>
    %slice3A_2670 = vector.extract_strided_slice %get3A_2664 {offsets = [0, 256], sizes = [14, 256], strides = [1, 1]} : vector<14x512xf32> to vector<14x256xf32>
    %get3A_2671 = arith.index_cast %add3A_2656 : i32 to index
    %get3A_2672 = memref.load %arg3[%get3A_2671] : memref<14000xf32, #tpu.memory_space<smem>>
    %mul3A_2673 = vector.broadcast %get3A_2672 : f32 to vector<14x256xf32>
    %mul3A_2674 = arith.mulf %slice3A_2670, %mul3A_2673 : vector<14x256xf32>
    %add3A_2675 = arith.addf %mul3A_2669, %mul3A_2674 : vector<14x256xf32>
    %swap3A_2676 = arith.constant 5 : index
    %swap3A_2677 = arith.constant 12 : index
    %swap3A_2678 = arith.constant 0 : index
    %swap3A_2679 = arith.constant 0 : index
    %swap3A_2680 = vector.load %arg13[%swap3A_2676, %swap3A_2677, %swap3A_2678, %swap3A_2679] : memref<8x14x14x256xf32, #tpu.memory_space<vmem>>, vector<1x1x14x256xf32>
    %swap3A_2681 = vector.shape_cast %swap3A_2680 : vector<1x1x14x256xf32> to vector<14x256xf32>
    %swap3A_2682 = vector.shape_cast %add3A_2675 : vector<14x256xf32> to vector<1x1x14x256xf32>
    tpu.vector_store %arg13[%swap3A_2676, %swap3A_2677, %swap3A_2678, %swap3A_2679], %swap3A_2682 {strides = array<i32>} : memref<8x14x14x256xf32, #tpu.memory_space<vmem>>, vector<1x1x14x256xf32>,
    %mul3A_2683 = arith.constant 112 : i32
    %mul3A_2684 = arith.muli %arg0, %mul3A_2683 : i32
    %add3A_2685 = arith.constant 70 : i32
    %add3A_2686 = arith.addi %mul3A_2684, %add3A_2685 : i32
    %add3A_2687 = arith.constant 13 : i32
    %add3A_2688 = arith.addi %add3A_2686, %add3A_2687 : i32
    %get3A_2689 = arith.index_cast %add3A_2688 : i32 to index
    %get3A_2690 = memref.load %arg1[%get3A_2689] : memref<14000xi32, #tpu.memory_space<smem>>
    %mul3A_2691 = arith.constant 256 : i32
    %mul3A_2692 = arith.muli %get3A_2690, %mul3A_2691 : i32
    %multiple_of3A_2693 = tpu.assume_multiple %mul3A_2692, 256 : i32
    %get3A_2694 = arith.constant 80 : index
    %get3A_2695 = arith.index_cast %multiple_of3A_2693 : i32 to index
    %get3A_2696 = vector.load %arg14[%get3A_2694, %get3A_2695] : memref<128x16640xf32, #tpu.memory_space<vmem>>, vector<14x512xf32>
    %slice3A_2697 = vector.extract_strided_slice %get3A_2696 {offsets = [0, 0], sizes = [14, 256], strides = [1, 1]} : vector<14x512xf32> to vector<14x256xf32>
    %get3A_2698 = arith.index_cast %add3A_2688 : i32 to index
    %get3A_2699 = memref.load %arg2[%get3A_2698] : memref<14000xf32, #tpu.memory_space<smem>>
    %mul3A_2700 = vector.broadcast %get3A_2699 : f32 to vector<14x256xf32>
    %mul3A_2701 = arith.mulf %slice3A_2697, %mul3A_2700 : vector<14x256xf32>
    %slice3A_2702 = vector.extract_strided_slice %get3A_2696 {offsets = [0, 256], sizes = [14, 256], strides = [1, 1]} : vector<14x512xf32> to vector<14x256xf32>
    %get3A_2703 = arith.index_cast %add3A_2688 : i32 to index
    %get3A_2704 = memref.load %arg3[%get3A_2703] : memref<14000xf32, #tpu.memory_space<smem>>
    %mul3A_2705 = vector.broadcast %get3A_2704 : f32 to vector<14x256xf32>
    %mul3A_2706 = arith.mulf %slice3A_2702, %mul3A_2705 : vector<14x256xf32>
    %add3A_2707 = arith.addf %mul3A_2701, %mul3A_2706 : vector<14x256xf32>
    %swap3A_2708 = arith.constant 5 : index
    %swap3A_2709 = arith.constant 13 : index
    %swap3A_2710 = arith.constant 0 : index
    %swap3A_2711 = arith.constant 0 : index
    %swap3A_2712 = vector.load %arg13[%swap3A_2708, %swap3A_2709, %swap3A_2710, %swap3A_2711] : memref<8x14x14x256xf32, #tpu.memory_space<vmem>>, vector<1x1x14x256xf32>
    %swap3A_2713 = vector.shape_cast %swap3A_2712 : vector<1x1x14x256xf32> to vector<14x256xf32>
    %swap3A_2714 = vector.shape_cast %add3A_2707 : vector<14x256xf32> to vector<1x1x14x256xf32>
    tpu.vector_store %arg13[%swap3A_2708, %swap3A_2709, %swap3A_2710, %swap3A_2711], %swap3A_2714 {strides = array<i32>} : memref<8x14x14x256xf32, #tpu.memory_space<vmem>>, vector<1x1x14x256xf32>,
    %mul3A_2715 = arith.constant 112 : i32
    %mul3A_2716 = arith.muli %arg0, %mul3A_2715 : i32
    %add3A_2717 = arith.constant 84 : i32
    %add3A_2718 = arith.addi %mul3A_2716, %add3A_2717 : i32
    %add3A_2719 = arith.constant 0 : i32
    %add3A_2720 = arith.addi %add3A_2718, %add3A_2719 : i32
    %get3A_2721 = arith.index_cast %add3A_2720 : i32 to index
    %get3A_2722 = memref.load %arg1[%get3A_2721] : memref<14000xi32, #tpu.memory_space<smem>>
    %mul3A_2723 = arith.constant 256 : i32
    %mul3A_2724 = arith.muli %get3A_2722, %mul3A_2723 : i32
    %multiple_of3A_2725 = tpu.assume_multiple %mul3A_2724, 256 : i32
    %get3A_2726 = arith.constant 96 : index
    %get3A_2727 = arith.index_cast %multiple_of3A_2725 : i32 to index
    %get3A_2728 = vector.load %arg14[%get3A_2726, %get3A_2727] : memref<128x16640xf32, #tpu.memory_space<vmem>>, vector<14x512xf32>
    %slice3A_2729 = vector.extract_strided_slice %get3A_2728 {offsets = [0, 0], sizes = [14, 256], strides = [1, 1]} : vector<14x512xf32> to vector<14x256xf32>
    %get3A_2730 = arith.index_cast %add3A_2720 : i32 to index
    %get3A_2731 = memref.load %arg2[%get3A_2730] : memref<14000xf32, #tpu.memory_space<smem>>
    %mul3A_2732 = vector.broadcast %get3A_2731 : f32 to vector<14x256xf32>
    %mul3A_2733 = arith.mulf %slice3A_2729, %mul3A_2732 : vector<14x256xf32>
    %slice3A_2734 = vector.extract_strided_slice %get3A_2728 {offsets = [0, 256], sizes = [14, 256], strides = [1, 1]} : vector<14x512xf32> to vector<14x256xf32>
    %get3A_2735 = arith.index_cast %add3A_2720 : i32 to index
    %get3A_2736 = memref.load %arg3[%get3A_2735] : memref<14000xf32, #tpu.memory_space<smem>>
    %mul3A_2737 = vector.broadcast %get3A_2736 : f32 to vector<14x256xf32>
    %mul3A_2738 = arith.mulf %slice3A_2734, %mul3A_2737 : vector<14x256xf32>
    %add3A_2739 = arith.addf %mul3A_2733, %mul3A_2738 : vector<14x256xf32>
    %swap3A_2740 = arith.constant 6 : index
    %swap3A_2741 = arith.constant 0 : index
    %swap3A_2742 = arith.constant 0 : index
    %swap3A_2743 = arith.constant 0 : index
    %swap3A_2744 = vector.load %arg13[%swap3A_2740, %swap3A_2741, %swap3A_2742, %swap3A_2743] : memref<8x14x14x256xf32, #tpu.memory_space<vmem>>, vector<1x1x14x256xf32>
    %swap3A_2745 = vector.shape_cast %swap3A_2744 : vector<1x1x14x256xf32> to vector<14x256xf32>
    %swap3A_2746 = vector.shape_cast %add3A_2739 : vector<14x256xf32> to vector<1x1x14x256xf32>
    tpu.vector_store %arg13[%swap3A_2740, %swap3A_2741, %swap3A_2742, %swap3A_2743], %swap3A_2746 {strides = array<i32>} : memref<8x14x14x256xf32, #tpu.memory_space<vmem>>, vector<1x1x14x256xf32>,
    %mul3A_2747 = arith.constant 112 : i32
    %mul3A_2748 = arith.muli %arg0, %mul3A_2747 : i32
    %add3A_2749 = arith.constant 84 : i32
    %add3A_2750 = arith.addi %mul3A_2748, %add3A_2749 : i32
    %add3A_2751 = arith.constant 1 : i32
    %add3A_2752 = arith.addi %add3A_2750, %add3A_2751 : i32
    %get3A_2753 = arith.index_cast %add3A_2752 : i32 to index
    %get3A_2754 = memref.load %arg1[%get3A_2753] : memref<14000xi32, #tpu.memory_space<smem>>
    %mul3A_2755 = arith.constant 256 : i32
    %mul3A_2756 = arith.muli %get3A_2754, %mul3A_2755 : i32
    %multiple_of3A_2757 = tpu.assume_multiple %mul3A_2756, 256 : i32
    %get3A_2758 = arith.constant 96 : index
    %get3A_2759 = arith.index_cast %multiple_of3A_2757 : i32 to index
    %get3A_2760 = vector.load %arg14[%get3A_2758, %get3A_2759] : memref<128x16640xf32, #tpu.memory_space<vmem>>, vector<14x512xf32>
    %slice3A_2761 = vector.extract_strided_slice %get3A_2760 {offsets = [0, 0], sizes = [14, 256], strides = [1, 1]} : vector<14x512xf32> to vector<14x256xf32>
    %get3A_2762 = arith.index_cast %add3A_2752 : i32 to index
    %get3A_2763 = memref.load %arg2[%get3A_2762] : memref<14000xf32, #tpu.memory_space<smem>>
    %mul3A_2764 = vector.broadcast %get3A_2763 : f32 to vector<14x256xf32>
    %mul3A_2765 = arith.mulf %slice3A_2761, %mul3A_2764 : vector<14x256xf32>
    %slice3A_2766 = vector.extract_strided_slice %get3A_2760 {offsets = [0, 256], sizes = [14, 256], strides = [1, 1]} : vector<14x512xf32> to vector<14x256xf32>
    %get3A_2767 = arith.index_cast %add3A_2752 : i32 to index
    %get3A_2768 = memref.load %arg3[%get3A_2767] : memref<14000xf32, #tpu.memory_space<smem>>
    %mul3A_2769 = vector.broadcast %get3A_2768 : f32 to vector<14x256xf32>
    %mul3A_2770 = arith.mulf %slice3A_2766, %mul3A_2769 : vector<14x256xf32>
    %add3A_2771 = arith.addf %mul3A_2765, %mul3A_2770 : vector<14x256xf32>
    %swap3A_2772 = arith.constant 6 : index
    %swap3A_2773 = arith.constant 1 : index
    %swap3A_2774 = arith.constant 0 : index
    %swap3A_2775 = arith.constant 0 : index
    %swap3A_2776 = vector.load %arg13[%swap3A_2772, %swap3A_2773, %swap3A_2774, %swap3A_2775] : memref<8x14x14x256xf32, #tpu.memory_space<vmem>>, vector<1x1x14x256xf32>
    %swap3A_2777 = vector.shape_cast %swap3A_2776 : vector<1x1x14x256xf32> to vector<14x256xf32>
    %swap3A_2778 = vector.shape_cast %add3A_2771 : vector<14x256xf32> to vector<1x1x14x256xf32>
    tpu.vector_store %arg13[%swap3A_2772, %swap3A_2773, %swap3A_2774, %swap3A_2775], %swap3A_2778 {strides = array<i32>} : memref<8x14x14x256xf32, #tpu.memory_space<vmem>>, vector<1x1x14x256xf32>,
    %mul3A_2779 = arith.constant 112 : i32
    %mul3A_2780 = arith.muli %arg0, %mul3A_2779 : i32
    %add3A_2781 = arith.constant 84 : i32
    %add3A_2782 = arith.addi %mul3A_2780, %add3A_2781 : i32
    %add3A_2783 = arith.constant 2 : i32
    %add3A_2784 = arith.addi %add3A_2782, %add3A_2783 : i32
    %get3A_2785 = arith.index_cast %add3A_2784 : i32 to index
    %get3A_2786 = memref.load %arg1[%get3A_2785] : memref<14000xi32, #tpu.memory_space<smem>>
    %mul3A_2787 = arith.constant 256 : i32
    %mul3A_2788 = arith.muli %get3A_2786, %mul3A_2787 : i32
    %multiple_of3A_2789 = tpu.assume_multiple %mul3A_2788, 256 : i32
    %get3A_2790 = arith.constant 96 : index
    %get3A_2791 = arith.index_cast %multiple_of3A_2789 : i32 to index
    %get3A_2792 = vector.load %arg14[%get3A_2790, %get3A_2791] : memref<128x16640xf32, #tpu.memory_space<vmem>>, vector<14x512xf32>
    %slice3A_2793 = vector.extract_strided_slice %get3A_2792 {offsets = [0, 0], sizes = [14, 256], strides = [1, 1]} : vector<14x512xf32> to vector<14x256xf32>
    %get3A_2794 = arith.index_cast %add3A_2784 : i32 to index
    %get3A_2795 = memref.load %arg2[%get3A_2794] : memref<14000xf32, #tpu.memory_space<smem>>
    %mul3A_2796 = vector.broadcast %get3A_2795 : f32 to vector<14x256xf32>
    %mul3A_2797 = arith.mulf %slice3A_2793, %mul3A_2796 : vector<14x256xf32>
    %slice3A_2798 = vector.extract_strided_slice %get3A_2792 {offsets = [0, 256], sizes = [14, 256], strides = [1, 1]} : vector<14x512xf32> to vector<14x256xf32>
    %get3A_2799 = arith.index_cast %add3A_2784 : i32 to index
    %get3A_2800 = memref.load %arg3[%get3A_2799] : memref<14000xf32, #tpu.memory_space<smem>>
    %mul3A_2801 = vector.broadcast %get3A_2800 : f32 to vector<14x256xf32>
    %mul3A_2802 = arith.mulf %slice3A_2798, %mul3A_2801 : vector<14x256xf32>
    %add3A_2803 = arith.addf %mul3A_2797, %mul3A_2802 : vector<14x256xf32>
    %swap3A_2804 = arith.constant 6 : index
    %swap3A_2805 = arith.constant 2 : index
    %swap3A_2806 = arith.constant 0 : index
    %swap3A_2807 = arith.constant 0 : index
    %swap3A_2808 = vector.load %arg13[%swap3A_2804, %swap3A_2805, %swap3A_2806, %swap3A_2807] : memref<8x14x14x256xf32, #tpu.memory_space<vmem>>, vector<1x1x14x256xf32>
    %swap3A_2809 = vector.shape_cast %swap3A_2808 : vector<1x1x14x256xf32> to vector<14x256xf32>
    %swap3A_2810 = vector.shape_cast %add3A_2803 : vector<14x256xf32> to vector<1x1x14x256xf32>
    tpu.vector_store %arg13[%swap3A_2804, %swap3A_2805, %swap3A_2806, %swap3A_2807], %swap3A_2810 {strides = array<i32>} : memref<8x14x14x256xf32, #tpu.memory_space<vmem>>, vector<1x1x14x256xf32>,
    %mul3A_2811 = arith.constant 112 : i32
    %mul3A_2812 = arith.muli %arg0, %mul3A_2811 : i32
    %add3A_2813 = arith.constant 84 : i32
    %add3A_2814 = arith.addi %mul3A_2812, %add3A_2813 : i32
    %add3A_2815 = arith.constant 3 : i32
    %add3A_2816 = arith.addi %add3A_2814, %add3A_2815 : i32
    %get3A_2817 = arith.index_cast %add3A_2816 : i32 to index
    %get3A_2818 = memref.load %arg1[%get3A_2817] : memref<14000xi32, #tpu.memory_space<smem>>
    %mul3A_2819 = arith.constant 256 : i32
    %mul3A_2820 = arith.muli %get3A_2818, %mul3A_2819 : i32
    %multiple_of3A_2821 = tpu.assume_multiple %mul3A_2820, 256 : i32
    %get3A_2822 = arith.constant 96 : index
    %get3A_2823 = arith.index_cast %multiple_of3A_2821 : i32 to index
    %get3A_2824 = vector.load %arg14[%get3A_2822, %get3A_2823] : memref<128x16640xf32, #tpu.memory_space<vmem>>, vector<14x512xf32>
    %slice3A_2825 = vector.extract_strided_slice %get3A_2824 {offsets = [0, 0], sizes = [14, 256], strides = [1, 1]} : vector<14x512xf32> to vector<14x256xf32>
    %get3A_2826 = arith.index_cast %add3A_2816 : i32 to index
    %get3A_2827 = memref.load %arg2[%get3A_2826] : memref<14000xf32, #tpu.memory_space<smem>>
    %mul3A_2828 = vector.broadcast %get3A_2827 : f32 to vector<14x256xf32>
    %mul3A_2829 = arith.mulf %slice3A_2825, %mul3A_2828 : vector<14x256xf32>
    %slice3A_2830 = vector.extract_strided_slice %get3A_2824 {offsets = [0, 256], sizes = [14, 256], strides = [1, 1]} : vector<14x512xf32> to vector<14x256xf32>
    %get3A_2831 = arith.index_cast %add3A_2816 : i32 to index
    %get3A_2832 = memref.load %arg3[%get3A_2831] : memref<14000xf32, #tpu.memory_space<smem>>
    %mul3A_2833 = vector.broadcast %get3A_2832 : f32 to vector<14x256xf32>
    %mul3A_2834 = arith.mulf %slice3A_2830, %mul3A_2833 : vector<14x256xf32>
    %add3A_2835 = arith.addf %mul3A_2829, %mul3A_2834 : vector<14x256xf32>
    %swap3A_2836 = arith.constant 6 : index
    %swap3A_2837 = arith.constant 3 : index
    %swap3A_2838 = arith.constant 0 : index
    %swap3A_2839 = arith.constant 0 : index
    %swap3A_2840 = vector.load %arg13[%swap3A_2836, %swap3A_2837, %swap3A_2838, %swap3A_2839] : memref<8x14x14x256xf32, #tpu.memory_space<vmem>>, vector<1x1x14x256xf32>
    %swap3A_2841 = vector.shape_cast %swap3A_2840 : vector<1x1x14x256xf32> to vector<14x256xf32>
    %swap3A_2842 = vector.shape_cast %add3A_2835 : vector<14x256xf32> to vector<1x1x14x256xf32>
    tpu.vector_store %arg13[%swap3A_2836, %swap3A_2837, %swap3A_2838, %swap3A_2839], %swap3A_2842 {strides = array<i32>} : memref<8x14x14x256xf32, #tpu.memory_space<vmem>>, vector<1x1x14x256xf32>,
    %mul3A_2843 = arith.constant 112 : i32
    %mul3A_2844 = arith.muli %arg0, %mul3A_2843 : i32
    %add3A_2845 = arith.constant 84 : i32
    %add3A_2846 = arith.addi %mul3A_2844, %add3A_2845 : i32
    %add3A_2847 = arith.constant 4 : i32
    %add3A_2848 = arith.addi %add3A_2846, %add3A_2847 : i32
    %get3A_2849 = arith.index_cast %add3A_2848 : i32 to index
    %get3A_2850 = memref.load %arg1[%get3A_2849] : memref<14000xi32, #tpu.memory_space<smem>>
    %mul3A_2851 = arith.constant 256 : i32
    %mul3A_2852 = arith.muli %get3A_2850, %mul3A_2851 : i32
    %multiple_of3A_2853 = tpu.assume_multiple %mul3A_2852, 256 : i32
    %get3A_2854 = arith.constant 96 : index
    %get3A_2855 = arith.index_cast %multiple_of3A_2853 : i32 to index
    %get3A_2856 = vector.load %arg14[%get3A_2854, %get3A_2855] : memref<128x16640xf32, #tpu.memory_space<vmem>>, vector<14x512xf32>
    %slice3A_2857 = vector.extract_strided_slice %get3A_2856 {offsets = [0, 0], sizes = [14, 256], strides = [1, 1]} : vector<14x512xf32> to vector<14x256xf32>
    %get3A_2858 = arith.index_cast %add3A_2848 : i32 to index
    %get3A_2859 = memref.load %arg2[%get3A_2858] : memref<14000xf32, #tpu.memory_space<smem>>
    %mul3A_2860 = vector.broadcast %get3A_2859 : f32 to vector<14x256xf32>
    %mul3A_2861 = arith.mulf %slice3A_2857, %mul3A_2860 : vector<14x256xf32>
    %slice3A_2862 = vector.extract_strided_slice %get3A_2856 {offsets = [0, 256], sizes = [14, 256], strides = [1, 1]} : vector<14x512xf32> to vector<14x256xf32>
    %get3A_2863 = arith.index_cast %add3A_2848 : i32 to index
    %get3A_2864 = memref.load %arg3[%get3A_2863] : memref<14000xf32, #tpu.memory_space<smem>>
    %mul3A_2865 = vector.broadcast %get3A_2864 : f32 to vector<14x256xf32>
    %mul3A_2866 = arith.mulf %slice3A_2862, %mul3A_2865 : vector<14x256xf32>
    %add3A_2867 = arith.addf %mul3A_2861, %mul3A_2866 : vector<14x256xf32>
    %swap3A_2868 = arith.constant 6 : index
    %swap3A_2869 = arith.constant 4 : index
    %swap3A_2870 = arith.constant 0 : index
    %swap3A_2871 = arith.constant 0 : index
    %swap3A_2872 = vector.load %arg13[%swap3A_2868, %swap3A_2869, %swap3A_2870, %swap3A_2871] : memref<8x14x14x256xf32, #tpu.memory_space<vmem>>, vector<1x1x14x256xf32>
    %swap3A_2873 = vector.shape_cast %swap3A_2872 : vector<1x1x14x256xf32> to vector<14x256xf32>
    %swap3A_2874 = vector.shape_cast %add3A_2867 : vector<14x256xf32> to vector<1x1x14x256xf32>
    tpu.vector_store %arg13[%swap3A_2868, %swap3A_2869, %swap3A_2870, %swap3A_2871], %swap3A_2874 {strides = array<i32>} : memref<8x14x14x256xf32, #tpu.memory_space<vmem>>, vector<1x1x14x256xf32>,
    %mul3A_2875 = arith.constant 112 : i32
    %mul3A_2876 = arith.muli %arg0, %mul3A_2875 : i32
    %add3A_2877 = arith.constant 84 : i32
    %add3A_2878 = arith.addi %mul3A_2876, %add3A_2877 : i32
    %add3A_2879 = arith.constant 5 : i32
    %add3A_2880 = arith.addi %add3A_2878, %add3A_2879 : i32
    %get3A_2881 = arith.index_cast %add3A_2880 : i32 to index
    %get3A_2882 = memref.load %arg1[%get3A_2881] : memref<14000xi32, #tpu.memory_space<smem>>
    %mul3A_2883 = arith.constant 256 : i32
    %mul3A_2884 = arith.muli %get3A_2882, %mul3A_2883 : i32
    %multiple_of3A_2885 = tpu.assume_multiple %mul3A_2884, 256 : i32
    %get3A_2886 = arith.constant 96 : index
    %get3A_2887 = arith.index_cast %multiple_of3A_2885 : i32 to index
    %get3A_2888 = vector.load %arg14[%get3A_2886, %get3A_2887] : memref<128x16640xf32, #tpu.memory_space<vmem>>, vector<14x512xf32>
    %slice3A_2889 = vector.extract_strided_slice %get3A_2888 {offsets = [0, 0], sizes = [14, 256], strides = [1, 1]} : vector<14x512xf32> to vector<14x256xf32>
    %get3A_2890 = arith.index_cast %add3A_2880 : i32 to index
    %get3A_2891 = memref.load %arg2[%get3A_2890] : memref<14000xf32, #tpu.memory_space<smem>>
    %mul3A_2892 = vector.broadcast %get3A_2891 : f32 to vector<14x256xf32>
    %mul3A_2893 = arith.mulf %slice3A_2889, %mul3A_2892 : vector<14x256xf32>
    %slice3A_2894 = vector.extract_strided_slice %get3A_2888 {offsets = [0, 256], sizes = [14, 256], strides = [1, 1]} : vector<14x512xf32> to vector<14x256xf32>
    %get3A_2895 = arith.index_cast %add3A_2880 : i32 to index
    %get3A_2896 = memref.load %arg3[%get3A_2895] : memref<14000xf32, #tpu.memory_space<smem>>
    %mul3A_2897 = vector.broadcast %get3A_2896 : f32 to vector<14x256xf32>
    %mul3A_2898 = arith.mulf %slice3A_2894, %mul3A_2897 : vector<14x256xf32>
    %add3A_2899 = arith.addf %mul3A_2893, %mul3A_2898 : vector<14x256xf32>
    %swap3A_2900 = arith.constant 6 : index
    %swap3A_2901 = arith.constant 5 : index
    %swap3A_2902 = arith.constant 0 : index
    %swap3A_2903 = arith.constant 0 : index
    %swap3A_2904 = vector.load %arg13[%swap3A_2900, %swap3A_2901, %swap3A_2902, %swap3A_2903] : memref<8x14x14x256xf32, #tpu.memory_space<vmem>>, vector<1x1x14x256xf32>
    %swap3A_2905 = vector.shape_cast %swap3A_2904 : vector<1x1x14x256xf32> to vector<14x256xf32>
    %swap3A_2906 = vector.shape_cast %add3A_2899 : vector<14x256xf32> to vector<1x1x14x256xf32>
    tpu.vector_store %arg13[%swap3A_2900, %swap3A_2901, %swap3A_2902, %swap3A_2903], %swap3A_2906 {strides = array<i32>} : memref<8x14x14x256xf32, #tpu.memory_space<vmem>>, vector<1x1x14x256xf32>,
    %mul3A_2907 = arith.constant 112 : i32
    %mul3A_2908 = arith.muli %arg0, %mul3A_2907 : i32
    %add3A_2909 = arith.constant 84 : i32
    %add3A_2910 = arith.addi %mul3A_2908, %add3A_2909 : i32
    %add3A_2911 = arith.constant 6 : i32
    %add3A_2912 = arith.addi %add3A_2910, %add3A_2911 : i32
    %get3A_2913 = arith.index_cast %add3A_2912 : i32 to index
    %get3A_2914 = memref.load %arg1[%get3A_2913] : memref<14000xi32, #tpu.memory_space<smem>>
    %mul3A_2915 = arith.constant 256 : i32
    %mul3A_2916 = arith.muli %get3A_2914, %mul3A_2915 : i32
    %multiple_of3A_2917 = tpu.assume_multiple %mul3A_2916, 256 : i32
    %get3A_2918 = arith.constant 96 : index
    %get3A_2919 = arith.index_cast %multiple_of3A_2917 : i32 to index
    %get3A_2920 = vector.load %arg14[%get3A_2918, %get3A_2919] : memref<128x16640xf32, #tpu.memory_space<vmem>>, vector<14x512xf32>
    %slice3A_2921 = vector.extract_strided_slice %get3A_2920 {offsets = [0, 0], sizes = [14, 256], strides = [1, 1]} : vector<14x512xf32> to vector<14x256xf32>
    %get3A_2922 = arith.index_cast %add3A_2912 : i32 to index
    %get3A_2923 = memref.load %arg2[%get3A_2922] : memref<14000xf32, #tpu.memory_space<smem>>
    %mul3A_2924 = vector.broadcast %get3A_2923 : f32 to vector<14x256xf32>
    %mul3A_2925 = arith.mulf %slice3A_2921, %mul3A_2924 : vector<14x256xf32>
    %slice3A_2926 = vector.extract_strided_slice %get3A_2920 {offsets = [0, 256], sizes = [14, 256], strides = [1, 1]} : vector<14x512xf32> to vector<14x256xf32>
    %get3A_2927 = arith.index_cast %add3A_2912 : i32 to index
    %get3A_2928 = memref.load %arg3[%get3A_2927] : memref<14000xf32, #tpu.memory_space<smem>>
    %mul3A_2929 = vector.broadcast %get3A_2928 : f32 to vector<14x256xf32>
    %mul3A_2930 = arith.mulf %slice3A_2926, %mul3A_2929 : vector<14x256xf32>
    %add3A_2931 = arith.addf %mul3A_2925, %mul3A_2930 : vector<14x256xf32>
    %swap3A_2932 = arith.constant 6 : index
    %swap3A_2933 = arith.constant 6 : index
    %swap3A_2934 = arith.constant 0 : index
    %swap3A_2935 = arith.constant 0 : index
    %swap3A_2936 = vector.load %arg13[%swap3A_2932, %swap3A_2933, %swap3A_2934, %swap3A_2935] : memref<8x14x14x256xf32, #tpu.memory_space<vmem>>, vector<1x1x14x256xf32>
    %swap3A_2937 = vector.shape_cast %swap3A_2936 : vector<1x1x14x256xf32> to vector<14x256xf32>
    %swap3A_2938 = vector.shape_cast %add3A_2931 : vector<14x256xf32> to vector<1x1x14x256xf32>
    tpu.vector_store %arg13[%swap3A_2932, %swap3A_2933, %swap3A_2934, %swap3A_2935], %swap3A_2938 {strides = array<i32>} : memref<8x14x14x256xf32, #tpu.memory_space<vmem>>, vector<1x1x14x256xf32>,
    %mul3A_2939 = arith.constant 112 : i32
    %mul3A_2940 = arith.muli %arg0, %mul3A_2939 : i32
    %add3A_2941 = arith.constant 84 : i32
    %add3A_2942 = arith.addi %mul3A_2940, %add3A_2941 : i32
    %add3A_2943 = arith.constant 7 : i32
    %add3A_2944 = arith.addi %add3A_2942, %add3A_2943 : i32
    %get3A_2945 = arith.index_cast %add3A_2944 : i32 to index
    %get3A_2946 = memref.load %arg1[%get3A_2945] : memref<14000xi32, #tpu.memory_space<smem>>
    %mul3A_2947 = arith.constant 256 : i32
    %mul3A_2948 = arith.muli %get3A_2946, %mul3A_2947 : i32
    %multiple_of3A_2949 = tpu.assume_multiple %mul3A_2948, 256 : i32
    %get3A_2950 = arith.constant 96 : index
    %get3A_2951 = arith.index_cast %multiple_of3A_2949 : i32 to index
    %get3A_2952 = vector.load %arg14[%get3A_2950, %get3A_2951] : memref<128x16640xf32, #tpu.memory_space<vmem>>, vector<14x512xf32>
    %slice3A_2953 = vector.extract_strided_slice %get3A_2952 {offsets = [0, 0], sizes = [14, 256], strides = [1, 1]} : vector<14x512xf32> to vector<14x256xf32>
    %get3A_2954 = arith.index_cast %add3A_2944 : i32 to index
    %get3A_2955 = memref.load %arg2[%get3A_2954] : memref<14000xf32, #tpu.memory_space<smem>>
    %mul3A_2956 = vector.broadcast %get3A_2955 : f32 to vector<14x256xf32>
    %mul3A_2957 = arith.mulf %slice3A_2953, %mul3A_2956 : vector<14x256xf32>
    %slice3A_2958 = vector.extract_strided_slice %get3A_2952 {offsets = [0, 256], sizes = [14, 256], strides = [1, 1]} : vector<14x512xf32> to vector<14x256xf32>
    %get3A_2959 = arith.index_cast %add3A_2944 : i32 to index
    %get3A_2960 = memref.load %arg3[%get3A_2959] : memref<14000xf32, #tpu.memory_space<smem>>
    %mul3A_2961 = vector.broadcast %get3A_2960 : f32 to vector<14x256xf32>
    %mul3A_2962 = arith.mulf %slice3A_2958, %mul3A_2961 : vector<14x256xf32>
    %add3A_2963 = arith.addf %mul3A_2957, %mul3A_2962 : vector<14x256xf32>
    %swap3A_2964 = arith.constant 6 : index
    %swap3A_2965 = arith.constant 7 : index
    %swap3A_2966 = arith.constant 0 : index
    %swap3A_2967 = arith.constant 0 : index
    %swap3A_2968 = vector.load %arg13[%swap3A_2964, %swap3A_2965, %swap3A_2966, %swap3A_2967] : memref<8x14x14x256xf32, #tpu.memory_space<vmem>>, vector<1x1x14x256xf32>
    %swap3A_2969 = vector.shape_cast %swap3A_2968 : vector<1x1x14x256xf32> to vector<14x256xf32>
    %swap3A_2970 = vector.shape_cast %add3A_2963 : vector<14x256xf32> to vector<1x1x14x256xf32>
    tpu.vector_store %arg13[%swap3A_2964, %swap3A_2965, %swap3A_2966, %swap3A_2967], %swap3A_2970 {strides = array<i32>} : memref<8x14x14x256xf32, #tpu.memory_space<vmem>>, vector<1x1x14x256xf32>,
    %mul3A_2971 = arith.constant 112 : i32
    %mul3A_2972 = arith.muli %arg0, %mul3A_2971 : i32
    %add3A_2973 = arith.constant 84 : i32
    %add3A_2974 = arith.addi %mul3A_2972, %add3A_2973 : i32
    %add3A_2975 = arith.constant 8 : i32
    %add3A_2976 = arith.addi %add3A_2974, %add3A_2975 : i32
    %get3A_2977 = arith.index_cast %add3A_2976 : i32 to index
    %get3A_2978 = memref.load %arg1[%get3A_2977] : memref<14000xi32, #tpu.memory_space<smem>>
    %mul3A_2979 = arith.constant 256 : i32
    %mul3A_2980 = arith.muli %get3A_2978, %mul3A_2979 : i32
    %multiple_of3A_2981 = tpu.assume_multiple %mul3A_2980, 256 : i32
    %get3A_2982 = arith.constant 96 : index
    %get3A_2983 = arith.index_cast %multiple_of3A_2981 : i32 to index
    %get3A_2984 = vector.load %arg14[%get3A_2982, %get3A_2983] : memref<128x16640xf32, #tpu.memory_space<vmem>>, vector<14x512xf32>
    %slice3A_2985 = vector.extract_strided_slice %get3A_2984 {offsets = [0, 0], sizes = [14, 256], strides = [1, 1]} : vector<14x512xf32> to vector<14x256xf32>
    %get3A_2986 = arith.index_cast %add3A_2976 : i32 to index
    %get3A_2987 = memref.load %arg2[%get3A_2986] : memref<14000xf32, #tpu.memory_space<smem>>
    %mul3A_2988 = vector.broadcast %get3A_2987 : f32 to vector<14x256xf32>
    %mul3A_2989 = arith.mulf %slice3A_2985, %mul3A_2988 : vector<14x256xf32>
    %slice3A_2990 = vector.extract_strided_slice %get3A_2984 {offsets = [0, 256], sizes = [14, 256], strides = [1, 1]} : vector<14x512xf32> to vector<14x256xf32>
    %get3A_2991 = arith.index_cast %add3A_2976 : i32 to index
    %get3A_2992 = memref.load %arg3[%get3A_2991] : memref<14000xf32, #tpu.memory_space<smem>>
    %mul3A_2993 = vector.broadcast %get3A_2992 : f32 to vector<14x256xf32>
    %mul3A_2994 = arith.mulf %slice3A_2990, %mul3A_2993 : vector<14x256xf32>
    %add3A_2995 = arith.addf %mul3A_2989, %mul3A_2994 : vector<14x256xf32>
    %swap3A_2996 = arith.constant 6 : index
    %swap3A_2997 = arith.constant 8 : index
    %swap3A_2998 = arith.constant 0 : index
    %swap3A_2999 = arith.constant 0 : index
    %swap3A_3000 = vector.load %arg13[%swap3A_2996, %swap3A_2997, %swap3A_2998, %swap3A_2999] : memref<8x14x14x256xf32, #tpu.memory_space<vmem>>, vector<1x1x14x256xf32>
    %swap3A_3001 = vector.shape_cast %swap3A_3000 : vector<1x1x14x256xf32> to vector<14x256xf32>
    %swap3A_3002 = vector.shape_cast %add3A_2995 : vector<14x256xf32> to vector<1x1x14x256xf32>
    tpu.vector_store %arg13[%swap3A_2996, %swap3A_2997, %swap3A_2998, %swap3A_2999], %swap3A_3002 {strides = array<i32>} : memref<8x14x14x256xf32, #tpu.memory_space<vmem>>, vector<1x1x14x256xf32>,
    %mul3A_3003 = arith.constant 112 : i32
    %mul3A_3004 = arith.muli %arg0, %mul3A_3003 : i32
    %add3A_3005 = arith.constant 84 : i32
    %add3A_3006 = arith.addi %mul3A_3004, %add3A_3005 : i32
    %add3A_3007 = arith.constant 9 : i32
    %add3A_3008 = arith.addi %add3A_3006, %add3A_3007 : i32
    %get3A_3009 = arith.index_cast %add3A_3008 : i32 to index
    %get3A_3010 = memref.load %arg1[%get3A_3009] : memref<14000xi32, #tpu.memory_space<smem>>
    %mul3A_3011 = arith.constant 256 : i32
    %mul3A_3012 = arith.muli %get3A_3010, %mul3A_3011 : i32
    %multiple_of3A_3013 = tpu.assume_multiple %mul3A_3012, 256 : i32
    %get3A_3014 = arith.constant 96 : index
    %get3A_3015 = arith.index_cast %multiple_of3A_3013 : i32 to index
    %get3A_3016 = vector.load %arg14[%get3A_3014, %get3A_3015] : memref<128x16640xf32, #tpu.memory_space<vmem>>, vector<14x512xf32>
    %slice3A_3017 = vector.extract_strided_slice %get3A_3016 {offsets = [0, 0], sizes = [14, 256], strides = [1, 1]} : vector<14x512xf32> to vector<14x256xf32>
    %get3A_3018 = arith.index_cast %add3A_3008 : i32 to index
    %get3A_3019 = memref.load %arg2[%get3A_3018] : memref<14000xf32, #tpu.memory_space<smem>>
    %mul3A_3020 = vector.broadcast %get3A_3019 : f32 to vector<14x256xf32>
    %mul3A_3021 = arith.mulf %slice3A_3017, %mul3A_3020 : vector<14x256xf32>
    %slice3A_3022 = vector.extract_strided_slice %get3A_3016 {offsets = [0, 256], sizes = [14, 256], strides = [1, 1]} : vector<14x512xf32> to vector<14x256xf32>
    %get3A_3023 = arith.index_cast %add3A_3008 : i32 to index
    %get3A_3024 = memref.load %arg3[%get3A_3023] : memref<14000xf32, #tpu.memory_space<smem>>
    %mul3A_3025 = vector.broadcast %get3A_3024 : f32 to vector<14x256xf32>
    %mul3A_3026 = arith.mulf %slice3A_3022, %mul3A_3025 : vector<14x256xf32>
    %add3A_3027 = arith.addf %mul3A_3021, %mul3A_3026 : vector<14x256xf32>
    %swap3A_3028 = arith.constant 6 : index
    %swap3A_3029 = arith.constant 9 : index
    %swap3A_3030 = arith.constant 0 : index
    %swap3A_3031 = arith.constant 0 : index
    %swap3A_3032 = vector.load %arg13[%swap3A_3028, %swap3A_3029, %swap3A_3030, %swap3A_3031] : memref<8x14x14x256xf32, #tpu.memory_space<vmem>>, vector<1x1x14x256xf32>
    %swap3A_3033 = vector.shape_cast %swap3A_3032 : vector<1x1x14x256xf32> to vector<14x256xf32>
    %swap3A_3034 = vector.shape_cast %add3A_3027 : vector<14x256xf32> to vector<1x1x14x256xf32>
    tpu.vector_store %arg13[%swap3A_3028, %swap3A_3029, %swap3A_3030, %swap3A_3031], %swap3A_3034 {strides = array<i32>} : memref<8x14x14x256xf32, #tpu.memory_space<vmem>>, vector<1x1x14x256xf32>,
    %mul3A_3035 = arith.constant 112 : i32
    %mul3A_3036 = arith.muli %arg0, %mul3A_3035 : i32
    %add3A_3037 = arith.constant 84 : i32
    %add3A_3038 = arith.addi %mul3A_3036, %add3A_3037 : i32
    %add3A_3039 = arith.constant 10 : i32
    %add3A_3040 = arith.addi %add3A_3038, %add3A_3039 : i32
    %get3A_3041 = arith.index_cast %add3A_3040 : i32 to index
    %get3A_3042 = memref.load %arg1[%get3A_3041] : memref<14000xi32, #tpu.memory_space<smem>>
    %mul3A_3043 = arith.constant 256 : i32
    %mul3A_3044 = arith.muli %get3A_3042, %mul3A_3043 : i32
    %multiple_of3A_3045 = tpu.assume_multiple %mul3A_3044, 256 : i32
    %get3A_3046 = arith.constant 96 : index
    %get3A_3047 = arith.index_cast %multiple_of3A_3045 : i32 to index
    %get3A_3048 = vector.load %arg14[%get3A_3046, %get3A_3047] : memref<128x16640xf32, #tpu.memory_space<vmem>>, vector<14x512xf32>
    %slice3A_3049 = vector.extract_strided_slice %get3A_3048 {offsets = [0, 0], sizes = [14, 256], strides = [1, 1]} : vector<14x512xf32> to vector<14x256xf32>
    %get3A_3050 = arith.index_cast %add3A_3040 : i32 to index
    %get3A_3051 = memref.load %arg2[%get3A_3050] : memref<14000xf32, #tpu.memory_space<smem>>
    %mul3A_3052 = vector.broadcast %get3A_3051 : f32 to vector<14x256xf32>
    %mul3A_3053 = arith.mulf %slice3A_3049, %mul3A_3052 : vector<14x256xf32>
    %slice3A_3054 = vector.extract_strided_slice %get3A_3048 {offsets = [0, 256], sizes = [14, 256], strides = [1, 1]} : vector<14x512xf32> to vector<14x256xf32>
    %get3A_3055 = arith.index_cast %add3A_3040 : i32 to index
    %get3A_3056 = memref.load %arg3[%get3A_3055] : memref<14000xf32, #tpu.memory_space<smem>>
    %mul3A_3057 = vector.broadcast %get3A_3056 : f32 to vector<14x256xf32>
    %mul3A_3058 = arith.mulf %slice3A_3054, %mul3A_3057 : vector<14x256xf32>
    %add3A_3059 = arith.addf %mul3A_3053, %mul3A_3058 : vector<14x256xf32>
    %swap3A_3060 = arith.constant 6 : index
    %swap3A_3061 = arith.constant 10 : index
    %swap3A_3062 = arith.constant 0 : index
    %swap3A_3063 = arith.constant 0 : index
    %swap3A_3064 = vector.load %arg13[%swap3A_3060, %swap3A_3061, %swap3A_3062, %swap3A_3063] : memref<8x14x14x256xf32, #tpu.memory_space<vmem>>, vector<1x1x14x256xf32>
    %swap3A_3065 = vector.shape_cast %swap3A_3064 : vector<1x1x14x256xf32> to vector<14x256xf32>
    %swap3A_3066 = vector.shape_cast %add3A_3059 : vector<14x256xf32> to vector<1x1x14x256xf32>
    tpu.vector_store %arg13[%swap3A_3060, %swap3A_3061, %swap3A_3062, %swap3A_3063], %swap3A_3066 {strides = array<i32>} : memref<8x14x14x256xf32, #tpu.memory_space<vmem>>, vector<1x1x14x256xf32>,
    %mul3A_3067 = arith.constant 112 : i32
    %mul3A_3068 = arith.muli %arg0, %mul3A_3067 : i32
    %add3A_3069 = arith.constant 84 : i32
    %add3A_3070 = arith.addi %mul3A_3068, %add3A_3069 : i32
    %add3A_3071 = arith.constant 11 : i32
    %add3A_3072 = arith.addi %add3A_3070, %add3A_3071 : i32
    %get3A_3073 = arith.index_cast %add3A_3072 : i32 to index
    %get3A_3074 = memref.load %arg1[%get3A_3073] : memref<14000xi32, #tpu.memory_space<smem>>
    %mul3A_3075 = arith.constant 256 : i32
    %mul3A_3076 = arith.muli %get3A_3074, %mul3A_3075 : i32
    %multiple_of3A_3077 = tpu.assume_multiple %mul3A_3076, 256 : i32
    %get3A_3078 = arith.constant 96 : index
    %get3A_3079 = arith.index_cast %multiple_of3A_3077 : i32 to index
    %get3A_3080 = vector.load %arg14[%get3A_3078, %get3A_3079] : memref<128x16640xf32, #tpu.memory_space<vmem>>, vector<14x512xf32>
    %slice3A_3081 = vector.extract_strided_slice %get3A_3080 {offsets = [0, 0], sizes = [14, 256], strides = [1, 1]} : vector<14x512xf32> to vector<14x256xf32>
    %get3A_3082 = arith.index_cast %add3A_3072 : i32 to index
    %get3A_3083 = memref.load %arg2[%get3A_3082] : memref<14000xf32, #tpu.memory_space<smem>>
    %mul3A_3084 = vector.broadcast %get3A_3083 : f32 to vector<14x256xf32>
    %mul3A_3085 = arith.mulf %slice3A_3081, %mul3A_3084 : vector<14x256xf32>
    %slice3A_3086 = vector.extract_strided_slice %get3A_3080 {offsets = [0, 256], sizes = [14, 256], strides = [1, 1]} : vector<14x512xf32> to vector<14x256xf32>
    %get3A_3087 = arith.index_cast %add3A_3072 : i32 to index
    %get3A_3088 = memref.load %arg3[%get3A_3087] : memref<14000xf32, #tpu.memory_space<smem>>
    %mul3A_3089 = vector.broadcast %get3A_3088 : f32 to vector<14x256xf32>
    %mul3A_3090 = arith.mulf %slice3A_3086, %mul3A_3089 : vector<14x256xf32>
    %add3A_3091 = arith.addf %mul3A_3085, %mul3A_3090 : vector<14x256xf32>
    %swap3A_3092 = arith.constant 6 : index
    %swap3A_3093 = arith.constant 11 : index
    %swap3A_3094 = arith.constant 0 : index
    %swap3A_3095 = arith.constant 0 : index
    %swap3A_3096 = vector.load %arg13[%swap3A_3092, %swap3A_3093, %swap3A_3094, %swap3A_3095] : memref<8x14x14x256xf32, #tpu.memory_space<vmem>>, vector<1x1x14x256xf32>
    %swap3A_3097 = vector.shape_cast %swap3A_3096 : vector<1x1x14x256xf32> to vector<14x256xf32>
    %swap3A_3098 = vector.shape_cast %add3A_3091 : vector<14x256xf32> to vector<1x1x14x256xf32>
    tpu.vector_store %arg13[%swap3A_3092, %swap3A_3093, %swap3A_3094, %swap3A_3095], %swap3A_3098 {strides = array<i32>} : memref<8x14x14x256xf32, #tpu.memory_space<vmem>>, vector<1x1x14x256xf32>,
    %mul3A_3099 = arith.constant 112 : i32
    %mul3A_3100 = arith.muli %arg0, %mul3A_3099 : i32
    %add3A_3101 = arith.constant 84 : i32
    %add3A_3102 = arith.addi %mul3A_3100, %add3A_3101 : i32
    %add3A_3103 = arith.constant 12 : i32
    %add3A_3104 = arith.addi %add3A_3102, %add3A_3103 : i32
    %get3A_3105 = arith.index_cast %add3A_3104 : i32 to index
    %get3A_3106 = memref.load %arg1[%get3A_3105] : memref<14000xi32, #tpu.memory_space<smem>>
    %mul3A_3107 = arith.constant 256 : i32
    %mul3A_3108 = arith.muli %get3A_3106, %mul3A_3107 : i32
    %multiple_of3A_3109 = tpu.assume_multiple %mul3A_3108, 256 : i32
    %get3A_3110 = arith.constant 96 : index
    %get3A_3111 = arith.index_cast %multiple_of3A_3109 : i32 to index
    %get3A_3112 = vector.load %arg14[%get3A_3110, %get3A_3111] : memref<128x16640xf32, #tpu.memory_space<vmem>>, vector<14x512xf32>
    %slice3A_3113 = vector.extract_strided_slice %get3A_3112 {offsets = [0, 0], sizes = [14, 256], strides = [1, 1]} : vector<14x512xf32> to vector<14x256xf32>
    %get3A_3114 = arith.index_cast %add3A_3104 : i32 to index
    %get3A_3115 = memref.load %arg2[%get3A_3114] : memref<14000xf32, #tpu.memory_space<smem>>
    %mul3A_3116 = vector.broadcast %get3A_3115 : f32 to vector<14x256xf32>
    %mul3A_3117 = arith.mulf %slice3A_3113, %mul3A_3116 : vector<14x256xf32>
    %slice3A_3118 = vector.extract_strided_slice %get3A_3112 {offsets = [0, 256], sizes = [14, 256], strides = [1, 1]} : vector<14x512xf32> to vector<14x256xf32>
    %get3A_3119 = arith.index_cast %add3A_3104 : i32 to index
    %get3A_3120 = memref.load %arg3[%get3A_3119] : memref<14000xf32, #tpu.memory_space<smem>>
    %mul3A_3121 = vector.broadcast %get3A_3120 : f32 to vector<14x256xf32>
    %mul3A_3122 = arith.mulf %slice3A_3118, %mul3A_3121 : vector<14x256xf32>
    %add3A_3123 = arith.addf %mul3A_3117, %mul3A_3122 : vector<14x256xf32>
    %swap3A_3124 = arith.constant 6 : index
    %swap3A_3125 = arith.constant 12 : index
    %swap3A_3126 = arith.constant 0 : index
    %swap3A_3127 = arith.constant 0 : index
    %swap3A_3128 = vector.load %arg13[%swap3A_3124, %swap3A_3125, %swap3A_3126, %swap3A_3127] : memref<8x14x14x256xf32, #tpu.memory_space<vmem>>, vector<1x1x14x256xf32>
    %swap3A_3129 = vector.shape_cast %swap3A_3128 : vector<1x1x14x256xf32> to vector<14x256xf32>
    %swap3A_3130 = vector.shape_cast %add3A_3123 : vector<14x256xf32> to vector<1x1x14x256xf32>
    tpu.vector_store %arg13[%swap3A_3124, %swap3A_3125, %swap3A_3126, %swap3A_3127], %swap3A_3130 {strides = array<i32>} : memref<8x14x14x256xf32, #tpu.memory_space<vmem>>, vector<1x1x14x256xf32>,
    %mul3A_3131 = arith.constant 112 : i32
    %mul3A_3132 = arith.muli %arg0, %mul3A_3131 : i32
    %add3A_3133 = arith.constant 84 : i32
    %add3A_3134 = arith.addi %mul3A_3132, %add3A_3133 : i32
    %add3A_3135 = arith.constant 13 : i32
    %add3A_3136 = arith.addi %add3A_3134, %add3A_3135 : i32
    %get3A_3137 = arith.index_cast %add3A_3136 : i32 to index
    %get3A_3138 = memref.load %arg1[%get3A_3137] : memref<14000xi32, #tpu.memory_space<smem>>
    %mul3A_3139 = arith.constant 256 : i32
    %mul3A_3140 = arith.muli %get3A_3138, %mul3A_3139 : i32
    %multiple_of3A_3141 = tpu.assume_multiple %mul3A_3140, 256 : i32
    %get3A_3142 = arith.constant 96 : index
    %get3A_3143 = arith.index_cast %multiple_of3A_3141 : i32 to index
    %get3A_3144 = vector.load %arg14[%get3A_3142, %get3A_3143] : memref<128x16640xf32, #tpu.memory_space<vmem>>, vector<14x512xf32>
    %slice3A_3145 = vector.extract_strided_slice %get3A_3144 {offsets = [0, 0], sizes = [14, 256], strides = [1, 1]} : vector<14x512xf32> to vector<14x256xf32>
    %get3A_3146 = arith.index_cast %add3A_3136 : i32 to index
    %get3A_3147 = memref.load %arg2[%get3A_3146] : memref<14000xf32, #tpu.memory_space<smem>>
    %mul3A_3148 = vector.broadcast %get3A_3147 : f32 to vector<14x256xf32>
    %mul3A_3149 = arith.mulf %slice3A_3145, %mul3A_3148 : vector<14x256xf32>
    %slice3A_3150 = vector.extract_strided_slice %get3A_3144 {offsets = [0, 256], sizes = [14, 256], strides = [1, 1]} : vector<14x512xf32> to vector<14x256xf32>
    %get3A_3151 = arith.index_cast %add3A_3136 : i32 to index
    %get3A_3152 = memref.load %arg3[%get3A_3151] : memref<14000xf32, #tpu.memory_space<smem>>
    %mul3A_3153 = vector.broadcast %get3A_3152 : f32 to vector<14x256xf32>
    %mul3A_3154 = arith.mulf %slice3A_3150, %mul3A_3153 : vector<14x256xf32>
    %add3A_3155 = arith.addf %mul3A_3149, %mul3A_3154 : vector<14x256xf32>
    %swap3A_3156 = arith.constant 6 : index
    %swap3A_3157 = arith.constant 13 : index
    %swap3A_3158 = arith.constant 0 : index
    %swap3A_3159 = arith.constant 0 : index
    %swap3A_3160 = vector.load %arg13[%swap3A_3156, %swap3A_3157, %swap3A_3158, %swap3A_3159] : memref<8x14x14x256xf32, #tpu.memory_space<vmem>>, vector<1x1x14x256xf32>
    %swap3A_3161 = vector.shape_cast %swap3A_3160 : vector<1x1x14x256xf32> to vector<14x256xf32>
    %swap3A_3162 = vector.shape_cast %add3A_3155 : vector<14x256xf32> to vector<1x1x14x256xf32>
    tpu.vector_store %arg13[%swap3A_3156, %swap3A_3157, %swap3A_3158, %swap3A_3159], %swap3A_3162 {strides = array<i32>} : memref<8x14x14x256xf32, #tpu.memory_space<vmem>>, vector<1x1x14x256xf32>,
    %mul3A_3163 = arith.constant 112 : i32
    %mul3A_3164 = arith.muli %arg0, %mul3A_3163 : i32
    %add3A_3165 = arith.constant 98 : i32
    %add3A_3166 = arith.addi %mul3A_3164, %add3A_3165 : i32
    %add3A_3167 = arith.constant 0 : i32
    %add3A_3168 = arith.addi %add3A_3166, %add3A_3167 : i32
    %get3A_3169 = arith.index_cast %add3A_3168 : i32 to index
    %get3A_3170 = memref.load %arg1[%get3A_3169] : memref<14000xi32, #tpu.memory_space<smem>>
    %mul3A_3171 = arith.constant 256 : i32
    %mul3A_3172 = arith.muli %get3A_3170, %mul3A_3171 : i32
    %multiple_of3A_3173 = tpu.assume_multiple %mul3A_3172, 256 : i32
    %get3A_3174 = arith.constant 112 : index
    %get3A_3175 = arith.index_cast %multiple_of3A_3173 : i32 to index
    %get3A_3176 = vector.load %arg14[%get3A_3174, %get3A_3175] : memref<128x16640xf32, #tpu.memory_space<vmem>>, vector<14x512xf32>
    %slice3A_3177 = vector.extract_strided_slice %get3A_3176 {offsets = [0, 0], sizes = [14, 256], strides = [1, 1]} : vector<14x512xf32> to vector<14x256xf32>
    %get3A_3178 = arith.index_cast %add3A_3168 : i32 to index
    %get3A_3179 = memref.load %arg2[%get3A_3178] : memref<14000xf32, #tpu.memory_space<smem>>
    %mul3A_3180 = vector.broadcast %get3A_3179 : f32 to vector<14x256xf32>
    %mul3A_3181 = arith.mulf %slice3A_3177, %mul3A_3180 : vector<14x256xf32>
    %slice3A_3182 = vector.extract_strided_slice %get3A_3176 {offsets = [0, 256], sizes = [14, 256], strides = [1, 1]} : vector<14x512xf32> to vector<14x256xf32>
    %get3A_3183 = arith.index_cast %add3A_3168 : i32 to index
    %get3A_3184 = memref.load %arg3[%get3A_3183] : memref<14000xf32, #tpu.memory_space<smem>>
    %mul3A_3185 = vector.broadcast %get3A_3184 : f32 to vector<14x256xf32>
    %mul3A_3186 = arith.mulf %slice3A_3182, %mul3A_3185 : vector<14x256xf32>
    %add3A_3187 = arith.addf %mul3A_3181, %mul3A_3186 : vector<14x256xf32>
    %swap3A_3188 = arith.constant 7 : index
    %swap3A_3189 = arith.constant 0 : index
    %swap3A_3190 = arith.constant 0 : index
    %swap3A_3191 = arith.constant 0 : index
    %swap3A_3192 = vector.load %arg13[%swap3A_3188, %swap3A_3189, %swap3A_3190, %swap3A_3191] : memref<8x14x14x256xf32, #tpu.memory_space<vmem>>, vector<1x1x14x256xf32>
    %swap3A_3193 = vector.shape_cast %swap3A_3192 : vector<1x1x14x256xf32> to vector<14x256xf32>
    %swap3A_3194 = vector.shape_cast %add3A_3187 : vector<14x256xf32> to vector<1x1x14x256xf32>
    tpu.vector_store %arg13[%swap3A_3188, %swap3A_3189, %swap3A_3190, %swap3A_3191], %swap3A_3194 {strides = array<i32>} : memref<8x14x14x256xf32, #tpu.memory_space<vmem>>, vector<1x1x14x256xf32>,
    %mul3A_3195 = arith.constant 112 : i32
    %mul3A_3196 = arith.muli %arg0, %mul3A_3195 : i32
    %add3A_3197 = arith.constant 98 : i32
    %add3A_3198 = arith.addi %mul3A_3196, %add3A_3197 : i32
    %add3A_3199 = arith.constant 1 : i32
    %add3A_3200 = arith.addi %add3A_3198, %add3A_3199 : i32
    %get3A_3201 = arith.index_cast %add3A_3200 : i32 to index
    %get3A_3202 = memref.load %arg1[%get3A_3201] : memref<14000xi32, #tpu.memory_space<smem>>
    %mul3A_3203 = arith.constant 256 : i32
    %mul3A_3204 = arith.muli %get3A_3202, %mul3A_3203 : i32
    %multiple_of3A_3205 = tpu.assume_multiple %mul3A_3204, 256 : i32
    %get3A_3206 = arith.constant 112 : index
    %get3A_3207 = arith.index_cast %multiple_of3A_3205 : i32 to index
    %get3A_3208 = vector.load %arg14[%get3A_3206, %get3A_3207] : memref<128x16640xf32, #tpu.memory_space<vmem>>, vector<14x512xf32>
    %slice3A_3209 = vector.extract_strided_slice %get3A_3208 {offsets = [0, 0], sizes = [14, 256], strides = [1, 1]} : vector<14x512xf32> to vector<14x256xf32>
    %get3A_3210 = arith.index_cast %add3A_3200 : i32 to index
    %get3A_3211 = memref.load %arg2[%get3A_3210] : memref<14000xf32, #tpu.memory_space<smem>>
    %mul3A_3212 = vector.broadcast %get3A_3211 : f32 to vector<14x256xf32>
    %mul3A_3213 = arith.mulf %slice3A_3209, %mul3A_3212 : vector<14x256xf32>
    %slice3A_3214 = vector.extract_strided_slice %get3A_3208 {offsets = [0, 256], sizes = [14, 256], strides = [1, 1]} : vector<14x512xf32> to vector<14x256xf32>
    %get3A_3215 = arith.index_cast %add3A_3200 : i32 to index
    %get3A_3216 = memref.load %arg3[%get3A_3215] : memref<14000xf32, #tpu.memory_space<smem>>
    %mul3A_3217 = vector.broadcast %get3A_3216 : f32 to vector<14x256xf32>
    %mul3A_3218 = arith.mulf %slice3A_3214, %mul3A_3217 : vector<14x256xf32>
    %add3A_3219 = arith.addf %mul3A_3213, %mul3A_3218 : vector<14x256xf32>
    %swap3A_3220 = arith.constant 7 : index
    %swap3A_3221 = arith.constant 1 : index
    %swap3A_3222 = arith.constant 0 : index
    %swap3A_3223 = arith.constant 0 : index
    %swap3A_3224 = vector.load %arg13[%swap3A_3220, %swap3A_3221, %swap3A_3222, %swap3A_3223] : memref<8x14x14x256xf32, #tpu.memory_space<vmem>>, vector<1x1x14x256xf32>
    %swap3A_3225 = vector.shape_cast %swap3A_3224 : vector<1x1x14x256xf32> to vector<14x256xf32>
    %swap3A_3226 = vector.shape_cast %add3A_3219 : vector<14x256xf32> to vector<1x1x14x256xf32>
    tpu.vector_store %arg13[%swap3A_3220, %swap3A_3221, %swap3A_3222, %swap3A_3223], %swap3A_3226 {strides = array<i32>} : memref<8x14x14x256xf32, #tpu.memory_space<vmem>>, vector<1x1x14x256xf32>,
    %mul3A_3227 = arith.constant 112 : i32
    %mul3A_3228 = arith.muli %arg0, %mul3A_3227 : i32
    %add3A_3229 = arith.constant 98 : i32
    %add3A_3230 = arith.addi %mul3A_3228, %add3A_3229 : i32
    %add3A_3231 = arith.constant 2 : i32
    %add3A_3232 = arith.addi %add3A_3230, %add3A_3231 : i32
    %get3A_3233 = arith.index_cast %add3A_3232 : i32 to index
    %get3A_3234 = memref.load %arg1[%get3A_3233] : memref<14000xi32, #tpu.memory_space<smem>>
    %mul3A_3235 = arith.constant 256 : i32
    %mul3A_3236 = arith.muli %get3A_3234, %mul3A_3235 : i32
    %multiple_of3A_3237 = tpu.assume_multiple %mul3A_3236, 256 : i32
    %get3A_3238 = arith.constant 112 : index
    %get3A_3239 = arith.index_cast %multiple_of3A_3237 : i32 to index
    %get3A_3240 = vector.load %arg14[%get3A_3238, %get3A_3239] : memref<128x16640xf32, #tpu.memory_space<vmem>>, vector<14x512xf32>
    %slice3A_3241 = vector.extract_strided_slice %get3A_3240 {offsets = [0, 0], sizes = [14, 256], strides = [1, 1]} : vector<14x512xf32> to vector<14x256xf32>
    %get3A_3242 = arith.index_cast %add3A_3232 : i32 to index
    %get3A_3243 = memref.load %arg2[%get3A_3242] : memref<14000xf32, #tpu.memory_space<smem>>
    %mul3A_3244 = vector.broadcast %get3A_3243 : f32 to vector<14x256xf32>
    %mul3A_3245 = arith.mulf %slice3A_3241, %mul3A_3244 : vector<14x256xf32>
    %slice3A_3246 = vector.extract_strided_slice %get3A_3240 {offsets = [0, 256], sizes = [14, 256], strides = [1, 1]} : vector<14x512xf32> to vector<14x256xf32>
    %get3A_3247 = arith.index_cast %add3A_3232 : i32 to index
    %get3A_3248 = memref.load %arg3[%get3A_3247] : memref<14000xf32, #tpu.memory_space<smem>>
    %mul3A_3249 = vector.broadcast %get3A_3248 : f32 to vector<14x256xf32>
    %mul3A_3250 = arith.mulf %slice3A_3246, %mul3A_3249 : vector<14x256xf32>
    %add3A_3251 = arith.addf %mul3A_3245, %mul3A_3250 : vector<14x256xf32>
    %swap3A_3252 = arith.constant 7 : index
    %swap3A_3253 = arith.constant 2 : index
    %swap3A_3254 = arith.constant 0 : index
    %swap3A_3255 = arith.constant 0 : index
    %swap3A_3256 = vector.load %arg13[%swap3A_3252, %swap3A_3253, %swap3A_3254, %swap3A_3255] : memref<8x14x14x256xf32, #tpu.memory_space<vmem>>, vector<1x1x14x256xf32>
    %swap3A_3257 = vector.shape_cast %swap3A_3256 : vector<1x1x14x256xf32> to vector<14x256xf32>
    %swap3A_3258 = vector.shape_cast %add3A_3251 : vector<14x256xf32> to vector<1x1x14x256xf32>
    tpu.vector_store %arg13[%swap3A_3252, %swap3A_3253, %swap3A_3254, %swap3A_3255], %swap3A_3258 {strides = array<i32>} : memref<8x14x14x256xf32, #tpu.memory_space<vmem>>, vector<1x1x14x256xf32>,
    %mul3A_3259 = arith.constant 112 : i32
    %mul3A_3260 = arith.muli %arg0, %mul3A_3259 : i32
    %add3A_3261 = arith.constant 98 : i32
    %add3A_3262 = arith.addi %mul3A_3260, %add3A_3261 : i32
    %add3A_3263 = arith.constant 3 : i32
    %add3A_3264 = arith.addi %add3A_3262, %add3A_3263 : i32
    %get3A_3265 = arith.index_cast %add3A_3264 : i32 to index
    %get3A_3266 = memref.load %arg1[%get3A_3265] : memref<14000xi32, #tpu.memory_space<smem>>
    %mul3A_3267 = arith.constant 256 : i32
    %mul3A_3268 = arith.muli %get3A_3266, %mul3A_3267 : i32
    %multiple_of3A_3269 = tpu.assume_multiple %mul3A_3268, 256 : i32
    %get3A_3270 = arith.constant 112 : index
    %get3A_3271 = arith.index_cast %multiple_of3A_3269 : i32 to index
    %get3A_3272 = vector.load %arg14[%get3A_3270, %get3A_3271] : memref<128x16640xf32, #tpu.memory_space<vmem>>, vector<14x512xf32>
    %slice3A_3273 = vector.extract_strided_slice %get3A_3272 {offsets = [0, 0], sizes = [14, 256], strides = [1, 1]} : vector<14x512xf32> to vector<14x256xf32>
    %get3A_3274 = arith.index_cast %add3A_3264 : i32 to index
    %get3A_3275 = memref.load %arg2[%get3A_3274] : memref<14000xf32, #tpu.memory_space<smem>>
    %mul3A_3276 = vector.broadcast %get3A_3275 : f32 to vector<14x256xf32>
    %mul3A_3277 = arith.mulf %slice3A_3273, %mul3A_3276 : vector<14x256xf32>
    %slice3A_3278 = vector.extract_strided_slice %get3A_3272 {offsets = [0, 256], sizes = [14, 256], strides = [1, 1]} : vector<14x512xf32> to vector<14x256xf32>
    %get3A_3279 = arith.index_cast %add3A_3264 : i32 to index
    %get3A_3280 = memref.load %arg3[%get3A_3279] : memref<14000xf32, #tpu.memory_space<smem>>
    %mul3A_3281 = vector.broadcast %get3A_3280 : f32 to vector<14x256xf32>
    %mul3A_3282 = arith.mulf %slice3A_3278, %mul3A_3281 : vector<14x256xf32>
    %add3A_3283 = arith.addf %mul3A_3277, %mul3A_3282 : vector<14x256xf32>
    %swap3A_3284 = arith.constant 7 : index
    %swap3A_3285 = arith.constant 3 : index
    %swap3A_3286 = arith.constant 0 : index
    %swap3A_3287 = arith.constant 0 : index
    %swap3A_3288 = vector.load %arg13[%swap3A_3284, %swap3A_3285, %swap3A_3286, %swap3A_3287] : memref<8x14x14x256xf32, #tpu.memory_space<vmem>>, vector<1x1x14x256xf32>
    %swap3A_3289 = vector.shape_cast %swap3A_3288 : vector<1x1x14x256xf32> to vector<14x256xf32>
    %swap3A_3290 = vector.shape_cast %add3A_3283 : vector<14x256xf32> to vector<1x1x14x256xf32>
    tpu.vector_store %arg13[%swap3A_3284, %swap3A_3285, %swap3A_3286, %swap3A_3287], %swap3A_3290 {strides = array<i32>} : memref<8x14x14x256xf32, #tpu.memory_space<vmem>>, vector<1x1x14x256xf32>,
    %mul3A_3291 = arith.constant 112 : i32
    %mul3A_3292 = arith.muli %arg0, %mul3A_3291 : i32
    %add3A_3293 = arith.constant 98 : i32
    %add3A_3294 = arith.addi %mul3A_3292, %add3A_3293 : i32
    %add3A_3295 = arith.constant 4 : i32
    %add3A_3296 = arith.addi %add3A_3294, %add3A_3295 : i32
    %get3A_3297 = arith.index_cast %add3A_3296 : i32 to index
    %get3A_3298 = memref.load %arg1[%get3A_3297] : memref<14000xi32, #tpu.memory_space<smem>>
    %mul3A_3299 = arith.constant 256 : i32
    %mul3A_3300 = arith.muli %get3A_3298, %mul3A_3299 : i32
    %multiple_of3A_3301 = tpu.assume_multiple %mul3A_3300, 256 : i32
    %get3A_3302 = arith.constant 112 : index
    %get3A_3303 = arith.index_cast %multiple_of3A_3301 : i32 to index
    %get3A_3304 = vector.load %arg14[%get3A_3302, %get3A_3303] : memref<128x16640xf32, #tpu.memory_space<vmem>>, vector<14x512xf32>
    %slice3A_3305 = vector.extract_strided_slice %get3A_3304 {offsets = [0, 0], sizes = [14, 256], strides = [1, 1]} : vector<14x512xf32> to vector<14x256xf32>
    %get3A_3306 = arith.index_cast %add3A_3296 : i32 to index
    %get3A_3307 = memref.load %arg2[%get3A_3306] : memref<14000xf32, #tpu.memory_space<smem>>
    %mul3A_3308 = vector.broadcast %get3A_3307 : f32 to vector<14x256xf32>
    %mul3A_3309 = arith.mulf %slice3A_3305, %mul3A_3308 : vector<14x256xf32>
    %slice3A_3310 = vector.extract_strided_slice %get3A_3304 {offsets = [0, 256], sizes = [14, 256], strides = [1, 1]} : vector<14x512xf32> to vector<14x256xf32>
    %get3A_3311 = arith.index_cast %add3A_3296 : i32 to index
    %get3A_3312 = memref.load %arg3[%get3A_3311] : memref<14000xf32, #tpu.memory_space<smem>>
    %mul3A_3313 = vector.broadcast %get3A_3312 : f32 to vector<14x256xf32>
    %mul3A_3314 = arith.mulf %slice3A_3310, %mul3A_3313 : vector<14x256xf32>
    %add3A_3315 = arith.addf %mul3A_3309, %mul3A_3314 : vector<14x256xf32>
    %swap3A_3316 = arith.constant 7 : index
    %swap3A_3317 = arith.constant 4 : index
    %swap3A_3318 = arith.constant 0 : index
    %swap3A_3319 = arith.constant 0 : index
    %swap3A_3320 = vector.load %arg13[%swap3A_3316, %swap3A_3317, %swap3A_3318, %swap3A_3319] : memref<8x14x14x256xf32, #tpu.memory_space<vmem>>, vector<1x1x14x256xf32>
    %swap3A_3321 = vector.shape_cast %swap3A_3320 : vector<1x1x14x256xf32> to vector<14x256xf32>
    %swap3A_3322 = vector.shape_cast %add3A_3315 : vector<14x256xf32> to vector<1x1x14x256xf32>
    tpu.vector_store %arg13[%swap3A_3316, %swap3A_3317, %swap3A_3318, %swap3A_3319], %swap3A_3322 {strides = array<i32>} : memref<8x14x14x256xf32, #tpu.memory_space<vmem>>, vector<1x1x14x256xf32>,
    %mul3A_3323 = arith.constant 112 : i32
    %mul3A_3324 = arith.muli %arg0, %mul3A_3323 : i32
    %add3A_3325 = arith.constant 98 : i32
    %add3A_3326 = arith.addi %mul3A_3324, %add3A_3325 : i32
    %add3A_3327 = arith.constant 5 : i32
    %add3A_3328 = arith.addi %add3A_3326, %add3A_3327 : i32
    %get3A_3329 = arith.index_cast %add3A_3328 : i32 to index
    %get3A_3330 = memref.load %arg1[%get3A_3329] : memref<14000xi32, #tpu.memory_space<smem>>
    %mul3A_3331 = arith.constant 256 : i32
    %mul3A_3332 = arith.muli %get3A_3330, %mul3A_3331 : i32
    %multiple_of3A_3333 = tpu.assume_multiple %mul3A_3332, 256 : i32
    %get3A_3334 = arith.constant 112 : index
    %get3A_3335 = arith.index_cast %multiple_of3A_3333 : i32 to index
    %get3A_3336 = vector.load %arg14[%get3A_3334, %get3A_3335] : memref<128x16640xf32, #tpu.memory_space<vmem>>, vector<14x512xf32>
    %slice3A_3337 = vector.extract_strided_slice %get3A_3336 {offsets = [0, 0], sizes = [14, 256], strides = [1, 1]} : vector<14x512xf32> to vector<14x256xf32>
    %get3A_3338 = arith.index_cast %add3A_3328 : i32 to index
    %get3A_3339 = memref.load %arg2[%get3A_3338] : memref<14000xf32, #tpu.memory_space<smem>>
    %mul3A_3340 = vector.broadcast %get3A_3339 : f32 to vector<14x256xf32>
    %mul3A_3341 = arith.mulf %slice3A_3337, %mul3A_3340 : vector<14x256xf32>
    %slice3A_3342 = vector.extract_strided_slice %get3A_3336 {offsets = [0, 256], sizes = [14, 256], strides = [1, 1]} : vector<14x512xf32> to vector<14x256xf32>
    %get3A_3343 = arith.index_cast %add3A_3328 : i32 to index
    %get3A_3344 = memref.load %arg3[%get3A_3343] : memref<14000xf32, #tpu.memory_space<smem>>
    %mul3A_3345 = vector.broadcast %get3A_3344 : f32 to vector<14x256xf32>
    %mul3A_3346 = arith.mulf %slice3A_3342, %mul3A_3345 : vector<14x256xf32>
    %add3A_3347 = arith.addf %mul3A_3341, %mul3A_3346 : vector<14x256xf32>
    %swap3A_3348 = arith.constant 7 : index
    %swap3A_3349 = arith.constant 5 : index
    %swap3A_3350 = arith.constant 0 : index
    %swap3A_3351 = arith.constant 0 : index
    %swap3A_3352 = vector.load %arg13[%swap3A_3348, %swap3A_3349, %swap3A_3350, %swap3A_3351] : memref<8x14x14x256xf32, #tpu.memory_space<vmem>>, vector<1x1x14x256xf32>
    %swap3A_3353 = vector.shape_cast %swap3A_3352 : vector<1x1x14x256xf32> to vector<14x256xf32>
    %swap3A_3354 = vector.shape_cast %add3A_3347 : vector<14x256xf32> to vector<1x1x14x256xf32>
    tpu.vector_store %arg13[%swap3A_3348, %swap3A_3349, %swap3A_3350, %swap3A_3351], %swap3A_3354 {strides = array<i32>} : memref<8x14x14x256xf32, #tpu.memory_space<vmem>>, vector<1x1x14x256xf32>,
    %mul3A_3355 = arith.constant 112 : i32
    %mul3A_3356 = arith.muli %arg0, %mul3A_3355 : i32
    %add3A_3357 = arith.constant 98 : i32
    %add3A_3358 = arith.addi %mul3A_3356, %add3A_3357 : i32
    %add3A_3359 = arith.constant 6 : i32
    %add3A_3360 = arith.addi %add3A_3358, %add3A_3359 : i32
    %get3A_3361 = arith.index_cast %add3A_3360 : i32 to index
    %get3A_3362 = memref.load %arg1[%get3A_3361] : memref<14000xi32, #tpu.memory_space<smem>>
    %mul3A_3363 = arith.constant 256 : i32
    %mul3A_3364 = arith.muli %get3A_3362, %mul3A_3363 : i32
    %multiple_of3A_3365 = tpu.assume_multiple %mul3A_3364, 256 : i32
    %get3A_3366 = arith.constant 112 : index
    %get3A_3367 = arith.index_cast %multiple_of3A_3365 : i32 to index
    %get3A_3368 = vector.load %arg14[%get3A_3366, %get3A_3367] : memref<128x16640xf32, #tpu.memory_space<vmem>>, vector<14x512xf32>
    %slice3A_3369 = vector.extract_strided_slice %get3A_3368 {offsets = [0, 0], sizes = [14, 256], strides = [1, 1]} : vector<14x512xf32> to vector<14x256xf32>
    %get3A_3370 = arith.index_cast %add3A_3360 : i32 to index
    %get3A_3371 = memref.load %arg2[%get3A_3370] : memref<14000xf32, #tpu.memory_space<smem>>
    %mul3A_3372 = vector.broadcast %get3A_3371 : f32 to vector<14x256xf32>
    %mul3A_3373 = arith.mulf %slice3A_3369, %mul3A_3372 : vector<14x256xf32>
    %slice3A_3374 = vector.extract_strided_slice %get3A_3368 {offsets = [0, 256], sizes = [14, 256], strides = [1, 1]} : vector<14x512xf32> to vector<14x256xf32>
    %get3A_3375 = arith.index_cast %add3A_3360 : i32 to index
    %get3A_3376 = memref.load %arg3[%get3A_3375] : memref<14000xf32, #tpu.memory_space<smem>>
    %mul3A_3377 = vector.broadcast %get3A_3376 : f32 to vector<14x256xf32>
    %mul3A_3378 = arith.mulf %slice3A_3374, %mul3A_3377 : vector<14x256xf32>
    %add3A_3379 = arith.addf %mul3A_3373, %mul3A_3378 : vector<14x256xf32>
    %swap3A_3380 = arith.constant 7 : index
    %swap3A_3381 = arith.constant 6 : index
    %swap3A_3382 = arith.constant 0 : index
    %swap3A_3383 = arith.constant 0 : index
    %swap3A_3384 = vector.load %arg13[%swap3A_3380, %swap3A_3381, %swap3A_3382, %swap3A_3383] : memref<8x14x14x256xf32, #tpu.memory_space<vmem>>, vector<1x1x14x256xf32>
    %swap3A_3385 = vector.shape_cast %swap3A_3384 : vector<1x1x14x256xf32> to vector<14x256xf32>
    %swap3A_3386 = vector.shape_cast %add3A_3379 : vector<14x256xf32> to vector<1x1x14x256xf32>
    tpu.vector_store %arg13[%swap3A_3380, %swap3A_3381, %swap3A_3382, %swap3A_3383], %swap3A_3386 {strides = array<i32>} : memref<8x14x14x256xf32, #tpu.memory_space<vmem>>, vector<1x1x14x256xf32>,
    %mul3A_3387 = arith.constant 112 : i32
    %mul3A_3388 = arith.muli %arg0, %mul3A_3387 : i32
    %add3A_3389 = arith.constant 98 : i32
    %add3A_3390 = arith.addi %mul3A_3388, %add3A_3389 : i32
    %add3A_3391 = arith.constant 7 : i32
    %add3A_3392 = arith.addi %add3A_3390, %add3A_3391 : i32
    %get3A_3393 = arith.index_cast %add3A_3392 : i32 to index
    %get3A_3394 = memref.load %arg1[%get3A_3393] : memref<14000xi32, #tpu.memory_space<smem>>
    %mul3A_3395 = arith.constant 256 : i32
    %mul3A_3396 = arith.muli %get3A_3394, %mul3A_3395 : i32
    %multiple_of3A_3397 = tpu.assume_multiple %mul3A_3396, 256 : i32
    %get3A_3398 = arith.constant 112 : index
    %get3A_3399 = arith.index_cast %multiple_of3A_3397 : i32 to index
    %get3A_3400 = vector.load %arg14[%get3A_3398, %get3A_3399] : memref<128x16640xf32, #tpu.memory_space<vmem>>, vector<14x512xf32>
    %slice3A_3401 = vector.extract_strided_slice %get3A_3400 {offsets = [0, 0], sizes = [14, 256], strides = [1, 1]} : vector<14x512xf32> to vector<14x256xf32>
    %get3A_3402 = arith.index_cast %add3A_3392 : i32 to index
    %get3A_3403 = memref.load %arg2[%get3A_3402] : memref<14000xf32, #tpu.memory_space<smem>>
    %mul3A_3404 = vector.broadcast %get3A_3403 : f32 to vector<14x256xf32>
    %mul3A_3405 = arith.mulf %slice3A_3401, %mul3A_3404 : vector<14x256xf32>
    %slice3A_3406 = vector.extract_strided_slice %get3A_3400 {offsets = [0, 256], sizes = [14, 256], strides = [1, 1]} : vector<14x512xf32> to vector<14x256xf32>
    %get3A_3407 = arith.index_cast %add3A_3392 : i32 to index
    %get3A_3408 = memref.load %arg3[%get3A_3407] : memref<14000xf32, #tpu.memory_space<smem>>
    %mul3A_3409 = vector.broadcast %get3A_3408 : f32 to vector<14x256xf32>
    %mul3A_3410 = arith.mulf %slice3A_3406, %mul3A_3409 : vector<14x256xf32>
    %add3A_3411 = arith.addf %mul3A_3405, %mul3A_3410 : vector<14x256xf32>
    %swap3A_3412 = arith.constant 7 : index
    %swap3A_3413 = arith.constant 7 : index
    %swap3A_3414 = arith.constant 0 : index
    %swap3A_3415 = arith.constant 0 : index
    %swap3A_3416 = vector.load %arg13[%swap3A_3412, %swap3A_3413, %swap3A_3414, %swap3A_3415] : memref<8x14x14x256xf32, #tpu.memory_space<vmem>>, vector<1x1x14x256xf32>
    %swap3A_3417 = vector.shape_cast %swap3A_3416 : vector<1x1x14x256xf32> to vector<14x256xf32>
    %swap3A_3418 = vector.shape_cast %add3A_3411 : vector<14x256xf32> to vector<1x1x14x256xf32>
    tpu.vector_store %arg13[%swap3A_3412, %swap3A_3413, %swap3A_3414, %swap3A_3415], %swap3A_3418 {strides = array<i32>} : memref<8x14x14x256xf32, #tpu.memory_space<vmem>>, vector<1x1x14x256xf32>,
    %mul3A_3419 = arith.constant 112 : i32
    %mul3A_3420 = arith.muli %arg0, %mul3A_3419 : i32
    %add3A_3421 = arith.constant 98 : i32
    %add3A_3422 = arith.addi %mul3A_3420, %add3A_3421 : i32
    %add3A_3423 = arith.constant 8 : i32
    %add3A_3424 = arith.addi %add3A_3422, %add3A_3423 : i32
    %get3A_3425 = arith.index_cast %add3A_3424 : i32 to index
    %get3A_3426 = memref.load %arg1[%get3A_3425] : memref<14000xi32, #tpu.memory_space<smem>>
    %mul3A_3427 = arith.constant 256 : i32
    %mul3A_3428 = arith.muli %get3A_3426, %mul3A_3427 : i32
    %multiple_of3A_3429 = tpu.assume_multiple %mul3A_3428, 256 : i32
    %get3A_3430 = arith.constant 112 : index
    %get3A_3431 = arith.index_cast %multiple_of3A_3429 : i32 to index
    %get3A_3432 = vector.load %arg14[%get3A_3430, %get3A_3431] : memref<128x16640xf32, #tpu.memory_space<vmem>>, vector<14x512xf32>
    %slice3A_3433 = vector.extract_strided_slice %get3A_3432 {offsets = [0, 0], sizes = [14, 256], strides = [1, 1]} : vector<14x512xf32> to vector<14x256xf32>
    %get3A_3434 = arith.index_cast %add3A_3424 : i32 to index
    %get3A_3435 = memref.load %arg2[%get3A_3434] : memref<14000xf32, #tpu.memory_space<smem>>
    %mul3A_3436 = vector.broadcast %get3A_3435 : f32 to vector<14x256xf32>
    %mul3A_3437 = arith.mulf %slice3A_3433, %mul3A_3436 : vector<14x256xf32>
    %slice3A_3438 = vector.extract_strided_slice %get3A_3432 {offsets = [0, 256], sizes = [14, 256], strides = [1, 1]} : vector<14x512xf32> to vector<14x256xf32>
    %get3A_3439 = arith.index_cast %add3A_3424 : i32 to index
    %get3A_3440 = memref.load %arg3[%get3A_3439] : memref<14000xf32, #tpu.memory_space<smem>>
    %mul3A_3441 = vector.broadcast %get3A_3440 : f32 to vector<14x256xf32>
    %mul3A_3442 = arith.mulf %slice3A_3438, %mul3A_3441 : vector<14x256xf32>
    %add3A_3443 = arith.addf %mul3A_3437, %mul3A_3442 : vector<14x256xf32>
    %swap3A_3444 = arith.constant 7 : index
    %swap3A_3445 = arith.constant 8 : index
    %swap3A_3446 = arith.constant 0 : index
    %swap3A_3447 = arith.constant 0 : index
    %swap3A_3448 = vector.load %arg13[%swap3A_3444, %swap3A_3445, %swap3A_3446, %swap3A_3447] : memref<8x14x14x256xf32, #tpu.memory_space<vmem>>, vector<1x1x14x256xf32>
    %swap3A_3449 = vector.shape_cast %swap3A_3448 : vector<1x1x14x256xf32> to vector<14x256xf32>
    %swap3A_3450 = vector.shape_cast %add3A_3443 : vector<14x256xf32> to vector<1x1x14x256xf32>
    tpu.vector_store %arg13[%swap3A_3444, %swap3A_3445, %swap3A_3446, %swap3A_3447], %swap3A_3450 {strides = array<i32>} : memref<8x14x14x256xf32, #tpu.memory_space<vmem>>, vector<1x1x14x256xf32>,
    %mul3A_3451 = arith.constant 112 : i32
    %mul3A_3452 = arith.muli %arg0, %mul3A_3451 : i32
    %add3A_3453 = arith.constant 98 : i32
    %add3A_3454 = arith.addi %mul3A_3452, %add3A_3453 : i32
    %add3A_3455 = arith.constant 9 : i32
    %add3A_3456 = arith.addi %add3A_3454, %add3A_3455 : i32
    %get3A_3457 = arith.index_cast %add3A_3456 : i32 to index
    %get3A_3458 = memref.load %arg1[%get3A_3457] : memref<14000xi32, #tpu.memory_space<smem>>
    %mul3A_3459 = arith.constant 256 : i32
    %mul3A_3460 = arith.muli %get3A_3458, %mul3A_3459 : i32
    %multiple_of3A_3461 = tpu.assume_multiple %mul3A_3460, 256 : i32
    %get3A_3462 = arith.constant 112 : index
    %get3A_3463 = arith.index_cast %multiple_of3A_3461 : i32 to index
    %get3A_3464 = vector.load %arg14[%get3A_3462, %get3A_3463] : memref<128x16640xf32, #tpu.memory_space<vmem>>, vector<14x512xf32>
    %slice3A_3465 = vector.extract_strided_slice %get3A_3464 {offsets = [0, 0], sizes = [14, 256], strides = [1, 1]} : vector<14x512xf32> to vector<14x256xf32>
    %get3A_3466 = arith.index_cast %add3A_3456 : i32 to index
    %get3A_3467 = memref.load %arg2[%get3A_3466] : memref<14000xf32, #tpu.memory_space<smem>>
    %mul3A_3468 = vector.broadcast %get3A_3467 : f32 to vector<14x256xf32>
    %mul3A_3469 = arith.mulf %slice3A_3465, %mul3A_3468 : vector<14x256xf32>
    %slice3A_3470 = vector.extract_strided_slice %get3A_3464 {offsets = [0, 256], sizes = [14, 256], strides = [1, 1]} : vector<14x512xf32> to vector<14x256xf32>
    %get3A_3471 = arith.index_cast %add3A_3456 : i32 to index
    %get3A_3472 = memref.load %arg3[%get3A_3471] : memref<14000xf32, #tpu.memory_space<smem>>
    %mul3A_3473 = vector.broadcast %get3A_3472 : f32 to vector<14x256xf32>
    %mul3A_3474 = arith.mulf %slice3A_3470, %mul3A_3473 : vector<14x256xf32>
    %add3A_3475 = arith.addf %mul3A_3469, %mul3A_3474 : vector<14x256xf32>
    %swap3A_3476 = arith.constant 7 : index
    %swap3A_3477 = arith.constant 9 : index
    %swap3A_3478 = arith.constant 0 : index
    %swap3A_3479 = arith.constant 0 : index
    %swap3A_3480 = vector.load %arg13[%swap3A_3476, %swap3A_3477, %swap3A_3478, %swap3A_3479] : memref<8x14x14x256xf32, #tpu.memory_space<vmem>>, vector<1x1x14x256xf32>
    %swap3A_3481 = vector.shape_cast %swap3A_3480 : vector<1x1x14x256xf32> to vector<14x256xf32>
    %swap3A_3482 = vector.shape_cast %add3A_3475 : vector<14x256xf32> to vector<1x1x14x256xf32>
    tpu.vector_store %arg13[%swap3A_3476, %swap3A_3477, %swap3A_3478, %swap3A_3479], %swap3A_3482 {strides = array<i32>} : memref<8x14x14x256xf32, #tpu.memory_space<vmem>>, vector<1x1x14x256xf32>,
    %mul3A_3483 = arith.constant 112 : i32
    %mul3A_3484 = arith.muli %arg0, %mul3A_3483 : i32
    %add3A_3485 = arith.constant 98 : i32
    %add3A_3486 = arith.addi %mul3A_3484, %add3A_3485 : i32
    %add3A_3487 = arith.constant 10 : i32
    %add3A_3488 = arith.addi %add3A_3486, %add3A_3487 : i32
    %get3A_3489 = arith.index_cast %add3A_3488 : i32 to index
    %get3A_3490 = memref.load %arg1[%get3A_3489] : memref<14000xi32, #tpu.memory_space<smem>>
    %mul3A_3491 = arith.constant 256 : i32
    %mul3A_3492 = arith.muli %get3A_3490, %mul3A_3491 : i32
    %multiple_of3A_3493 = tpu.assume_multiple %mul3A_3492, 256 : i32
    %get3A_3494 = arith.constant 112 : index
    %get3A_3495 = arith.index_cast %multiple_of3A_3493 : i32 to index
    %get3A_3496 = vector.load %arg14[%get3A_3494, %get3A_3495] : memref<128x16640xf32, #tpu.memory_space<vmem>>, vector<14x512xf32>
    %slice3A_3497 = vector.extract_strided_slice %get3A_3496 {offsets = [0, 0], sizes = [14, 256], strides = [1, 1]} : vector<14x512xf32> to vector<14x256xf32>
    %get3A_3498 = arith.index_cast %add3A_3488 : i32 to index
    %get3A_3499 = memref.load %arg2[%get3A_3498] : memref<14000xf32, #tpu.memory_space<smem>>
    %mul3A_3500 = vector.broadcast %get3A_3499 : f32 to vector<14x256xf32>
    %mul3A_3501 = arith.mulf %slice3A_3497, %mul3A_3500 : vector<14x256xf32>
    %slice3A_3502 = vector.extract_strided_slice %get3A_3496 {offsets = [0, 256], sizes = [14, 256], strides = [1, 1]} : vector<14x512xf32> to vector<14x256xf32>
    %get3A_3503 = arith.index_cast %add3A_3488 : i32 to index
    %get3A_3504 = memref.load %arg3[%get3A_3503] : memref<14000xf32, #tpu.memory_space<smem>>
    %mul3A_3505 = vector.broadcast %get3A_3504 : f32 to vector<14x256xf32>
    %mul3A_3506 = arith.mulf %slice3A_3502, %mul3A_3505 : vector<14x256xf32>
    %add3A_3507 = arith.addf %mul3A_3501, %mul3A_3506 : vector<14x256xf32>
    %swap3A_3508 = arith.constant 7 : index
    %swap3A_3509 = arith.constant 10 : index
    %swap3A_3510 = arith.constant 0 : index
    %swap3A_3511 = arith.constant 0 : index
    %swap3A_3512 = vector.load %arg13[%swap3A_3508, %swap3A_3509, %swap3A_3510, %swap3A_3511] : memref<8x14x14x256xf32, #tpu.memory_space<vmem>>, vector<1x1x14x256xf32>
    %swap3A_3513 = vector.shape_cast %swap3A_3512 : vector<1x1x14x256xf32> to vector<14x256xf32>
    %swap3A_3514 = vector.shape_cast %add3A_3507 : vector<14x256xf32> to vector<1x1x14x256xf32>
    tpu.vector_store %arg13[%swap3A_3508, %swap3A_3509, %swap3A_3510, %swap3A_3511], %swap3A_3514 {strides = array<i32>} : memref<8x14x14x256xf32, #tpu.memory_space<vmem>>, vector<1x1x14x256xf32>,
    %mul3A_3515 = arith.constant 112 : i32
    %mul3A_3516 = arith.muli %arg0, %mul3A_3515 : i32
    %add3A_3517 = arith.constant 98 : i32
    %add3A_3518 = arith.addi %mul3A_3516, %add3A_3517 : i32
    %add3A_3519 = arith.constant 11 : i32
    %add3A_3520 = arith.addi %add3A_3518, %add3A_3519 : i32
    %get3A_3521 = arith.index_cast %add3A_3520 : i32 to index
    %get3A_3522 = memref.load %arg1[%get3A_3521] : memref<14000xi32, #tpu.memory_space<smem>>
    %mul3A_3523 = arith.constant 256 : i32
    %mul3A_3524 = arith.muli %get3A_3522, %mul3A_3523 : i32
    %multiple_of3A_3525 = tpu.assume_multiple %mul3A_3524, 256 : i32
    %get3A_3526 = arith.constant 112 : index
    %get3A_3527 = arith.index_cast %multiple_of3A_3525 : i32 to index
    %get3A_3528 = vector.load %arg14[%get3A_3526, %get3A_3527] : memref<128x16640xf32, #tpu.memory_space<vmem>>, vector<14x512xf32>
    %slice3A_3529 = vector.extract_strided_slice %get3A_3528 {offsets = [0, 0], sizes = [14, 256], strides = [1, 1]} : vector<14x512xf32> to vector<14x256xf32>
    %get3A_3530 = arith.index_cast %add3A_3520 : i32 to index
    %get3A_3531 = memref.load %arg2[%get3A_3530] : memref<14000xf32, #tpu.memory_space<smem>>
    %mul3A_3532 = vector.broadcast %get3A_3531 : f32 to vector<14x256xf32>
    %mul3A_3533 = arith.mulf %slice3A_3529, %mul3A_3532 : vector<14x256xf32>
    %slice3A_3534 = vector.extract_strided_slice %get3A_3528 {offsets = [0, 256], sizes = [14, 256], strides = [1, 1]} : vector<14x512xf32> to vector<14x256xf32>
    %get3A_3535 = arith.index_cast %add3A_3520 : i32 to index
    %get3A_3536 = memref.load %arg3[%get3A_3535] : memref<14000xf32, #tpu.memory_space<smem>>
    %mul3A_3537 = vector.broadcast %get3A_3536 : f32 to vector<14x256xf32>
    %mul3A_3538 = arith.mulf %slice3A_3534, %mul3A_3537 : vector<14x256xf32>
    %add3A_3539 = arith.addf %mul3A_3533, %mul3A_3538 : vector<14x256xf32>
    %swap3A_3540 = arith.constant 7 : index
    %swap3A_3541 = arith.constant 11 : index
    %swap3A_3542 = arith.constant 0 : index
    %swap3A_3543 = arith.constant 0 : index
    %swap3A_3544 = vector.load %arg13[%swap3A_3540, %swap3A_3541, %swap3A_3542, %swap3A_3543] : memref<8x14x14x256xf32, #tpu.memory_space<vmem>>, vector<1x1x14x256xf32>
    %swap3A_3545 = vector.shape_cast %swap3A_3544 : vector<1x1x14x256xf32> to vector<14x256xf32>
    %swap3A_3546 = vector.shape_cast %add3A_3539 : vector<14x256xf32> to vector<1x1x14x256xf32>
    tpu.vector_store %arg13[%swap3A_3540, %swap3A_3541, %swap3A_3542, %swap3A_3543], %swap3A_3546 {strides = array<i32>} : memref<8x14x14x256xf32, #tpu.memory_space<vmem>>, vector<1x1x14x256xf32>,
    %mul3A_3547 = arith.constant 112 : i32
    %mul3A_3548 = arith.muli %arg0, %mul3A_3547 : i32
    %add3A_3549 = arith.constant 98 : i32
    %add3A_3550 = arith.addi %mul3A_3548, %add3A_3549 : i32
    %add3A_3551 = arith.constant 12 : i32
    %add3A_3552 = arith.addi %add3A_3550, %add3A_3551 : i32
    %get3A_3553 = arith.index_cast %add3A_3552 : i32 to index
    %get3A_3554 = memref.load %arg1[%get3A_3553] : memref<14000xi32, #tpu.memory_space<smem>>
    %mul3A_3555 = arith.constant 256 : i32
    %mul3A_3556 = arith.muli %get3A_3554, %mul3A_3555 : i32
    %multiple_of3A_3557 = tpu.assume_multiple %mul3A_3556, 256 : i32
    %get3A_3558 = arith.constant 112 : index
    %get3A_3559 = arith.index_cast %multiple_of3A_3557 : i32 to index
    %get3A_3560 = vector.load %arg14[%get3A_3558, %get3A_3559] : memref<128x16640xf32, #tpu.memory_space<vmem>>, vector<14x512xf32>
    %slice3A_3561 = vector.extract_strided_slice %get3A_3560 {offsets = [0, 0], sizes = [14, 256], strides = [1, 1]} : vector<14x512xf32> to vector<14x256xf32>
    %get3A_3562 = arith.index_cast %add3A_3552 : i32 to index
    %get3A_3563 = memref.load %arg2[%get3A_3562] : memref<14000xf32, #tpu.memory_space<smem>>
    %mul3A_3564 = vector.broadcast %get3A_3563 : f32 to vector<14x256xf32>
    %mul3A_3565 = arith.mulf %slice3A_3561, %mul3A_3564 : vector<14x256xf32>
    %slice3A_3566 = vector.extract_strided_slice %get3A_3560 {offsets = [0, 256], sizes = [14, 256], strides = [1, 1]} : vector<14x512xf32> to vector<14x256xf32>
    %get3A_3567 = arith.index_cast %add3A_3552 : i32 to index
    %get3A_3568 = memref.load %arg3[%get3A_3567] : memref<14000xf32, #tpu.memory_space<smem>>
    %mul3A_3569 = vector.broadcast %get3A_3568 : f32 to vector<14x256xf32>
    %mul3A_3570 = arith.mulf %slice3A_3566, %mul3A_3569 : vector<14x256xf32>
    %add3A_3571 = arith.addf %mul3A_3565, %mul3A_3570 : vector<14x256xf32>
    %swap3A_3572 = arith.constant 7 : index
    %swap3A_3573 = arith.constant 12 : index
    %swap3A_3574 = arith.constant 0 : index
    %swap3A_3575 = arith.constant 0 : index
    %swap3A_3576 = vector.load %arg13[%swap3A_3572, %swap3A_3573, %swap3A_3574, %swap3A_3575] : memref<8x14x14x256xf32, #tpu.memory_space<vmem>>, vector<1x1x14x256xf32>
    %swap3A_3577 = vector.shape_cast %swap3A_3576 : vector<1x1x14x256xf32> to vector<14x256xf32>
    %swap3A_3578 = vector.shape_cast %add3A_3571 : vector<14x256xf32> to vector<1x1x14x256xf32>
    tpu.vector_store %arg13[%swap3A_3572, %swap3A_3573, %swap3A_3574, %swap3A_3575], %swap3A_3578 {strides = array<i32>} : memref<8x14x14x256xf32, #tpu.memory_space<vmem>>, vector<1x1x14x256xf32>,
    %mul3A_3579 = arith.constant 112 : i32
    %mul3A_3580 = arith.muli %arg0, %mul3A_3579 : i32
    %add3A_3581 = arith.constant 98 : i32
    %add3A_3582 = arith.addi %mul3A_3580, %add3A_3581 : i32
    %add3A_3583 = arith.constant 13 : i32
    %add3A_3584 = arith.addi %add3A_3582, %add3A_3583 : i32
    %get3A_3585 = arith.index_cast %add3A_3584 : i32 to index
    %get3A_3586 = memref.load %arg1[%get3A_3585] : memref<14000xi32, #tpu.memory_space<smem>>
    %mul3A_3587 = arith.constant 256 : i32
    %mul3A_3588 = arith.muli %get3A_3586, %mul3A_3587 : i32
    %multiple_of3A_3589 = tpu.assume_multiple %mul3A_3588, 256 : i32
    %get3A_3590 = arith.constant 112 : index
    %get3A_3591 = arith.index_cast %multiple_of3A_3589 : i32 to index
    %get3A_3592 = vector.load %arg14[%get3A_3590, %get3A_3591] : memref<128x16640xf32, #tpu.memory_space<vmem>>, vector<14x512xf32>
    %slice3A_3593 = vector.extract_strided_slice %get3A_3592 {offsets = [0, 0], sizes = [14, 256], strides = [1, 1]} : vector<14x512xf32> to vector<14x256xf32>
    %get3A_3594 = arith.index_cast %add3A_3584 : i32 to index
    %get3A_3595 = memref.load %arg2[%get3A_3594] : memref<14000xf32, #tpu.memory_space<smem>>
    %mul3A_3596 = vector.broadcast %get3A_3595 : f32 to vector<14x256xf32>
    %mul3A_3597 = arith.mulf %slice3A_3593, %mul3A_3596 : vector<14x256xf32>
    %slice3A_3598 = vector.extract_strided_slice %get3A_3592 {offsets = [0, 256], sizes = [14, 256], strides = [1, 1]} : vector<14x512xf32> to vector<14x256xf32>
    %get3A_3599 = arith.index_cast %add3A_3584 : i32 to index
    %get3A_3600 = memref.load %arg3[%get3A_3599] : memref<14000xf32, #tpu.memory_space<smem>>
    %mul3A_3601 = vector.broadcast %get3A_3600 : f32 to vector<14x256xf32>
    %mul3A_3602 = arith.mulf %slice3A_3598, %mul3A_3601 : vector<14x256xf32>
    %add3A_3603 = arith.addf %mul3A_3597, %mul3A_3602 : vector<14x256xf32>
    %swap3A_3604 = arith.constant 7 : index
    %swap3A_3605 = arith.constant 13 : index
    %swap3A_3606 = arith.constant 0 : index
    %swap3A_3607 = arith.constant 0 : index
    %swap3A_3608 = vector.load %arg13[%swap3A_3604, %swap3A_3605, %swap3A_3606, %swap3A_3607] : memref<8x14x14x256xf32, #tpu.memory_space<vmem>>, vector<1x1x14x256xf32>
    %swap3A_3609 = vector.shape_cast %swap3A_3608 : vector<1x1x14x256xf32> to vector<14x256xf32>
    %swap3A_3610 = vector.shape_cast %add3A_3603 : vector<14x256xf32> to vector<1x1x14x256xf32>
    tpu.vector_store %arg13[%swap3A_3604, %swap3A_3605, %swap3A_3606, %swap3A_3607], %swap3A_3610 {strides = array<i32>} : memref<8x14x14x256xf32, #tpu.memory_space<vmem>>, vector<1x1x14x256xf32>,
    return
  }
  func.func @transform_0(%arg0: i32, %arg1: memref<14000xi32, #tpu.memory_space<smem>>, %arg2: memref<14000xf32, #tpu.memory_space<smem>>, %arg3: memref<14000xf32, #tpu.memory_space<smem>>) -> (i32, i32) {
    %c0_i32 = arith.constant 0 : i32
    %c0_i32_0 = arith.constant 0 : i32
    return %arg0, %c0_i32 : i32, i32
  }
  func.func @transform_1(%arg0: i32, %arg1: memref<14000xi32, #tpu.memory_space<smem>>, %arg2: memref<14000xf32, #tpu.memory_space<smem>>, %arg3: memref<14000xf32, #tpu.memory_space<smem>>) -> (i32, i32) {
    %c0_i32 = arith.constant 0 : i32
    %c0_i32_0 = arith.constant 0 : i32
    return %arg0, %c0_i32 : i32, i32
  }
  func.func @transform_2(%arg0: i32, %arg1: memref<14000xi32, #tpu.memory_space<smem>>, %arg2: memref<14000xf32, #tpu.memory_space<smem>>, %arg3: memref<14000xf32, #tpu.memory_space<smem>>) -> (i32, i32) {
    %c0_i32 = arith.constant 0 : i32
    %c0_i32_0 = arith.constant 0 : i32
    return %arg0, %c0_i32 : i32, i32
  }
  func.func @transform_3(%arg0: i32, %arg1: memref<14000xi32, #tpu.memory_space<smem>>, %arg2: memref<14000xf32, #tpu.memory_space<smem>>, %arg3: memref<14000xf32, #tpu.memory_space<smem>>) -> (i32, i32) {
    %c0_i32 = arith.constant 0 : i32
    %c0_i32_0 = arith.constant 0 : i32
    return %arg0, %c0_i32 : i32, i32
  }
  func.func @transform_4(%arg0: i32, %arg1: memref<14000xi32, #tpu.memory_space<smem>>, %arg2: memref<14000xf32, #tpu.memory_space<smem>>, %arg3: memref<14000xf32, #tpu.memory_space<smem>>) -> (i32, i32, i32) {
    %c0_i32 = arith.constant 0 : i32
    %c0_i32_0 = arith.constant 0 : i32
    %c0_i32_1 = arith.constant 0 : i32
    %c0_i32_2 = arith.constant 0 : i32
    return %c0_i32, %c0_i32_0, %c0_i32_1 : i32, i32, i32
  }
  func.func @transform_5(%arg0: i32, %arg1: memref<14000xi32, #tpu.memory_space<smem>>, %arg2: memref<14000xf32, #tpu.memory_space<smem>>, %arg3: memref<14000xf32, #tpu.memory_space<smem>>) -> (i32, i32, i32) {
    %c0_i32 = arith.constant 0 : i32
    %c0_i32_0 = arith.constant 0 : i32
    %c0_i32_1 = arith.constant 0 : i32
    %c0_i32_2 = arith.constant 0 : i32
    return %c0_i32, %c0_i32_0, %c0_i32_1 : i32, i32, i32
  }
  func.func @transform_6(%arg0: i32, %arg1: memref<14000xi32, #tpu.memory_space<smem>>, %arg2: memref<14000xf32, #tpu.memory_space<smem>>, %arg3: memref<14000xf32, #tpu.memory_space<smem>>) -> (i32, i32, i32) {
    %c0_i32 = arith.constant 0 : i32
    %c0_i32_0 = arith.constant 0 : i32
    %c0_i32_1 = arith.constant 0 : i32
    %c0_i32_2 = arith.constant 0 : i32
    return %c0_i32, %c0_i32_0, %c0_i32_1 : i32, i32, i32
  }
  func.func @transform_7(%arg0: i32, %arg1: memref<14000xi32, #tpu.memory_space<smem>>, %arg2: memref<14000xf32, #tpu.memory_space<smem>>, %arg3: memref<14000xf32, #tpu.memory_space<smem>>) -> (i32, i32, i32) {
    %c0_i32 = arith.constant 0 : i32
    %c0_i32_0 = arith.constant 0 : i32
    %c0_i32_1 = arith.constant 0 : i32
    %c0_i32_2 = arith.constant 0 : i32
    return %c0_i32, %c0_i32_0, %c0_i32_1 : i32, i32, i32
  }
  func.func @transform_8(%arg0: i32, %arg1: memref<14000xi32, #tpu.memory_space<smem>>, %arg2: memref<14000xf32, #tpu.memory_space<smem>>, %arg3: memref<14000xf32, #tpu.memory_space<smem>>) -> (i32, i32, i32) {
    %c0_i32 = arith.constant 0 : i32
    %c0_i32_0 = arith.constant 0 : i32
    %c0_i32_1 = arith.constant 0 : i32
    %c0_i32_2 = arith.constant 0 : i32
    return %c0_i32, %c0_i32_0, %c0_i32_1 : i32, i32, i32
  }
  func.func @transform_9(%arg0: i32, %arg1: memref<14000xi32, #tpu.memory_space<smem>>, %arg2: memref<14000xf32, #tpu.memory_space<smem>>, %arg3: memref<14000xf32, #tpu.memory_space<smem>>) -> (i32, i32, i32, i32) {
    %c0_i32 = arith.constant 0 : i32
    %c0_i32_0 = arith.constant 0 : i32
    %c0_i32_1 = arith.constant 0 : i32
    %c0_i32_2 = arith.constant 0 : i32
    return %arg0, %c0_i32, %c0_i32_0, %c0_i32_1 : i32, i32, i32, i32
  }
}

</mosaic_0001>

<sc_bundles>
// kernel: sparse-core-data-format-call.cloned.1.call-start
scs
called_computation_lowered:
.L_overlay_start_0:
0x0: {  	s2 =	sld [smem:$0x3FD9]  }
0x1: {  	s3 =	sld [smem:$0x3FFE];
	_ =	sdelay $0x1  }
0x2: {  	s1 =	srdreg.scid  }
0x3: {  	s0 =	sand.u32 $0x1, s1  }
0x4: {  	s18 =	sshll.u32 s0, $0xA;
	s2 =	sadd.s32 s3, s2  }
0x5: {  	s2 =	sadd.s32 s2, s18  }
0x6: {  	[smem:$0x3FC1] =	sst s2  }
0x7: {  	_ = 	snop  }
0x8: {  	s2 =	sld [smem:$0x3FD0];
	(tm) =	ssettm $0x1  }
0x9: {  	s19 =	sld [smem:$0x3FFB];
	_ =	sdelay $0x3  }
0xa: {  	_ =	strace s19  }
0xb: {  	s3 =	sld [smem:$0x3FFC];
	_ =	sdelay $0x3  }
0xc: {  	_ =	strace s3  }
0xd: {  	s3 =	sld [smem:$0x3FFD];
	_ =	sdelay $0x3  }
0xe: {  	_ =	strace s3  }
0xf: {  	_ =	strace $0x8FFFFFFF  }
0x10: {  	s20 =	sld [smem:$0x3FDB];
	_ =	sdelay $0x1  }
0x11: {  	s4 =	simm.s32 $_scs_section_size  }
0x12: {  	s5 =	simm.s32 $_size__tile_overlayer_lowered;
	s6 =	simm.s32 $_tile_overlayer_lowered  }
0x13: {  	s23 =	simm.s32 $0x1BFF;
	s22 =	sshll.u32 s6, $0x1;
	s3 =	sadd.s32 s4, s20  }
0x14: {  	s7 =	simm.s32 $0x0;
	s21 =	sshll.u32 s5, $0x1;
	s5 =	sadd.s32 s22, s3  }
0x15: {  	[timem:s7], [sflag:s23] =	dma.local [hbm:s5], s21  }
0x16: {  	_ =	swait.ge [sflag:s23], s21  }
0x17: {  	s4 =	ssub.s32 $0x0, s21;
	[sflag:s23] =	ssyncset.done $0x0  }
0x18: {  	[sflag:s23] =	ssyncadd.s32 s4;
	_ =	sdelay $0x1  }
0x19: {  	s24 =	simm.s32 $0x1B8B  }
0x1a: {  	_ =	swait.ge [sflag:s24], $0x1  }
0x1b: {  	[sflag:s24] =	ssyncset.done $0x0  }
0x1c: {  	s26 =	simm.s32 $0x1B8E;
	s25 =	sld [smem:$0x3FFE];
	[sflag:s24] =	ssyncadd.s32 $0xFFFFFFFF  }
0x1d: {  	s27 =	simm.s32 $execute0_lowered;
	[smem:$0x3FD2] =	sst s26  }
0x1e: {  	s5 =	sshll.u32 s27, $0x1;
	_ =	strace $0x80000046;
	[dreg:$0x1] =	wrdreg $0xFFFFFFFF  }
0x1f: {  	s28 =	simm.s32 $_size_execute0_lowered;
	s3 =	sadd.s32 s3, s5;
	[dreg:$0x0] =	wrdreg $0x0  }
0x20: {  	s5 =	sshll.u32 s28, $0x1;
	[dreg:$0x2] =	wrdreg s3  }
0x21: {  	[dreg:$0x3] =	wrdreg s5  }
0x22: {  	[dreg:$0x4] =	wrdreg $0xC0  }
0x23: {  	_ =	task [dreg:s7], $0x5FFFF  }
0x24: {  	[dreg:$0x1] =	wrdreg $0xFFFFFFFF  }
0x25: {  	[dreg:$0x0] =	wrdreg $0x60  }
0x26: {  	[dreg:$0x2] =	wrdreg s25  }
0x27: {  	[dreg:$0x3] =	wrdreg s2  }
0x28: {  	[dreg:$0x4] =	wrdreg $0x9  }
0x29: {  	_ =	task.clear_ibuf [dreg:s7], $0x5FFFF;
	_ =	strace $0x90000046  }
0x2a: {  	s29 =	simm.s32 $0x9;
	_ =	strace $0x80000048  }
0x2b: {  	_ =	swait.ge [sflag:s29], $0x1  }
0x2c: {  	[sflag:s29] =	ssyncadd.s32 $0xFFFFFFFF  }
0x2d: {  	_ =	strace $0x90000048  }
0x2e: {  	_ =	sfence  }
0x2f: {  	s30 =	sld [smem:$0x0];
	_ =	sdelay $0x2  }
0x30: {  	s31 =	sshll.u32 s1, $0xD;
	s1 =	sshrl.u32 s1, $0x2  }
0x31: {  	s3 =	sand.u32 $0x4000, s31;
	s1 =	sadd.s32 s1, s30  }
0x32: {  	s0 =	sor.u32 s3, s0;
	s1 =	sshll.u32 s1, $0x11  }
0x33: {  	s0 =	sor.u32 s1, s0  }
0x34: {  	s0 =	sadd.s32 $0x8F2B, s0  }
0x35: {  	[sflag:s0] =	ssyncadd.remote.s32 $0x1  }
0x36: {  	_ =	sfence.sel $0xFFFF  }
0x37: {  	[dreg:$0x0] =	wrdreg $0xFFFFFFFF;
	(pc) =	sbr.abs _section_cstart, $3  }
0x38: {  	[dreg:$0x1] =	wrdreg $0xFFFFFFFF  }
0x39: {  	_ =	task.clear_ibuf [dreg:s7], $0x2FFFF;
	_ =	strace $0x9FFFFFFF  }
0x3a: {  	(tm) =	ssettm $0x7FFFFFFF  }
0x3b: {  	_ =	shalt  }
tec
execute0_lowered:
.L_overlay_start_1:
0x0: {  	(tag) =	ssettag $0x1  }
0x1: {  	s0 =	srdreg.scid  }
0x2: {  	s5 =	stileid.u32;
	s2 =	rddreg [dreg:$0x0]  }
0x3: {  	_ =	strace $0x80000047;
	s30 =	simm.s32 $0x1;
	s31 =	simm.s32 $0x2  }
0x4: {  	s21 =	simm.s32 $0x0;
	s13 =	simm.s32 $0x0;
	s23 =	simm.s32 $0x0  }
0x5: {  	s22 =	simm.s32 $0x0;
	s24 =	simm.s32 $0x0;
	s0 =	sshll.u32 s0, $0x7  }
0x6: {  	s14 =	simm.s32 $0x0;
	s6 =	sshrl.u32 s5, $0x3;
	s8 =	sand.u32 $0x80, s0  }
0x7: {  	s15 =	simm.s32 $0x0;
	s28 =	ssub.s32 $0xE, s6;
	s1 =	ssub.s32 $0x100, s8  }
0x8: {  	s16 =	simm.s32 $0x0;
	s3 =	sshrl.u32 s28, $0x1;
	s4 =	sshrl.u32 s1, $0x7  }
0x9: {  	s0 =	sand.u32 $0x1, s28;
	s1 =	sshrl.u32 s1, $0x8;
	s4 =	sand.u32 $0x1, s4  }
0xa: {  	s17 =	simm.s32 $0x0;
	s0 =	sadd.s32 s0, s3;
	s1 =	sadd.s32 s1, s4  }
0xb: {  	s20 =	simm.s32 $0x0;
	s9 =	sadd.s32 $0x40200, s2;
	s0 =	smul.u32 s1, s0  }
.Ltmp0:
0xc: {  	s29 =	sshll.u32 s5, $0x7;
	[dreg:$0x4] =	wrdreg s9;
	(pc) =	sbr.rel .LBB1_1-.Ltmp0, $4  }
0xd: {  	s10 =	sand.u32 $0x380, s29;
	[dreg:$0x3] =	wrdreg s8;
	s7 =	smul.u32 $0xE, s0  }
0xe: {  	[sflag:s30] =	ssyncpa.u1 $0x0;
	s11 =	sshll.u32 s8, $0x3;
	[dreg:$0x5] =	wrdreg s10  }
0xf: {  	[sflag:s31] =	ssyncpa.u1 $0x0;
	[dreg:$0x6] =	wrdreg s11;
	s12 =	sor.u32 $0x1, s7  }
0x10: {  	s18 =	smov.u32 s6;
	s19 =	smov.u32 s10;
	[dreg:$0x7] =	wrdreg s12  }
.LBB1_11:
0x11: {  	s0 =	sshll.u32 s16, $0x8  }
0x12: {  	s1 =	sshll.u32 s24, $0x3;
	s2 =	sshll.u32 s16, $0x7;
	p0 =	sgt.s32 s14, $0xD  }
0x13: {  	s27 =	smul.u32 $0x7D00, s14;
	s4 =	sshll.u32 s16, $0x4;
	s5 =	rddreg [dreg:$0x1]  }
0x14: {  	s28 =	sshll.u32 s20, $0xE;
	s30 =	simm.s32 $0x400;
	s0 =	sand.u32 $0xFFFFF800, s0  }
0x15: {  	s31 =	simm.s32 $0x800;
	s12 =	sand.u32 $0x300, s2;
	s0 =	sor.u32 s0, s1  }
0x16: {  	s6 =	smov.u32 s8;
	s8 =	rddreg [dreg:$0x3];
	s0 =	sor.u32 s12, s0  }
0x17: {  	s9 =	rddreg [dreg:$0x4];
	s2 =	smov.u32 s14;
	s0 =	sshrl.u32 s0, $0x8  }
0x18: {  	s10 =	rddreg [dreg:$0x5];
	s2 =	simm.s32 @!p0 $0xD;
	s24 =	smulhi.u32 $0x83126F, s0  }
0x19: {  	s11 =	rddreg [dreg:$0x6];
	s4 =	sand.u32 $0x10, s4;
	s2 =	sadd.s32 s25, s2  }
0x1a: {  	s25 =	smul.u32 $0x6D600, s15;
	s3 =	sadd.s32 $0xFFFFFFF3, s2;
	s1 =	sshrl.u32 s24, $0x1  }
0x1b: {  	s2 =	ssub.s32 $0xE, s2;
	p0 =	sgt.s32 s3, $0x0;
	s1 =	smul.u32 $0x3E8, s1  }
0x1c: {  	s29 =	sand.u32 $0x4000, s28;
	s3 =	sadd.s32 s5, s25;
	s2 =	simm.s32 @p0 $0x0  }
0x1d: {  	s2 =	smul.u32 s2, s26;
	s0 =	ssub.s32 s0, s1;
	s1 =	sadd.s32 s27, s3  }
0x1e: {  	s12 =	rddreg [dreg:$0x7];
	s0 =	sshll.u32 s0, $0x5;
	s1 =	sadd.s32 s4, s1  }
0x1f: {  	s2 =	sand.u32 $0x3FFFFF80, s2;
	s3 =	sor.u32 $0x8000, s29;
	s0 =	sadd.s32 s0, s1  }
0x20: {  	[hbm4b:s0+s30] =	stream.strided.scatter [tilespmem:s3], [sflag:$0x2], s2, s31, s30, $0x38;
	[tilespmem:$0x10000] =	vst v63  }
.LBB1_12:
0x21: {  	p0 =	slt.u32 s20, $0x2  }
0x22: {  	p1 =	sgt.s32 @!p0 s23, $0xD  }
0x23: {  	s0 =	smov.u32 s23;
	s1 =	sshra.s32 @!p0 s23, $0x1F;
	p1 =	por !p1, p0  }
0x24: {  	s1 =	sand.u32 @!p0 s1, s23;
	s0 =	simm.s32 @p1 $0xD  }
0x25: {  	s0 =	ssub.s32 @!p0 s0, s1  }
0x26: {  	s3 =	smov.u32 s21;
	s1 =	sadd.s32 @!p0 $0xFFFFFFF3, s0  }
0x27: {  	s4 =	smov.u32 s18;
	p2 =	sgt.s32 @!p0 s22, $0x368;
	p1 =	sgt.s32 @!p0 s1, $0x0  }
0x28: {  	s2 =	sshra.s32 @!p0 s22, $0x1F;
	s0 =	ssub.s32 @!p0 $0xE, s0;
	p1 =	por !p1, p0  }
0x29: {  	s1 =	smov.u32 s22;
	s0 =	simm.s32 @!p1 $0x0;
	p1 =	por !p2, p0  }
0x2a: {  	s2 =	sand.u32 @!p0 s2, s22;
	p2 =	sgt.s32 @!p0 s21, $0xD;
	s1 =	simm.s32 @p1 $0x368  }
0x2b: {  	p1 =	por !p2, p0;
	s1 =	ssub.s32 @!p0 s1, s2;
	s2 =	sshra.s32 @!p0 s21, $0x1F  }
0x2c: {  	s3 =	simm.s32 @p1 $0xD;
	s2 =	sand.u32 @!p0 s2, s21;
	s1 =	sadd.s32 @!p0 $0xFFFFFC98, s1  }
0x2d: {  	s2 =	ssub.s32 @!p0 s3, s2;
	p1 =	sgt.s32 @!p0 s1, $0x7F;
	s1 =	sshll.u32 @!p0 s1, $0x7  }
0x2e: {  	s3 =	sadd.s32 @!p0 $0xFFFFFFF3, s2;
	s1 =	ssub.s32 @!p0 $0x4000, s1;
	p1 =	por !p1, p0  }
0x2f: {  	s2 =	ssub.s32 @!p0 $0xE, s2;
	p2 =	sgt.s32 @!p0 s3, $0x0;
	s1 =	simm.s32 @!p1 $0x0  }
0x30: {  	p1 =	por !p2, p0;
	s0 =	smul.u32 @!p0 s0, s1;
	s1 =	sadd.s32 $0x1, s17  }
0x31: {  	s3 =	sadd.s32 $0x2, s18;
	s2 =	simm.s32 @!p1 $0x0;
	p1 =	sgt.s32 s1, $0xD  }
0x32: {  	s13 =	sadd.s32 $0x4000, s13;
	s0 =	smul.u32 @!p0 s2, s0;
	s4 =	smov.u32 @p1 s3  }
0x33: {  	s2 =	sadd.s32 $0x400, s19;
	s3 =	smov.u32 s19;
	p2 =	sgt.s32 s4, $0xD  }
0x34: {  	s24 =	smov.u32 s8;
	s23 =	smov.u32 s15;
	s3 =	smov.u32 @p2 s2  }
0x35: {  	s15 =	smov.u32 s18;
	s1 =	simm.s32 @p1 $0x0;
	p1 =	sgt.s32 s3, $0x3E7  }
0x36: {  	s22 =	smov.u32 s16;
	s3 =	smov.u32 @p1 s10;
	p1 =	sne.s32 s20, s12  }
.Ltmp1:
0x37: {  	s16 =	smov.u32 s19;
	s21 =	smov.u32 s14;
	(pc) =	sbr.rel @!p1 .LBB1_13-.Ltmp1, $4  }
0x38: {  	s14 =	smov.u32 s17;
	s0 =	sand.u32 @!p0 $0x3FFFFF80, s0;
	s2 =	simm.s32 @!p0 $0x2  }
0x39: {  	s17 =	smov.u32 s1;
	s4 =	smov.u32 @p2 s6;
	_ =	swait.ge @!p0 [sflag:s2], s0  }
0x3a: {  	s0 =	ssub.s32 @!p0 $0x0, s0;
	s18 =	smov.u32 s4;
	[sflag:s2] =	ssyncset.done @!p0 $0x0  }
0x3b: {  	s20 =	sadd.s32 $0x1, s20;
	[sflag:s2] =	ssyncadd.s32 @!p0 s0;
	s19 =	smov.u32 s3  }
.LBB1_1:
0x3c: {  	p0 =	sge.u32 s20, s7;
	s2 =	smov.u32 s19  }
0x3d: {  	s4 =	smov.u32 s18;
	s31 =	sadd.s32 $0xFFFFFFFF, s20;
	s0 =	sshll.u32 @!p0 s17, $0x8  }
0x3e: {  	p1 =	sgt.s32 @!p0 s19, $0x368;
	s1 =	sxor.u32 @!p0 $0xFFFFFFFF, s20;
	s3 =	sshra.s32 @!p0 s19, $0x1F  }
0x3f: {  	s5 =	sshra.s32 @!p0 s18, $0x1F;
	p2 =	sgt.s32 @!p0 s17, $0xF;
	s0 =	sand.u32 @!p0 $0x800, s0  }
0x40: {  	p1 =	por !p1, p0;
	s3 =	sand.u32 @!p0 s3, s19;
	p2 =	por !p2, p0  }
0x41: {  	s1 =	sshll.u32 @!p0 s1, $0xE;
	s2 =	simm.s32 @p1 $0x368;
	p1 =	sgt.s32 @!p0 s18, $0xD  }
0x42: {  	s0 =	sor.u32 @!p0 s11, s0;
	p1 =	por !p1, p0;
	s2 =	ssub.s32 @!p0 s2, s3  }
0x43: {  	s3 =	sand.u32 @!p0 s5, s18;
	s5 =	smov.u32 s17;
	s4 =	simm.s32 @p1 $0xD  }
0x44: {  	s2 =	sadd.s32 @!p0 $0xFFFFFC98, s2;
	s5 =	simm.s32 @p2 $0xF;
	s3 =	ssub.s32 @!p0 s4, s3  }
0x45: {  	p1 =	sgt.s32 @!p0 s2, $0x7F;
	s2 =	sshll.u32 @!p0 s2, $0x7;
	s4 =	sadd.s32 @!p0 $0xFFFFFFF3, s3  }
0x46: {  	s3 =	ssub.s32 @!p0 $0xE, s3;
	p2 =	sgt.s32 @!p0 s4, $0x0;
	s4 =	sshra.s32 @!p0 s17, $0x1F  }
0x47: {  	s2 =	ssub.s32 @!p0 $0x4000, s2;
	p1 =	por !p1, p0;
	s4 =	sand.u32 @!p0 s4, s17  }
0x48: {  	s2 =	simm.s32 @!p1 $0x0;
	p2 =	por !p2, p0;
	s4 =	ssub.s32 @!p0 s5, s4  }
0x49: {  	s3 =	simm.s32 @!p2 $0x0;
	s5 =	sadd.s32 @!p0 $0xFFFFFFF1, s4;
	s4 =	ssub.s32 @!p0 $0x10, s4  }
0x4a: {  	s2 =	smul.u32 @!p0 s3, s2;
	p2 =	sgt.s32 @!p0 s5, $0x0;
	s5 =	sshll.u32 @!p0 s17, $0x7  }
0x4b: {  	p1 =	por !p2, p0;
	s3 =	sand.u32 @!p0 $0x300, s5;
	s5 =	smul.u32 @!p0 $0x1C00, s19  }
0x4c: {  	s4 =	simm.s32 @!p1 $0x0;
	s0 =	sor.u32 @!p0 s3, s0;
	s3 =	sshll.u32 @!p0 s18, $0x9  }
0x4d: {  	s2 =	smul.u32 @!p0 s4, s2;
	s4 =	sshll.u32 @!p0 s17, $0x4;
	s5 =	sadd.s32 @!p0 s9, s5  }
0x4e: {  	s1 =	sand.u32 @!p0 $0x4000, s1;
	s4 =	sand.u32 @!p0 $0x10, s4;
	s3 =	sadd.s32 @!p0 s3, s5  }
0x4f: {  	s0 =	sshrl.u32 @!p0 s0, $0x3;
	s2 =	sand.u32 @!p0 $0x3FFFFF80, s2;
	s3 =	sadd.s32 @!p0 s4, s3  }
0x50: {  	s4 =	simm.s32 @!p0 $0xE000;
	s0 =	sadd.s32 @!p0 s0, s3;
	s3 =	simm.s32 @!p0 $0x80  }
0x51: {  	[tilespmem:s1], [sflag:$0x1] =	stream.strided.gather @!p0 [hbm4b:s0+s3], s2, s4, s3, $0x38;
	[tilespmem:$0x10000] =	vst v63  }
0x52: {  	p0 =	sge.u32 s31, s7  }
.Ltmp2:
0x53: {  	_ = 	snop;
	(pc) =	sbr.rel @p0 .LBB1_12-.Ltmp2, $1  }
0x54: {  	_ =	sdelay $0x3  }
0x55: {  	p0 =	sgt.s32 s16, $0x368  }
0x56: {  	s0 =	smov.u32 s16;
	s1 =	sshra.s32 s16, $0x1F;
	s2 =	sshra.s32 s15, $0x1F  }
0x57: {  	s12 =	ssub.s32 $0x0, s14;
	s25 =	sshra.s32 s14, $0x1F;
	p1 =	sgt.s32 s14, $0xF  }
0x58: {  	s4 =	smov.u32 s14;
	s0 =	simm.s32 @!p0 $0x368;
	s1 =	sand.u32 s1, s16  }
0x59: {  	p0 =	sgt.s32 s15, $0xD;
	s0 =	ssub.s32 s0, s1;
	s1 =	smov.u32 s15  }
0x5a: {  	s2 =	sand.u32 s2, s15;
	s25 =	sand.u32 s12, s25;
	s1 =	simm.s32 @!p0 $0xD  }
0x5b: {  	s4 =	simm.s32 @!p1 $0xF;
	s3 =	sadd.s32 $0xFFFFFC98, s0;
	s1 =	ssub.s32 s1, s2  }
0x5c: {  	s0 =	ssub.s32 $0x3E8, s0;
	p0 =	sgt.s32 s3, $0x7F;
	s5 =	sadd.s32 $0xFFFFFFF3, s1  }
0x5d: {  	s2 =	sadd.s32 s25, s4;
	s1 =	ssub.s32 $0xE, s1;
	p1 =	sgt.s32 s5, $0x0  }
0x5e: {  	s0 =	simm.s32 @p0 $0x0;
	s26 =	sadd.s32 $0xFFFFFFF1, s2;
	s1 =	simm.s32 @p1 $0x0  }
0x5f: {  	p0 =	sgt.s32 s26, $0x0;
	s0 =	smul.u32 s0, s1;
	s1 =	ssub.s32 $0x10, s2  }
0x60: {  	s2 =	sadd.s32 $0x80, s16;
	s1 =	simm.s32 @p0 $0x0  }
0x61: {  	p0 =	slt.s32 s2, $0x3E8;
	s26 =	sshll.u32 s0, $0x7;
	s0 =	sadd.s32 $0x1, s15  }
0x62: {  	s2 =	simm.s32 @!p0 $0x3E8;
	p0 =	slt.s32 s0, $0xE  }
0x63: {  	s27 =	ssub.s32 s2, s16;
	s2 =	sadd.s32 $0x1, s14;
	s0 =	simm.s32 @!p0 $0xE  }
0x64: {  	p0 =	slt.s32 s2, $0xE;
	p1 =	slt.s32 s27, $0x1;
	s28 =	ssub.s32 s0, s15  }
0x65: {  	s2 =	simm.s32 @!p0 $0xE;
	p0 =	slt.s32 @!p1 s28, $0x1  }
0x66: {  	s29 =	ssub.s32 s2, s14;
	p0 =	por p1, p0  }
0x67: {  	p1 =	slt.s32 @!p0 s29, $0x1  }
0x68: {  	s1 =	smul.u32 s1, s26;
	p0 =	por p0, p1  }
.Ltmp3:
0x69: {  	_ = 	snop;
	(pc) =	sbr.rel @p0 .LBB1_11-.Ltmp3, $4  }
0x6a: {  	s31 =	simm.s32 $0x1;
	s30 =	sand.u32 $0x3FFFFF80, s1  }
0x6b: {  	_ =	swait.ge [sflag:s31], s30  }
0x6c: {  	s0 =	ssub.s32 $0x0, s30;
	[sflag:s31] =	ssyncset.done $0x0  }
0x6d: {  	s8 =	smov.u32 s6;
	[sflag:s31] =	ssyncadd.s32 s0  }
0x6e: {  	s0 =	sshll.u32 s13, $0x2  }
0x6f: {  	s0 =	sand.u32 $0x10000, s0  }
0x70: {  	s11 =	sshrl.u32 s0, $0x2;
	s0 =	sshrl.u32 s0, $0x2  }
0x71: {  	s3 =	simm.s32 $0x0;
	s31 =	sor.u32 $0x8000, s0;
	s0 =	simm.s32 $0x0  }
.LBB1_4:
0x72: {  	s1 =	sand.u32 $0x3F80, s3  }
0x73: {  	s30 =	smov.u32 s11;
	s12 =	simm.s32 $0x0;
	s10 =	sadd.s32 s1, s31  }
.LBB1_5:
0x74: {  	s6 =	simm.s32 $0x0;
	s5 =	smov.u32 s10;
	s1 =	simm.s32 $0x0  }
.LBB1_6:
0x75: {  	s2 =	sand.u32 $0x380, s6  }
0x76: {  	s4 =	smov.u32 s5;
	s9 =	sadd.s32 s2, s30;
	s2 =	simm.s32 $0xFFFFFFF0  }
.LBB1_7:
0x77: {  	s2 =	sadd.s32 $0x10, s2  }
0x78: {  	v0 =	vld [tilespmem:s9+$0x0];
	p0 =	slt.u32 s2, $0x70  }
.Ltmp4:
0x79: {  	_ = 	snop;
	(pc) =	sbr.rel @p0 .LBB1_7-.Ltmp4, $2  }
0x7a: {  	_ =	sdelay $0x2  }
0x7b: {  	s9 =	sadd.s32 $0x10, s9;
	[tilespmem:s4+$0x0] =	vst v0;
	s4 =	sadd.s32 $0x10, s4  }
0x7c: {  	s1 =	sadd.s32 $0x1, s1  }
0x7d: {  	p0 =	sne.s32 s1, s29  }
.Ltmp5:
0x7e: {  	_ = 	snop;
	(pc) =	sbr.rel @p0 .LBB1_6-.Ltmp5, $2  }
0x7f: {  	_ =	sdelay $0x2  }
0x80: {  	s5 =	sadd.s32 $0x4000, s5;
	s6 =	sadd.s32 $0x80, s6  }
0x81: {  	s12 =	sadd.s32 $0x1, s12  }
0x82: {  	p0 =	sne.s32 s12, s28  }
.Ltmp6:
0x83: {  	_ = 	snop;
	(pc) =	sbr.rel @p0 .LBB1_5-.Ltmp6, $2  }
0x84: {  	_ =	sdelay $0x2  }
0x85: {  	s10 =	sadd.s32 $0x4000, s10;
	s30 =	sadd.s32 $0x80, s30  }
0x86: {  	s0 =	sadd.s32 $0x1, s0  }
0x87: {  	p0 =	sne.s32 s0, s27  }
.Ltmp7:
0x88: {  	_ = 	snop;
	(pc) =	sbr.rel @p0 .LBB1_4-.Ltmp7, $4  }
.Ltmp8:
0x89: {  	_ = 	snop;
	(pc) =	sbr.rel @!p0 .LBB1_11-.Ltmp8, $4  }
0x8a: {  	_ = 	snop  }
0x8b: {  	_ = 	snop  }
0x8c: {  	s3 =	sadd.s32 $0x80, s3;
	s11 =	sadd.s32 $0x80, s11  }
0x8d: {  	_ = 	snop  }
.LBB1_13:
0x8e: {  	_ =	sfence.sel $0x180000  }
0x8f: {  	s0 =	simm.s32 $0x1;
	[bflag:$0x0] =	sbarrier.arrive $0xFFFF  }
0x90: {  	s30 =	simm.s32 $0x2;
	[sflag:s0] =	ssyncpa.u1 $0x1  }
0x91: {  	[sflag:s30] =	ssyncpa.u1 $0x1  }
0x92: {  	_ =	strace $0x90000047  }
0x93: {  	s31 =	stileid.u32;
	[bflag:$0x2] =	sbarrier.arrive $0xFFFF  }
0x94: {  	p0 =	sne.s32 s31, $0x0;
	s0 =	rddreg [dreg:$0x2]  }
0x95: {  	s0 =	sadd.s32 @!p0 $0x100000, s0  }
0x96: {  	[sflag:s0] =	ssyncadd.tile.s32 @!p0 $0x1;
	_ =	shalt  }
.Lfunc_end1:
_tile_overlayer_lowered:
.L_overlay_start_2:
0x97: {  	(tag) =	ssettag $0x2  }
0x98: {  	s0 =	rddreg [dreg:$0x0];
	s2 =	stileid.u32  }
0x99: {  	s1 =	rddreg [dreg:$0x1];
	p0 =	sne.s32 s2, $0x0  }
0x9a: {  	s3 =	rddreg [dreg:$0x2];
	[bflag:$0x3] =	sbarrier.arrive $0xFFFF;
	s2 =	simm.s32 @!p0 $0x1C01  }
0x9b: {  	[timem:s3], [sflag:s2] =	dma.local @!p0 [hbm:s0], s1  }
0x9c: {  	s0 =	simm.s32 @!p0 $0x1  }
0x9d: {  	_ =	swait.ge @!p0 [sflag:s0], s1  }
0x9e: {  	s1 =	ssub.s32 @!p0 $0x0, s1;
	[sflag:s0] =	ssyncset.done @!p0 $0x0  }
0x9f: {  	[sflag:s0] =	ssyncadd.s32 @!p0 s1  }
0xa0: {  	[bflag:$0x3] =	sbarrier.arrive $0xFFFF  }
0xa1: {  	_ =	shalt  }

</sc_bundles>
